<compile_context>
chip_gen: v7x
topology: tpu7x:2x2x1
jax: 0.10.2.dev20260603
libtpu: 0.0.44.dev20260713+nightly
codegen_flags: <defaults>
</compile_context>

<pallas_src>
import functools

import jax
import jax.numpy as jnp
from jax import lax
from jax.experimental import pallas as pl
from jax.experimental.pallas import tpu as pltpu
from jax.experimental.pallas import tpu_sc as plsc

N = 10000
E = 320000
D_IN = 128
HID = 128
HID2 = 256
DPAD = 16

NC = 2
NS = 16
NW = NC * NS
EPT = E // NW
CW = 40
CN = 1000
RPT = 624
TAIL = N - NS * RPT

B = 2000
B3 = 5000

_mesh = plsc.VectorSubcoreMesh(
    core_axis_name="c", subcore_axis_name="s", num_cores=NC, num_subcores=NS)



def _zero_acc_start(zeros_hbm, acc, s, zsem):
    pltpu.async_copy(zeros_hbm.at[pl.ds(s * RPT, RPT)],
                     acc.at[pl.ds(s * RPT, RPT)], zsem)

    @pl.when(s == NS - 1)
    def _():
        pltpu.async_copy(zeros_hbm.at[pl.ds(NS * RPT, TAIL)],
                         acc.at[pl.ds(NS * RPT, TAIL)], zsem)


def _zero_acc_wait(zeros_hbm, acc, s, zsem):
    pltpu.make_async_copy(zeros_hbm.at[pl.ds(s * RPT, RPT)],
                          acc.at[pl.ds(s * RPT, RPT)], zsem).wait()

    @pl.when(s == NS - 1)
    def _():
        pltpu.make_async_copy(zeros_hbm.at[pl.ds(NS * RPT, TAIL)],
                              acc.at[pl.ds(NS * RPT, TAIL)], zsem).wait()


def _write_out(acc, out_hbm, c, s):
    pltpu.sync_copy(acc.at[pl.ds(s * RPT, RPT)], out_hbm.at[c, pl.ds(s * RPT, RPT)])

    @pl.when(s == NS - 1)
    def _():
        pltpu.sync_copy(acc.at[pl.ds(NS * RPT, TAIL)],
                        out_hbm.at[c, pl.ds(NS * RPT, TAIL)])


def _deg_body(ei, ones_hbm, zeros_hbm, out_hbm, colbuf, onesbuf, acc,
              ss0, ss1, ss2, zsem):
    nch = EPT // CN
    ss = (ss0, ss1, ss2)
    c = lax.axis_index("c")
    s = lax.axis_index("s")
    wid = s * NC + c
    _zero_acc_start(zeros_hbm, acc, s, zsem)
    pltpu.sync_copy(ei.at[1, pl.ds(wid * EPT, EPT)], colbuf)
    pltpu.sync_copy(ones_hbm, onesbuf)
    _zero_acc_wait(zeros_hbm, acc, s, zsem)
    plsc.subcore_barrier()

    def cidx(k):
        return colbuf.at[pl.ds(k * CN, CN)]

    for k in range(nch):
        j = k % 3
        if k >= 3:
            pltpu.make_async_copy(onesbuf, acc.at[cidx(k - 3)], ss[j]).wait()
        pltpu.async_copy(onesbuf, acc.at[cidx(k)], ss[j], add=True)
    for k in range(nch - 3, nch):
        j = k % 3
        pltpu.make_async_copy(onesbuf, acc.at[cidx(k)], ss[j]).wait()
    plsc.subcore_barrier()
    _write_out(acc, out_hbm, c, s)


_deg_call = pl.kernel(
    _deg_body,
    out_type=jax.ShapeDtypeStruct((NC, N, DPAD), jnp.float32),
    mesh=_mesh,
    compiler_params=pltpu.CompilerParams(use_tc_tiling_on_sc=False),
    scratch_types=[
        pltpu.VMEM((EPT,), jnp.int32),
        pltpu.VMEM((CN, DPAD), jnp.float32),
        pltpu.VMEM_SHARED((N, DPAD), jnp.float32),
        pltpu.SemaphoreType.DMA,
        pltpu.SemaphoreType.DMA,
        pltpu.SemaphoreType.DMA,
        pltpu.SemaphoreType.DMA,
    ],
)


NSLOT = 6
LEAD = 3


def _make_agg_body(nch, chunk):

    def body(hs, ei, zeros_hbm, out_hbm, *scr):
        rowbuf, colbuf = scr[0], scr[1]
        gb = scr[2:2 + NSLOT]
        acc = scr[2 + NSLOT]
        gs = scr[3 + NSLOT:3 + 2 * NSLOT]
        ss = scr[3 + 2 * NSLOT:3 + 3 * NSLOT]
        zsem = scr[3 + 3 * NSLOT]
        c = lax.axis_index("c")
        s = lax.axis_index("s")
        wid = s * NC + c
        _zero_acc_start(zeros_hbm, acc, s, zsem)
        pltpu.sync_copy(ei.at[0, pl.ds(wid * EPT, EPT)], rowbuf)
        pltpu.sync_copy(ei.at[1, pl.ds(wid * EPT, EPT)], colbuf)

        def ridx(k):
            return rowbuf.at[pl.ds(k * chunk, chunk)]

        def cidx(k):
            return colbuf.at[pl.ds(k * chunk, chunk)]

        def step(k, j, jr, do_refill, refill_waits):
            if do_refill:
                if refill_waits:
                    pltpu.make_async_copy(
                        gb[jr], acc.at[cidx(k)], ss[jr]).wait()
                pltpu.async_copy(hs.at[ridx(k + LEAD)], gb[jr], gs[jr])
            pltpu.make_async_copy(hs.at[ridx(k)], gb[j], gs[j]).wait()
            pltpu.async_copy(gb[j], acc.at[cidx(k)], ss[j], add=True)

        for j in range(min(LEAD, nch)):
            pltpu.async_copy(hs.at[ridx(j)], gb[j], gs[j])
        _zero_acc_wait(zeros_hbm, acc, s, zsem)
        plsc.subcore_barrier()

        head_end = min(NSLOT, nch)
        for k in range(head_end):
            step(k, k % NSLOT, (k + LEAD) % NSLOT,
                 k + LEAD < nch, k + LEAD >= NSLOT)
        main_end = max(head_end, nch - LEAD - 1)
        n_rounds = (main_end - head_end) // NSLOT
        main_end = head_end + n_rounds * NSLOT

        def round_(i, carry):
            base = head_end + i * NSLOT
            for j in range(NSLOT):
                k = base + j
                step(k, (head_end + j) % NSLOT,
                     (head_end + j + LEAD) % NSLOT, True, True)
            return carry

        if n_rounds:
            lax.fori_loop(0, n_rounds, round_, 0)
        for k in range(main_end, nch):
            step(k, k % NSLOT, (k + LEAD) % NSLOT,
                 k + LEAD < nch, k + LEAD >= NSLOT)
        for k in range(max(0, nch - NSLOT), nch):
            j = k % NSLOT
            pltpu.make_async_copy(gb[j], acc.at[cidx(k)], ss[j]).wait()
        plsc.subcore_barrier()
        _write_out(acc, out_hbm, c, s)

    return body


def _make_agg(d, chunk):
    nch = EPT // chunk
    return pl.kernel(
        _make_agg_body(nch, chunk),
        out_type=jax.ShapeDtypeStruct((NC, N, d), jnp.float32),
        mesh=_mesh,
        compiler_params=pltpu.CompilerParams(use_tc_tiling_on_sc=False),
        scratch_types=(
            [pltpu.VMEM((EPT,), jnp.int32), pltpu.VMEM((EPT,), jnp.int32)]
            + [pltpu.VMEM((chunk, d), jnp.float32)] * NSLOT
            + [pltpu.VMEM_SHARED((N, d), jnp.float32)]
            + [pltpu.SemaphoreType.DMA] * (2 * NSLOT + 1)
        ),
    )


_agg_wide = _make_agg(HID, CW)
_agg_narrow = _make_agg(DPAD, CN)



def _k0_body(x_ref, dp_ref, hs_ref, dinv_ref):
    deg = 1.0 + dp_ref[0, :, 0:1] + dp_ref[1, :, 0:1]
    dinv = lax.rsqrt(deg)
    hs_ref[...] = x_ref[...] * dinv
    dinv_ref[...] = jnp.broadcast_to(dinv, dinv_ref.shape)


def _k1_body(p_ref, hs_ref, dinv_ref, w_ref, b_ref, out_ref):
    dinv = dinv_ref[:, 0:1]
    g = dinv * (p_ref[0] + p_ref[1] + hs_ref[...])
    h = jnp.dot(g, w_ref[...], preferred_element_type=jnp.float32) + b_ref[...]
    out_ref[...] = dinv * jnp.maximum(h, 0.0)


def _k2_body(p_ref, hs_ref, dinv_ref, w2_ref, b2_ref, w3_ref, out_ref):
    dinv = dinv_ref[:, 0:1]
    g = dinv * (p_ref[0] + p_ref[1] + hs_ref[...])
    z = jnp.dot(g, w2_ref[...], preferred_element_type=jnp.float32) + b2_ref[...]
    z = jnp.maximum(z, 0.0)
    out_ref[...] = dinv * jnp.dot(z, w3_ref[...], preferred_element_type=jnp.float32)


def _k3_body(p_ref, hs_ref, dinv_ref, b3_ref, out_ref):
    dinv = dinv_ref[:, 0:1]
    g = dinv * (p_ref[0] + p_ref[1] + hs_ref[...]) + b3_ref[...]
    mask = lax.broadcasted_iota(jnp.int32, g.shape, 1) < 2
    m = jnp.max(jnp.where(mask, g, -jnp.inf), axis=1, keepdims=True)
    e = jnp.where(mask, jnp.exp(g - m), 0.0)
    r = g - (m + jnp.log(jnp.sum(e, axis=1, keepdims=True)))
    out_ref[...] = r[:, 0:2]


def _row_spec(d):
    return pl.BlockSpec((B, d), lambda i: (i, 0))


def _p_spec(d):
    return pl.BlockSpec((NC, B, d), lambda i: (0, i, 0))


def _full_spec(*shape):
    return pl.BlockSpec(shape, lambda i: (0,) * len(shape))


_k0_call = pl.pallas_call(
    _k0_body,
    grid=(N // B,),
    in_specs=[_row_spec(D_IN), _p_spec(DPAD)],
    out_specs=[_row_spec(D_IN), _row_spec(DPAD)],
    out_shape=[jax.ShapeDtypeStruct((N, D_IN), jnp.float32),
               jax.ShapeDtypeStruct((N, DPAD), jnp.float32)],
)

_k1_call = pl.pallas_call(
    _k1_body,
    grid=(N // B,),
    in_specs=[_p_spec(HID), _row_spec(HID), _row_spec(DPAD),
              _full_spec(D_IN, HID), _full_spec(1, HID)],
    out_specs=_row_spec(HID),
    out_shape=jax.ShapeDtypeStruct((N, HID), jnp.float32),
)

_k2_call = pl.pallas_call(
    _k2_body,
    grid=(N // B,),
    in_specs=[_p_spec(HID), _row_spec(HID), _row_spec(DPAD),
              _full_spec(HID, HID2), _full_spec(1, HID2), _full_spec(HID2, DPAD)],
    out_specs=_row_spec(DPAD),
    out_shape=jax.ShapeDtypeStruct((N, DPAD), jnp.float32),
)

_k3_call = pl.pallas_call(
    _k3_body,
    grid=(N // B3,),
    in_specs=[pl.BlockSpec((NC, B3, DPAD), lambda i: (0, i, 0)),
              pl.BlockSpec((B3, DPAD), lambda i: (i, 0)),
              pl.BlockSpec((B3, DPAD), lambda i: (i, 0)),
              _full_spec(1, DPAD)],
    out_specs=pl.BlockSpec((B3, 2), lambda i: (i, 0)),
    out_shape=jax.ShapeDtypeStruct((N, 2), jnp.float32),
)


def kernel(x, edge_index, W1, b1, W2, b2, W3, b3):
    ei = edge_index.astype(jnp.int32)
    zeros_w = jnp.zeros((N, HID), jnp.float32)
    zeros_n = jnp.zeros((N, DPAD), jnp.float32)
    ones_c = jnp.ones((CN, DPAD), jnp.float32)

    dp = _deg_call(ei, ones_c, zeros_n)
    hs1, dinv = _k0_call(x, dp)
    p1 = _agg_wide(hs1, ei, zeros_w)
    hs2 = _k1_call(p1, hs1, dinv, W1, b1.reshape(1, HID))
    p2 = _agg_wide(hs2, ei, zeros_w)
    w3p = jnp.pad(W3, ((0, 0), (0, DPAD - W3.shape[1])))
    hs3 = _k2_call(p2, hs2, dinv, W2, b2.reshape(1, HID2), w3p)
    p3 = _agg_narrow(hs3, ei, zeros_n)
    b3p = jnp.pad(b3, (0, DPAD - b3.shape[0])).reshape(1, DPAD)
    return _k3_call(p3, hs3, dinv, b3p)

# --- scband reference (transcript-rebuilt; emitter-appended) ---
"""Pipeline reference for scband-gcn-64561948393903 (READ-ONLY COPY).

The authoritative reference and input builder live on the scoring server;
editing this copy changes nothing except your own understanding.
"""

import jax, jax.numpy as jnp
import numpy as np

N_NODES = 10000
N_EDGES = 320000
D_IN = 128
HIDDEN = 128
NUM_CLASSES = 2


def setup_inputs(seed: int = 0) -> dict:
    key = jax.random.key(seed)
    ks = jax.random.split(key, 8)
    x = jax.random.normal(ks[0], (N_NODES, D_IN), dtype=jnp.float32)
    edge_index = jax.random.randint(ks[1], (2, N_EDGES), 0, N_NODES, dtype=jnp.int64 if jax.config.jax_enable_x64 else jnp.int32)
    def glorot(k, fan_in, fan_out):
        limit = jnp.sqrt(6.0 / (fan_in + fan_out))
        return jax.random.uniform(k, (fan_in, fan_out), minval=-limit, maxval=limit, dtype=jnp.float32)
    W1 = glorot(ks[2], D_IN, HIDDEN)
    b1 = jnp.zeros((HIDDEN,), dtype=jnp.float32)
    W2 = glorot(ks[3], HIDDEN, HIDDEN * 2)
    b2 = jnp.zeros((HIDDEN * 2,), dtype=jnp.float32)
    W3 = glorot(ks[4], HIDDEN * 2, NUM_CLASSES)
    b3 = jnp.zeros((NUM_CLASSES,), dtype=jnp.float32)
    return {"x": x, "edge_index": edge_index, "W1": W1, "b1": b1, "W2": W2, "b2": b2, "W3": W3, "b3": b3}


def _gcn_conv(x, edge_index, W, b):
    # GCNConv with normalize=True, add_self_loops=True, bias=True (PyG semantics)
    N = x.shape[0]
    row = edge_index[0]
    col = edge_index[1]
    loop = jnp.arange(N, dtype=row.dtype)
    row = jnp.concatenate([row, loop])
    col = jnp.concatenate([col, loop])
    ew = jnp.ones(row.shape[0], dtype=x.dtype)
    deg = jax.ops.segment_sum(ew, col, num_segments=N)
    dinv = jnp.where(deg > 0, 1.0 / jnp.sqrt(deg), 0.0)
    norm = dinv[row] * ew * dinv[col]
    h = x @ W
    msg = h[row] * norm[:, None]
    out = jax.ops.segment_sum(msg, col, num_segments=N)
    return out + b


def reference(x, edge_index, W1, b1, W2, b2, W3, b3):
    h = _gcn_conv(x, edge_index, W1, b1)
    h = jax.nn.relu(h)
    # dropout is identity in eval mode
    h = _gcn_conv(h, edge_index, W2, b2)
    h = jax.nn.relu(h)
    h = _gcn_conv(h, edge_index, W3, b3)
    return jax.nn.log_softmax(h, axis=1)

if __name__ == "__main__":
    import jax
    _d = setup_inputs()
    print(jax.jit(kernel)(*tuple(_d.values())))

</pallas_src>

<mosaic_0001>
#map = affine_map<(d0, d1) -> (0, 0)>
#map1 = affine_map<(d0, d1) -> (0, 0, 0)>
module attributes {stable_mosaic.version = 14 : i64} {
  func.func @body(%arg0: i32, %arg1: i32, %arg2: memref<10000x128xf32, #tpu.memory_space<hbm>>, %arg3: memref<2x320000xi32, #tpu.memory_space<hbm>>, %arg4: memref<10000x128xf32, #tpu.memory_space<hbm>>, %arg5: memref<2x10000x128xf32, #tpu.memory_space<hbm>>, %arg6: memref<10000xi32, #tpu.memory_space<vmem>>, %arg7: memref<10000xi32, #tpu.memory_space<vmem>>, %arg8: memref<40x128xf32, #tpu.memory_space<vmem>>, %arg9: memref<40x128xf32, #tpu.memory_space<vmem>>, %arg10: memref<40x128xf32, #tpu.memory_space<vmem>>, %arg11: memref<40x128xf32, #tpu.memory_space<vmem>>, %arg12: memref<40x128xf32, #tpu.memory_space<vmem>>, %arg13: memref<40x128xf32, #tpu.memory_space<vmem>>, %arg14: memref<10000x128xf32, #tpu.memory_space<vmem_shared>>, %arg15: memref<!tpu.dma_semaphore, #tpu.memory_space<semaphore_mem>>, %arg16: memref<!tpu.dma_semaphore, #tpu.memory_space<semaphore_mem>>, %arg17: memref<!tpu.dma_semaphore, #tpu.memory_space<semaphore_mem>>, %arg18: memref<!tpu.dma_semaphore, #tpu.memory_space<semaphore_mem>>, %arg19: memref<!tpu.dma_semaphore, #tpu.memory_space<semaphore_mem>>, %arg20: memref<!tpu.dma_semaphore, #tpu.memory_space<semaphore_mem>>, %arg21: memref<!tpu.dma_semaphore, #tpu.memory_space<semaphore_mem>>, %arg22: memref<!tpu.dma_semaphore, #tpu.memory_space<semaphore_mem>>, %arg23: memref<!tpu.dma_semaphore, #tpu.memory_space<semaphore_mem>>, %arg24: memref<!tpu.dma_semaphore, #tpu.memory_space<semaphore_mem>>, %arg25: memref<!tpu.dma_semaphore, #tpu.memory_space<semaphore_mem>>, %arg26: memref<!tpu.dma_semaphore, #tpu.memory_space<semaphore_mem>>, %arg27: memref<!tpu.dma_semaphore, #tpu.memory_space<semaphore_mem>>) attributes {dimension_semantics = [#tpu.dimension_semantics<core_parallel>, #tpu.dimension_semantics<subcore_parallel>], iteration_bounds = array<i64: 2, 16>, scalar_prefetch = 0 : i64, scratch_operands = 22 : i64, tpu.core_type = #tpu.core_type<sc_vector_subcore>, window_params = [{transform_indices = #map}, {transform_indices = #map}, {transform_indices = #map}, {transform_indices = #map1}]} {
    %mul3A = arith.constant 2 : i32
    %mul3A_0 = arith.muli %arg1, %mul3A : i32
    %add3A = arith.addi %mul3A_0, %arg0 : i32
    %mul3A_1 = arith.constant 624 : i32
    %mul3A_2 = arith.muli %arg1, %mul3A_1 : i32
    %mul3A_3 = arith.constant 624 : i32
    %mul3A_4 = arith.muli %arg1, %mul3A_3 : i32
    %dma_start3A = arith.constant 0 : i32
    %dma_start3A_5 = tpu.memref_slice %arg14[%mul3A_4, %dma_start3A] : memref<10000x128xf32, #tpu.memory_space<vmem_shared>> -> memref<624x128xf32, #tpu.memory_space<vmem_shared>>
    %dma_start3A_6 = arith.constant 0 : i32
    %dma_start3A_7 = tpu.memref_slice %arg4[%mul3A_2, %dma_start3A_6] : memref<10000x128xf32, #tpu.memory_space<hbm>> -> memref<624x128xf32, #tpu.memory_space<hbm>>
    tpu.enqueue_dma source(%dma_start3A_7 : memref<624x128xf32, #tpu.memory_space<hbm>>) target(%dma_start3A_5 : memref<624x128xf32, #tpu.memory_space<vmem_shared>>) target_semaphore(%arg27 : memref<!tpu.dma_semaphore, #tpu.memory_space<semaphore_mem>>)
    %eq3A = arith.constant 15 : i32
    %eq3A_8 = arith.cmpi eq, %arg1, %eq3A : i32
    %convert_element_type3A = arith.extui %eq3A_8 : i1 to i32
    %cond3A = arith.constant 0 : i32
    %cond3A_9 = arith.cmpi ne, %convert_element_type3A, %cond3A : i32
    scf.if %cond3A_9 {
      %dma_start3A_242 = arith.constant 9984 : i32
      %dma_start3A_243 = arith.constant 0 : i32
      %dma_start3A_244 = tpu.memref_slice %arg14[%dma_start3A_242, %dma_start3A_243] : memref<10000x128xf32, #tpu.memory_space<vmem_shared>> -> memref<16x128xf32, #tpu.memory_space<vmem_shared>>
      %dma_start3A_245 = arith.constant 9984 : i32
      %dma_start3A_246 = arith.constant 0 : i32
      %dma_start3A_247 = tpu.memref_slice %arg4[%dma_start3A_245, %dma_start3A_246] : memref<10000x128xf32, #tpu.memory_space<hbm>> -> memref<16x128xf32, #tpu.memory_space<hbm>>
      tpu.enqueue_dma source(%dma_start3A_247 : memref<16x128xf32, #tpu.memory_space<hbm>>) target(%dma_start3A_244 : memref<16x128xf32, #tpu.memory_space<vmem_shared>>) target_semaphore(%arg27 : memref<!tpu.dma_semaphore, #tpu.memory_space<semaphore_mem>>)
    } else {
    }
    %mul3A_10 = arith.constant 10000 : i32
    %mul3A_11 = arith.muli %add3A, %mul3A_10 : i32
    %run_scoped3A = arith.constant 0 : i32
    "tpu.region"() ({
      %run_scoped3A_242 = tpu.sem_alloc : memref<!tpu.dma_semaphore, #tpu.memory_space<semaphore_mem>>
      %dma_start3A_243 = tpu.memref_slice %arg3[%run_scoped3A, %mul3A_11] : memref<2x320000xi32, #tpu.memory_space<hbm>> -> memref<1x10000xi32, #tpu.memory_space<hbm>>
      %dma_start3A_244 = tpu.memref_squeeze %dma_start3A_243 : memref<1x10000xi32, #tpu.memory_space<hbm>> -> memref<10000xi32, #tpu.memory_space<hbm>>
      %dma_start3A_245 = tpu.memref_slice %arg3[%run_scoped3A, %mul3A_11] : memref<2x320000xi32, #tpu.memory_space<hbm>> -> memref<1x10000xi32, #tpu.memory_space<hbm>>
      %dma_start3A_246 = tpu.memref_squeeze %dma_start3A_245 : memref<1x10000xi32, #tpu.memory_space<hbm>> -> memref<10000xi32, #tpu.memory_space<hbm>>
      tpu.enqueue_dma source(%dma_start3A_246 : memref<10000xi32, #tpu.memory_space<hbm>>) target(%arg6 : memref<10000xi32, #tpu.memory_space<vmem>>) target_semaphore(%run_scoped3A_242 : memref<!tpu.dma_semaphore, #tpu.memory_space<semaphore_mem>>)
      %dma_wait3A_247 = tpu.memref_slice %arg3[%run_scoped3A, %mul3A_11] : memref<2x320000xi32, #tpu.memory_space<hbm>> -> memref<1x10000xi32, #tpu.memory_space<hbm>>
      %dma_wait3A_248 = tpu.memref_squeeze %dma_wait3A_247 : memref<1x10000xi32, #tpu.memory_space<hbm>> -> memref<10000xi32, #tpu.memory_space<hbm>>
      %dma_wait3A_249 = tpu.memref_slice %arg3[%run_scoped3A, %mul3A_11] : memref<2x320000xi32, #tpu.memory_space<hbm>> -> memref<1x10000xi32, #tpu.memory_space<hbm>>
      %dma_wait3A_250 = tpu.memref_squeeze %dma_wait3A_249 : memref<1x10000xi32, #tpu.memory_space<hbm>> -> memref<10000xi32, #tpu.memory_space<hbm>>
      tpu.wait_dma2 semaphore(%run_scoped3A_242 : memref<!tpu.dma_semaphore, #tpu.memory_space<semaphore_mem>>) src(%dma_wait3A_250 : memref<10000xi32, #tpu.memory_space<hbm>>) dst(%arg6 : memref<10000xi32, #tpu.memory_space<vmem>>)
      tpu.yield
    }) : () -> ()
    %mul3A_12 = arith.constant 10000 : i32
    %mul3A_13 = arith.muli %add3A, %mul3A_12 : i32
    %run_scoped3A_14 = arith.constant 1 : i32
    "tpu.region"() ({
      %run_scoped3A_242 = tpu.sem_alloc : memref<!tpu.dma_semaphore, #tpu.memory_space<semaphore_mem>>
      %dma_start3A_243 = tpu.memref_slice %arg3[%run_scoped3A_14, %mul3A_13] : memref<2x320000xi32, #tpu.memory_space<hbm>> -> memref<1x10000xi32, #tpu.memory_space<hbm>>
      %dma_start3A_244 = tpu.memref_squeeze %dma_start3A_243 : memref<1x10000xi32, #tpu.memory_space<hbm>> -> memref<10000xi32, #tpu.memory_space<hbm>>
      %dma_start3A_245 = tpu.memref_slice %arg3[%run_scoped3A_14, %mul3A_13] : memref<2x320000xi32, #tpu.memory_space<hbm>> -> memref<1x10000xi32, #tpu.memory_space<hbm>>
      %dma_start3A_246 = tpu.memref_squeeze %dma_start3A_245 : memref<1x10000xi32, #tpu.memory_space<hbm>> -> memref<10000xi32, #tpu.memory_space<hbm>>
      tpu.enqueue_dma source(%dma_start3A_246 : memref<10000xi32, #tpu.memory_space<hbm>>) target(%arg7 : memref<10000xi32, #tpu.memory_space<vmem>>) target_semaphore(%run_scoped3A_242 : memref<!tpu.dma_semaphore, #tpu.memory_space<semaphore_mem>>)
      %dma_wait3A_247 = tpu.memref_slice %arg3[%run_scoped3A_14, %mul3A_13] : memref<2x320000xi32, #tpu.memory_space<hbm>> -> memref<1x10000xi32, #tpu.memory_space<hbm>>
      %dma_wait3A_248 = tpu.memref_squeeze %dma_wait3A_247 : memref<1x10000xi32, #tpu.memory_space<hbm>> -> memref<10000xi32, #tpu.memory_space<hbm>>
      %dma_wait3A_249 = tpu.memref_slice %arg3[%run_scoped3A_14, %mul3A_13] : memref<2x320000xi32, #tpu.memory_space<hbm>> -> memref<1x10000xi32, #tpu.memory_space<hbm>>
      %dma_wait3A_250 = tpu.memref_squeeze %dma_wait3A_249 : memref<1x10000xi32, #tpu.memory_space<hbm>> -> memref<10000xi32, #tpu.memory_space<hbm>>
      tpu.wait_dma2 semaphore(%run_scoped3A_242 : memref<!tpu.dma_semaphore, #tpu.memory_space<semaphore_mem>>) src(%dma_wait3A_250 : memref<10000xi32, #tpu.memory_space<hbm>>) dst(%arg7 : memref<10000xi32, #tpu.memory_space<vmem>>)
      tpu.yield
    }) : () -> ()
    %dma_start3A_15 = arith.constant 0 : i32
    %dma_start3A_16 = tpu.memref_slice %arg6[%dma_start3A_15] : memref<10000xi32, #tpu.memory_space<vmem>> -> memref<40xi32, #tpu.memory_space<vmem>>
    %dma_start3A_17 = arith.constant 0 : i32
    %dma_start3A_18 = arith.constant 0 : i32
    %dma_start3A_19 = tpu.memref_slice %arg2[%dma_start3A_17, %dma_start3A_18] : memref<10000x128xf32, #tpu.memory_space<hbm>> -> memref<10000x128xf32, #tpu.memory_space<hbm>>
    tpu.enqueue_indirect_dma source(%dma_start3A_19 : memref<10000x128xf32, #tpu.memory_space<hbm>>) target(%arg8 : memref<40x128xf32, #tpu.memory_space<vmem>>) offsets(%dma_start3A_16 : memref<40xi32, #tpu.memory_space<vmem>>) semaphore(%arg15 : memref<!tpu.dma_semaphore, #tpu.memory_space<semaphore_mem>>)
    %dma_start3A_20 = arith.constant 40 : i32
    %dma_start3A_21 = tpu.memref_slice %arg6[%dma_start3A_20] : memref<10000xi32, #tpu.memory_space<vmem>> -> memref<40xi32, #tpu.memory_space<vmem>>
    %dma_start3A_22 = arith.constant 0 : i32
    %dma_start3A_23 = arith.constant 0 : i32
    %dma_start3A_24 = tpu.memref_slice %arg2[%dma_start3A_22, %dma_start3A_23] : memref<10000x128xf32, #tpu.memory_space<hbm>> -> memref<10000x128xf32, #tpu.memory_space<hbm>>
    tpu.enqueue_indirect_dma source(%dma_start3A_24 : memref<10000x128xf32, #tpu.memory_space<hbm>>) target(%arg9 : memref<40x128xf32, #tpu.memory_space<vmem>>) offsets(%dma_start3A_21 : memref<40xi32, #tpu.memory_space<vmem>>) semaphore(%arg16 : memref<!tpu.dma_semaphore, #tpu.memory_space<semaphore_mem>>)
    %dma_start3A_25 = arith.constant 80 : i32
    %dma_start3A_26 = tpu.memref_slice %arg6[%dma_start3A_25] : memref<10000xi32, #tpu.memory_space<vmem>> -> memref<40xi32, #tpu.memory_space<vmem>>
    %dma_start3A_27 = arith.constant 0 : i32
    %dma_start3A_28 = arith.constant 0 : i32
    %dma_start3A_29 = tpu.memref_slice %arg2[%dma_start3A_27, %dma_start3A_28] : memref<10000x128xf32, #tpu.memory_space<hbm>> -> memref<10000x128xf32, #tpu.memory_space<hbm>>
    tpu.enqueue_indirect_dma source(%dma_start3A_29 : memref<10000x128xf32, #tpu.memory_space<hbm>>) target(%arg10 : memref<40x128xf32, #tpu.memory_space<vmem>>) offsets(%dma_start3A_26 : memref<40xi32, #tpu.memory_space<vmem>>) semaphore(%arg17 : memref<!tpu.dma_semaphore, #tpu.memory_space<semaphore_mem>>)
    %mul3A_30 = arith.constant 624 : i32
    %mul3A_31 = arith.muli %arg1, %mul3A_30 : i32
    %mul3A_32 = arith.constant 624 : i32
    %mul3A_33 = arith.muli %arg1, %mul3A_32 : i32
    %dma_wait3A = arith.constant 0 : i32
    %dma_wait3A_34 = tpu.memref_slice %arg14[%mul3A_33, %dma_wait3A] : memref<10000x128xf32, #tpu.memory_space<vmem_shared>> -> memref<624x128xf32, #tpu.memory_space<vmem_shared>>
    %dma_wait3A_35 = arith.constant 0 : i32
    %dma_wait3A_36 = tpu.memref_slice %arg4[%mul3A_31, %dma_wait3A_35] : memref<10000x128xf32, #tpu.memory_space<hbm>> -> memref<624x128xf32, #tpu.memory_space<hbm>>
    tpu.wait_dma2 semaphore(%arg27 : memref<!tpu.dma_semaphore, #tpu.memory_space<semaphore_mem>>) src(%dma_wait3A_36 : memref<624x128xf32, #tpu.memory_space<hbm>>) dst(%dma_wait3A_34 : memref<624x128xf32, #tpu.memory_space<vmem_shared>>)
    %eq3A_37 = arith.constant 15 : i32
    %eq3A_38 = arith.cmpi eq, %arg1, %eq3A_37 : i32
    %convert_element_type3A_39 = arith.extui %eq3A_38 : i1 to i32
    %cond3A_40 = arith.constant 0 : i32
    %cond3A_41 = arith.cmpi ne, %convert_element_type3A_39, %cond3A_40 : i32
    scf.if %cond3A_41 {
      %dma_wait3A_242 = arith.constant 9984 : i32
      %dma_wait3A_243 = arith.constant 0 : i32
      %dma_wait3A_244 = tpu.memref_slice %arg14[%dma_wait3A_242, %dma_wait3A_243] : memref<10000x128xf32, #tpu.memory_space<vmem_shared>> -> memref<16x128xf32, #tpu.memory_space<vmem_shared>>
      %dma_wait3A_245 = arith.constant 9984 : i32
      %dma_wait3A_246 = arith.constant 0 : i32
      %dma_wait3A_247 = tpu.memref_slice %arg4[%dma_wait3A_245, %dma_wait3A_246] : memref<10000x128xf32, #tpu.memory_space<hbm>> -> memref<16x128xf32, #tpu.memory_space<hbm>>
      tpu.wait_dma2 semaphore(%arg27 : memref<!tpu.dma_semaphore, #tpu.memory_space<semaphore_mem>>) src(%dma_wait3A_247 : memref<16x128xf32, #tpu.memory_space<hbm>>) dst(%dma_wait3A_244 : memref<16x128xf32, #tpu.memory_space<vmem_shared>>)
    } else {
    }
    %barrier3A = arith.constant 0 : index
    tpu.barrier barrier_id(%barrier3A)
    %dma_start3A_42 = arith.constant 120 : i32
    %dma_start3A_43 = tpu.memref_slice %arg6[%dma_start3A_42] : memref<10000xi32, #tpu.memory_space<vmem>> -> memref<40xi32, #tpu.memory_space<vmem>>
    %dma_start3A_44 = arith.constant 0 : i32
    %dma_start3A_45 = arith.constant 0 : i32
    %dma_start3A_46 = tpu.memref_slice %arg2[%dma_start3A_44, %dma_start3A_45] : memref<10000x128xf32, #tpu.memory_space<hbm>> -> memref<10000x128xf32, #tpu.memory_space<hbm>>
    tpu.enqueue_indirect_dma source(%dma_start3A_46 : memref<10000x128xf32, #tpu.memory_space<hbm>>) target(%arg11 : memref<40x128xf32, #tpu.memory_space<vmem>>) offsets(%dma_start3A_43 : memref<40xi32, #tpu.memory_space<vmem>>) semaphore(%arg18 : memref<!tpu.dma_semaphore, #tpu.memory_space<semaphore_mem>>)
    %dma_wait3A_47 = arith.constant 0 : i32
    %dma_wait3A_48 = tpu.memref_slice %arg6[%dma_wait3A_47] : memref<10000xi32, #tpu.memory_space<vmem>> -> memref<40xi32, #tpu.memory_space<vmem>>
    %dma_wait3A_49 = arith.constant 0 : i32
    %dma_wait3A_50 = arith.constant 0 : i32
    %dma_wait3A_51 = tpu.memref_slice %arg2[%dma_wait3A_49, %dma_wait3A_50] : memref<10000x128xf32, #tpu.memory_space<hbm>> -> memref<10000x128xf32, #tpu.memory_space<hbm>>
    tpu.wait_indirect_dma semaphore(%arg15 : memref<!tpu.dma_semaphore, #tpu.memory_space<semaphore_mem>>) src(%dma_wait3A_51 : memref<10000x128xf32, #tpu.memory_space<hbm>>) dst(%arg8 : memref<40x128xf32, #tpu.memory_space<vmem>>)
    %dma_start3A_52 = arith.constant 0 : i32
    %dma_start3A_53 = tpu.memref_slice %arg7[%dma_start3A_52] : memref<10000xi32, #tpu.memory_space<vmem>> -> memref<40xi32, #tpu.memory_space<vmem>>
    %dma_start3A_54 = arith.constant 0 : i32
    %dma_start3A_55 = arith.constant 0 : i32
    %dma_start3A_56 = tpu.memref_slice %arg14[%dma_start3A_54, %dma_start3A_55] : memref<10000x128xf32, #tpu.memory_space<vmem_shared>> -> memref<10000x128xf32, #tpu.memory_space<vmem_shared>>
    tpu.enqueue_indirect_dma source(%arg8 : memref<40x128xf32, #tpu.memory_space<vmem>>) target(%dma_start3A_56 : memref<10000x128xf32, #tpu.memory_space<vmem_shared>>) offsets(%dma_start3A_53 : memref<40xi32, #tpu.memory_space<vmem>>) semaphore(%arg21 : memref<!tpu.dma_semaphore, #tpu.memory_space<semaphore_mem>>) {add = true}
    %dma_start3A_57 = arith.constant 160 : i32
    %dma_start3A_58 = tpu.memref_slice %arg6[%dma_start3A_57] : memref<10000xi32, #tpu.memory_space<vmem>> -> memref<40xi32, #tpu.memory_space<vmem>>
    %dma_start3A_59 = arith.constant 0 : i32
    %dma_start3A_60 = arith.constant 0 : i32
    %dma_start3A_61 = tpu.memref_slice %arg2[%dma_start3A_59, %dma_start3A_60] : memref<10000x128xf32, #tpu.memory_space<hbm>> -> memref<10000x128xf32, #tpu.memory_space<hbm>>
    tpu.enqueue_indirect_dma source(%dma_start3A_61 : memref<10000x128xf32, #tpu.memory_space<hbm>>) target(%arg12 : memref<40x128xf32, #tpu.memory_space<vmem>>) offsets(%dma_start3A_58 : memref<40xi32, #tpu.memory_space<vmem>>) semaphore(%arg19 : memref<!tpu.dma_semaphore, #tpu.memory_space<semaphore_mem>>)
    %dma_wait3A_62 = arith.constant 40 : i32
    %dma_wait3A_63 = tpu.memref_slice %arg6[%dma_wait3A_62] : memref<10000xi32, #tpu.memory_space<vmem>> -> memref<40xi32, #tpu.memory_space<vmem>>
    %dma_wait3A_64 = arith.constant 0 : i32
    %dma_wait3A_65 = arith.constant 0 : i32
    %dma_wait3A_66 = tpu.memref_slice %arg2[%dma_wait3A_64, %dma_wait3A_65] : memref<10000x128xf32, #tpu.memory_space<hbm>> -> memref<10000x128xf32, #tpu.memory_space<hbm>>
    tpu.wait_indirect_dma semaphore(%arg16 : memref<!tpu.dma_semaphore, #tpu.memory_space<semaphore_mem>>) src(%dma_wait3A_66 : memref<10000x128xf32, #tpu.memory_space<hbm>>) dst(%arg9 : memref<40x128xf32, #tpu.memory_space<vmem>>)
    %dma_start3A_67 = arith.constant 40 : i32
    %dma_start3A_68 = tpu.memref_slice %arg7[%dma_start3A_67] : memref<10000xi32, #tpu.memory_space<vmem>> -> memref<40xi32, #tpu.memory_space<vmem>>
    %dma_start3A_69 = arith.constant 0 : i32
    %dma_start3A_70 = arith.constant 0 : i32
    %dma_start3A_71 = tpu.memref_slice %arg14[%dma_start3A_69, %dma_start3A_70] : memref<10000x128xf32, #tpu.memory_space<vmem_shared>> -> memref<10000x128xf32, #tpu.memory_space<vmem_shared>>
    tpu.enqueue_indirect_dma source(%arg9 : memref<40x128xf32, #tpu.memory_space<vmem>>) target(%dma_start3A_71 : memref<10000x128xf32, #tpu.memory_space<vmem_shared>>) offsets(%dma_start3A_68 : memref<40xi32, #tpu.memory_space<vmem>>) semaphore(%arg22 : memref<!tpu.dma_semaphore, #tpu.memory_space<semaphore_mem>>) {add = true}
    %dma_start3A_72 = arith.constant 200 : i32
    %dma_start3A_73 = tpu.memref_slice %arg6[%dma_start3A_72] : memref<10000xi32, #tpu.memory_space<vmem>> -> memref<40xi32, #tpu.memory_space<vmem>>
    %dma_start3A_74 = arith.constant 0 : i32
    %dma_start3A_75 = arith.constant 0 : i32
    %dma_start3A_76 = tpu.memref_slice %arg2[%dma_start3A_74, %dma_start3A_75] : memref<10000x128xf32, #tpu.memory_space<hbm>> -> memref<10000x128xf32, #tpu.memory_space<hbm>>
    tpu.enqueue_indirect_dma source(%dma_start3A_76 : memref<10000x128xf32, #tpu.memory_space<hbm>>) target(%arg13 : memref<40x128xf32, #tpu.memory_space<vmem>>) offsets(%dma_start3A_73 : memref<40xi32, #tpu.memory_space<vmem>>) semaphore(%arg20 : memref<!tpu.dma_semaphore, #tpu.memory_space<semaphore_mem>>)
    %dma_wait3A_77 = arith.constant 80 : i32
    %dma_wait3A_78 = tpu.memref_slice %arg6[%dma_wait3A_77] : memref<10000xi32, #tpu.memory_space<vmem>> -> memref<40xi32, #tpu.memory_space<vmem>>
    %dma_wait3A_79 = arith.constant 0 : i32
    %dma_wait3A_80 = arith.constant 0 : i32
    %dma_wait3A_81 = tpu.memref_slice %arg2[%dma_wait3A_79, %dma_wait3A_80] : memref<10000x128xf32, #tpu.memory_space<hbm>> -> memref<10000x128xf32, #tpu.memory_space<hbm>>
    tpu.wait_indirect_dma semaphore(%arg17 : memref<!tpu.dma_semaphore, #tpu.memory_space<semaphore_mem>>) src(%dma_wait3A_81 : memref<10000x128xf32, #tpu.memory_space<hbm>>) dst(%arg10 : memref<40x128xf32, #tpu.memory_space<vmem>>)
    %dma_start3A_82 = arith.constant 80 : i32
    %dma_start3A_83 = tpu.memref_slice %arg7[%dma_start3A_82] : memref<10000xi32, #tpu.memory_space<vmem>> -> memref<40xi32, #tpu.memory_space<vmem>>
    %dma_start3A_84 = arith.constant 0 : i32
    %dma_start3A_85 = arith.constant 0 : i32
    %dma_start3A_86 = tpu.memref_slice %arg14[%dma_start3A_84, %dma_start3A_85] : memref<10000x128xf32, #tpu.memory_space<vmem_shared>> -> memref<10000x128xf32, #tpu.memory_space<vmem_shared>>
    tpu.enqueue_indirect_dma source(%arg10 : memref<40x128xf32, #tpu.memory_space<vmem>>) target(%dma_start3A_86 : memref<10000x128xf32, #tpu.memory_space<vmem_shared>>) offsets(%dma_start3A_83 : memref<40xi32, #tpu.memory_space<vmem>>) semaphore(%arg23 : memref<!tpu.dma_semaphore, #tpu.memory_space<semaphore_mem>>) {add = true}
    %dma_wait3A_87 = arith.constant 120 : i32
    %dma_wait3A_88 = tpu.memref_slice %arg7[%dma_wait3A_87] : memref<10000xi32, #tpu.memory_space<vmem>> -> memref<40xi32, #tpu.memory_space<vmem>>
    %dma_wait3A_89 = arith.constant 0 : i32
    %dma_wait3A_90 = arith.constant 0 : i32
    %dma_wait3A_91 = tpu.memref_slice %arg14[%dma_wait3A_89, %dma_wait3A_90] : memref<10000x128xf32, #tpu.memory_space<vmem_shared>> -> memref<10000x128xf32, #tpu.memory_space<vmem_shared>>
    tpu.wait_indirect_dma semaphore(%arg21 : memref<!tpu.dma_semaphore, #tpu.memory_space<semaphore_mem>>) src(%arg8 : memref<40x128xf32, #tpu.memory_space<vmem>>) dst(%dma_wait3A_91 : memref<10000x128xf32, #tpu.memory_space<vmem_shared>>)
    %dma_start3A_92 = arith.constant 240 : i32
    %dma_start3A_93 = tpu.memref_slice %arg6[%dma_start3A_92] : memref<10000xi32, #tpu.memory_space<vmem>> -> memref<40xi32, #tpu.memory_space<vmem>>
    %dma_start3A_94 = arith.constant 0 : i32
    %dma_start3A_95 = arith.constant 0 : i32
    %dma_start3A_96 = tpu.memref_slice %arg2[%dma_start3A_94, %dma_start3A_95] : memref<10000x128xf32, #tpu.memory_space<hbm>> -> memref<10000x128xf32, #tpu.memory_space<hbm>>
    tpu.enqueue_indirect_dma source(%dma_start3A_96 : memref<10000x128xf32, #tpu.memory_space<hbm>>) target(%arg8 : memref<40x128xf32, #tpu.memory_space<vmem>>) offsets(%dma_start3A_93 : memref<40xi32, #tpu.memory_space<vmem>>) semaphore(%arg15 : memref<!tpu.dma_semaphore, #tpu.memory_space<semaphore_mem>>)
    %dma_wait3A_97 = arith.constant 120 : i32
    %dma_wait3A_98 = tpu.memref_slice %arg6[%dma_wait3A_97] : memref<10000xi32, #tpu.memory_space<vmem>> -> memref<40xi32, #tpu.memory_space<vmem>>
    %dma_wait3A_99 = arith.constant 0 : i32
    %dma_wait3A_100 = arith.constant 0 : i32
    %dma_wait3A_101 = tpu.memref_slice %arg2[%dma_wait3A_99, %dma_wait3A_100] : memref<10000x128xf32, #tpu.memory_space<hbm>> -> memref<10000x128xf32, #tpu.memory_space<hbm>>
    tpu.wait_indirect_dma semaphore(%arg18 : memref<!tpu.dma_semaphore, #tpu.memory_space<semaphore_mem>>) src(%dma_wait3A_101 : memref<10000x128xf32, #tpu.memory_space<hbm>>) dst(%arg11 : memref<40x128xf32, #tpu.memory_space<vmem>>)
    %dma_start3A_102 = arith.constant 120 : i32
    %dma_start3A_103 = tpu.memref_slice %arg7[%dma_start3A_102] : memref<10000xi32, #tpu.memory_space<vmem>> -> memref<40xi32, #tpu.memory_space<vmem>>
    %dma_start3A_104 = arith.constant 0 : i32
    %dma_start3A_105 = arith.constant 0 : i32
    %dma_start3A_106 = tpu.memref_slice %arg14[%dma_start3A_104, %dma_start3A_105] : memref<10000x128xf32, #tpu.memory_space<vmem_shared>> -> memref<10000x128xf32, #tpu.memory_space<vmem_shared>>
    tpu.enqueue_indirect_dma source(%arg11 : memref<40x128xf32, #tpu.memory_space<vmem>>) target(%dma_start3A_106 : memref<10000x128xf32, #tpu.memory_space<vmem_shared>>) offsets(%dma_start3A_103 : memref<40xi32, #tpu.memory_space<vmem>>) semaphore(%arg24 : memref<!tpu.dma_semaphore, #tpu.memory_space<semaphore_mem>>) {add = true}
    %dma_wait3A_107 = arith.constant 160 : i32
    %dma_wait3A_108 = tpu.memref_slice %arg7[%dma_wait3A_107] : memref<10000xi32, #tpu.memory_space<vmem>> -> memref<40xi32, #tpu.memory_space<vmem>>
    %dma_wait3A_109 = arith.constant 0 : i32
    %dma_wait3A_110 = arith.constant 0 : i32
    %dma_wait3A_111 = tpu.memref_slice %arg14[%dma_wait3A_109, %dma_wait3A_110] : memref<10000x128xf32, #tpu.memory_space<vmem_shared>> -> memref<10000x128xf32, #tpu.memory_space<vmem_shared>>
    tpu.wait_indirect_dma semaphore(%arg22 : memref<!tpu.dma_semaphore, #tpu.memory_space<semaphore_mem>>) src(%arg9 : memref<40x128xf32, #tpu.memory_space<vmem>>) dst(%dma_wait3A_111 : memref<10000x128xf32, #tpu.memory_space<vmem_shared>>)
    %dma_start3A_112 = arith.constant 280 : i32
    %dma_start3A_113 = tpu.memref_slice %arg6[%dma_start3A_112] : memref<10000xi32, #tpu.memory_space<vmem>> -> memref<40xi32, #tpu.memory_space<vmem>>
    %dma_start3A_114 = arith.constant 0 : i32
    %dma_start3A_115 = arith.constant 0 : i32
    %dma_start3A_116 = tpu.memref_slice %arg2[%dma_start3A_114, %dma_start3A_115] : memref<10000x128xf32, #tpu.memory_space<hbm>> -> memref<10000x128xf32, #tpu.memory_space<hbm>>
    tpu.enqueue_indirect_dma source(%dma_start3A_116 : memref<10000x128xf32, #tpu.memory_space<hbm>>) target(%arg9 : memref<40x128xf32, #tpu.memory_space<vmem>>) offsets(%dma_start3A_113 : memref<40xi32, #tpu.memory_space<vmem>>) semaphore(%arg16 : memref<!tpu.dma_semaphore, #tpu.memory_space<semaphore_mem>>)
    %dma_wait3A_117 = arith.constant 160 : i32
    %dma_wait3A_118 = tpu.memref_slice %arg6[%dma_wait3A_117] : memref<10000xi32, #tpu.memory_space<vmem>> -> memref<40xi32, #tpu.memory_space<vmem>>
    %dma_wait3A_119 = arith.constant 0 : i32
    %dma_wait3A_120 = arith.constant 0 : i32
    %dma_wait3A_121 = tpu.memref_slice %arg2[%dma_wait3A_119, %dma_wait3A_120] : memref<10000x128xf32, #tpu.memory_space<hbm>> -> memref<10000x128xf32, #tpu.memory_space<hbm>>
    tpu.wait_indirect_dma semaphore(%arg19 : memref<!tpu.dma_semaphore, #tpu.memory_space<semaphore_mem>>) src(%dma_wait3A_121 : memref<10000x128xf32, #tpu.memory_space<hbm>>) dst(%arg12 : memref<40x128xf32, #tpu.memory_space<vmem>>)
    %dma_start3A_122 = arith.constant 160 : i32
    %dma_start3A_123 = tpu.memref_slice %arg7[%dma_start3A_122] : memref<10000xi32, #tpu.memory_space<vmem>> -> memref<40xi32, #tpu.memory_space<vmem>>
    %dma_start3A_124 = arith.constant 0 : i32
    %dma_start3A_125 = arith.constant 0 : i32
    %dma_start3A_126 = tpu.memref_slice %arg14[%dma_start3A_124, %dma_start3A_125] : memref<10000x128xf32, #tpu.memory_space<vmem_shared>> -> memref<10000x128xf32, #tpu.memory_space<vmem_shared>>
    tpu.enqueue_indirect_dma source(%arg12 : memref<40x128xf32, #tpu.memory_space<vmem>>) target(%dma_start3A_126 : memref<10000x128xf32, #tpu.memory_space<vmem_shared>>) offsets(%dma_start3A_123 : memref<40xi32, #tpu.memory_space<vmem>>) semaphore(%arg25 : memref<!tpu.dma_semaphore, #tpu.memory_space<semaphore_mem>>) {add = true}
    %dma_wait3A_127 = arith.constant 200 : i32
    %dma_wait3A_128 = tpu.memref_slice %arg7[%dma_wait3A_127] : memref<10000xi32, #tpu.memory_space<vmem>> -> memref<40xi32, #tpu.memory_space<vmem>>
    %dma_wait3A_129 = arith.constant 0 : i32
    %dma_wait3A_130 = arith.constant 0 : i32
    %dma_wait3A_131 = tpu.memref_slice %arg14[%dma_wait3A_129, %dma_wait3A_130] : memref<10000x128xf32, #tpu.memory_space<vmem_shared>> -> memref<10000x128xf32, #tpu.memory_space<vmem_shared>>
    tpu.wait_indirect_dma semaphore(%arg23 : memref<!tpu.dma_semaphore, #tpu.memory_space<semaphore_mem>>) src(%arg10 : memref<40x128xf32, #tpu.memory_space<vmem>>) dst(%dma_wait3A_131 : memref<10000x128xf32, #tpu.memory_space<vmem_shared>>)
    %dma_start3A_132 = arith.constant 320 : i32
    %dma_start3A_133 = tpu.memref_slice %arg6[%dma_start3A_132] : memref<10000xi32, #tpu.memory_space<vmem>> -> memref<40xi32, #tpu.memory_space<vmem>>
    %dma_start3A_134 = arith.constant 0 : i32
    %dma_start3A_135 = arith.constant 0 : i32
    %dma_start3A_136 = tpu.memref_slice %arg2[%dma_start3A_134, %dma_start3A_135] : memref<10000x128xf32, #tpu.memory_space<hbm>> -> memref<10000x128xf32, #tpu.memory_space<hbm>>
    tpu.enqueue_indirect_dma source(%dma_start3A_136 : memref<10000x128xf32, #tpu.memory_space<hbm>>) target(%arg10 : memref<40x128xf32, #tpu.memory_space<vmem>>) offsets(%dma_start3A_133 : memref<40xi32, #tpu.memory_space<vmem>>) semaphore(%arg17 : memref<!tpu.dma_semaphore, #tpu.memory_space<semaphore_mem>>)
    %dma_wait3A_137 = arith.constant 200 : i32
    %dma_wait3A_138 = tpu.memref_slice %arg6[%dma_wait3A_137] : memref<10000xi32, #tpu.memory_space<vmem>> -> memref<40xi32, #tpu.memory_space<vmem>>
    %dma_wait3A_139 = arith.constant 0 : i32
    %dma_wait3A_140 = arith.constant 0 : i32
    %dma_wait3A_141 = tpu.memref_slice %arg2[%dma_wait3A_139, %dma_wait3A_140] : memref<10000x128xf32, #tpu.memory_space<hbm>> -> memref<10000x128xf32, #tpu.memory_space<hbm>>
    tpu.wait_indirect_dma semaphore(%arg20 : memref<!tpu.dma_semaphore, #tpu.memory_space<semaphore_mem>>) src(%dma_wait3A_141 : memref<10000x128xf32, #tpu.memory_space<hbm>>) dst(%arg13 : memref<40x128xf32, #tpu.memory_space<vmem>>)
    %dma_start3A_142 = arith.constant 200 : i32
    %dma_start3A_143 = tpu.memref_slice %arg7[%dma_start3A_142] : memref<10000xi32, #tpu.memory_space<vmem>> -> memref<40xi32, #tpu.memory_space<vmem>>
    %dma_start3A_144 = arith.constant 0 : i32
    %dma_start3A_145 = arith.constant 0 : i32
    %dma_start3A_146 = tpu.memref_slice %arg14[%dma_start3A_144, %dma_start3A_145] : memref<10000x128xf32, #tpu.memory_space<vmem_shared>> -> memref<10000x128xf32, #tpu.memory_space<vmem_shared>>
    tpu.enqueue_indirect_dma source(%arg13 : memref<40x128xf32, #tpu.memory_space<vmem>>) target(%dma_start3A_146 : memref<10000x128xf32, #tpu.memory_space<vmem_shared>>) offsets(%dma_start3A_143 : memref<40xi32, #tpu.memory_space<vmem>>) semaphore(%arg26 : memref<!tpu.dma_semaphore, #tpu.memory_space<semaphore_mem>>) {add = true}
    %scan3A = arith.constant 0 : i32
    %scan3A_147 = arith.constant 0 : i32
    %scan3A_148 = arith.constant 40 : i32
    %scan3A_149 = arith.addi %scan3A_147, %scan3A_148 : i32
    %scan3A_150 = arith.constant 1 : i32
    scf.for %scan3A_242 = %scan3A_147 to %scan3A_149 step %scan3A_150  : i32 {
      %mul3A_243 = arith.constant 6 : i32
      %mul3A_244 = arith.muli %scan3A_242, %mul3A_243 : i32
      %add3A_245 = arith.constant 6 : i32
      %add3A_246 = arith.addi %add3A_245, %mul3A_244 : i32
      %add3A_247 = arith.constant 0 : i32
      %add3A_248 = arith.addi %add3A_246, %add3A_247 : i32
      %mul3A_249 = arith.constant 40 : i32
      %mul3A_250 = arith.muli %add3A_248, %mul3A_249 : i32
      %dma_wait3A_251 = tpu.memref_slice %arg7[%mul3A_250] : memref<10000xi32, #tpu.memory_space<vmem>> -> memref<40xi32, #tpu.memory_space<vmem>>
      %dma_wait3A_252 = arith.constant 0 : i32
      %dma_wait3A_253 = arith.constant 0 : i32
      %dma_wait3A_254 = tpu.memref_slice %arg14[%dma_wait3A_252, %dma_wait3A_253] : memref<10000x128xf32, #tpu.memory_space<vmem_shared>> -> memref<10000x128xf32, #tpu.memory_space<vmem_shared>>
      tpu.wait_indirect_dma semaphore(%arg24 : memref<!tpu.dma_semaphore, #tpu.memory_space<semaphore_mem>>) src(%arg11 : memref<40x128xf32, #tpu.memory_space<vmem>>) dst(%dma_wait3A_254 : memref<10000x128xf32, #tpu.memory_space<vmem_shared>>)
      %add3A_255 = arith.constant 3 : i32
      %add3A_256 = arith.addi %add3A_248, %add3A_255 : i32
      %mul3A_257 = arith.constant 40 : i32
      %mul3A_258 = arith.muli %add3A_256, %mul3A_257 : i32
      %dma_start3A_259 = tpu.memref_slice %arg6[%mul3A_258] : memref<10000xi32, #tpu.memory_space<vmem>> -> memref<40xi32, #tpu.memory_space<vmem>>
      %dma_start3A_260 = arith.constant 0 : i32
      %dma_start3A_261 = arith.constant 0 : i32
      %dma_start3A_262 = tpu.memref_slice %arg2[%dma_start3A_260, %dma_start3A_261] : memref<10000x128xf32, #tpu.memory_space<hbm>> -> memref<10000x128xf32, #tpu.memory_space<hbm>>
      tpu.enqueue_indirect_dma source(%dma_start3A_262 : memref<10000x128xf32, #tpu.memory_space<hbm>>) target(%arg11 : memref<40x128xf32, #tpu.memory_space<vmem>>) offsets(%dma_start3A_259 : memref<40xi32, #tpu.memory_space<vmem>>) semaphore(%arg18 : memref<!tpu.dma_semaphore, #tpu.memory_space<semaphore_mem>>)
      %mul3A_263 = arith.constant 40 : i32
      %mul3A_264 = arith.muli %add3A_248, %mul3A_263 : i32
      %dma_wait3A_265 = tpu.memref_slice %arg6[%mul3A_264] : memref<10000xi32, #tpu.memory_space<vmem>> -> memref<40xi32, #tpu.memory_space<vmem>>
      %dma_wait3A_266 = arith.constant 0 : i32
      %dma_wait3A_267 = arith.constant 0 : i32
      %dma_wait3A_268 = tpu.memref_slice %arg2[%dma_wait3A_266, %dma_wait3A_267] : memref<10000x128xf32, #tpu.memory_space<hbm>> -> memref<10000x128xf32, #tpu.memory_space<hbm>>
      tpu.wait_indirect_dma semaphore(%arg15 : memref<!tpu.dma_semaphore, #tpu.memory_space<semaphore_mem>>) src(%dma_wait3A_268 : memref<10000x128xf32, #tpu.memory_space<hbm>>) dst(%arg8 : memref<40x128xf32, #tpu.memory_space<vmem>>)
      %mul3A_269 = arith.constant 40 : i32
      %mul3A_270 = arith.muli %add3A_248, %mul3A_269 : i32
      %dma_start3A_271 = tpu.memref_slice %arg7[%mul3A_270] : memref<10000xi32, #tpu.memory_space<vmem>> -> memref<40xi32, #tpu.memory_space<vmem>>
      %dma_start3A_272 = arith.constant 0 : i32
      %dma_start3A_273 = arith.constant 0 : i32
      %dma_start3A_274 = tpu.memref_slice %arg14[%dma_start3A_272, %dma_start3A_273] : memref<10000x128xf32, #tpu.memory_space<vmem_shared>> -> memref<10000x128xf32, #tpu.memory_space<vmem_shared>>
      tpu.enqueue_indirect_dma source(%arg8 : memref<40x128xf32, #tpu.memory_space<vmem>>) target(%dma_start3A_274 : memref<10000x128xf32, #tpu.memory_space<vmem_shared>>) offsets(%dma_start3A_271 : memref<40xi32, #tpu.memory_space<vmem>>) semaphore(%arg21 : memref<!tpu.dma_semaphore, #tpu.memory_space<semaphore_mem>>) {add = true}
      %add3A_275 = arith.constant 1 : i32
      %add3A_276 = arith.addi %add3A_246, %add3A_275 : i32
      %mul3A_277 = arith.constant 40 : i32
      %mul3A_278 = arith.muli %add3A_276, %mul3A_277 : i32
      %dma_wait3A_279 = tpu.memref_slice %arg7[%mul3A_278] : memref<10000xi32, #tpu.memory_space<vmem>> -> memref<40xi32, #tpu.memory_space<vmem>>
      %dma_wait3A_280 = arith.constant 0 : i32
      %dma_wait3A_281 = arith.constant 0 : i32
      %dma_wait3A_282 = tpu.memref_slice %arg14[%dma_wait3A_280, %dma_wait3A_281] : memref<10000x128xf32, #tpu.memory_space<vmem_shared>> -> memref<10000x128xf32, #tpu.memory_space<vmem_shared>>
      tpu.wait_indirect_dma semaphore(%arg25 : memref<!tpu.dma_semaphore, #tpu.memory_space<semaphore_mem>>) src(%arg12 : memref<40x128xf32, #tpu.memory_space<vmem>>) dst(%dma_wait3A_282 : memref<10000x128xf32, #tpu.memory_space<vmem_shared>>)
      %add3A_283 = arith.constant 3 : i32
      %add3A_284 = arith.addi %add3A_276, %add3A_283 : i32
      %mul3A_285 = arith.constant 40 : i32
      %mul3A_286 = arith.muli %add3A_284, %mul3A_285 : i32
      %dma_start3A_287 = tpu.memref_slice %arg6[%mul3A_286] : memref<10000xi32, #tpu.memory_space<vmem>> -> memref<40xi32, #tpu.memory_space<vmem>>
      %dma_start3A_288 = arith.constant 0 : i32
      %dma_start3A_289 = arith.constant 0 : i32
      %dma_start3A_290 = tpu.memref_slice %arg2[%dma_start3A_288, %dma_start3A_289] : memref<10000x128xf32, #tpu.memory_space<hbm>> -> memref<10000x128xf32, #tpu.memory_space<hbm>>
      tpu.enqueue_indirect_dma source(%dma_start3A_290 : memref<10000x128xf32, #tpu.memory_space<hbm>>) target(%arg12 : memref<40x128xf32, #tpu.memory_space<vmem>>) offsets(%dma_start3A_287 : memref<40xi32, #tpu.memory_space<vmem>>) semaphore(%arg19 : memref<!tpu.dma_semaphore, #tpu.memory_space<semaphore_mem>>)
      %mul3A_291 = arith.constant 40 : i32
      %mul3A_292 = arith.muli %add3A_276, %mul3A_291 : i32
      %dma_wait3A_293 = tpu.memref_slice %arg6[%mul3A_292] : memref<10000xi32, #tpu.memory_space<vmem>> -> memref<40xi32, #tpu.memory_space<vmem>>
      %dma_wait3A_294 = arith.constant 0 : i32
      %dma_wait3A_295 = arith.constant 0 : i32
      %dma_wait3A_296 = tpu.memref_slice %arg2[%dma_wait3A_294, %dma_wait3A_295] : memref<10000x128xf32, #tpu.memory_space<hbm>> -> memref<10000x128xf32, #tpu.memory_space<hbm>>
      tpu.wait_indirect_dma semaphore(%arg16 : memref<!tpu.dma_semaphore, #tpu.memory_space<semaphore_mem>>) src(%dma_wait3A_296 : memref<10000x128xf32, #tpu.memory_space<hbm>>) dst(%arg9 : memref<40x128xf32, #tpu.memory_space<vmem>>)
      %mul3A_297 = arith.constant 40 : i32
      %mul3A_298 = arith.muli %add3A_276, %mul3A_297 : i32
      %dma_start3A_299 = tpu.memref_slice %arg7[%mul3A_298] : memref<10000xi32, #tpu.memory_space<vmem>> -> memref<40xi32, #tpu.memory_space<vmem>>
      %dma_start3A_300 = arith.constant 0 : i32
      %dma_start3A_301 = arith.constant 0 : i32
      %dma_start3A_302 = tpu.memref_slice %arg14[%dma_start3A_300, %dma_start3A_301] : memref<10000x128xf32, #tpu.memory_space<vmem_shared>> -> memref<10000x128xf32, #tpu.memory_space<vmem_shared>>
      tpu.enqueue_indirect_dma source(%arg9 : memref<40x128xf32, #tpu.memory_space<vmem>>) target(%dma_start3A_302 : memref<10000x128xf32, #tpu.memory_space<vmem_shared>>) offsets(%dma_start3A_299 : memref<40xi32, #tpu.memory_space<vmem>>) semaphore(%arg22 : memref<!tpu.dma_semaphore, #tpu.memory_space<semaphore_mem>>) {add = true}
      %add3A_303 = arith.constant 2 : i32
      %add3A_304 = arith.addi %add3A_246, %add3A_303 : i32
      %mul3A_305 = arith.constant 40 : i32
      %mul3A_306 = arith.muli %add3A_304, %mul3A_305 : i32
      %dma_wait3A_307 = tpu.memref_slice %arg7[%mul3A_306] : memref<10000xi32, #tpu.memory_space<vmem>> -> memref<40xi32, #tpu.memory_space<vmem>>
      %dma_wait3A_308 = arith.constant 0 : i32
      %dma_wait3A_309 = arith.constant 0 : i32
      %dma_wait3A_310 = tpu.memref_slice %arg14[%dma_wait3A_308, %dma_wait3A_309] : memref<10000x128xf32, #tpu.memory_space<vmem_shared>> -> memref<10000x128xf32, #tpu.memory_space<vmem_shared>>
      tpu.wait_indirect_dma semaphore(%arg26 : memref<!tpu.dma_semaphore, #tpu.memory_space<semaphore_mem>>) src(%arg13 : memref<40x128xf32, #tpu.memory_space<vmem>>) dst(%dma_wait3A_310 : memref<10000x128xf32, #tpu.memory_space<vmem_shared>>)
      %add3A_311 = arith.constant 3 : i32
      %add3A_312 = arith.addi %add3A_304, %add3A_311 : i32
      %mul3A_313 = arith.constant 40 : i32
      %mul3A_314 = arith.muli %add3A_312, %mul3A_313 : i32
      %dma_start3A_315 = tpu.memref_slice %arg6[%mul3A_314] : memref<10000xi32, #tpu.memory_space<vmem>> -> memref<40xi32, #tpu.memory_space<vmem>>
      %dma_start3A_316 = arith.constant 0 : i32
      %dma_start3A_317 = arith.constant 0 : i32
      %dma_start3A_318 = tpu.memref_slice %arg2[%dma_start3A_316, %dma_start3A_317] : memref<10000x128xf32, #tpu.memory_space<hbm>> -> memref<10000x128xf32, #tpu.memory_space<hbm>>
      tpu.enqueue_indirect_dma source(%dma_start3A_318 : memref<10000x128xf32, #tpu.memory_space<hbm>>) target(%arg13 : memref<40x128xf32, #tpu.memory_space<vmem>>) offsets(%dma_start3A_315 : memref<40xi32, #tpu.memory_space<vmem>>) semaphore(%arg20 : memref<!tpu.dma_semaphore, #tpu.memory_space<semaphore_mem>>)
      %mul3A_319 = arith.constant 40 : i32
      %mul3A_320 = arith.muli %add3A_304, %mul3A_319 : i32
      %dma_wait3A_321 = tpu.memref_slice %arg6[%mul3A_320] : memref<10000xi32, #tpu.memory_space<vmem>> -> memref<40xi32, #tpu.memory_space<vmem>>
      %dma_wait3A_322 = arith.constant 0 : i32
      %dma_wait3A_323 = arith.constant 0 : i32
      %dma_wait3A_324 = tpu.memref_slice %arg2[%dma_wait3A_322, %dma_wait3A_323] : memref<10000x128xf32, #tpu.memory_space<hbm>> -> memref<10000x128xf32, #tpu.memory_space<hbm>>
      tpu.wait_indirect_dma semaphore(%arg17 : memref<!tpu.dma_semaphore, #tpu.memory_space<semaphore_mem>>) src(%dma_wait3A_324 : memref<10000x128xf32, #tpu.memory_space<hbm>>) dst(%arg10 : memref<40x128xf32, #tpu.memory_space<vmem>>)
      %mul3A_325 = arith.constant 40 : i32
      %mul3A_326 = arith.muli %add3A_304, %mul3A_325 : i32
      %dma_start3A_327 = tpu.memref_slice %arg7[%mul3A_326] : memref<10000xi32, #tpu.memory_space<vmem>> -> memref<40xi32, #tpu.memory_space<vmem>>
      %dma_start3A_328 = arith.constant 0 : i32
      %dma_start3A_329 = arith.constant 0 : i32
      %dma_start3A_330 = tpu.memref_slice %arg14[%dma_start3A_328, %dma_start3A_329] : memref<10000x128xf32, #tpu.memory_space<vmem_shared>> -> memref<10000x128xf32, #tpu.memory_space<vmem_shared>>
      tpu.enqueue_indirect_dma source(%arg10 : memref<40x128xf32, #tpu.memory_space<vmem>>) target(%dma_start3A_330 : memref<10000x128xf32, #tpu.memory_space<vmem_shared>>) offsets(%dma_start3A_327 : memref<40xi32, #tpu.memory_space<vmem>>) semaphore(%arg23 : memref<!tpu.dma_semaphore, #tpu.memory_space<semaphore_mem>>) {add = true}
      %add3A_331 = arith.constant 3 : i32
      %add3A_332 = arith.addi %add3A_246, %add3A_331 : i32
      %mul3A_333 = arith.constant 40 : i32
      %mul3A_334 = arith.muli %add3A_332, %mul3A_333 : i32
      %dma_wait3A_335 = tpu.memref_slice %arg7[%mul3A_334] : memref<10000xi32, #tpu.memory_space<vmem>> -> memref<40xi32, #tpu.memory_space<vmem>>
      %dma_wait3A_336 = arith.constant 0 : i32
      %dma_wait3A_337 = arith.constant 0 : i32
      %dma_wait3A_338 = tpu.memref_slice %arg14[%dma_wait3A_336, %dma_wait3A_337] : memref<10000x128xf32, #tpu.memory_space<vmem_shared>> -> memref<10000x128xf32, #tpu.memory_space<vmem_shared>>
      tpu.wait_indirect_dma semaphore(%arg21 : memref<!tpu.dma_semaphore, #tpu.memory_space<semaphore_mem>>) src(%arg8 : memref<40x128xf32, #tpu.memory_space<vmem>>) dst(%dma_wait3A_338 : memref<10000x128xf32, #tpu.memory_space<vmem_shared>>)
      %add3A_339 = arith.constant 3 : i32
      %add3A_340 = arith.addi %add3A_332, %add3A_339 : i32
      %mul3A_341 = arith.constant 40 : i32
      %mul3A_342 = arith.muli %add3A_340, %mul3A_341 : i32
      %dma_start3A_343 = tpu.memref_slice %arg6[%mul3A_342] : memref<10000xi32, #tpu.memory_space<vmem>> -> memref<40xi32, #tpu.memory_space<vmem>>
      %dma_start3A_344 = arith.constant 0 : i32
      %dma_start3A_345 = arith.constant 0 : i32
      %dma_start3A_346 = tpu.memref_slice %arg2[%dma_start3A_344, %dma_start3A_345] : memref<10000x128xf32, #tpu.memory_space<hbm>> -> memref<10000x128xf32, #tpu.memory_space<hbm>>
      tpu.enqueue_indirect_dma source(%dma_start3A_346 : memref<10000x128xf32, #tpu.memory_space<hbm>>) target(%arg8 : memref<40x128xf32, #tpu.memory_space<vmem>>) offsets(%dma_start3A_343 : memref<40xi32, #tpu.memory_space<vmem>>) semaphore(%arg15 : memref<!tpu.dma_semaphore, #tpu.memory_space<semaphore_mem>>)
      %mul3A_347 = arith.constant 40 : i32
      %mul3A_348 = arith.muli %add3A_332, %mul3A_347 : i32
      %dma_wait3A_349 = tpu.memref_slice %arg6[%mul3A_348] : memref<10000xi32, #tpu.memory_space<vmem>> -> memref<40xi32, #tpu.memory_space<vmem>>
      %dma_wait3A_350 = arith.constant 0 : i32
      %dma_wait3A_351 = arith.constant 0 : i32
      %dma_wait3A_352 = tpu.memref_slice %arg2[%dma_wait3A_350, %dma_wait3A_351] : memref<10000x128xf32, #tpu.memory_space<hbm>> -> memref<10000x128xf32, #tpu.memory_space<hbm>>
      tpu.wait_indirect_dma semaphore(%arg18 : memref<!tpu.dma_semaphore, #tpu.memory_space<semaphore_mem>>) src(%dma_wait3A_352 : memref<10000x128xf32, #tpu.memory_space<hbm>>) dst(%arg11 : memref<40x128xf32, #tpu.memory_space<vmem>>)
      %mul3A_353 = arith.constant 40 : i32
      %mul3A_354 = arith.muli %add3A_332, %mul3A_353 : i32
      %dma_start3A_355 = tpu.memref_slice %arg7[%mul3A_354] : memref<10000xi32, #tpu.memory_space<vmem>> -> memref<40xi32, #tpu.memory_space<vmem>>
      %dma_start3A_356 = arith.constant 0 : i32
      %dma_start3A_357 = arith.constant 0 : i32
      %dma_start3A_358 = tpu.memref_slice %arg14[%dma_start3A_356, %dma_start3A_357] : memref<10000x128xf32, #tpu.memory_space<vmem_shared>> -> memref<10000x128xf32, #tpu.memory_space<vmem_shared>>
      tpu.enqueue_indirect_dma source(%arg11 : memref<40x128xf32, #tpu.memory_space<vmem>>) target(%dma_start3A_358 : memref<10000x128xf32, #tpu.memory_space<vmem_shared>>) offsets(%dma_start3A_355 : memref<40xi32, #tpu.memory_space<vmem>>) semaphore(%arg24 : memref<!tpu.dma_semaphore, #tpu.memory_space<semaphore_mem>>) {add = true}
      %add3A_359 = arith.constant 4 : i32
      %add3A_360 = arith.addi %add3A_246, %add3A_359 : i32
      %mul3A_361 = arith.constant 40 : i32
      %mul3A_362 = arith.muli %add3A_360, %mul3A_361 : i32
      %dma_wait3A_363 = tpu.memref_slice %arg7[%mul3A_362] : memref<10000xi32, #tpu.memory_space<vmem>> -> memref<40xi32, #tpu.memory_space<vmem>>
      %dma_wait3A_364 = arith.constant 0 : i32
      %dma_wait3A_365 = arith.constant 0 : i32
      %dma_wait3A_366 = tpu.memref_slice %arg14[%dma_wait3A_364, %dma_wait3A_365] : memref<10000x128xf32, #tpu.memory_space<vmem_shared>> -> memref<10000x128xf32, #tpu.memory_space<vmem_shared>>
      tpu.wait_indirect_dma semaphore(%arg22 : memref<!tpu.dma_semaphore, #tpu.memory_space<semaphore_mem>>) src(%arg9 : memref<40x128xf32, #tpu.memory_space<vmem>>) dst(%dma_wait3A_366 : memref<10000x128xf32, #tpu.memory_space<vmem_shared>>)
      %add3A_367 = arith.constant 3 : i32
      %add3A_368 = arith.addi %add3A_360, %add3A_367 : i32
      %mul3A_369 = arith.constant 40 : i32
      %mul3A_370 = arith.muli %add3A_368, %mul3A_369 : i32
      %dma_start3A_371 = tpu.memref_slice %arg6[%mul3A_370] : memref<10000xi32, #tpu.memory_space<vmem>> -> memref<40xi32, #tpu.memory_space<vmem>>
      %dma_start3A_372 = arith.constant 0 : i32
      %dma_start3A_373 = arith.constant 0 : i32
      %dma_start3A_374 = tpu.memref_slice %arg2[%dma_start3A_372, %dma_start3A_373] : memref<10000x128xf32, #tpu.memory_space<hbm>> -> memref<10000x128xf32, #tpu.memory_space<hbm>>
      tpu.enqueue_indirect_dma source(%dma_start3A_374 : memref<10000x128xf32, #tpu.memory_space<hbm>>) target(%arg9 : memref<40x128xf32, #tpu.memory_space<vmem>>) offsets(%dma_start3A_371 : memref<40xi32, #tpu.memory_space<vmem>>) semaphore(%arg16 : memref<!tpu.dma_semaphore, #tpu.memory_space<semaphore_mem>>)
      %mul3A_375 = arith.constant 40 : i32
      %mul3A_376 = arith.muli %add3A_360, %mul3A_375 : i32
      %dma_wait3A_377 = tpu.memref_slice %arg6[%mul3A_376] : memref<10000xi32, #tpu.memory_space<vmem>> -> memref<40xi32, #tpu.memory_space<vmem>>
      %dma_wait3A_378 = arith.constant 0 : i32
      %dma_wait3A_379 = arith.constant 0 : i32
      %dma_wait3A_380 = tpu.memref_slice %arg2[%dma_wait3A_378, %dma_wait3A_379] : memref<10000x128xf32, #tpu.memory_space<hbm>> -> memref<10000x128xf32, #tpu.memory_space<hbm>>
      tpu.wait_indirect_dma semaphore(%arg19 : memref<!tpu.dma_semaphore, #tpu.memory_space<semaphore_mem>>) src(%dma_wait3A_380 : memref<10000x128xf32, #tpu.memory_space<hbm>>) dst(%arg12 : memref<40x128xf32, #tpu.memory_space<vmem>>)
      %mul3A_381 = arith.constant 40 : i32
      %mul3A_382 = arith.muli %add3A_360, %mul3A_381 : i32
      %dma_start3A_383 = tpu.memref_slice %arg7[%mul3A_382] : memref<10000xi32, #tpu.memory_space<vmem>> -> memref<40xi32, #tpu.memory_space<vmem>>
      %dma_start3A_384 = arith.constant 0 : i32
      %dma_start3A_385 = arith.constant 0 : i32
      %dma_start3A_386 = tpu.memref_slice %arg14[%dma_start3A_384, %dma_start3A_385] : memref<10000x128xf32, #tpu.memory_space<vmem_shared>> -> memref<10000x128xf32, #tpu.memory_space<vmem_shared>>
      tpu.enqueue_indirect_dma source(%arg12 : memref<40x128xf32, #tpu.memory_space<vmem>>) target(%dma_start3A_386 : memref<10000x128xf32, #tpu.memory_space<vmem_shared>>) offsets(%dma_start3A_383 : memref<40xi32, #tpu.memory_space<vmem>>) semaphore(%arg25 : memref<!tpu.dma_semaphore, #tpu.memory_space<semaphore_mem>>) {add = true}
      %add3A_387 = arith.constant 5 : i32
      %add3A_388 = arith.addi %add3A_246, %add3A_387 : i32
      %mul3A_389 = arith.constant 40 : i32
      %mul3A_390 = arith.muli %add3A_388, %mul3A_389 : i32
      %dma_wait3A_391 = tpu.memref_slice %arg7[%mul3A_390] : memref<10000xi32, #tpu.memory_space<vmem>> -> memref<40xi32, #tpu.memory_space<vmem>>
      %dma_wait3A_392 = arith.constant 0 : i32
      %dma_wait3A_393 = arith.constant 0 : i32
      %dma_wait3A_394 = tpu.memref_slice %arg14[%dma_wait3A_392, %dma_wait3A_393] : memref<10000x128xf32, #tpu.memory_space<vmem_shared>> -> memref<10000x128xf32, #tpu.memory_space<vmem_shared>>
      tpu.wait_indirect_dma semaphore(%arg23 : memref<!tpu.dma_semaphore, #tpu.memory_space<semaphore_mem>>) src(%arg10 : memref<40x128xf32, #tpu.memory_space<vmem>>) dst(%dma_wait3A_394 : memref<10000x128xf32, #tpu.memory_space<vmem_shared>>)
      %add3A_395 = arith.constant 3 : i32
      %add3A_396 = arith.addi %add3A_388, %add3A_395 : i32
      %mul3A_397 = arith.constant 40 : i32
      %mul3A_398 = arith.muli %add3A_396, %mul3A_397 : i32
      %dma_start3A_399 = tpu.memref_slice %arg6[%mul3A_398] : memref<10000xi32, #tpu.memory_space<vmem>> -> memref<40xi32, #tpu.memory_space<vmem>>
      %dma_start3A_400 = arith.constant 0 : i32
      %dma_start3A_401 = arith.constant 0 : i32
      %dma_start3A_402 = tpu.memref_slice %arg2[%dma_start3A_400, %dma_start3A_401] : memref<10000x128xf32, #tpu.memory_space<hbm>> -> memref<10000x128xf32, #tpu.memory_space<hbm>>
      tpu.enqueue_indirect_dma source(%dma_start3A_402 : memref<10000x128xf32, #tpu.memory_space<hbm>>) target(%arg10 : memref<40x128xf32, #tpu.memory_space<vmem>>) offsets(%dma_start3A_399 : memref<40xi32, #tpu.memory_space<vmem>>) semaphore(%arg17 : memref<!tpu.dma_semaphore, #tpu.memory_space<semaphore_mem>>)
      %mul3A_403 = arith.constant 40 : i32
      %mul3A_404 = arith.muli %add3A_388, %mul3A_403 : i32
      %dma_wait3A_405 = tpu.memref_slice %arg6[%mul3A_404] : memref<10000xi32, #tpu.memory_space<vmem>> -> memref<40xi32, #tpu.memory_space<vmem>>
      %dma_wait3A_406 = arith.constant 0 : i32
      %dma_wait3A_407 = arith.constant 0 : i32
      %dma_wait3A_408 = tpu.memref_slice %arg2[%dma_wait3A_406, %dma_wait3A_407] : memref<10000x128xf32, #tpu.memory_space<hbm>> -> memref<10000x128xf32, #tpu.memory_space<hbm>>
      tpu.wait_indirect_dma semaphore(%arg20 : memref<!tpu.dma_semaphore, #tpu.memory_space<semaphore_mem>>) src(%dma_wait3A_408 : memref<10000x128xf32, #tpu.memory_space<hbm>>) dst(%arg13 : memref<40x128xf32, #tpu.memory_space<vmem>>)
      %mul3A_409 = arith.constant 40 : i32
      %mul3A_410 = arith.muli %add3A_388, %mul3A_409 : i32
      %dma_start3A_411 = tpu.memref_slice %arg7[%mul3A_410] : memref<10000xi32, #tpu.memory_space<vmem>> -> memref<40xi32, #tpu.memory_space<vmem>>
      %dma_start3A_412 = arith.constant 0 : i32
      %dma_start3A_413 = arith.constant 0 : i32
      %dma_start3A_414 = tpu.memref_slice %arg14[%dma_start3A_412, %dma_start3A_413] : memref<10000x128xf32, #tpu.memory_space<vmem_shared>> -> memref<10000x128xf32, #tpu.memory_space<vmem_shared>>
      tpu.enqueue_indirect_dma source(%arg13 : memref<40x128xf32, #tpu.memory_space<vmem>>) target(%dma_start3A_414 : memref<10000x128xf32, #tpu.memory_space<vmem_shared>>) offsets(%dma_start3A_411 : memref<40xi32, #tpu.memory_space<vmem>>) semaphore(%arg26 : memref<!tpu.dma_semaphore, #tpu.memory_space<semaphore_mem>>) {add = true}
    }
    %scan3A_151 = arith.constant 40 : i32
    %dma_wait3A_152 = arith.constant 9840 : i32
    %dma_wait3A_153 = tpu.memref_slice %arg7[%dma_wait3A_152] : memref<10000xi32, #tpu.memory_space<vmem>> -> memref<40xi32, #tpu.memory_space<vmem>>
    %dma_wait3A_154 = arith.constant 0 : i32
    %dma_wait3A_155 = arith.constant 0 : i32
    %dma_wait3A_156 = tpu.memref_slice %arg14[%dma_wait3A_154, %dma_wait3A_155] : memref<10000x128xf32, #tpu.memory_space<vmem_shared>> -> memref<10000x128xf32, #tpu.memory_space<vmem_shared>>
    tpu.wait_indirect_dma semaphore(%arg24 : memref<!tpu.dma_semaphore, #tpu.memory_space<semaphore_mem>>) src(%arg11 : memref<40x128xf32, #tpu.memory_space<vmem>>) dst(%dma_wait3A_156 : memref<10000x128xf32, #tpu.memory_space<vmem_shared>>)
    %dma_start3A_157 = arith.constant 9960 : i32
    %dma_start3A_158 = tpu.memref_slice %arg6[%dma_start3A_157] : memref<10000xi32, #tpu.memory_space<vmem>> -> memref<40xi32, #tpu.memory_space<vmem>>
    %dma_start3A_159 = arith.constant 0 : i32
    %dma_start3A_160 = arith.constant 0 : i32
    %dma_start3A_161 = tpu.memref_slice %arg2[%dma_start3A_159, %dma_start3A_160] : memref<10000x128xf32, #tpu.memory_space<hbm>> -> memref<10000x128xf32, #tpu.memory_space<hbm>>
    tpu.enqueue_indirect_dma source(%dma_start3A_161 : memref<10000x128xf32, #tpu.memory_space<hbm>>) target(%arg11 : memref<40x128xf32, #tpu.memory_space<vmem>>) offsets(%dma_start3A_158 : memref<40xi32, #tpu.memory_space<vmem>>) semaphore(%arg18 : memref<!tpu.dma_semaphore, #tpu.memory_space<semaphore_mem>>)
    %dma_wait3A_162 = arith.constant 9840 : i32
    %dma_wait3A_163 = tpu.memref_slice %arg6[%dma_wait3A_162] : memref<10000xi32, #tpu.memory_space<vmem>> -> memref<40xi32, #tpu.memory_space<vmem>>
    %dma_wait3A_164 = arith.constant 0 : i32
    %dma_wait3A_165 = arith.constant 0 : i32
    %dma_wait3A_166 = tpu.memref_slice %arg2[%dma_wait3A_164, %dma_wait3A_165] : memref<10000x128xf32, #tpu.memory_space<hbm>> -> memref<10000x128xf32, #tpu.memory_space<hbm>>
    tpu.wait_indirect_dma semaphore(%arg15 : memref<!tpu.dma_semaphore, #tpu.memory_space<semaphore_mem>>) src(%dma_wait3A_166 : memref<10000x128xf32, #tpu.memory_space<hbm>>) dst(%arg8 : memref<40x128xf32, #tpu.memory_space<vmem>>)
    %dma_start3A_167 = arith.constant 9840 : i32
    %dma_start3A_168 = tpu.memref_slice %arg7[%dma_start3A_167] : memref<10000xi32, #tpu.memory_space<vmem>> -> memref<40xi32, #tpu.memory_space<vmem>>
    %dma_start3A_169 = arith.constant 0 : i32
    %dma_start3A_170 = arith.constant 0 : i32
    %dma_start3A_171 = tpu.memref_slice %arg14[%dma_start3A_169, %dma_start3A_170] : memref<10000x128xf32, #tpu.memory_space<vmem_shared>> -> memref<10000x128xf32, #tpu.memory_space<vmem_shared>>
    tpu.enqueue_indirect_dma source(%arg8 : memref<40x128xf32, #tpu.memory_space<vmem>>) target(%dma_start3A_171 : memref<10000x128xf32, #tpu.memory_space<vmem_shared>>) offsets(%dma_start3A_168 : memref<40xi32, #tpu.memory_space<vmem>>) semaphore(%arg21 : memref<!tpu.dma_semaphore, #tpu.memory_space<semaphore_mem>>) {add = true}
    %dma_wait3A_172 = arith.constant 9880 : i32
    %dma_wait3A_173 = tpu.memref_slice %arg6[%dma_wait3A_172] : memref<10000xi32, #tpu.memory_space<vmem>> -> memref<40xi32, #tpu.memory_space<vmem>>
    %dma_wait3A_174 = arith.constant 0 : i32
    %dma_wait3A_175 = arith.constant 0 : i32
    %dma_wait3A_176 = tpu.memref_slice %arg2[%dma_wait3A_174, %dma_wait3A_175] : memref<10000x128xf32, #tpu.memory_space<hbm>> -> memref<10000x128xf32, #tpu.memory_space<hbm>>
    tpu.wait_indirect_dma semaphore(%arg16 : memref<!tpu.dma_semaphore, #tpu.memory_space<semaphore_mem>>) src(%dma_wait3A_176 : memref<10000x128xf32, #tpu.memory_space<hbm>>) dst(%arg9 : memref<40x128xf32, #tpu.memory_space<vmem>>)
    %dma_start3A_177 = arith.constant 9880 : i32
    %dma_start3A_178 = tpu.memref_slice %arg7[%dma_start3A_177] : memref<10000xi32, #tpu.memory_space<vmem>> -> memref<40xi32, #tpu.memory_space<vmem>>
    %dma_start3A_179 = arith.constant 0 : i32
    %dma_start3A_180 = arith.constant 0 : i32
    %dma_start3A_181 = tpu.memref_slice %arg14[%dma_start3A_179, %dma_start3A_180] : memref<10000x128xf32, #tpu.memory_space<vmem_shared>> -> memref<10000x128xf32, #tpu.memory_space<vmem_shared>>
    tpu.enqueue_indirect_dma source(%arg9 : memref<40x128xf32, #tpu.memory_space<vmem>>) target(%dma_start3A_181 : memref<10000x128xf32, #tpu.memory_space<vmem_shared>>) offsets(%dma_start3A_178 : memref<40xi32, #tpu.memory_space<vmem>>) semaphore(%arg22 : memref<!tpu.dma_semaphore, #tpu.memory_space<semaphore_mem>>) {add = true}
    %dma_wait3A_182 = arith.constant 9920 : i32
    %dma_wait3A_183 = tpu.memref_slice %arg6[%dma_wait3A_182] : memref<10000xi32, #tpu.memory_space<vmem>> -> memref<40xi32, #tpu.memory_space<vmem>>
    %dma_wait3A_184 = arith.constant 0 : i32
    %dma_wait3A_185 = arith.constant 0 : i32
    %dma_wait3A_186 = tpu.memref_slice %arg2[%dma_wait3A_184, %dma_wait3A_185] : memref<10000x128xf32, #tpu.memory_space<hbm>> -> memref<10000x128xf32, #tpu.memory_space<hbm>>
    tpu.wait_indirect_dma semaphore(%arg17 : memref<!tpu.dma_semaphore, #tpu.memory_space<semaphore_mem>>) src(%dma_wait3A_186 : memref<10000x128xf32, #tpu.memory_space<hbm>>) dst(%arg10 : memref<40x128xf32, #tpu.memory_space<vmem>>)
    %dma_start3A_187 = arith.constant 9920 : i32
    %dma_start3A_188 = tpu.memref_slice %arg7[%dma_start3A_187] : memref<10000xi32, #tpu.memory_space<vmem>> -> memref<40xi32, #tpu.memory_space<vmem>>
    %dma_start3A_189 = arith.constant 0 : i32
    %dma_start3A_190 = arith.constant 0 : i32
    %dma_start3A_191 = tpu.memref_slice %arg14[%dma_start3A_189, %dma_start3A_190] : memref<10000x128xf32, #tpu.memory_space<vmem_shared>> -> memref<10000x128xf32, #tpu.memory_space<vmem_shared>>
    tpu.enqueue_indirect_dma source(%arg10 : memref<40x128xf32, #tpu.memory_space<vmem>>) target(%dma_start3A_191 : memref<10000x128xf32, #tpu.memory_space<vmem_shared>>) offsets(%dma_start3A_188 : memref<40xi32, #tpu.memory_space<vmem>>) semaphore(%arg23 : memref<!tpu.dma_semaphore, #tpu.memory_space<semaphore_mem>>) {add = true}
    %dma_wait3A_192 = arith.constant 9960 : i32
    %dma_wait3A_193 = tpu.memref_slice %arg6[%dma_wait3A_192] : memref<10000xi32, #tpu.memory_space<vmem>> -> memref<40xi32, #tpu.memory_space<vmem>>
    %dma_wait3A_194 = arith.constant 0 : i32
    %dma_wait3A_195 = arith.constant 0 : i32
    %dma_wait3A_196 = tpu.memref_slice %arg2[%dma_wait3A_194, %dma_wait3A_195] : memref<10000x128xf32, #tpu.memory_space<hbm>> -> memref<10000x128xf32, #tpu.memory_space<hbm>>
    tpu.wait_indirect_dma semaphore(%arg18 : memref<!tpu.dma_semaphore, #tpu.memory_space<semaphore_mem>>) src(%dma_wait3A_196 : memref<10000x128xf32, #tpu.memory_space<hbm>>) dst(%arg11 : memref<40x128xf32, #tpu.memory_space<vmem>>)
    %dma_start3A_197 = arith.constant 9960 : i32
    %dma_start3A_198 = tpu.memref_slice %arg7[%dma_start3A_197] : memref<10000xi32, #tpu.memory_space<vmem>> -> memref<40xi32, #tpu.memory_space<vmem>>
    %dma_start3A_199 = arith.constant 0 : i32
    %dma_start3A_200 = arith.constant 0 : i32
    %dma_start3A_201 = tpu.memref_slice %arg14[%dma_start3A_199, %dma_start3A_200] : memref<10000x128xf32, #tpu.memory_space<vmem_shared>> -> memref<10000x128xf32, #tpu.memory_space<vmem_shared>>
    tpu.enqueue_indirect_dma source(%arg11 : memref<40x128xf32, #tpu.memory_space<vmem>>) target(%dma_start3A_201 : memref<10000x128xf32, #tpu.memory_space<vmem_shared>>) offsets(%dma_start3A_198 : memref<40xi32, #tpu.memory_space<vmem>>) semaphore(%arg24 : memref<!tpu.dma_semaphore, #tpu.memory_space<semaphore_mem>>) {add = true}
    %dma_wait3A_202 = arith.constant 9760 : i32
    %dma_wait3A_203 = tpu.memref_slice %arg7[%dma_wait3A_202] : memref<10000xi32, #tpu.memory_space<vmem>> -> memref<40xi32, #tpu.memory_space<vmem>>
    %dma_wait3A_204 = arith.constant 0 : i32
    %dma_wait3A_205 = arith.constant 0 : i32
    %dma_wait3A_206 = tpu.memref_slice %arg14[%dma_wait3A_204, %dma_wait3A_205] : memref<10000x128xf32, #tpu.memory_space<vmem_shared>> -> memref<10000x128xf32, #tpu.memory_space<vmem_shared>>
    tpu.wait_indirect_dma semaphore(%arg25 : memref<!tpu.dma_semaphore, #tpu.memory_space<semaphore_mem>>) src(%arg12 : memref<40x128xf32, #tpu.memory_space<vmem>>) dst(%dma_wait3A_206 : memref<10000x128xf32, #tpu.memory_space<vmem_shared>>)
    %dma_wait3A_207 = arith.constant 9800 : i32
    %dma_wait3A_208 = tpu.memref_slice %arg7[%dma_wait3A_207] : memref<10000xi32, #tpu.memory_space<vmem>> -> memref<40xi32, #tpu.memory_space<vmem>>
    %dma_wait3A_209 = arith.constant 0 : i32
    %dma_wait3A_210 = arith.constant 0 : i32
    %dma_wait3A_211 = tpu.memref_slice %arg14[%dma_wait3A_209, %dma_wait3A_210] : memref<10000x128xf32, #tpu.memory_space<vmem_shared>> -> memref<10000x128xf32, #tpu.memory_space<vmem_shared>>
    tpu.wait_indirect_dma semaphore(%arg26 : memref<!tpu.dma_semaphore, #tpu.memory_space<semaphore_mem>>) src(%arg13 : memref<40x128xf32, #tpu.memory_space<vmem>>) dst(%dma_wait3A_211 : memref<10000x128xf32, #tpu.memory_space<vmem_shared>>)
    %dma_wait3A_212 = arith.constant 9840 : i32
    %dma_wait3A_213 = tpu.memref_slice %arg7[%dma_wait3A_212] : memref<10000xi32, #tpu.memory_space<vmem>> -> memref<40xi32, #tpu.memory_space<vmem>>
    %dma_wait3A_214 = arith.constant 0 : i32
    %dma_wait3A_215 = arith.constant 0 : i32
    %dma_wait3A_216 = tpu.memref_slice %arg14[%dma_wait3A_214, %dma_wait3A_215] : memref<10000x128xf32, #tpu.memory_space<vmem_shared>> -> memref<10000x128xf32, #tpu.memory_space<vmem_shared>>
    tpu.wait_indirect_dma semaphore(%arg21 : memref<!tpu.dma_semaphore, #tpu.memory_space<semaphore_mem>>) src(%arg8 : memref<40x128xf32, #tpu.memory_space<vmem>>) dst(%dma_wait3A_216 : memref<10000x128xf32, #tpu.memory_space<vmem_shared>>)
    %dma_wait3A_217 = arith.constant 9880 : i32
    %dma_wait3A_218 = tpu.memref_slice %arg7[%dma_wait3A_217] : memref<10000xi32, #tpu.memory_space<vmem>> -> memref<40xi32, #tpu.memory_space<vmem>>
    %dma_wait3A_219 = arith.constant 0 : i32
    %dma_wait3A_220 = arith.constant 0 : i32
    %dma_wait3A_221 = tpu.memref_slice %arg14[%dma_wait3A_219, %dma_wait3A_220] : memref<10000x128xf32, #tpu.memory_space<vmem_shared>> -> memref<10000x128xf32, #tpu.memory_space<vmem_shared>>
    tpu.wait_indirect_dma semaphore(%arg22 : memref<!tpu.dma_semaphore, #tpu.memory_space<semaphore_mem>>) src(%arg9 : memref<40x128xf32, #tpu.memory_space<vmem>>) dst(%dma_wait3A_221 : memref<10000x128xf32, #tpu.memory_space<vmem_shared>>)
    %dma_wait3A_222 = arith.constant 9920 : i32
    %dma_wait3A_223 = tpu.memref_slice %arg7[%dma_wait3A_222] : memref<10000xi32, #tpu.memory_space<vmem>> -> memref<40xi32, #tpu.memory_space<vmem>>
    %dma_wait3A_224 = arith.constant 0 : i32
    %dma_wait3A_225 = arith.constant 0 : i32
    %dma_wait3A_226 = tpu.memref_slice %arg14[%dma_wait3A_224, %dma_wait3A_225] : memref<10000x128xf32, #tpu.memory_space<vmem_shared>> -> memref<10000x128xf32, #tpu.memory_space<vmem_shared>>
    tpu.wait_indirect_dma semaphore(%arg23 : memref<!tpu.dma_semaphore, #tpu.memory_space<semaphore_mem>>) src(%arg10 : memref<40x128xf32, #tpu.memory_space<vmem>>) dst(%dma_wait3A_226 : memref<10000x128xf32, #tpu.memory_space<vmem_shared>>)
    %dma_wait3A_227 = arith.constant 9960 : i32
    %dma_wait3A_228 = tpu.memref_slice %arg7[%dma_wait3A_227] : memref<10000xi32, #tpu.memory_space<vmem>> -> memref<40xi32, #tpu.memory_space<vmem>>
    %dma_wait3A_229 = arith.constant 0 : i32
    %dma_wait3A_230 = arith.constant 0 : i32
    %dma_wait3A_231 = tpu.memref_slice %arg14[%dma_wait3A_229, %dma_wait3A_230] : memref<10000x128xf32, #tpu.memory_space<vmem_shared>> -> memref<10000x128xf32, #tpu.memory_space<vmem_shared>>
    tpu.wait_indirect_dma semaphore(%arg24 : memref<!tpu.dma_semaphore, #tpu.memory_space<semaphore_mem>>) src(%arg11 : memref<40x128xf32, #tpu.memory_space<vmem>>) dst(%dma_wait3A_231 : memref<10000x128xf32, #tpu.memory_space<vmem_shared>>)
    %barrier3A_232 = arith.constant 0 : index
    tpu.barrier barrier_id(%barrier3A_232)
    %mul3A_233 = arith.constant 624 : i32
    %mul3A_234 = arith.muli %arg1, %mul3A_233 : i32
    %mul3A_235 = arith.constant 624 : i32
    %mul3A_236 = arith.muli %arg1, %mul3A_235 : i32
    "tpu.region"() ({
      %run_scoped3A_242 = tpu.sem_alloc : memref<!tpu.dma_semaphore, #tpu.memory_space<semaphore_mem>>
      %dma_start3A_243 = arith.constant 0 : i32
      %dma_start3A_244 = tpu.memref_slice %arg5[%arg0, %mul3A_236, %dma_start3A_243] : memref<2x10000x128xf32, #tpu.memory_space<hbm>> -> memref<1x624x128xf32, #tpu.memory_space<hbm>>
      %dma_start3A_245 = tpu.memref_squeeze %dma_start3A_244 : memref<1x624x128xf32, #tpu.memory_space<hbm>> -> memref<624x128xf32, #tpu.memory_space<hbm>>
      %dma_start3A_246 = arith.constant 0 : i32
      %dma_start3A_247 = tpu.memref_slice %arg14[%mul3A_234, %dma_start3A_246] : memref<10000x128xf32, #tpu.memory_space<vmem_shared>> -> memref<624x128xf32, #tpu.memory_space<vmem_shared>>
      tpu.enqueue_dma source(%dma_start3A_247 : memref<624x128xf32, #tpu.memory_space<vmem_shared>>) target(%dma_start3A_245 : memref<624x128xf32, #tpu.memory_space<hbm>>) target_semaphore(%run_scoped3A_242 : memref<!tpu.dma_semaphore, #tpu.memory_space<semaphore_mem>>)
      %dma_wait3A_248 = arith.constant 0 : i32
      %dma_wait3A_249 = tpu.memref_slice %arg5[%arg0, %mul3A_236, %dma_wait3A_248] : memref<2x10000x128xf32, #tpu.memory_space<hbm>> -> memref<1x624x128xf32, #tpu.memory_space<hbm>>
      %dma_wait3A_250 = tpu.memref_squeeze %dma_wait3A_249 : memref<1x624x128xf32, #tpu.memory_space<hbm>> -> memref<624x128xf32, #tpu.memory_space<hbm>>
      %dma_wait3A_251 = arith.constant 0 : i32
      %dma_wait3A_252 = tpu.memref_slice %arg14[%mul3A_234, %dma_wait3A_251] : memref<10000x128xf32, #tpu.memory_space<vmem_shared>> -> memref<624x128xf32, #tpu.memory_space<vmem_shared>>
      tpu.wait_dma2 semaphore(%run_scoped3A_242 : memref<!tpu.dma_semaphore, #tpu.memory_space<semaphore_mem>>) src(%dma_wait3A_252 : memref<624x128xf32, #tpu.memory_space<vmem_shared>>) dst(%dma_wait3A_250 : memref<624x128xf32, #tpu.memory_space<hbm>>)
      tpu.yield
    }) : () -> ()
    %eq3A_237 = arith.constant 15 : i32
    %eq3A_238 = arith.cmpi eq, %arg1, %eq3A_237 : i32
    %convert_element_type3A_239 = arith.extui %eq3A_238 : i1 to i32
    %cond3A_240 = arith.constant 0 : i32
    %cond3A_241 = arith.cmpi ne, %convert_element_type3A_239, %cond3A_240 : i32
    scf.if %cond3A_241 {
      "tpu.region"() ({
        %run_scoped3A_242 = tpu.sem_alloc : memref<!tpu.dma_semaphore, #tpu.memory_space<semaphore_mem>>
        %dma_start3A_243 = arith.constant 9984 : i32
        %dma_start3A_244 = arith.constant 0 : i32
        %dma_start3A_245 = tpu.memref_slice %arg5[%arg0, %dma_start3A_243, %dma_start3A_244] : memref<2x10000x128xf32, #tpu.memory_space<hbm>> -> memref<1x16x128xf32, #tpu.memory_space<hbm>>
        %dma_start3A_246 = tpu.memref_squeeze %dma_start3A_245 : memref<1x16x128xf32, #tpu.memory_space<hbm>> -> memref<16x128xf32, #tpu.memory_space<hbm>>
        %dma_start3A_247 = arith.constant 9984 : i32
        %dma_start3A_248 = arith.constant 0 : i32
        %dma_start3A_249 = tpu.memref_slice %arg14[%dma_start3A_247, %dma_start3A_248] : memref<10000x128xf32, #tpu.memory_space<vmem_shared>> -> memref<16x128xf32, #tpu.memory_space<vmem_shared>>
        tpu.enqueue_dma source(%dma_start3A_249 : memref<16x128xf32, #tpu.memory_space<vmem_shared>>) target(%dma_start3A_246 : memref<16x128xf32, #tpu.memory_space<hbm>>) target_semaphore(%run_scoped3A_242 : memref<!tpu.dma_semaphore, #tpu.memory_space<semaphore_mem>>)
        %dma_wait3A_250 = arith.constant 9984 : i32
        %dma_wait3A_251 = arith.constant 0 : i32
        %dma_wait3A_252 = tpu.memref_slice %arg5[%arg0, %dma_wait3A_250, %dma_wait3A_251] : memref<2x10000x128xf32, #tpu.memory_space<hbm>> -> memref<1x16x128xf32, #tpu.memory_space<hbm>>
        %dma_wait3A_253 = tpu.memref_squeeze %dma_wait3A_252 : memref<1x16x128xf32, #tpu.memory_space<hbm>> -> memref<16x128xf32, #tpu.memory_space<hbm>>
        %dma_wait3A_254 = arith.constant 9984 : i32
        %dma_wait3A_255 = arith.constant 0 : i32
        %dma_wait3A_256 = tpu.memref_slice %arg14[%dma_wait3A_254, %dma_wait3A_255] : memref<10000x128xf32, #tpu.memory_space<vmem_shared>> -> memref<16x128xf32, #tpu.memory_space<vmem_shared>>
        tpu.wait_dma2 semaphore(%run_scoped3A_242 : memref<!tpu.dma_semaphore, #tpu.memory_space<semaphore_mem>>) src(%dma_wait3A_256 : memref<16x128xf32, #tpu.memory_space<vmem_shared>>) dst(%dma_wait3A_253 : memref<16x128xf32, #tpu.memory_space<hbm>>)
        tpu.yield
      }) : () -> ()
    } else {
    }
    return
  }
}

#map = affine_map<(d0, d1) -> (0, 0)>
#map1 = affine_map<(d0, d1) -> (0, 0, 0)>
module attributes {stable_mosaic.version = 14 : i64} {
  func.func @body(%arg0: i32, %arg1: i32, %arg2: memref<10000x16xf32, #tpu.memory_space<hbm>>, %arg3: memref<2x320000xi32, #tpu.memory_space<hbm>>, %arg4: memref<10000x16xf32, #tpu.memory_space<hbm>>, %arg5: memref<2x10000x16xf32, #tpu.memory_space<hbm>>, %arg6: memref<10000xi32, #tpu.memory_space<vmem>>, %arg7: memref<10000xi32, #tpu.memory_space<vmem>>, %arg8: memref<1000x16xf32, #tpu.memory_space<vmem>>, %arg9: memref<1000x16xf32, #tpu.memory_space<vmem>>, %arg10: memref<1000x16xf32, #tpu.memory_space<vmem>>, %arg11: memref<1000x16xf32, #tpu.memory_space<vmem>>, %arg12: memref<1000x16xf32, #tpu.memory_space<vmem>>, %arg13: memref<1000x16xf32, #tpu.memory_space<vmem>>, %arg14: memref<10000x16xf32, #tpu.memory_space<vmem_shared>>, %arg15: memref<!tpu.dma_semaphore, #tpu.memory_space<semaphore_mem>>, %arg16: memref<!tpu.dma_semaphore, #tpu.memory_space<semaphore_mem>>, %arg17: memref<!tpu.dma_semaphore, #tpu.memory_space<semaphore_mem>>, %arg18: memref<!tpu.dma_semaphore, #tpu.memory_space<semaphore_mem>>, %arg19: memref<!tpu.dma_semaphore, #tpu.memory_space<semaphore_mem>>, %arg20: memref<!tpu.dma_semaphore, #tpu.memory_space<semaphore_mem>>, %arg21: memref<!tpu.dma_semaphore, #tpu.memory_space<semaphore_mem>>, %arg22: memref<!tpu.dma_semaphore, #tpu.memory_space<semaphore_mem>>, %arg23: memref<!tpu.dma_semaphore, #tpu.memory_space<semaphore_mem>>, %arg24: memref<!tpu.dma_semaphore, #tpu.memory_space<semaphore_mem>>, %arg25: memref<!tpu.dma_semaphore, #tpu.memory_space<semaphore_mem>>, %arg26: memref<!tpu.dma_semaphore, #tpu.memory_space<semaphore_mem>>, %arg27: memref<!tpu.dma_semaphore, #tpu.memory_space<semaphore_mem>>) attributes {dimension_semantics = [#tpu.dimension_semantics<core_parallel>, #tpu.dimension_semantics<subcore_parallel>], iteration_bounds = array<i64: 2, 16>, scalar_prefetch = 0 : i64, scratch_operands = 22 : i64, tpu.core_type = #tpu.core_type<sc_vector_subcore>, window_params = [{transform_indices = #map}, {transform_indices = #map}, {transform_indices = #map}, {transform_indices = #map1}]} {
    %mul3A = arith.constant 2 : i32
    %mul3A_0 = arith.muli %arg1, %mul3A : i32
    %add3A = arith.addi %mul3A_0, %arg0 : i32
    %mul3A_1 = arith.constant 624 : i32
    %mul3A_2 = arith.muli %arg1, %mul3A_1 : i32
    %mul3A_3 = arith.constant 624 : i32
    %mul3A_4 = arith.muli %arg1, %mul3A_3 : i32
    %dma_start3A = arith.constant 0 : i32
    %dma_start3A_5 = tpu.memref_slice %arg14[%mul3A_4, %dma_start3A] : memref<10000x16xf32, #tpu.memory_space<vmem_shared>> -> memref<624x16xf32, #tpu.memory_space<vmem_shared>>
    %dma_start3A_6 = arith.constant 0 : i32
    %dma_start3A_7 = tpu.memref_slice %arg4[%mul3A_2, %dma_start3A_6] : memref<10000x16xf32, #tpu.memory_space<hbm>> -> memref<624x16xf32, #tpu.memory_space<hbm>>
    tpu.enqueue_dma source(%dma_start3A_7 : memref<624x16xf32, #tpu.memory_space<hbm>>) target(%dma_start3A_5 : memref<624x16xf32, #tpu.memory_space<vmem_shared>>) target_semaphore(%arg27 : memref<!tpu.dma_semaphore, #tpu.memory_space<semaphore_mem>>)
    %eq3A = arith.constant 15 : i32
    %eq3A_8 = arith.cmpi eq, %arg1, %eq3A : i32
    %convert_element_type3A = arith.extui %eq3A_8 : i1 to i32
    %cond3A = arith.constant 0 : i32
    %cond3A_9 = arith.cmpi ne, %convert_element_type3A, %cond3A : i32
    scf.if %cond3A_9 {
      %dma_start3A_237 = arith.constant 9984 : i32
      %dma_start3A_238 = arith.constant 0 : i32
      %dma_start3A_239 = tpu.memref_slice %arg14[%dma_start3A_237, %dma_start3A_238] : memref<10000x16xf32, #tpu.memory_space<vmem_shared>> -> memref<16x16xf32, #tpu.memory_space<vmem_shared>>
      %dma_start3A_240 = arith.constant 9984 : i32
      %dma_start3A_241 = arith.constant 0 : i32
      %dma_start3A_242 = tpu.memref_slice %arg4[%dma_start3A_240, %dma_start3A_241] : memref<10000x16xf32, #tpu.memory_space<hbm>> -> memref<16x16xf32, #tpu.memory_space<hbm>>
      tpu.enqueue_dma source(%dma_start3A_242 : memref<16x16xf32, #tpu.memory_space<hbm>>) target(%dma_start3A_239 : memref<16x16xf32, #tpu.memory_space<vmem_shared>>) target_semaphore(%arg27 : memref<!tpu.dma_semaphore, #tpu.memory_space<semaphore_mem>>)
    } else {
    }
    %mul3A_10 = arith.constant 10000 : i32
    %mul3A_11 = arith.muli %add3A, %mul3A_10 : i32
    %run_scoped3A = arith.constant 0 : i32
    "tpu.region"() ({
      %run_scoped3A_237 = tpu.sem_alloc : memref<!tpu.dma_semaphore, #tpu.memory_space<semaphore_mem>>
      %dma_start3A_238 = tpu.memref_slice %arg3[%run_scoped3A, %mul3A_11] : memref<2x320000xi32, #tpu.memory_space<hbm>> -> memref<1x10000xi32, #tpu.memory_space<hbm>>
      %dma_start3A_239 = tpu.memref_squeeze %dma_start3A_238 : memref<1x10000xi32, #tpu.memory_space<hbm>> -> memref<10000xi32, #tpu.memory_space<hbm>>
      %dma_start3A_240 = tpu.memref_slice %arg3[%run_scoped3A, %mul3A_11] : memref<2x320000xi32, #tpu.memory_space<hbm>> -> memref<1x10000xi32, #tpu.memory_space<hbm>>
      %dma_start3A_241 = tpu.memref_squeeze %dma_start3A_240 : memref<1x10000xi32, #tpu.memory_space<hbm>> -> memref<10000xi32, #tpu.memory_space<hbm>>
      tpu.enqueue_dma source(%dma_start3A_241 : memref<10000xi32, #tpu.memory_space<hbm>>) target(%arg6 : memref<10000xi32, #tpu.memory_space<vmem>>) target_semaphore(%run_scoped3A_237 : memref<!tpu.dma_semaphore, #tpu.memory_space<semaphore_mem>>)
      %dma_wait3A_242 = tpu.memref_slice %arg3[%run_scoped3A, %mul3A_11] : memref<2x320000xi32, #tpu.memory_space<hbm>> -> memref<1x10000xi32, #tpu.memory_space<hbm>>
      %dma_wait3A_243 = tpu.memref_squeeze %dma_wait3A_242 : memref<1x10000xi32, #tpu.memory_space<hbm>> -> memref<10000xi32, #tpu.memory_space<hbm>>
      %dma_wait3A_244 = tpu.memref_slice %arg3[%run_scoped3A, %mul3A_11] : memref<2x320000xi32, #tpu.memory_space<hbm>> -> memref<1x10000xi32, #tpu.memory_space<hbm>>
      %dma_wait3A_245 = tpu.memref_squeeze %dma_wait3A_244 : memref<1x10000xi32, #tpu.memory_space<hbm>> -> memref<10000xi32, #tpu.memory_space<hbm>>
      tpu.wait_dma2 semaphore(%run_scoped3A_237 : memref<!tpu.dma_semaphore, #tpu.memory_space<semaphore_mem>>) src(%dma_wait3A_245 : memref<10000xi32, #tpu.memory_space<hbm>>) dst(%arg6 : memref<10000xi32, #tpu.memory_space<vmem>>)
      tpu.yield
    }) : () -> ()
    %mul3A_12 = arith.constant 10000 : i32
    %mul3A_13 = arith.muli %add3A, %mul3A_12 : i32
    %run_scoped3A_14 = arith.constant 1 : i32
    "tpu.region"() ({
      %run_scoped3A_237 = tpu.sem_alloc : memref<!tpu.dma_semaphore, #tpu.memory_space<semaphore_mem>>
      %dma_start3A_238 = tpu.memref_slice %arg3[%run_scoped3A_14, %mul3A_13] : memref<2x320000xi32, #tpu.memory_space<hbm>> -> memref<1x10000xi32, #tpu.memory_space<hbm>>
      %dma_start3A_239 = tpu.memref_squeeze %dma_start3A_238 : memref<1x10000xi32, #tpu.memory_space<hbm>> -> memref<10000xi32, #tpu.memory_space<hbm>>
      %dma_start3A_240 = tpu.memref_slice %arg3[%run_scoped3A_14, %mul3A_13] : memref<2x320000xi32, #tpu.memory_space<hbm>> -> memref<1x10000xi32, #tpu.memory_space<hbm>>
      %dma_start3A_241 = tpu.memref_squeeze %dma_start3A_240 : memref<1x10000xi32, #tpu.memory_space<hbm>> -> memref<10000xi32, #tpu.memory_space<hbm>>
      tpu.enqueue_dma source(%dma_start3A_241 : memref<10000xi32, #tpu.memory_space<hbm>>) target(%arg7 : memref<10000xi32, #tpu.memory_space<vmem>>) target_semaphore(%run_scoped3A_237 : memref<!tpu.dma_semaphore, #tpu.memory_space<semaphore_mem>>)
      %dma_wait3A_242 = tpu.memref_slice %arg3[%run_scoped3A_14, %mul3A_13] : memref<2x320000xi32, #tpu.memory_space<hbm>> -> memref<1x10000xi32, #tpu.memory_space<hbm>>
      %dma_wait3A_243 = tpu.memref_squeeze %dma_wait3A_242 : memref<1x10000xi32, #tpu.memory_space<hbm>> -> memref<10000xi32, #tpu.memory_space<hbm>>
      %dma_wait3A_244 = tpu.memref_slice %arg3[%run_scoped3A_14, %mul3A_13] : memref<2x320000xi32, #tpu.memory_space<hbm>> -> memref<1x10000xi32, #tpu.memory_space<hbm>>
      %dma_wait3A_245 = tpu.memref_squeeze %dma_wait3A_244 : memref<1x10000xi32, #tpu.memory_space<hbm>> -> memref<10000xi32, #tpu.memory_space<hbm>>
      tpu.wait_dma2 semaphore(%run_scoped3A_237 : memref<!tpu.dma_semaphore, #tpu.memory_space<semaphore_mem>>) src(%dma_wait3A_245 : memref<10000xi32, #tpu.memory_space<hbm>>) dst(%arg7 : memref<10000xi32, #tpu.memory_space<vmem>>)
      tpu.yield
    }) : () -> ()
    %dma_start3A_15 = arith.constant 0 : i32
    %dma_start3A_16 = tpu.memref_slice %arg6[%dma_start3A_15] : memref<10000xi32, #tpu.memory_space<vmem>> -> memref<1000xi32, #tpu.memory_space<vmem>>
    %dma_start3A_17 = arith.constant 0 : i32
    %dma_start3A_18 = arith.constant 0 : i32
    %dma_start3A_19 = tpu.memref_slice %arg2[%dma_start3A_17, %dma_start3A_18] : memref<10000x16xf32, #tpu.memory_space<hbm>> -> memref<10000x16xf32, #tpu.memory_space<hbm>>
    tpu.enqueue_indirect_dma source(%dma_start3A_19 : memref<10000x16xf32, #tpu.memory_space<hbm>>) target(%arg8 : memref<1000x16xf32, #tpu.memory_space<vmem>>) offsets(%dma_start3A_16 : memref<1000xi32, #tpu.memory_space<vmem>>) semaphore(%arg15 : memref<!tpu.dma_semaphore, #tpu.memory_space<semaphore_mem>>)
    %dma_start3A_20 = arith.constant 1000 : i32
    %dma_start3A_21 = tpu.memref_slice %arg6[%dma_start3A_20] : memref<10000xi32, #tpu.memory_space<vmem>> -> memref<1000xi32, #tpu.memory_space<vmem>>
    %dma_start3A_22 = arith.constant 0 : i32
    %dma_start3A_23 = arith.constant 0 : i32
    %dma_start3A_24 = tpu.memref_slice %arg2[%dma_start3A_22, %dma_start3A_23] : memref<10000x16xf32, #tpu.memory_space<hbm>> -> memref<10000x16xf32, #tpu.memory_space<hbm>>
    tpu.enqueue_indirect_dma source(%dma_start3A_24 : memref<10000x16xf32, #tpu.memory_space<hbm>>) target(%arg9 : memref<1000x16xf32, #tpu.memory_space<vmem>>) offsets(%dma_start3A_21 : memref<1000xi32, #tpu.memory_space<vmem>>) semaphore(%arg16 : memref<!tpu.dma_semaphore, #tpu.memory_space<semaphore_mem>>)
    %dma_start3A_25 = arith.constant 2000 : i32
    %dma_start3A_26 = tpu.memref_slice %arg6[%dma_start3A_25] : memref<10000xi32, #tpu.memory_space<vmem>> -> memref<1000xi32, #tpu.memory_space<vmem>>
    %dma_start3A_27 = arith.constant 0 : i32
    %dma_start3A_28 = arith.constant 0 : i32
    %dma_start3A_29 = tpu.memref_slice %arg2[%dma_start3A_27, %dma_start3A_28] : memref<10000x16xf32, #tpu.memory_space<hbm>> -> memref<10000x16xf32, #tpu.memory_space<hbm>>
    tpu.enqueue_indirect_dma source(%dma_start3A_29 : memref<10000x16xf32, #tpu.memory_space<hbm>>) target(%arg10 : memref<1000x16xf32, #tpu.memory_space<vmem>>) offsets(%dma_start3A_26 : memref<1000xi32, #tpu.memory_space<vmem>>) semaphore(%arg17 : memref<!tpu.dma_semaphore, #tpu.memory_space<semaphore_mem>>)
    %mul3A_30 = arith.constant 624 : i32
    %mul3A_31 = arith.muli %arg1, %mul3A_30 : i32
    %mul3A_32 = arith.constant 624 : i32
    %mul3A_33 = arith.muli %arg1, %mul3A_32 : i32
    %dma_wait3A = arith.constant 0 : i32
    %dma_wait3A_34 = tpu.memref_slice %arg14[%mul3A_33, %dma_wait3A] : memref<10000x16xf32, #tpu.memory_space<vmem_shared>> -> memref<624x16xf32, #tpu.memory_space<vmem_shared>>
    %dma_wait3A_35 = arith.constant 0 : i32
    %dma_wait3A_36 = tpu.memref_slice %arg4[%mul3A_31, %dma_wait3A_35] : memref<10000x16xf32, #tpu.memory_space<hbm>> -> memref<624x16xf32, #tpu.memory_space<hbm>>
    tpu.wait_dma2 semaphore(%arg27 : memref<!tpu.dma_semaphore, #tpu.memory_space<semaphore_mem>>) src(%dma_wait3A_36 : memref<624x16xf32, #tpu.memory_space<hbm>>) dst(%dma_wait3A_34 : memref<624x16xf32, #tpu.memory_space<vmem_shared>>)
    %eq3A_37 = arith.constant 15 : i32
    %eq3A_38 = arith.cmpi eq, %arg1, %eq3A_37 : i32
    %convert_element_type3A_39 = arith.extui %eq3A_38 : i1 to i32
    %cond3A_40 = arith.constant 0 : i32
    %cond3A_41 = arith.cmpi ne, %convert_element_type3A_39, %cond3A_40 : i32
    scf.if %cond3A_41 {
      %dma_wait3A_237 = arith.constant 9984 : i32
      %dma_wait3A_238 = arith.constant 0 : i32
      %dma_wait3A_239 = tpu.memref_slice %arg14[%dma_wait3A_237, %dma_wait3A_238] : memref<10000x16xf32, #tpu.memory_space<vmem_shared>> -> memref<16x16xf32, #tpu.memory_space<vmem_shared>>
      %dma_wait3A_240 = arith.constant 9984 : i32
      %dma_wait3A_241 = arith.constant 0 : i32
      %dma_wait3A_242 = tpu.memref_slice %arg4[%dma_wait3A_240, %dma_wait3A_241] : memref<10000x16xf32, #tpu.memory_space<hbm>> -> memref<16x16xf32, #tpu.memory_space<hbm>>
      tpu.wait_dma2 semaphore(%arg27 : memref<!tpu.dma_semaphore, #tpu.memory_space<semaphore_mem>>) src(%dma_wait3A_242 : memref<16x16xf32, #tpu.memory_space<hbm>>) dst(%dma_wait3A_239 : memref<16x16xf32, #tpu.memory_space<vmem_shared>>)
    } else {
    }
    %barrier3A = arith.constant 0 : index
    tpu.barrier barrier_id(%barrier3A)
    %dma_start3A_42 = arith.constant 3000 : i32
    %dma_start3A_43 = tpu.memref_slice %arg6[%dma_start3A_42] : memref<10000xi32, #tpu.memory_space<vmem>> -> memref<1000xi32, #tpu.memory_space<vmem>>
    %dma_start3A_44 = arith.constant 0 : i32
    %dma_start3A_45 = arith.constant 0 : i32
    %dma_start3A_46 = tpu.memref_slice %arg2[%dma_start3A_44, %dma_start3A_45] : memref<10000x16xf32, #tpu.memory_space<hbm>> -> memref<10000x16xf32, #tpu.memory_space<hbm>>
    tpu.enqueue_indirect_dma source(%dma_start3A_46 : memref<10000x16xf32, #tpu.memory_space<hbm>>) target(%arg11 : memref<1000x16xf32, #tpu.memory_space<vmem>>) offsets(%dma_start3A_43 : memref<1000xi32, #tpu.memory_space<vmem>>) semaphore(%arg18 : memref<!tpu.dma_semaphore, #tpu.memory_space<semaphore_mem>>)
    %dma_wait3A_47 = arith.constant 0 : i32
    %dma_wait3A_48 = tpu.memref_slice %arg6[%dma_wait3A_47] : memref<10000xi32, #tpu.memory_space<vmem>> -> memref<1000xi32, #tpu.memory_space<vmem>>
    %dma_wait3A_49 = arith.constant 0 : i32
    %dma_wait3A_50 = arith.constant 0 : i32
    %dma_wait3A_51 = tpu.memref_slice %arg2[%dma_wait3A_49, %dma_wait3A_50] : memref<10000x16xf32, #tpu.memory_space<hbm>> -> memref<10000x16xf32, #tpu.memory_space<hbm>>
    tpu.wait_indirect_dma semaphore(%arg15 : memref<!tpu.dma_semaphore, #tpu.memory_space<semaphore_mem>>) src(%dma_wait3A_51 : memref<10000x16xf32, #tpu.memory_space<hbm>>) dst(%arg8 : memref<1000x16xf32, #tpu.memory_space<vmem>>)
    %dma_start3A_52 = arith.constant 0 : i32
    %dma_start3A_53 = tpu.memref_slice %arg7[%dma_start3A_52] : memref<10000xi32, #tpu.memory_space<vmem>> -> memref<1000xi32, #tpu.memory_space<vmem>>
    %dma_start3A_54 = arith.constant 0 : i32
    %dma_start3A_55 = arith.constant 0 : i32
    %dma_start3A_56 = tpu.memref_slice %arg14[%dma_start3A_54, %dma_start3A_55] : memref<10000x16xf32, #tpu.memory_space<vmem_shared>> -> memref<10000x16xf32, #tpu.memory_space<vmem_shared>>
    tpu.enqueue_indirect_dma source(%arg8 : memref<1000x16xf32, #tpu.memory_space<vmem>>) target(%dma_start3A_56 : memref<10000x16xf32, #tpu.memory_space<vmem_shared>>) offsets(%dma_start3A_53 : memref<1000xi32, #tpu.memory_space<vmem>>) semaphore(%arg21 : memref<!tpu.dma_semaphore, #tpu.memory_space<semaphore_mem>>) {add = true}
    %dma_start3A_57 = arith.constant 4000 : i32
    %dma_start3A_58 = tpu.memref_slice %arg6[%dma_start3A_57] : memref<10000xi32, #tpu.memory_space<vmem>> -> memref<1000xi32, #tpu.memory_space<vmem>>
    %dma_start3A_59 = arith.constant 0 : i32
    %dma_start3A_60 = arith.constant 0 : i32
    %dma_start3A_61 = tpu.memref_slice %arg2[%dma_start3A_59, %dma_start3A_60] : memref<10000x16xf32, #tpu.memory_space<hbm>> -> memref<10000x16xf32, #tpu.memory_space<hbm>>
    tpu.enqueue_indirect_dma source(%dma_start3A_61 : memref<10000x16xf32, #tpu.memory_space<hbm>>) target(%arg12 : memref<1000x16xf32, #tpu.memory_space<vmem>>) offsets(%dma_start3A_58 : memref<1000xi32, #tpu.memory_space<vmem>>) semaphore(%arg19 : memref<!tpu.dma_semaphore, #tpu.memory_space<semaphore_mem>>)
    %dma_wait3A_62 = arith.constant 1000 : i32
    %dma_wait3A_63 = tpu.memref_slice %arg6[%dma_wait3A_62] : memref<10000xi32, #tpu.memory_space<vmem>> -> memref<1000xi32, #tpu.memory_space<vmem>>
    %dma_wait3A_64 = arith.constant 0 : i32
    %dma_wait3A_65 = arith.constant 0 : i32
    %dma_wait3A_66 = tpu.memref_slice %arg2[%dma_wait3A_64, %dma_wait3A_65] : memref<10000x16xf32, #tpu.memory_space<hbm>> -> memref<10000x16xf32, #tpu.memory_space<hbm>>
    tpu.wait_indirect_dma semaphore(%arg16 : memref<!tpu.dma_semaphore, #tpu.memory_space<semaphore_mem>>) src(%dma_wait3A_66 : memref<10000x16xf32, #tpu.memory_space<hbm>>) dst(%arg9 : memref<1000x16xf32, #tpu.memory_space<vmem>>)
    %dma_start3A_67 = arith.constant 1000 : i32
    %dma_start3A_68 = tpu.memref_slice %arg7[%dma_start3A_67] : memref<10000xi32, #tpu.memory_space<vmem>> -> memref<1000xi32, #tpu.memory_space<vmem>>
    %dma_start3A_69 = arith.constant 0 : i32
    %dma_start3A_70 = arith.constant 0 : i32
    %dma_start3A_71 = tpu.memref_slice %arg14[%dma_start3A_69, %dma_start3A_70] : memref<10000x16xf32, #tpu.memory_space<vmem_shared>> -> memref<10000x16xf32, #tpu.memory_space<vmem_shared>>
    tpu.enqueue_indirect_dma source(%arg9 : memref<1000x16xf32, #tpu.memory_space<vmem>>) target(%dma_start3A_71 : memref<10000x16xf32, #tpu.memory_space<vmem_shared>>) offsets(%dma_start3A_68 : memref<1000xi32, #tpu.memory_space<vmem>>) semaphore(%arg22 : memref<!tpu.dma_semaphore, #tpu.memory_space<semaphore_mem>>) {add = true}
    %dma_start3A_72 = arith.constant 5000 : i32
    %dma_start3A_73 = tpu.memref_slice %arg6[%dma_start3A_72] : memref<10000xi32, #tpu.memory_space<vmem>> -> memref<1000xi32, #tpu.memory_space<vmem>>
    %dma_start3A_74 = arith.constant 0 : i32
    %dma_start3A_75 = arith.constant 0 : i32
    %dma_start3A_76 = tpu.memref_slice %arg2[%dma_start3A_74, %dma_start3A_75] : memref<10000x16xf32, #tpu.memory_space<hbm>> -> memref<10000x16xf32, #tpu.memory_space<hbm>>
    tpu.enqueue_indirect_dma source(%dma_start3A_76 : memref<10000x16xf32, #tpu.memory_space<hbm>>) target(%arg13 : memref<1000x16xf32, #tpu.memory_space<vmem>>) offsets(%dma_start3A_73 : memref<1000xi32, #tpu.memory_space<vmem>>) semaphore(%arg20 : memref<!tpu.dma_semaphore, #tpu.memory_space<semaphore_mem>>)
    %dma_wait3A_77 = arith.constant 2000 : i32
    %dma_wait3A_78 = tpu.memref_slice %arg6[%dma_wait3A_77] : memref<10000xi32, #tpu.memory_space<vmem>> -> memref<1000xi32, #tpu.memory_space<vmem>>
    %dma_wait3A_79 = arith.constant 0 : i32
    %dma_wait3A_80 = arith.constant 0 : i32
    %dma_wait3A_81 = tpu.memref_slice %arg2[%dma_wait3A_79, %dma_wait3A_80] : memref<10000x16xf32, #tpu.memory_space<hbm>> -> memref<10000x16xf32, #tpu.memory_space<hbm>>
    tpu.wait_indirect_dma semaphore(%arg17 : memref<!tpu.dma_semaphore, #tpu.memory_space<semaphore_mem>>) src(%dma_wait3A_81 : memref<10000x16xf32, #tpu.memory_space<hbm>>) dst(%arg10 : memref<1000x16xf32, #tpu.memory_space<vmem>>)
    %dma_start3A_82 = arith.constant 2000 : i32
    %dma_start3A_83 = tpu.memref_slice %arg7[%dma_start3A_82] : memref<10000xi32, #tpu.memory_space<vmem>> -> memref<1000xi32, #tpu.memory_space<vmem>>
    %dma_start3A_84 = arith.constant 0 : i32
    %dma_start3A_85 = arith.constant 0 : i32
    %dma_start3A_86 = tpu.memref_slice %arg14[%dma_start3A_84, %dma_start3A_85] : memref<10000x16xf32, #tpu.memory_space<vmem_shared>> -> memref<10000x16xf32, #tpu.memory_space<vmem_shared>>
    tpu.enqueue_indirect_dma source(%arg10 : memref<1000x16xf32, #tpu.memory_space<vmem>>) target(%dma_start3A_86 : memref<10000x16xf32, #tpu.memory_space<vmem_shared>>) offsets(%dma_start3A_83 : memref<1000xi32, #tpu.memory_space<vmem>>) semaphore(%arg23 : memref<!tpu.dma_semaphore, #tpu.memory_space<semaphore_mem>>) {add = true}
    %dma_wait3A_87 = arith.constant 3000 : i32
    %dma_wait3A_88 = tpu.memref_slice %arg7[%dma_wait3A_87] : memref<10000xi32, #tpu.memory_space<vmem>> -> memref<1000xi32, #tpu.memory_space<vmem>>
    %dma_wait3A_89 = arith.constant 0 : i32
    %dma_wait3A_90 = arith.constant 0 : i32
    %dma_wait3A_91 = tpu.memref_slice %arg14[%dma_wait3A_89, %dma_wait3A_90] : memref<10000x16xf32, #tpu.memory_space<vmem_shared>> -> memref<10000x16xf32, #tpu.memory_space<vmem_shared>>
    tpu.wait_indirect_dma semaphore(%arg21 : memref<!tpu.dma_semaphore, #tpu.memory_space<semaphore_mem>>) src(%arg8 : memref<1000x16xf32, #tpu.memory_space<vmem>>) dst(%dma_wait3A_91 : memref<10000x16xf32, #tpu.memory_space<vmem_shared>>)
    %dma_start3A_92 = arith.constant 6000 : i32
    %dma_start3A_93 = tpu.memref_slice %arg6[%dma_start3A_92] : memref<10000xi32, #tpu.memory_space<vmem>> -> memref<1000xi32, #tpu.memory_space<vmem>>
    %dma_start3A_94 = arith.constant 0 : i32
    %dma_start3A_95 = arith.constant 0 : i32
    %dma_start3A_96 = tpu.memref_slice %arg2[%dma_start3A_94, %dma_start3A_95] : memref<10000x16xf32, #tpu.memory_space<hbm>> -> memref<10000x16xf32, #tpu.memory_space<hbm>>
    tpu.enqueue_indirect_dma source(%dma_start3A_96 : memref<10000x16xf32, #tpu.memory_space<hbm>>) target(%arg8 : memref<1000x16xf32, #tpu.memory_space<vmem>>) offsets(%dma_start3A_93 : memref<1000xi32, #tpu.memory_space<vmem>>) semaphore(%arg15 : memref<!tpu.dma_semaphore, #tpu.memory_space<semaphore_mem>>)
    %dma_wait3A_97 = arith.constant 3000 : i32
    %dma_wait3A_98 = tpu.memref_slice %arg6[%dma_wait3A_97] : memref<10000xi32, #tpu.memory_space<vmem>> -> memref<1000xi32, #tpu.memory_space<vmem>>
    %dma_wait3A_99 = arith.constant 0 : i32
    %dma_wait3A_100 = arith.constant 0 : i32
    %dma_wait3A_101 = tpu.memref_slice %arg2[%dma_wait3A_99, %dma_wait3A_100] : memref<10000x16xf32, #tpu.memory_space<hbm>> -> memref<10000x16xf32, #tpu.memory_space<hbm>>
    tpu.wait_indirect_dma semaphore(%arg18 : memref<!tpu.dma_semaphore, #tpu.memory_space<semaphore_mem>>) src(%dma_wait3A_101 : memref<10000x16xf32, #tpu.memory_space<hbm>>) dst(%arg11 : memref<1000x16xf32, #tpu.memory_space<vmem>>)
    %dma_start3A_102 = arith.constant 3000 : i32
    %dma_start3A_103 = tpu.memref_slice %arg7[%dma_start3A_102] : memref<10000xi32, #tpu.memory_space<vmem>> -> memref<1000xi32, #tpu.memory_space<vmem>>
    %dma_start3A_104 = arith.constant 0 : i32
    %dma_start3A_105 = arith.constant 0 : i32
    %dma_start3A_106 = tpu.memref_slice %arg14[%dma_start3A_104, %dma_start3A_105] : memref<10000x16xf32, #tpu.memory_space<vmem_shared>> -> memref<10000x16xf32, #tpu.memory_space<vmem_shared>>
    tpu.enqueue_indirect_dma source(%arg11 : memref<1000x16xf32, #tpu.memory_space<vmem>>) target(%dma_start3A_106 : memref<10000x16xf32, #tpu.memory_space<vmem_shared>>) offsets(%dma_start3A_103 : memref<1000xi32, #tpu.memory_space<vmem>>) semaphore(%arg24 : memref<!tpu.dma_semaphore, #tpu.memory_space<semaphore_mem>>) {add = true}
    %dma_wait3A_107 = arith.constant 4000 : i32
    %dma_wait3A_108 = tpu.memref_slice %arg7[%dma_wait3A_107] : memref<10000xi32, #tpu.memory_space<vmem>> -> memref<1000xi32, #tpu.memory_space<vmem>>
    %dma_wait3A_109 = arith.constant 0 : i32
    %dma_wait3A_110 = arith.constant 0 : i32
    %dma_wait3A_111 = tpu.memref_slice %arg14[%dma_wait3A_109, %dma_wait3A_110] : memref<10000x16xf32, #tpu.memory_space<vmem_shared>> -> memref<10000x16xf32, #tpu.memory_space<vmem_shared>>
    tpu.wait_indirect_dma semaphore(%arg22 : memref<!tpu.dma_semaphore, #tpu.memory_space<semaphore_mem>>) src(%arg9 : memref<1000x16xf32, #tpu.memory_space<vmem>>) dst(%dma_wait3A_111 : memref<10000x16xf32, #tpu.memory_space<vmem_shared>>)
    %dma_start3A_112 = arith.constant 7000 : i32
    %dma_start3A_113 = tpu.memref_slice %arg6[%dma_start3A_112] : memref<10000xi32, #tpu.memory_space<vmem>> -> memref<1000xi32, #tpu.memory_space<vmem>>
    %dma_start3A_114 = arith.constant 0 : i32
    %dma_start3A_115 = arith.constant 0 : i32
    %dma_start3A_116 = tpu.memref_slice %arg2[%dma_start3A_114, %dma_start3A_115] : memref<10000x16xf32, #tpu.memory_space<hbm>> -> memref<10000x16xf32, #tpu.memory_space<hbm>>
    tpu.enqueue_indirect_dma source(%dma_start3A_116 : memref<10000x16xf32, #tpu.memory_space<hbm>>) target(%arg9 : memref<1000x16xf32, #tpu.memory_space<vmem>>) offsets(%dma_start3A_113 : memref<1000xi32, #tpu.memory_space<vmem>>) semaphore(%arg16 : memref<!tpu.dma_semaphore, #tpu.memory_space<semaphore_mem>>)
    %dma_wait3A_117 = arith.constant 4000 : i32
    %dma_wait3A_118 = tpu.memref_slice %arg6[%dma_wait3A_117] : memref<10000xi32, #tpu.memory_space<vmem>> -> memref<1000xi32, #tpu.memory_space<vmem>>
    %dma_wait3A_119 = arith.constant 0 : i32
    %dma_wait3A_120 = arith.constant 0 : i32
    %dma_wait3A_121 = tpu.memref_slice %arg2[%dma_wait3A_119, %dma_wait3A_120] : memref<10000x16xf32, #tpu.memory_space<hbm>> -> memref<10000x16xf32, #tpu.memory_space<hbm>>
    tpu.wait_indirect_dma semaphore(%arg19 : memref<!tpu.dma_semaphore, #tpu.memory_space<semaphore_mem>>) src(%dma_wait3A_121 : memref<10000x16xf32, #tpu.memory_space<hbm>>) dst(%arg12 : memref<1000x16xf32, #tpu.memory_space<vmem>>)
    %dma_start3A_122 = arith.constant 4000 : i32
    %dma_start3A_123 = tpu.memref_slice %arg7[%dma_start3A_122] : memref<10000xi32, #tpu.memory_space<vmem>> -> memref<1000xi32, #tpu.memory_space<vmem>>
    %dma_start3A_124 = arith.constant 0 : i32
    %dma_start3A_125 = arith.constant 0 : i32
    %dma_start3A_126 = tpu.memref_slice %arg14[%dma_start3A_124, %dma_start3A_125] : memref<10000x16xf32, #tpu.memory_space<vmem_shared>> -> memref<10000x16xf32, #tpu.memory_space<vmem_shared>>
    tpu.enqueue_indirect_dma source(%arg12 : memref<1000x16xf32, #tpu.memory_space<vmem>>) target(%dma_start3A_126 : memref<10000x16xf32, #tpu.memory_space<vmem_shared>>) offsets(%dma_start3A_123 : memref<1000xi32, #tpu.memory_space<vmem>>) semaphore(%arg25 : memref<!tpu.dma_semaphore, #tpu.memory_space<semaphore_mem>>) {add = true}
    %dma_wait3A_127 = arith.constant 5000 : i32
    %dma_wait3A_128 = tpu.memref_slice %arg7[%dma_wait3A_127] : memref<10000xi32, #tpu.memory_space<vmem>> -> memref<1000xi32, #tpu.memory_space<vmem>>
    %dma_wait3A_129 = arith.constant 0 : i32
    %dma_wait3A_130 = arith.constant 0 : i32
    %dma_wait3A_131 = tpu.memref_slice %arg14[%dma_wait3A_129, %dma_wait3A_130] : memref<10000x16xf32, #tpu.memory_space<vmem_shared>> -> memref<10000x16xf32, #tpu.memory_space<vmem_shared>>
    tpu.wait_indirect_dma semaphore(%arg23 : memref<!tpu.dma_semaphore, #tpu.memory_space<semaphore_mem>>) src(%arg10 : memref<1000x16xf32, #tpu.memory_space<vmem>>) dst(%dma_wait3A_131 : memref<10000x16xf32, #tpu.memory_space<vmem_shared>>)
    %dma_start3A_132 = arith.constant 8000 : i32
    %dma_start3A_133 = tpu.memref_slice %arg6[%dma_start3A_132] : memref<10000xi32, #tpu.memory_space<vmem>> -> memref<1000xi32, #tpu.memory_space<vmem>>
    %dma_start3A_134 = arith.constant 0 : i32
    %dma_start3A_135 = arith.constant 0 : i32
    %dma_start3A_136 = tpu.memref_slice %arg2[%dma_start3A_134, %dma_start3A_135] : memref<10000x16xf32, #tpu.memory_space<hbm>> -> memref<10000x16xf32, #tpu.memory_space<hbm>>
    tpu.enqueue_indirect_dma source(%dma_start3A_136 : memref<10000x16xf32, #tpu.memory_space<hbm>>) target(%arg10 : memref<1000x16xf32, #tpu.memory_space<vmem>>) offsets(%dma_start3A_133 : memref<1000xi32, #tpu.memory_space<vmem>>) semaphore(%arg17 : memref<!tpu.dma_semaphore, #tpu.memory_space<semaphore_mem>>)
    %dma_wait3A_137 = arith.constant 5000 : i32
    %dma_wait3A_138 = tpu.memref_slice %arg6[%dma_wait3A_137] : memref<10000xi32, #tpu.memory_space<vmem>> -> memref<1000xi32, #tpu.memory_space<vmem>>
    %dma_wait3A_139 = arith.constant 0 : i32
    %dma_wait3A_140 = arith.constant 0 : i32
    %dma_wait3A_141 = tpu.memref_slice %arg2[%dma_wait3A_139, %dma_wait3A_140] : memref<10000x16xf32, #tpu.memory_space<hbm>> -> memref<10000x16xf32, #tpu.memory_space<hbm>>
    tpu.wait_indirect_dma semaphore(%arg20 : memref<!tpu.dma_semaphore, #tpu.memory_space<semaphore_mem>>) src(%dma_wait3A_141 : memref<10000x16xf32, #tpu.memory_space<hbm>>) dst(%arg13 : memref<1000x16xf32, #tpu.memory_space<vmem>>)
    %dma_start3A_142 = arith.constant 5000 : i32
    %dma_start3A_143 = tpu.memref_slice %arg7[%dma_start3A_142] : memref<10000xi32, #tpu.memory_space<vmem>> -> memref<1000xi32, #tpu.memory_space<vmem>>
    %dma_start3A_144 = arith.constant 0 : i32
    %dma_start3A_145 = arith.constant 0 : i32
    %dma_start3A_146 = tpu.memref_slice %arg14[%dma_start3A_144, %dma_start3A_145] : memref<10000x16xf32, #tpu.memory_space<vmem_shared>> -> memref<10000x16xf32, #tpu.memory_space<vmem_shared>>
    tpu.enqueue_indirect_dma source(%arg13 : memref<1000x16xf32, #tpu.memory_space<vmem>>) target(%dma_start3A_146 : memref<10000x16xf32, #tpu.memory_space<vmem_shared>>) offsets(%dma_start3A_143 : memref<1000xi32, #tpu.memory_space<vmem>>) semaphore(%arg26 : memref<!tpu.dma_semaphore, #tpu.memory_space<semaphore_mem>>) {add = true}
    %dma_wait3A_147 = arith.constant 6000 : i32
    %dma_wait3A_148 = tpu.memref_slice %arg7[%dma_wait3A_147] : memref<10000xi32, #tpu.memory_space<vmem>> -> memref<1000xi32, #tpu.memory_space<vmem>>
    %dma_wait3A_149 = arith.constant 0 : i32
    %dma_wait3A_150 = arith.constant 0 : i32
    %dma_wait3A_151 = tpu.memref_slice %arg14[%dma_wait3A_149, %dma_wait3A_150] : memref<10000x16xf32, #tpu.memory_space<vmem_shared>> -> memref<10000x16xf32, #tpu.memory_space<vmem_shared>>
    tpu.wait_indirect_dma semaphore(%arg24 : memref<!tpu.dma_semaphore, #tpu.memory_space<semaphore_mem>>) src(%arg11 : memref<1000x16xf32, #tpu.memory_space<vmem>>) dst(%dma_wait3A_151 : memref<10000x16xf32, #tpu.memory_space<vmem_shared>>)
    %dma_start3A_152 = arith.constant 9000 : i32
    %dma_start3A_153 = tpu.memref_slice %arg6[%dma_start3A_152] : memref<10000xi32, #tpu.memory_space<vmem>> -> memref<1000xi32, #tpu.memory_space<vmem>>
    %dma_start3A_154 = arith.constant 0 : i32
    %dma_start3A_155 = arith.constant 0 : i32
    %dma_start3A_156 = tpu.memref_slice %arg2[%dma_start3A_154, %dma_start3A_155] : memref<10000x16xf32, #tpu.memory_space<hbm>> -> memref<10000x16xf32, #tpu.memory_space<hbm>>
    tpu.enqueue_indirect_dma source(%dma_start3A_156 : memref<10000x16xf32, #tpu.memory_space<hbm>>) target(%arg11 : memref<1000x16xf32, #tpu.memory_space<vmem>>) offsets(%dma_start3A_153 : memref<1000xi32, #tpu.memory_space<vmem>>) semaphore(%arg18 : memref<!tpu.dma_semaphore, #tpu.memory_space<semaphore_mem>>)
    %dma_wait3A_157 = arith.constant 6000 : i32
    %dma_wait3A_158 = tpu.memref_slice %arg6[%dma_wait3A_157] : memref<10000xi32, #tpu.memory_space<vmem>> -> memref<1000xi32, #tpu.memory_space<vmem>>
    %dma_wait3A_159 = arith.constant 0 : i32
    %dma_wait3A_160 = arith.constant 0 : i32
    %dma_wait3A_161 = tpu.memref_slice %arg2[%dma_wait3A_159, %dma_wait3A_160] : memref<10000x16xf32, #tpu.memory_space<hbm>> -> memref<10000x16xf32, #tpu.memory_space<hbm>>
    tpu.wait_indirect_dma semaphore(%arg15 : memref<!tpu.dma_semaphore, #tpu.memory_space<semaphore_mem>>) src(%dma_wait3A_161 : memref<10000x16xf32, #tpu.memory_space<hbm>>) dst(%arg8 : memref<1000x16xf32, #tpu.memory_space<vmem>>)
    %dma_start3A_162 = arith.constant 6000 : i32
    %dma_start3A_163 = tpu.memref_slice %arg7[%dma_start3A_162] : memref<10000xi32, #tpu.memory_space<vmem>> -> memref<1000xi32, #tpu.memory_space<vmem>>
    %dma_start3A_164 = arith.constant 0 : i32
    %dma_start3A_165 = arith.constant 0 : i32
    %dma_start3A_166 = tpu.memref_slice %arg14[%dma_start3A_164, %dma_start3A_165] : memref<10000x16xf32, #tpu.memory_space<vmem_shared>> -> memref<10000x16xf32, #tpu.memory_space<vmem_shared>>
    tpu.enqueue_indirect_dma source(%arg8 : memref<1000x16xf32, #tpu.memory_space<vmem>>) target(%dma_start3A_166 : memref<10000x16xf32, #tpu.memory_space<vmem_shared>>) offsets(%dma_start3A_163 : memref<1000xi32, #tpu.memory_space<vmem>>) semaphore(%arg21 : memref<!tpu.dma_semaphore, #tpu.memory_space<semaphore_mem>>) {add = true}
    %dma_wait3A_167 = arith.constant 7000 : i32
    %dma_wait3A_168 = tpu.memref_slice %arg6[%dma_wait3A_167] : memref<10000xi32, #tpu.memory_space<vmem>> -> memref<1000xi32, #tpu.memory_space<vmem>>
    %dma_wait3A_169 = arith.constant 0 : i32
    %dma_wait3A_170 = arith.constant 0 : i32
    %dma_wait3A_171 = tpu.memref_slice %arg2[%dma_wait3A_169, %dma_wait3A_170] : memref<10000x16xf32, #tpu.memory_space<hbm>> -> memref<10000x16xf32, #tpu.memory_space<hbm>>
    tpu.wait_indirect_dma semaphore(%arg16 : memref<!tpu.dma_semaphore, #tpu.memory_space<semaphore_mem>>) src(%dma_wait3A_171 : memref<10000x16xf32, #tpu.memory_space<hbm>>) dst(%arg9 : memref<1000x16xf32, #tpu.memory_space<vmem>>)
    %dma_start3A_172 = arith.constant 7000 : i32
    %dma_start3A_173 = tpu.memref_slice %arg7[%dma_start3A_172] : memref<10000xi32, #tpu.memory_space<vmem>> -> memref<1000xi32, #tpu.memory_space<vmem>>
    %dma_start3A_174 = arith.constant 0 : i32
    %dma_start3A_175 = arith.constant 0 : i32
    %dma_start3A_176 = tpu.memref_slice %arg14[%dma_start3A_174, %dma_start3A_175] : memref<10000x16xf32, #tpu.memory_space<vmem_shared>> -> memref<10000x16xf32, #tpu.memory_space<vmem_shared>>
    tpu.enqueue_indirect_dma source(%arg9 : memref<1000x16xf32, #tpu.memory_space<vmem>>) target(%dma_start3A_176 : memref<10000x16xf32, #tpu.memory_space<vmem_shared>>) offsets(%dma_start3A_173 : memref<1000xi32, #tpu.memory_space<vmem>>) semaphore(%arg22 : memref<!tpu.dma_semaphore, #tpu.memory_space<semaphore_mem>>) {add = true}
    %dma_wait3A_177 = arith.constant 8000 : i32
    %dma_wait3A_178 = tpu.memref_slice %arg6[%dma_wait3A_177] : memref<10000xi32, #tpu.memory_space<vmem>> -> memref<1000xi32, #tpu.memory_space<vmem>>
    %dma_wait3A_179 = arith.constant 0 : i32
    %dma_wait3A_180 = arith.constant 0 : i32
    %dma_wait3A_181 = tpu.memref_slice %arg2[%dma_wait3A_179, %dma_wait3A_180] : memref<10000x16xf32, #tpu.memory_space<hbm>> -> memref<10000x16xf32, #tpu.memory_space<hbm>>
    tpu.wait_indirect_dma semaphore(%arg17 : memref<!tpu.dma_semaphore, #tpu.memory_space<semaphore_mem>>) src(%dma_wait3A_181 : memref<10000x16xf32, #tpu.memory_space<hbm>>) dst(%arg10 : memref<1000x16xf32, #tpu.memory_space<vmem>>)
    %dma_start3A_182 = arith.constant 8000 : i32
    %dma_start3A_183 = tpu.memref_slice %arg7[%dma_start3A_182] : memref<10000xi32, #tpu.memory_space<vmem>> -> memref<1000xi32, #tpu.memory_space<vmem>>
    %dma_start3A_184 = arith.constant 0 : i32
    %dma_start3A_185 = arith.constant 0 : i32
    %dma_start3A_186 = tpu.memref_slice %arg14[%dma_start3A_184, %dma_start3A_185] : memref<10000x16xf32, #tpu.memory_space<vmem_shared>> -> memref<10000x16xf32, #tpu.memory_space<vmem_shared>>
    tpu.enqueue_indirect_dma source(%arg10 : memref<1000x16xf32, #tpu.memory_space<vmem>>) target(%dma_start3A_186 : memref<10000x16xf32, #tpu.memory_space<vmem_shared>>) offsets(%dma_start3A_183 : memref<1000xi32, #tpu.memory_space<vmem>>) semaphore(%arg23 : memref<!tpu.dma_semaphore, #tpu.memory_space<semaphore_mem>>) {add = true}
    %dma_wait3A_187 = arith.constant 9000 : i32
    %dma_wait3A_188 = tpu.memref_slice %arg6[%dma_wait3A_187] : memref<10000xi32, #tpu.memory_space<vmem>> -> memref<1000xi32, #tpu.memory_space<vmem>>
    %dma_wait3A_189 = arith.constant 0 : i32
    %dma_wait3A_190 = arith.constant 0 : i32
    %dma_wait3A_191 = tpu.memref_slice %arg2[%dma_wait3A_189, %dma_wait3A_190] : memref<10000x16xf32, #tpu.memory_space<hbm>> -> memref<10000x16xf32, #tpu.memory_space<hbm>>
    tpu.wait_indirect_dma semaphore(%arg18 : memref<!tpu.dma_semaphore, #tpu.memory_space<semaphore_mem>>) src(%dma_wait3A_191 : memref<10000x16xf32, #tpu.memory_space<hbm>>) dst(%arg11 : memref<1000x16xf32, #tpu.memory_space<vmem>>)
    %dma_start3A_192 = arith.constant 9000 : i32
    %dma_start3A_193 = tpu.memref_slice %arg7[%dma_start3A_192] : memref<10000xi32, #tpu.memory_space<vmem>> -> memref<1000xi32, #tpu.memory_space<vmem>>
    %dma_start3A_194 = arith.constant 0 : i32
    %dma_start3A_195 = arith.constant 0 : i32
    %dma_start3A_196 = tpu.memref_slice %arg14[%dma_start3A_194, %dma_start3A_195] : memref<10000x16xf32, #tpu.memory_space<vmem_shared>> -> memref<10000x16xf32, #tpu.memory_space<vmem_shared>>
    tpu.enqueue_indirect_dma source(%arg11 : memref<1000x16xf32, #tpu.memory_space<vmem>>) target(%dma_start3A_196 : memref<10000x16xf32, #tpu.memory_space<vmem_shared>>) offsets(%dma_start3A_193 : memref<1000xi32, #tpu.memory_space<vmem>>) semaphore(%arg24 : memref<!tpu.dma_semaphore, #tpu.memory_space<semaphore_mem>>) {add = true}
    %dma_wait3A_197 = arith.constant 4000 : i32
    %dma_wait3A_198 = tpu.memref_slice %arg7[%dma_wait3A_197] : memref<10000xi32, #tpu.memory_space<vmem>> -> memref<1000xi32, #tpu.memory_space<vmem>>
    %dma_wait3A_199 = arith.constant 0 : i32
    %dma_wait3A_200 = arith.constant 0 : i32
    %dma_wait3A_201 = tpu.memref_slice %arg14[%dma_wait3A_199, %dma_wait3A_200] : memref<10000x16xf32, #tpu.memory_space<vmem_shared>> -> memref<10000x16xf32, #tpu.memory_space<vmem_shared>>
    tpu.wait_indirect_dma semaphore(%arg25 : memref<!tpu.dma_semaphore, #tpu.memory_space<semaphore_mem>>) src(%arg12 : memref<1000x16xf32, #tpu.memory_space<vmem>>) dst(%dma_wait3A_201 : memref<10000x16xf32, #tpu.memory_space<vmem_shared>>)
    %dma_wait3A_202 = arith.constant 5000 : i32
    %dma_wait3A_203 = tpu.memref_slice %arg7[%dma_wait3A_202] : memref<10000xi32, #tpu.memory_space<vmem>> -> memref<1000xi32, #tpu.memory_space<vmem>>
    %dma_wait3A_204 = arith.constant 0 : i32
    %dma_wait3A_205 = arith.constant 0 : i32
    %dma_wait3A_206 = tpu.memref_slice %arg14[%dma_wait3A_204, %dma_wait3A_205] : memref<10000x16xf32, #tpu.memory_space<vmem_shared>> -> memref<10000x16xf32, #tpu.memory_space<vmem_shared>>
    tpu.wait_indirect_dma semaphore(%arg26 : memref<!tpu.dma_semaphore, #tpu.memory_space<semaphore_mem>>) src(%arg13 : memref<1000x16xf32, #tpu.memory_space<vmem>>) dst(%dma_wait3A_206 : memref<10000x16xf32, #tpu.memory_space<vmem_shared>>)
    %dma_wait3A_207 = arith.constant 6000 : i32
    %dma_wait3A_208 = tpu.memref_slice %arg7[%dma_wait3A_207] : memref<10000xi32, #tpu.memory_space<vmem>> -> memref<1000xi32, #tpu.memory_space<vmem>>
    %dma_wait3A_209 = arith.constant 0 : i32
    %dma_wait3A_210 = arith.constant 0 : i32
    %dma_wait3A_211 = tpu.memref_slice %arg14[%dma_wait3A_209, %dma_wait3A_210] : memref<10000x16xf32, #tpu.memory_space<vmem_shared>> -> memref<10000x16xf32, #tpu.memory_space<vmem_shared>>
    tpu.wait_indirect_dma semaphore(%arg21 : memref<!tpu.dma_semaphore, #tpu.memory_space<semaphore_mem>>) src(%arg8 : memref<1000x16xf32, #tpu.memory_space<vmem>>) dst(%dma_wait3A_211 : memref<10000x16xf32, #tpu.memory_space<vmem_shared>>)
    %dma_wait3A_212 = arith.constant 7000 : i32
    %dma_wait3A_213 = tpu.memref_slice %arg7[%dma_wait3A_212] : memref<10000xi32, #tpu.memory_space<vmem>> -> memref<1000xi32, #tpu.memory_space<vmem>>
    %dma_wait3A_214 = arith.constant 0 : i32
    %dma_wait3A_215 = arith.constant 0 : i32
    %dma_wait3A_216 = tpu.memref_slice %arg14[%dma_wait3A_214, %dma_wait3A_215] : memref<10000x16xf32, #tpu.memory_space<vmem_shared>> -> memref<10000x16xf32, #tpu.memory_space<vmem_shared>>
    tpu.wait_indirect_dma semaphore(%arg22 : memref<!tpu.dma_semaphore, #tpu.memory_space<semaphore_mem>>) src(%arg9 : memref<1000x16xf32, #tpu.memory_space<vmem>>) dst(%dma_wait3A_216 : memref<10000x16xf32, #tpu.memory_space<vmem_shared>>)
    %dma_wait3A_217 = arith.constant 8000 : i32
    %dma_wait3A_218 = tpu.memref_slice %arg7[%dma_wait3A_217] : memref<10000xi32, #tpu.memory_space<vmem>> -> memref<1000xi32, #tpu.memory_space<vmem>>
    %dma_wait3A_219 = arith.constant 0 : i32
    %dma_wait3A_220 = arith.constant 0 : i32
    %dma_wait3A_221 = tpu.memref_slice %arg14[%dma_wait3A_219, %dma_wait3A_220] : memref<10000x16xf32, #tpu.memory_space<vmem_shared>> -> memref<10000x16xf32, #tpu.memory_space<vmem_shared>>
    tpu.wait_indirect_dma semaphore(%arg23 : memref<!tpu.dma_semaphore, #tpu.memory_space<semaphore_mem>>) src(%arg10 : memref<1000x16xf32, #tpu.memory_space<vmem>>) dst(%dma_wait3A_221 : memref<10000x16xf32, #tpu.memory_space<vmem_shared>>)
    %dma_wait3A_222 = arith.constant 9000 : i32
    %dma_wait3A_223 = tpu.memref_slice %arg7[%dma_wait3A_222] : memref<10000xi32, #tpu.memory_space<vmem>> -> memref<1000xi32, #tpu.memory_space<vmem>>
    %dma_wait3A_224 = arith.constant 0 : i32
    %dma_wait3A_225 = arith.constant 0 : i32
    %dma_wait3A_226 = tpu.memref_slice %arg14[%dma_wait3A_224, %dma_wait3A_225] : memref<10000x16xf32, #tpu.memory_space<vmem_shared>> -> memref<10000x16xf32, #tpu.memory_space<vmem_shared>>
    tpu.wait_indirect_dma semaphore(%arg24 : memref<!tpu.dma_semaphore, #tpu.memory_space<semaphore_mem>>) src(%arg11 : memref<1000x16xf32, #tpu.memory_space<vmem>>) dst(%dma_wait3A_226 : memref<10000x16xf32, #tpu.memory_space<vmem_shared>>)
    %barrier3A_227 = arith.constant 0 : index
    tpu.barrier barrier_id(%barrier3A_227)
    %mul3A_228 = arith.constant 624 : i32
    %mul3A_229 = arith.muli %arg1, %mul3A_228 : i32
    %mul3A_230 = arith.constant 624 : i32
    %mul3A_231 = arith.muli %arg1, %mul3A_230 : i32
    "tpu.region"() ({
      %run_scoped3A_237 = tpu.sem_alloc : memref<!tpu.dma_semaphore, #tpu.memory_space<semaphore_mem>>
      %dma_start3A_238 = arith.constant 0 : i32
      %dma_start3A_239 = tpu.memref_slice %arg5[%arg0, %mul3A_231, %dma_start3A_238] : memref<2x10000x16xf32, #tpu.memory_space<hbm>> -> memref<1x624x16xf32, #tpu.memory_space<hbm>>
      %dma_start3A_240 = tpu.memref_squeeze %dma_start3A_239 : memref<1x624x16xf32, #tpu.memory_space<hbm>> -> memref<624x16xf32, #tpu.memory_space<hbm>>
      %dma_start3A_241 = arith.constant 0 : i32
      %dma_start3A_242 = tpu.memref_slice %arg14[%mul3A_229, %dma_start3A_241] : memref<10000x16xf32, #tpu.memory_space<vmem_shared>> -> memref<624x16xf32, #tpu.memory_space<vmem_shared>>
      tpu.enqueue_dma source(%dma_start3A_242 : memref<624x16xf32, #tpu.memory_space<vmem_shared>>) target(%dma_start3A_240 : memref<624x16xf32, #tpu.memory_space<hbm>>) target_semaphore(%run_scoped3A_237 : memref<!tpu.dma_semaphore, #tpu.memory_space<semaphore_mem>>)
      %dma_wait3A_243 = arith.constant 0 : i32
      %dma_wait3A_244 = tpu.memref_slice %arg5[%arg0, %mul3A_231, %dma_wait3A_243] : memref<2x10000x16xf32, #tpu.memory_space<hbm>> -> memref<1x624x16xf32, #tpu.memory_space<hbm>>
      %dma_wait3A_245 = tpu.memref_squeeze %dma_wait3A_244 : memref<1x624x16xf32, #tpu.memory_space<hbm>> -> memref<624x16xf32, #tpu.memory_space<hbm>>
      %dma_wait3A_246 = arith.constant 0 : i32
      %dma_wait3A_247 = tpu.memref_slice %arg14[%mul3A_229, %dma_wait3A_246] : memref<10000x16xf32, #tpu.memory_space<vmem_shared>> -> memref<624x16xf32, #tpu.memory_space<vmem_shared>>
      tpu.wait_dma2 semaphore(%run_scoped3A_237 : memref<!tpu.dma_semaphore, #tpu.memory_space<semaphore_mem>>) src(%dma_wait3A_247 : memref<624x16xf32, #tpu.memory_space<vmem_shared>>) dst(%dma_wait3A_245 : memref<624x16xf32, #tpu.memory_space<hbm>>)
      tpu.yield
    }) : () -> ()
    %eq3A_232 = arith.constant 15 : i32
    %eq3A_233 = arith.cmpi eq, %arg1, %eq3A_232 : i32
    %convert_element_type3A_234 = arith.extui %eq3A_233 : i1 to i32
    %cond3A_235 = arith.constant 0 : i32
    %cond3A_236 = arith.cmpi ne, %convert_element_type3A_234, %cond3A_235 : i32
    scf.if %cond3A_236 {
      "tpu.region"() ({
        %run_scoped3A_237 = tpu.sem_alloc : memref<!tpu.dma_semaphore, #tpu.memory_space<semaphore_mem>>
        %dma_start3A_238 = arith.constant 9984 : i32
        %dma_start3A_239 = arith.constant 0 : i32
        %dma_start3A_240 = tpu.memref_slice %arg5[%arg0, %dma_start3A_238, %dma_start3A_239] : memref<2x10000x16xf32, #tpu.memory_space<hbm>> -> memref<1x16x16xf32, #tpu.memory_space<hbm>>
        %dma_start3A_241 = tpu.memref_squeeze %dma_start3A_240 : memref<1x16x16xf32, #tpu.memory_space<hbm>> -> memref<16x16xf32, #tpu.memory_space<hbm>>
        %dma_start3A_242 = arith.constant 9984 : i32
        %dma_start3A_243 = arith.constant 0 : i32
        %dma_start3A_244 = tpu.memref_slice %arg14[%dma_start3A_242, %dma_start3A_243] : memref<10000x16xf32, #tpu.memory_space<vmem_shared>> -> memref<16x16xf32, #tpu.memory_space<vmem_shared>>
        tpu.enqueue_dma source(%dma_start3A_244 : memref<16x16xf32, #tpu.memory_space<vmem_shared>>) target(%dma_start3A_241 : memref<16x16xf32, #tpu.memory_space<hbm>>) target_semaphore(%run_scoped3A_237 : memref<!tpu.dma_semaphore, #tpu.memory_space<semaphore_mem>>)
        %dma_wait3A_245 = arith.constant 9984 : i32
        %dma_wait3A_246 = arith.constant 0 : i32
        %dma_wait3A_247 = tpu.memref_slice %arg5[%arg0, %dma_wait3A_245, %dma_wait3A_246] : memref<2x10000x16xf32, #tpu.memory_space<hbm>> -> memref<1x16x16xf32, #tpu.memory_space<hbm>>
        %dma_wait3A_248 = tpu.memref_squeeze %dma_wait3A_247 : memref<1x16x16xf32, #tpu.memory_space<hbm>> -> memref<16x16xf32, #tpu.memory_space<hbm>>
        %dma_wait3A_249 = arith.constant 9984 : i32
        %dma_wait3A_250 = arith.constant 0 : i32
        %dma_wait3A_251 = tpu.memref_slice %arg14[%dma_wait3A_249, %dma_wait3A_250] : memref<10000x16xf32, #tpu.memory_space<vmem_shared>> -> memref<16x16xf32, #tpu.memory_space<vmem_shared>>
        tpu.wait_dma2 semaphore(%run_scoped3A_237 : memref<!tpu.dma_semaphore, #tpu.memory_space<semaphore_mem>>) src(%dma_wait3A_251 : memref<16x16xf32, #tpu.memory_space<vmem_shared>>) dst(%dma_wait3A_248 : memref<16x16xf32, #tpu.memory_space<hbm>>)
        tpu.yield
      }) : () -> ()
    } else {
    }
    return
  }
}

#map = affine_map<(d0, d1) -> (0, 0)>
#map1 = affine_map<(d0, d1) -> (0, 0, 0)>
module attributes {stable_mosaic.version = 14 : i64} {
  func.func @_deg_body(%arg0: i32, %arg1: i32, %arg2: memref<2x320000xi32, #tpu.memory_space<hbm>>, %arg3: memref<1000x16xf32, #tpu.memory_space<hbm>>, %arg4: memref<10000x16xf32, #tpu.memory_space<hbm>>, %arg5: memref<2x10000x16xf32, #tpu.memory_space<hbm>>, %arg6: memref<10000xi32, #tpu.memory_space<vmem>>, %arg7: memref<1000x16xf32, #tpu.memory_space<vmem>>, %arg8: memref<10000x16xf32, #tpu.memory_space<vmem_shared>>, %arg9: memref<!tpu.dma_semaphore, #tpu.memory_space<semaphore_mem>>, %arg10: memref<!tpu.dma_semaphore, #tpu.memory_space<semaphore_mem>>, %arg11: memref<!tpu.dma_semaphore, #tpu.memory_space<semaphore_mem>>, %arg12: memref<!tpu.dma_semaphore, #tpu.memory_space<semaphore_mem>>) attributes {dimension_semantics = [#tpu.dimension_semantics<core_parallel>, #tpu.dimension_semantics<subcore_parallel>], iteration_bounds = array<i64: 2, 16>, scalar_prefetch = 0 : i64, scratch_operands = 7 : i64, tpu.core_type = #tpu.core_type<sc_vector_subcore>, window_params = [{transform_indices = #map}, {transform_indices = #map}, {transform_indices = #map}, {transform_indices = #map1}]} {
    %mul3A = arith.constant 2 : i32
    %mul3A_0 = arith.muli %arg1, %mul3A : i32
    %add3A = arith.addi %mul3A_0, %arg0 : i32
    %mul3A_1 = arith.constant 624 : i32
    %mul3A_2 = arith.muli %arg1, %mul3A_1 : i32
    %mul3A_3 = arith.constant 624 : i32
    %mul3A_4 = arith.muli %arg1, %mul3A_3 : i32
    %dma_start3A = arith.constant 0 : i32
    %dma_start3A_5 = tpu.memref_slice %arg8[%mul3A_4, %dma_start3A] : memref<10000x16xf32, #tpu.memory_space<vmem_shared>> -> memref<624x16xf32, #tpu.memory_space<vmem_shared>>
    %dma_start3A_6 = arith.constant 0 : i32
    %dma_start3A_7 = tpu.memref_slice %arg4[%mul3A_2, %dma_start3A_6] : memref<10000x16xf32, #tpu.memory_space<hbm>> -> memref<624x16xf32, #tpu.memory_space<hbm>>
    tpu.enqueue_dma source(%dma_start3A_7 : memref<624x16xf32, #tpu.memory_space<hbm>>) target(%dma_start3A_5 : memref<624x16xf32, #tpu.memory_space<vmem_shared>>) target_semaphore(%arg12 : memref<!tpu.dma_semaphore, #tpu.memory_space<semaphore_mem>>)
    %eq3A = arith.constant 15 : i32
    %eq3A_8 = arith.cmpi eq, %arg1, %eq3A : i32
    %convert_element_type3A = arith.extui %eq3A_8 : i1 to i32
    %cond3A = arith.constant 0 : i32
    %cond3A_9 = arith.cmpi ne, %convert_element_type3A, %cond3A : i32
    scf.if %cond3A_9 {
      %dma_start3A_134 = arith.constant 9984 : i32
      %dma_start3A_135 = arith.constant 0 : i32
      %dma_start3A_136 = tpu.memref_slice %arg8[%dma_start3A_134, %dma_start3A_135] : memref<10000x16xf32, #tpu.memory_space<vmem_shared>> -> memref<16x16xf32, #tpu.memory_space<vmem_shared>>
      %dma_start3A_137 = arith.constant 9984 : i32
      %dma_start3A_138 = arith.constant 0 : i32
      %dma_start3A_139 = tpu.memref_slice %arg4[%dma_start3A_137, %dma_start3A_138] : memref<10000x16xf32, #tpu.memory_space<hbm>> -> memref<16x16xf32, #tpu.memory_space<hbm>>
      tpu.enqueue_dma source(%dma_start3A_139 : memref<16x16xf32, #tpu.memory_space<hbm>>) target(%dma_start3A_136 : memref<16x16xf32, #tpu.memory_space<vmem_shared>>) target_semaphore(%arg12 : memref<!tpu.dma_semaphore, #tpu.memory_space<semaphore_mem>>)
    } else {
    }
    %mul3A_10 = arith.constant 10000 : i32
    %mul3A_11 = arith.muli %add3A, %mul3A_10 : i32
    %run_scoped3A = arith.constant 1 : i32
    "tpu.region"() ({
      %run_scoped3A_134 = tpu.sem_alloc : memref<!tpu.dma_semaphore, #tpu.memory_space<semaphore_mem>>
      %dma_start3A_135 = tpu.memref_slice %arg2[%run_scoped3A, %mul3A_11] : memref<2x320000xi32, #tpu.memory_space<hbm>> -> memref<1x10000xi32, #tpu.memory_space<hbm>>
      %dma_start3A_136 = tpu.memref_squeeze %dma_start3A_135 : memref<1x10000xi32, #tpu.memory_space<hbm>> -> memref<10000xi32, #tpu.memory_space<hbm>>
      %dma_start3A_137 = tpu.memref_slice %arg2[%run_scoped3A, %mul3A_11] : memref<2x320000xi32, #tpu.memory_space<hbm>> -> memref<1x10000xi32, #tpu.memory_space<hbm>>
      %dma_start3A_138 = tpu.memref_squeeze %dma_start3A_137 : memref<1x10000xi32, #tpu.memory_space<hbm>> -> memref<10000xi32, #tpu.memory_space<hbm>>
      tpu.enqueue_dma source(%dma_start3A_138 : memref<10000xi32, #tpu.memory_space<hbm>>) target(%arg6 : memref<10000xi32, #tpu.memory_space<vmem>>) target_semaphore(%run_scoped3A_134 : memref<!tpu.dma_semaphore, #tpu.memory_space<semaphore_mem>>)
      %dma_wait3A_139 = tpu.memref_slice %arg2[%run_scoped3A, %mul3A_11] : memref<2x320000xi32, #tpu.memory_space<hbm>> -> memref<1x10000xi32, #tpu.memory_space<hbm>>
      %dma_wait3A_140 = tpu.memref_squeeze %dma_wait3A_139 : memref<1x10000xi32, #tpu.memory_space<hbm>> -> memref<10000xi32, #tpu.memory_space<hbm>>
      %dma_wait3A_141 = tpu.memref_slice %arg2[%run_scoped3A, %mul3A_11] : memref<2x320000xi32, #tpu.memory_space<hbm>> -> memref<1x10000xi32, #tpu.memory_space<hbm>>
      %dma_wait3A_142 = tpu.memref_squeeze %dma_wait3A_141 : memref<1x10000xi32, #tpu.memory_space<hbm>> -> memref<10000xi32, #tpu.memory_space<hbm>>
      tpu.wait_dma2 semaphore(%run_scoped3A_134 : memref<!tpu.dma_semaphore, #tpu.memory_space<semaphore_mem>>) src(%dma_wait3A_142 : memref<10000xi32, #tpu.memory_space<hbm>>) dst(%arg6 : memref<10000xi32, #tpu.memory_space<vmem>>)
      tpu.yield
    }) : () -> ()
    "tpu.region"() ({
      %run_scoped3A_134 = tpu.sem_alloc : memref<!tpu.dma_semaphore, #tpu.memory_space<semaphore_mem>>
      tpu.enqueue_dma source(%arg3 : memref<1000x16xf32, #tpu.memory_space<hbm>>) target(%arg7 : memref<1000x16xf32, #tpu.memory_space<vmem>>) target_semaphore(%run_scoped3A_134 : memref<!tpu.dma_semaphore, #tpu.memory_space<semaphore_mem>>)
      tpu.wait_dma2 semaphore(%run_scoped3A_134 : memref<!tpu.dma_semaphore, #tpu.memory_space<semaphore_mem>>) src(%arg3 : memref<1000x16xf32, #tpu.memory_space<hbm>>) dst(%arg7 : memref<1000x16xf32, #tpu.memory_space<vmem>>)
      tpu.yield
    }) : () -> ()
    %mul3A_12 = arith.constant 624 : i32
    %mul3A_13 = arith.muli %arg1, %mul3A_12 : i32
    %mul3A_14 = arith.constant 624 : i32
    %mul3A_15 = arith.muli %arg1, %mul3A_14 : i32
    %dma_wait3A = arith.constant 0 : i32
    %dma_wait3A_16 = tpu.memref_slice %arg8[%mul3A_15, %dma_wait3A] : memref<10000x16xf32, #tpu.memory_space<vmem_shared>> -> memref<624x16xf32, #tpu.memory_space<vmem_shared>>
    %dma_wait3A_17 = arith.constant 0 : i32
    %dma_wait3A_18 = tpu.memref_slice %arg4[%mul3A_13, %dma_wait3A_17] : memref<10000x16xf32, #tpu.memory_space<hbm>> -> memref<624x16xf32, #tpu.memory_space<hbm>>
    tpu.wait_dma2 semaphore(%arg12 : memref<!tpu.dma_semaphore, #tpu.memory_space<semaphore_mem>>) src(%dma_wait3A_18 : memref<624x16xf32, #tpu.memory_space<hbm>>) dst(%dma_wait3A_16 : memref<624x16xf32, #tpu.memory_space<vmem_shared>>)
    %eq3A_19 = arith.constant 15 : i32
    %eq3A_20 = arith.cmpi eq, %arg1, %eq3A_19 : i32
    %convert_element_type3A_21 = arith.extui %eq3A_20 : i1 to i32
    %cond3A_22 = arith.constant 0 : i32
    %cond3A_23 = arith.cmpi ne, %convert_element_type3A_21, %cond3A_22 : i32
    scf.if %cond3A_23 {
      %dma_wait3A_134 = arith.constant 9984 : i32
      %dma_wait3A_135 = arith.constant 0 : i32
      %dma_wait3A_136 = tpu.memref_slice %arg8[%dma_wait3A_134, %dma_wait3A_135] : memref<10000x16xf32, #tpu.memory_space<vmem_shared>> -> memref<16x16xf32, #tpu.memory_space<vmem_shared>>
      %dma_wait3A_137 = arith.constant 9984 : i32
      %dma_wait3A_138 = arith.constant 0 : i32
      %dma_wait3A_139 = tpu.memref_slice %arg4[%dma_wait3A_137, %dma_wait3A_138] : memref<10000x16xf32, #tpu.memory_space<hbm>> -> memref<16x16xf32, #tpu.memory_space<hbm>>
      tpu.wait_dma2 semaphore(%arg12 : memref<!tpu.dma_semaphore, #tpu.memory_space<semaphore_mem>>) src(%dma_wait3A_139 : memref<16x16xf32, #tpu.memory_space<hbm>>) dst(%dma_wait3A_136 : memref<16x16xf32, #tpu.memory_space<vmem_shared>>)
    } else {
    }
    %barrier3A = arith.constant 0 : index
    tpu.barrier barrier_id(%barrier3A)
    %dma_start3A_24 = arith.constant 0 : i32
    %dma_start3A_25 = tpu.memref_slice %arg6[%dma_start3A_24] : memref<10000xi32, #tpu.memory_space<vmem>> -> memref<1000xi32, #tpu.memory_space<vmem>>
    %dma_start3A_26 = arith.constant 0 : i32
    %dma_start3A_27 = arith.constant 0 : i32
    %dma_start3A_28 = tpu.memref_slice %arg8[%dma_start3A_26, %dma_start3A_27] : memref<10000x16xf32, #tpu.memory_space<vmem_shared>> -> memref<10000x16xf32, #tpu.memory_space<vmem_shared>>
    tpu.enqueue_indirect_dma source(%arg7 : memref<1000x16xf32, #tpu.memory_space<vmem>>) target(%dma_start3A_28 : memref<10000x16xf32, #tpu.memory_space<vmem_shared>>) offsets(%dma_start3A_25 : memref<1000xi32, #tpu.memory_space<vmem>>) semaphore(%arg9 : memref<!tpu.dma_semaphore, #tpu.memory_space<semaphore_mem>>) {add = true}
    %dma_start3A_29 = arith.constant 1000 : i32
    %dma_start3A_30 = tpu.memref_slice %arg6[%dma_start3A_29] : memref<10000xi32, #tpu.memory_space<vmem>> -> memref<1000xi32, #tpu.memory_space<vmem>>
    %dma_start3A_31 = arith.constant 0 : i32
    %dma_start3A_32 = arith.constant 0 : i32
    %dma_start3A_33 = tpu.memref_slice %arg8[%dma_start3A_31, %dma_start3A_32] : memref<10000x16xf32, #tpu.memory_space<vmem_shared>> -> memref<10000x16xf32, #tpu.memory_space<vmem_shared>>
    tpu.enqueue_indirect_dma source(%arg7 : memref<1000x16xf32, #tpu.memory_space<vmem>>) target(%dma_start3A_33 : memref<10000x16xf32, #tpu.memory_space<vmem_shared>>) offsets(%dma_start3A_30 : memref<1000xi32, #tpu.memory_space<vmem>>) semaphore(%arg10 : memref<!tpu.dma_semaphore, #tpu.memory_space<semaphore_mem>>) {add = true}
    %dma_start3A_34 = arith.constant 2000 : i32
    %dma_start3A_35 = tpu.memref_slice %arg6[%dma_start3A_34] : memref<10000xi32, #tpu.memory_space<vmem>> -> memref<1000xi32, #tpu.memory_space<vmem>>
    %dma_start3A_36 = arith.constant 0 : i32
    %dma_start3A_37 = arith.constant 0 : i32
    %dma_start3A_38 = tpu.memref_slice %arg8[%dma_start3A_36, %dma_start3A_37] : memref<10000x16xf32, #tpu.memory_space<vmem_shared>> -> memref<10000x16xf32, #tpu.memory_space<vmem_shared>>
    tpu.enqueue_indirect_dma source(%arg7 : memref<1000x16xf32, #tpu.memory_space<vmem>>) target(%dma_start3A_38 : memref<10000x16xf32, #tpu.memory_space<vmem_shared>>) offsets(%dma_start3A_35 : memref<1000xi32, #tpu.memory_space<vmem>>) semaphore(%arg11 : memref<!tpu.dma_semaphore, #tpu.memory_space<semaphore_mem>>) {add = true}
    %dma_wait3A_39 = arith.constant 0 : i32
    %dma_wait3A_40 = tpu.memref_slice %arg6[%dma_wait3A_39] : memref<10000xi32, #tpu.memory_space<vmem>> -> memref<1000xi32, #tpu.memory_space<vmem>>
    %dma_wait3A_41 = arith.constant 0 : i32
    %dma_wait3A_42 = arith.constant 0 : i32
    %dma_wait3A_43 = tpu.memref_slice %arg8[%dma_wait3A_41, %dma_wait3A_42] : memref<10000x16xf32, #tpu.memory_space<vmem_shared>> -> memref<10000x16xf32, #tpu.memory_space<vmem_shared>>
    tpu.wait_indirect_dma semaphore(%arg9 : memref<!tpu.dma_semaphore, #tpu.memory_space<semaphore_mem>>) src(%arg7 : memref<1000x16xf32, #tpu.memory_space<vmem>>) dst(%dma_wait3A_43 : memref<10000x16xf32, #tpu.memory_space<vmem_shared>>)
    %dma_start3A_44 = arith.constant 3000 : i32
    %dma_start3A_45 = tpu.memref_slice %arg6[%dma_start3A_44] : memref<10000xi32, #tpu.memory_space<vmem>> -> memref<1000xi32, #tpu.memory_space<vmem>>
    %dma_start3A_46 = arith.constant 0 : i32
    %dma_start3A_47 = arith.constant 0 : i32
    %dma_start3A_48 = tpu.memref_slice %arg8[%dma_start3A_46, %dma_start3A_47] : memref<10000x16xf32, #tpu.memory_space<vmem_shared>> -> memref<10000x16xf32, #tpu.memory_space<vmem_shared>>
    tpu.enqueue_indirect_dma source(%arg7 : memref<1000x16xf32, #tpu.memory_space<vmem>>) target(%dma_start3A_48 : memref<10000x16xf32, #tpu.memory_space<vmem_shared>>) offsets(%dma_start3A_45 : memref<1000xi32, #tpu.memory_space<vmem>>) semaphore(%arg9 : memref<!tpu.dma_semaphore, #tpu.memory_space<semaphore_mem>>) {add = true}
    %dma_wait3A_49 = arith.constant 1000 : i32
    %dma_wait3A_50 = tpu.memref_slice %arg6[%dma_wait3A_49] : memref<10000xi32, #tpu.memory_space<vmem>> -> memref<1000xi32, #tpu.memory_space<vmem>>
    %dma_wait3A_51 = arith.constant 0 : i32
    %dma_wait3A_52 = arith.constant 0 : i32
    %dma_wait3A_53 = tpu.memref_slice %arg8[%dma_wait3A_51, %dma_wait3A_52] : memref<10000x16xf32, #tpu.memory_space<vmem_shared>> -> memref<10000x16xf32, #tpu.memory_space<vmem_shared>>
    tpu.wait_indirect_dma semaphore(%arg10 : memref<!tpu.dma_semaphore, #tpu.memory_space<semaphore_mem>>) src(%arg7 : memref<1000x16xf32, #tpu.memory_space<vmem>>) dst(%dma_wait3A_53 : memref<10000x16xf32, #tpu.memory_space<vmem_shared>>)
    %dma_start3A_54 = arith.constant 4000 : i32
    %dma_start3A_55 = tpu.memref_slice %arg6[%dma_start3A_54] : memref<10000xi32, #tpu.memory_space<vmem>> -> memref<1000xi32, #tpu.memory_space<vmem>>
    %dma_start3A_56 = arith.constant 0 : i32
    %dma_start3A_57 = arith.constant 0 : i32
    %dma_start3A_58 = tpu.memref_slice %arg8[%dma_start3A_56, %dma_start3A_57] : memref<10000x16xf32, #tpu.memory_space<vmem_shared>> -> memref<10000x16xf32, #tpu.memory_space<vmem_shared>>
    tpu.enqueue_indirect_dma source(%arg7 : memref<1000x16xf32, #tpu.memory_space<vmem>>) target(%dma_start3A_58 : memref<10000x16xf32, #tpu.memory_space<vmem_shared>>) offsets(%dma_start3A_55 : memref<1000xi32, #tpu.memory_space<vmem>>) semaphore(%arg10 : memref<!tpu.dma_semaphore, #tpu.memory_space<semaphore_mem>>) {add = true}
    %dma_wait3A_59 = arith.constant 2000 : i32
    %dma_wait3A_60 = tpu.memref_slice %arg6[%dma_wait3A_59] : memref<10000xi32, #tpu.memory_space<vmem>> -> memref<1000xi32, #tpu.memory_space<vmem>>
    %dma_wait3A_61 = arith.constant 0 : i32
    %dma_wait3A_62 = arith.constant 0 : i32
    %dma_wait3A_63 = tpu.memref_slice %arg8[%dma_wait3A_61, %dma_wait3A_62] : memref<10000x16xf32, #tpu.memory_space<vmem_shared>> -> memref<10000x16xf32, #tpu.memory_space<vmem_shared>>
    tpu.wait_indirect_dma semaphore(%arg11 : memref<!tpu.dma_semaphore, #tpu.memory_space<semaphore_mem>>) src(%arg7 : memref<1000x16xf32, #tpu.memory_space<vmem>>) dst(%dma_wait3A_63 : memref<10000x16xf32, #tpu.memory_space<vmem_shared>>)
    %dma_start3A_64 = arith.constant 5000 : i32
    %dma_start3A_65 = tpu.memref_slice %arg6[%dma_start3A_64] : memref<10000xi32, #tpu.memory_space<vmem>> -> memref<1000xi32, #tpu.memory_space<vmem>>
    %dma_start3A_66 = arith.constant 0 : i32
    %dma_start3A_67 = arith.constant 0 : i32
    %dma_start3A_68 = tpu.memref_slice %arg8[%dma_start3A_66, %dma_start3A_67] : memref<10000x16xf32, #tpu.memory_space<vmem_shared>> -> memref<10000x16xf32, #tpu.memory_space<vmem_shared>>
    tpu.enqueue_indirect_dma source(%arg7 : memref<1000x16xf32, #tpu.memory_space<vmem>>) target(%dma_start3A_68 : memref<10000x16xf32, #tpu.memory_space<vmem_shared>>) offsets(%dma_start3A_65 : memref<1000xi32, #tpu.memory_space<vmem>>) semaphore(%arg11 : memref<!tpu.dma_semaphore, #tpu.memory_space<semaphore_mem>>) {add = true}
    %dma_wait3A_69 = arith.constant 3000 : i32
    %dma_wait3A_70 = tpu.memref_slice %arg6[%dma_wait3A_69] : memref<10000xi32, #tpu.memory_space<vmem>> -> memref<1000xi32, #tpu.memory_space<vmem>>
    %dma_wait3A_71 = arith.constant 0 : i32
    %dma_wait3A_72 = arith.constant 0 : i32
    %dma_wait3A_73 = tpu.memref_slice %arg8[%dma_wait3A_71, %dma_wait3A_72] : memref<10000x16xf32, #tpu.memory_space<vmem_shared>> -> memref<10000x16xf32, #tpu.memory_space<vmem_shared>>
    tpu.wait_indirect_dma semaphore(%arg9 : memref<!tpu.dma_semaphore, #tpu.memory_space<semaphore_mem>>) src(%arg7 : memref<1000x16xf32, #tpu.memory_space<vmem>>) dst(%dma_wait3A_73 : memref<10000x16xf32, #tpu.memory_space<vmem_shared>>)
    %dma_start3A_74 = arith.constant 6000 : i32
    %dma_start3A_75 = tpu.memref_slice %arg6[%dma_start3A_74] : memref<10000xi32, #tpu.memory_space<vmem>> -> memref<1000xi32, #tpu.memory_space<vmem>>
    %dma_start3A_76 = arith.constant 0 : i32
    %dma_start3A_77 = arith.constant 0 : i32
    %dma_start3A_78 = tpu.memref_slice %arg8[%dma_start3A_76, %dma_start3A_77] : memref<10000x16xf32, #tpu.memory_space<vmem_shared>> -> memref<10000x16xf32, #tpu.memory_space<vmem_shared>>
    tpu.enqueue_indirect_dma source(%arg7 : memref<1000x16xf32, #tpu.memory_space<vmem>>) target(%dma_start3A_78 : memref<10000x16xf32, #tpu.memory_space<vmem_shared>>) offsets(%dma_start3A_75 : memref<1000xi32, #tpu.memory_space<vmem>>) semaphore(%arg9 : memref<!tpu.dma_semaphore, #tpu.memory_space<semaphore_mem>>) {add = true}
    %dma_wait3A_79 = arith.constant 4000 : i32
    %dma_wait3A_80 = tpu.memref_slice %arg6[%dma_wait3A_79] : memref<10000xi32, #tpu.memory_space<vmem>> -> memref<1000xi32, #tpu.memory_space<vmem>>
    %dma_wait3A_81 = arith.constant 0 : i32
    %dma_wait3A_82 = arith.constant 0 : i32
    %dma_wait3A_83 = tpu.memref_slice %arg8[%dma_wait3A_81, %dma_wait3A_82] : memref<10000x16xf32, #tpu.memory_space<vmem_shared>> -> memref<10000x16xf32, #tpu.memory_space<vmem_shared>>
    tpu.wait_indirect_dma semaphore(%arg10 : memref<!tpu.dma_semaphore, #tpu.memory_space<semaphore_mem>>) src(%arg7 : memref<1000x16xf32, #tpu.memory_space<vmem>>) dst(%dma_wait3A_83 : memref<10000x16xf32, #tpu.memory_space<vmem_shared>>)
    %dma_start3A_84 = arith.constant 7000 : i32
    %dma_start3A_85 = tpu.memref_slice %arg6[%dma_start3A_84] : memref<10000xi32, #tpu.memory_space<vmem>> -> memref<1000xi32, #tpu.memory_space<vmem>>
    %dma_start3A_86 = arith.constant 0 : i32
    %dma_start3A_87 = arith.constant 0 : i32
    %dma_start3A_88 = tpu.memref_slice %arg8[%dma_start3A_86, %dma_start3A_87] : memref<10000x16xf32, #tpu.memory_space<vmem_shared>> -> memref<10000x16xf32, #tpu.memory_space<vmem_shared>>
    tpu.enqueue_indirect_dma source(%arg7 : memref<1000x16xf32, #tpu.memory_space<vmem>>) target(%dma_start3A_88 : memref<10000x16xf32, #tpu.memory_space<vmem_shared>>) offsets(%dma_start3A_85 : memref<1000xi32, #tpu.memory_space<vmem>>) semaphore(%arg10 : memref<!tpu.dma_semaphore, #tpu.memory_space<semaphore_mem>>) {add = true}
    %dma_wait3A_89 = arith.constant 5000 : i32
    %dma_wait3A_90 = tpu.memref_slice %arg6[%dma_wait3A_89] : memref<10000xi32, #tpu.memory_space<vmem>> -> memref<1000xi32, #tpu.memory_space<vmem>>
    %dma_wait3A_91 = arith.constant 0 : i32
    %dma_wait3A_92 = arith.constant 0 : i32
    %dma_wait3A_93 = tpu.memref_slice %arg8[%dma_wait3A_91, %dma_wait3A_92] : memref<10000x16xf32, #tpu.memory_space<vmem_shared>> -> memref<10000x16xf32, #tpu.memory_space<vmem_shared>>
    tpu.wait_indirect_dma semaphore(%arg11 : memref<!tpu.dma_semaphore, #tpu.memory_space<semaphore_mem>>) src(%arg7 : memref<1000x16xf32, #tpu.memory_space<vmem>>) dst(%dma_wait3A_93 : memref<10000x16xf32, #tpu.memory_space<vmem_shared>>)
    %dma_start3A_94 = arith.constant 8000 : i32
    %dma_start3A_95 = tpu.memref_slice %arg6[%dma_start3A_94] : memref<10000xi32, #tpu.memory_space<vmem>> -> memref<1000xi32, #tpu.memory_space<vmem>>
    %dma_start3A_96 = arith.constant 0 : i32
    %dma_start3A_97 = arith.constant 0 : i32
    %dma_start3A_98 = tpu.memref_slice %arg8[%dma_start3A_96, %dma_start3A_97] : memref<10000x16xf32, #tpu.memory_space<vmem_shared>> -> memref<10000x16xf32, #tpu.memory_space<vmem_shared>>
    tpu.enqueue_indirect_dma source(%arg7 : memref<1000x16xf32, #tpu.memory_space<vmem>>) target(%dma_start3A_98 : memref<10000x16xf32, #tpu.memory_space<vmem_shared>>) offsets(%dma_start3A_95 : memref<1000xi32, #tpu.memory_space<vmem>>) semaphore(%arg11 : memref<!tpu.dma_semaphore, #tpu.memory_space<semaphore_mem>>) {add = true}
    %dma_wait3A_99 = arith.constant 6000 : i32
    %dma_wait3A_100 = tpu.memref_slice %arg6[%dma_wait3A_99] : memref<10000xi32, #tpu.memory_space<vmem>> -> memref<1000xi32, #tpu.memory_space<vmem>>
    %dma_wait3A_101 = arith.constant 0 : i32
    %dma_wait3A_102 = arith.constant 0 : i32
    %dma_wait3A_103 = tpu.memref_slice %arg8[%dma_wait3A_101, %dma_wait3A_102] : memref<10000x16xf32, #tpu.memory_space<vmem_shared>> -> memref<10000x16xf32, #tpu.memory_space<vmem_shared>>
    tpu.wait_indirect_dma semaphore(%arg9 : memref<!tpu.dma_semaphore, #tpu.memory_space<semaphore_mem>>) src(%arg7 : memref<1000x16xf32, #tpu.memory_space<vmem>>) dst(%dma_wait3A_103 : memref<10000x16xf32, #tpu.memory_space<vmem_shared>>)
    %dma_start3A_104 = arith.constant 9000 : i32
    %dma_start3A_105 = tpu.memref_slice %arg6[%dma_start3A_104] : memref<10000xi32, #tpu.memory_space<vmem>> -> memref<1000xi32, #tpu.memory_space<vmem>>
    %dma_start3A_106 = arith.constant 0 : i32
    %dma_start3A_107 = arith.constant 0 : i32
    %dma_start3A_108 = tpu.memref_slice %arg8[%dma_start3A_106, %dma_start3A_107] : memref<10000x16xf32, #tpu.memory_space<vmem_shared>> -> memref<10000x16xf32, #tpu.memory_space<vmem_shared>>
    tpu.enqueue_indirect_dma source(%arg7 : memref<1000x16xf32, #tpu.memory_space<vmem>>) target(%dma_start3A_108 : memref<10000x16xf32, #tpu.memory_space<vmem_shared>>) offsets(%dma_start3A_105 : memref<1000xi32, #tpu.memory_space<vmem>>) semaphore(%arg9 : memref<!tpu.dma_semaphore, #tpu.memory_space<semaphore_mem>>) {add = true}
    %dma_wait3A_109 = arith.constant 7000 : i32
    %dma_wait3A_110 = tpu.memref_slice %arg6[%dma_wait3A_109] : memref<10000xi32, #tpu.memory_space<vmem>> -> memref<1000xi32, #tpu.memory_space<vmem>>
    %dma_wait3A_111 = arith.constant 0 : i32
    %dma_wait3A_112 = arith.constant 0 : i32
    %dma_wait3A_113 = tpu.memref_slice %arg8[%dma_wait3A_111, %dma_wait3A_112] : memref<10000x16xf32, #tpu.memory_space<vmem_shared>> -> memref<10000x16xf32, #tpu.memory_space<vmem_shared>>
    tpu.wait_indirect_dma semaphore(%arg10 : memref<!tpu.dma_semaphore, #tpu.memory_space<semaphore_mem>>) src(%arg7 : memref<1000x16xf32, #tpu.memory_space<vmem>>) dst(%dma_wait3A_113 : memref<10000x16xf32, #tpu.memory_space<vmem_shared>>)
    %dma_wait3A_114 = arith.constant 8000 : i32
    %dma_wait3A_115 = tpu.memref_slice %arg6[%dma_wait3A_114] : memref<10000xi32, #tpu.memory_space<vmem>> -> memref<1000xi32, #tpu.memory_space<vmem>>
    %dma_wait3A_116 = arith.constant 0 : i32
    %dma_wait3A_117 = arith.constant 0 : i32
    %dma_wait3A_118 = tpu.memref_slice %arg8[%dma_wait3A_116, %dma_wait3A_117] : memref<10000x16xf32, #tpu.memory_space<vmem_shared>> -> memref<10000x16xf32, #tpu.memory_space<vmem_shared>>
    tpu.wait_indirect_dma semaphore(%arg11 : memref<!tpu.dma_semaphore, #tpu.memory_space<semaphore_mem>>) src(%arg7 : memref<1000x16xf32, #tpu.memory_space<vmem>>) dst(%dma_wait3A_118 : memref<10000x16xf32, #tpu.memory_space<vmem_shared>>)
    %dma_wait3A_119 = arith.constant 9000 : i32
    %dma_wait3A_120 = tpu.memref_slice %arg6[%dma_wait3A_119] : memref<10000xi32, #tpu.memory_space<vmem>> -> memref<1000xi32, #tpu.memory_space<vmem>>
    %dma_wait3A_121 = arith.constant 0 : i32
    %dma_wait3A_122 = arith.constant 0 : i32
    %dma_wait3A_123 = tpu.memref_slice %arg8[%dma_wait3A_121, %dma_wait3A_122] : memref<10000x16xf32, #tpu.memory_space<vmem_shared>> -> memref<10000x16xf32, #tpu.memory_space<vmem_shared>>
    tpu.wait_indirect_dma semaphore(%arg9 : memref<!tpu.dma_semaphore, #tpu.memory_space<semaphore_mem>>) src(%arg7 : memref<1000x16xf32, #tpu.memory_space<vmem>>) dst(%dma_wait3A_123 : memref<10000x16xf32, #tpu.memory_space<vmem_shared>>)
    %barrier3A_124 = arith.constant 0 : index
    tpu.barrier barrier_id(%barrier3A_124)
    %mul3A_125 = arith.constant 624 : i32
    %mul3A_126 = arith.muli %arg1, %mul3A_125 : i32
    %mul3A_127 = arith.constant 624 : i32
    %mul3A_128 = arith.muli %arg1, %mul3A_127 : i32
    "tpu.region"() ({
      %run_scoped3A_134 = tpu.sem_alloc : memref<!tpu.dma_semaphore, #tpu.memory_space<semaphore_mem>>
      %dma_start3A_135 = arith.constant 0 : i32
      %dma_start3A_136 = tpu.memref_slice %arg5[%arg0, %mul3A_128, %dma_start3A_135] : memref<2x10000x16xf32, #tpu.memory_space<hbm>> -> memref<1x624x16xf32, #tpu.memory_space<hbm>>
      %dma_start3A_137 = tpu.memref_squeeze %dma_start3A_136 : memref<1x624x16xf32, #tpu.memory_space<hbm>> -> memref<624x16xf32, #tpu.memory_space<hbm>>
      %dma_start3A_138 = arith.constant 0 : i32
      %dma_start3A_139 = tpu.memref_slice %arg8[%mul3A_126, %dma_start3A_138] : memref<10000x16xf32, #tpu.memory_space<vmem_shared>> -> memref<624x16xf32, #tpu.memory_space<vmem_shared>>
      tpu.enqueue_dma source(%dma_start3A_139 : memref<624x16xf32, #tpu.memory_space<vmem_shared>>) target(%dma_start3A_137 : memref<624x16xf32, #tpu.memory_space<hbm>>) target_semaphore(%run_scoped3A_134 : memref<!tpu.dma_semaphore, #tpu.memory_space<semaphore_mem>>)
      %dma_wait3A_140 = arith.constant 0 : i32
      %dma_wait3A_141 = tpu.memref_slice %arg5[%arg0, %mul3A_128, %dma_wait3A_140] : memref<2x10000x16xf32, #tpu.memory_space<hbm>> -> memref<1x624x16xf32, #tpu.memory_space<hbm>>
      %dma_wait3A_142 = tpu.memref_squeeze %dma_wait3A_141 : memref<1x624x16xf32, #tpu.memory_space<hbm>> -> memref<624x16xf32, #tpu.memory_space<hbm>>
      %dma_wait3A_143 = arith.constant 0 : i32
      %dma_wait3A_144 = tpu.memref_slice %arg8[%mul3A_126, %dma_wait3A_143] : memref<10000x16xf32, #tpu.memory_space<vmem_shared>> -> memref<624x16xf32, #tpu.memory_space<vmem_shared>>
      tpu.wait_dma2 semaphore(%run_scoped3A_134 : memref<!tpu.dma_semaphore, #tpu.memory_space<semaphore_mem>>) src(%dma_wait3A_144 : memref<624x16xf32, #tpu.memory_space<vmem_shared>>) dst(%dma_wait3A_142 : memref<624x16xf32, #tpu.memory_space<hbm>>)
      tpu.yield
    }) : () -> ()
    %eq3A_129 = arith.constant 15 : i32
    %eq3A_130 = arith.cmpi eq, %arg1, %eq3A_129 : i32
    %convert_element_type3A_131 = arith.extui %eq3A_130 : i1 to i32
    %cond3A_132 = arith.constant 0 : i32
    %cond3A_133 = arith.cmpi ne, %convert_element_type3A_131, %cond3A_132 : i32
    scf.if %cond3A_133 {
      "tpu.region"() ({
        %run_scoped3A_134 = tpu.sem_alloc : memref<!tpu.dma_semaphore, #tpu.memory_space<semaphore_mem>>
        %dma_start3A_135 = arith.constant 9984 : i32
        %dma_start3A_136 = arith.constant 0 : i32
        %dma_start3A_137 = tpu.memref_slice %arg5[%arg0, %dma_start3A_135, %dma_start3A_136] : memref<2x10000x16xf32, #tpu.memory_space<hbm>> -> memref<1x16x16xf32, #tpu.memory_space<hbm>>
        %dma_start3A_138 = tpu.memref_squeeze %dma_start3A_137 : memref<1x16x16xf32, #tpu.memory_space<hbm>> -> memref<16x16xf32, #tpu.memory_space<hbm>>
        %dma_start3A_139 = arith.constant 9984 : i32
        %dma_start3A_140 = arith.constant 0 : i32
        %dma_start3A_141 = tpu.memref_slice %arg8[%dma_start3A_139, %dma_start3A_140] : memref<10000x16xf32, #tpu.memory_space<vmem_shared>> -> memref<16x16xf32, #tpu.memory_space<vmem_shared>>
        tpu.enqueue_dma source(%dma_start3A_141 : memref<16x16xf32, #tpu.memory_space<vmem_shared>>) target(%dma_start3A_138 : memref<16x16xf32, #tpu.memory_space<hbm>>) target_semaphore(%run_scoped3A_134 : memref<!tpu.dma_semaphore, #tpu.memory_space<semaphore_mem>>)
        %dma_wait3A_142 = arith.constant 9984 : i32
        %dma_wait3A_143 = arith.constant 0 : i32
        %dma_wait3A_144 = tpu.memref_slice %arg5[%arg0, %dma_wait3A_142, %dma_wait3A_143] : memref<2x10000x16xf32, #tpu.memory_space<hbm>> -> memref<1x16x16xf32, #tpu.memory_space<hbm>>
        %dma_wait3A_145 = tpu.memref_squeeze %dma_wait3A_144 : memref<1x16x16xf32, #tpu.memory_space<hbm>> -> memref<16x16xf32, #tpu.memory_space<hbm>>
        %dma_wait3A_146 = arith.constant 9984 : i32
        %dma_wait3A_147 = arith.constant 0 : i32
        %dma_wait3A_148 = tpu.memref_slice %arg8[%dma_wait3A_146, %dma_wait3A_147] : memref<10000x16xf32, #tpu.memory_space<vmem_shared>> -> memref<16x16xf32, #tpu.memory_space<vmem_shared>>
        tpu.wait_dma2 semaphore(%run_scoped3A_134 : memref<!tpu.dma_semaphore, #tpu.memory_space<semaphore_mem>>) src(%dma_wait3A_148 : memref<16x16xf32, #tpu.memory_space<vmem_shared>>) dst(%dma_wait3A_145 : memref<16x16xf32, #tpu.memory_space<hbm>>)
        tpu.yield
      }) : () -> ()
    } else {
    }
    return
  }
}

#map = affine_map<(d0, d1) -> (0, 0)>
#map1 = affine_map<(d0, d1) -> (0, 0, 0)>
module attributes {stable_mosaic.version = 14 : i64} {
  func.func @body(%arg0: i32, %arg1: i32, %arg2: memref<10000x128xf32, #tpu.memory_space<hbm>>, %arg3: memref<2x320000xi32, #tpu.memory_space<hbm>>, %arg4: memref<10000x128xf32, #tpu.memory_space<hbm>>, %arg5: memref<2x10000x128xf32, #tpu.memory_space<hbm>>, %arg6: memref<10000xi32, #tpu.memory_space<vmem>>, %arg7: memref<10000xi32, #tpu.memory_space<vmem>>, %arg8: memref<40x128xf32, #tpu.memory_space<vmem>>, %arg9: memref<40x128xf32, #tpu.memory_space<vmem>>, %arg10: memref<40x128xf32, #tpu.memory_space<vmem>>, %arg11: memref<40x128xf32, #tpu.memory_space<vmem>>, %arg12: memref<40x128xf32, #tpu.memory_space<vmem>>, %arg13: memref<40x128xf32, #tpu.memory_space<vmem>>, %arg14: memref<10000x128xf32, #tpu.memory_space<vmem_shared>>, %arg15: memref<!tpu.dma_semaphore, #tpu.memory_space<semaphore_mem>>, %arg16: memref<!tpu.dma_semaphore, #tpu.memory_space<semaphore_mem>>, %arg17: memref<!tpu.dma_semaphore, #tpu.memory_space<semaphore_mem>>, %arg18: memref<!tpu.dma_semaphore, #tpu.memory_space<semaphore_mem>>, %arg19: memref<!tpu.dma_semaphore, #tpu.memory_space<semaphore_mem>>, %arg20: memref<!tpu.dma_semaphore, #tpu.memory_space<semaphore_mem>>, %arg21: memref<!tpu.dma_semaphore, #tpu.memory_space<semaphore_mem>>, %arg22: memref<!tpu.dma_semaphore, #tpu.memory_space<semaphore_mem>>, %arg23: memref<!tpu.dma_semaphore, #tpu.memory_space<semaphore_mem>>, %arg24: memref<!tpu.dma_semaphore, #tpu.memory_space<semaphore_mem>>, %arg25: memref<!tpu.dma_semaphore, #tpu.memory_space<semaphore_mem>>, %arg26: memref<!tpu.dma_semaphore, #tpu.memory_space<semaphore_mem>>, %arg27: memref<!tpu.dma_semaphore, #tpu.memory_space<semaphore_mem>>) attributes {dimension_semantics = [#tpu.dimension_semantics<core_parallel>, #tpu.dimension_semantics<subcore_parallel>], iteration_bounds = array<i64: 2, 16>, scalar_prefetch = 0 : i64, scratch_operands = 22 : i64, tpu.core_type = #tpu.core_type<sc_vector_subcore>, window_params = [{transform_indices = #map}, {transform_indices = #map}, {transform_indices = #map}, {transform_indices = #map1}]} {
    %mul3A = arith.constant 2 : i32
    %mul3A_0 = arith.muli %arg1, %mul3A : i32
    %add3A = arith.addi %mul3A_0, %arg0 : i32
    %mul3A_1 = arith.constant 624 : i32
    %mul3A_2 = arith.muli %arg1, %mul3A_1 : i32
    %mul3A_3 = arith.constant 624 : i32
    %mul3A_4 = arith.muli %arg1, %mul3A_3 : i32
    %dma_start3A = arith.constant 0 : i32
    %dma_start3A_5 = tpu.memref_slice %arg14[%mul3A_4, %dma_start3A] : memref<10000x128xf32, #tpu.memory_space<vmem_shared>> -> memref<624x128xf32, #tpu.memory_space<vmem_shared>>
    %dma_start3A_6 = arith.constant 0 : i32
    %dma_start3A_7 = tpu.memref_slice %arg4[%mul3A_2, %dma_start3A_6] : memref<10000x128xf32, #tpu.memory_space<hbm>> -> memref<624x128xf32, #tpu.memory_space<hbm>>
    tpu.enqueue_dma source(%dma_start3A_7 : memref<624x128xf32, #tpu.memory_space<hbm>>) target(%dma_start3A_5 : memref<624x128xf32, #tpu.memory_space<vmem_shared>>) target_semaphore(%arg27 : memref<!tpu.dma_semaphore, #tpu.memory_space<semaphore_mem>>)
    %eq3A = arith.constant 15 : i32
    %eq3A_8 = arith.cmpi eq, %arg1, %eq3A : i32
    %convert_element_type3A = arith.extui %eq3A_8 : i1 to i32
    %cond3A = arith.constant 0 : i32
    %cond3A_9 = arith.cmpi ne, %convert_element_type3A, %cond3A : i32
    scf.if %cond3A_9 {
      %dma_start3A_242 = arith.constant 9984 : i32
      %dma_start3A_243 = arith.constant 0 : i32
      %dma_start3A_244 = tpu.memref_slice %arg14[%dma_start3A_242, %dma_start3A_243] : memref<10000x128xf32, #tpu.memory_space<vmem_shared>> -> memref<16x128xf32, #tpu.memory_space<vmem_shared>>
      %dma_start3A_245 = arith.constant 9984 : i32
      %dma_start3A_246 = arith.constant 0 : i32
      %dma_start3A_247 = tpu.memref_slice %arg4[%dma_start3A_245, %dma_start3A_246] : memref<10000x128xf32, #tpu.memory_space<hbm>> -> memref<16x128xf32, #tpu.memory_space<hbm>>
      tpu.enqueue_dma source(%dma_start3A_247 : memref<16x128xf32, #tpu.memory_space<hbm>>) target(%dma_start3A_244 : memref<16x128xf32, #tpu.memory_space<vmem_shared>>) target_semaphore(%arg27 : memref<!tpu.dma_semaphore, #tpu.memory_space<semaphore_mem>>)
    } else {
    }
    %mul3A_10 = arith.constant 10000 : i32
    %mul3A_11 = arith.muli %add3A, %mul3A_10 : i32
    %run_scoped3A = arith.constant 0 : i32
    "tpu.region"() ({
      %run_scoped3A_242 = tpu.sem_alloc : memref<!tpu.dma_semaphore, #tpu.memory_space<semaphore_mem>>
      %dma_start3A_243 = tpu.memref_slice %arg3[%run_scoped3A, %mul3A_11] : memref<2x320000xi32, #tpu.memory_space<hbm>> -> memref<1x10000xi32, #tpu.memory_space<hbm>>
      %dma_start3A_244 = tpu.memref_squeeze %dma_start3A_243 : memref<1x10000xi32, #tpu.memory_space<hbm>> -> memref<10000xi32, #tpu.memory_space<hbm>>
      %dma_start3A_245 = tpu.memref_slice %arg3[%run_scoped3A, %mul3A_11] : memref<2x320000xi32, #tpu.memory_space<hbm>> -> memref<1x10000xi32, #tpu.memory_space<hbm>>
      %dma_start3A_246 = tpu.memref_squeeze %dma_start3A_245 : memref<1x10000xi32, #tpu.memory_space<hbm>> -> memref<10000xi32, #tpu.memory_space<hbm>>
      tpu.enqueue_dma source(%dma_start3A_246 : memref<10000xi32, #tpu.memory_space<hbm>>) target(%arg6 : memref<10000xi32, #tpu.memory_space<vmem>>) target_semaphore(%run_scoped3A_242 : memref<!tpu.dma_semaphore, #tpu.memory_space<semaphore_mem>>)
      %dma_wait3A_247 = tpu.memref_slice %arg3[%run_scoped3A, %mul3A_11] : memref<2x320000xi32, #tpu.memory_space<hbm>> -> memref<1x10000xi32, #tpu.memory_space<hbm>>
      %dma_wait3A_248 = tpu.memref_squeeze %dma_wait3A_247 : memref<1x10000xi32, #tpu.memory_space<hbm>> -> memref<10000xi32, #tpu.memory_space<hbm>>
      %dma_wait3A_249 = tpu.memref_slice %arg3[%run_scoped3A, %mul3A_11] : memref<2x320000xi32, #tpu.memory_space<hbm>> -> memref<1x10000xi32, #tpu.memory_space<hbm>>
      %dma_wait3A_250 = tpu.memref_squeeze %dma_wait3A_249 : memref<1x10000xi32, #tpu.memory_space<hbm>> -> memref<10000xi32, #tpu.memory_space<hbm>>
      tpu.wait_dma2 semaphore(%run_scoped3A_242 : memref<!tpu.dma_semaphore, #tpu.memory_space<semaphore_mem>>) src(%dma_wait3A_250 : memref<10000xi32, #tpu.memory_space<hbm>>) dst(%arg6 : memref<10000xi32, #tpu.memory_space<vmem>>)
      tpu.yield
    }) : () -> ()
    %mul3A_12 = arith.constant 10000 : i32
    %mul3A_13 = arith.muli %add3A, %mul3A_12 : i32
    %run_scoped3A_14 = arith.constant 1 : i32
    "tpu.region"() ({
      %run_scoped3A_242 = tpu.sem_alloc : memref<!tpu.dma_semaphore, #tpu.memory_space<semaphore_mem>>
      %dma_start3A_243 = tpu.memref_slice %arg3[%run_scoped3A_14, %mul3A_13] : memref<2x320000xi32, #tpu.memory_space<hbm>> -> memref<1x10000xi32, #tpu.memory_space<hbm>>
      %dma_start3A_244 = tpu.memref_squeeze %dma_start3A_243 : memref<1x10000xi32, #tpu.memory_space<hbm>> -> memref<10000xi32, #tpu.memory_space<hbm>>
      %dma_start3A_245 = tpu.memref_slice %arg3[%run_scoped3A_14, %mul3A_13] : memref<2x320000xi32, #tpu.memory_space<hbm>> -> memref<1x10000xi32, #tpu.memory_space<hbm>>
      %dma_start3A_246 = tpu.memref_squeeze %dma_start3A_245 : memref<1x10000xi32, #tpu.memory_space<hbm>> -> memref<10000xi32, #tpu.memory_space<hbm>>
      tpu.enqueue_dma source(%dma_start3A_246 : memref<10000xi32, #tpu.memory_space<hbm>>) target(%arg7 : memref<10000xi32, #tpu.memory_space<vmem>>) target_semaphore(%run_scoped3A_242 : memref<!tpu.dma_semaphore, #tpu.memory_space<semaphore_mem>>)
      %dma_wait3A_247 = tpu.memref_slice %arg3[%run_scoped3A_14, %mul3A_13] : memref<2x320000xi32, #tpu.memory_space<hbm>> -> memref<1x10000xi32, #tpu.memory_space<hbm>>
      %dma_wait3A_248 = tpu.memref_squeeze %dma_wait3A_247 : memref<1x10000xi32, #tpu.memory_space<hbm>> -> memref<10000xi32, #tpu.memory_space<hbm>>
      %dma_wait3A_249 = tpu.memref_slice %arg3[%run_scoped3A_14, %mul3A_13] : memref<2x320000xi32, #tpu.memory_space<hbm>> -> memref<1x10000xi32, #tpu.memory_space<hbm>>
      %dma_wait3A_250 = tpu.memref_squeeze %dma_wait3A_249 : memref<1x10000xi32, #tpu.memory_space<hbm>> -> memref<10000xi32, #tpu.memory_space<hbm>>
      tpu.wait_dma2 semaphore(%run_scoped3A_242 : memref<!tpu.dma_semaphore, #tpu.memory_space<semaphore_mem>>) src(%dma_wait3A_250 : memref<10000xi32, #tpu.memory_space<hbm>>) dst(%arg7 : memref<10000xi32, #tpu.memory_space<vmem>>)
      tpu.yield
    }) : () -> ()
    %dma_start3A_15 = arith.constant 0 : i32
    %dma_start3A_16 = tpu.memref_slice %arg6[%dma_start3A_15] : memref<10000xi32, #tpu.memory_space<vmem>> -> memref<40xi32, #tpu.memory_space<vmem>>
    %dma_start3A_17 = arith.constant 0 : i32
    %dma_start3A_18 = arith.constant 0 : i32
    %dma_start3A_19 = tpu.memref_slice %arg2[%dma_start3A_17, %dma_start3A_18] : memref<10000x128xf32, #tpu.memory_space<hbm>> -> memref<10000x128xf32, #tpu.memory_space<hbm>>
    tpu.enqueue_indirect_dma source(%dma_start3A_19 : memref<10000x128xf32, #tpu.memory_space<hbm>>) target(%arg8 : memref<40x128xf32, #tpu.memory_space<vmem>>) offsets(%dma_start3A_16 : memref<40xi32, #tpu.memory_space<vmem>>) semaphore(%arg15 : memref<!tpu.dma_semaphore, #tpu.memory_space<semaphore_mem>>)
    %dma_start3A_20 = arith.constant 40 : i32
    %dma_start3A_21 = tpu.memref_slice %arg6[%dma_start3A_20] : memref<10000xi32, #tpu.memory_space<vmem>> -> memref<40xi32, #tpu.memory_space<vmem>>
    %dma_start3A_22 = arith.constant 0 : i32
    %dma_start3A_23 = arith.constant 0 : i32
    %dma_start3A_24 = tpu.memref_slice %arg2[%dma_start3A_22, %dma_start3A_23] : memref<10000x128xf32, #tpu.memory_space<hbm>> -> memref<10000x128xf32, #tpu.memory_space<hbm>>
    tpu.enqueue_indirect_dma source(%dma_start3A_24 : memref<10000x128xf32, #tpu.memory_space<hbm>>) target(%arg9 : memref<40x128xf32, #tpu.memory_space<vmem>>) offsets(%dma_start3A_21 : memref<40xi32, #tpu.memory_space<vmem>>) semaphore(%arg16 : memref<!tpu.dma_semaphore, #tpu.memory_space<semaphore_mem>>)
    %dma_start3A_25 = arith.constant 80 : i32
    %dma_start3A_26 = tpu.memref_slice %arg6[%dma_start3A_25] : memref<10000xi32, #tpu.memory_space<vmem>> -> memref<40xi32, #tpu.memory_space<vmem>>
    %dma_start3A_27 = arith.constant 0 : i32
    %dma_start3A_28 = arith.constant 0 : i32
    %dma_start3A_29 = tpu.memref_slice %arg2[%dma_start3A_27, %dma_start3A_28] : memref<10000x128xf32, #tpu.memory_space<hbm>> -> memref<10000x128xf32, #tpu.memory_space<hbm>>
    tpu.enqueue_indirect_dma source(%dma_start3A_29 : memref<10000x128xf32, #tpu.memory_space<hbm>>) target(%arg10 : memref<40x128xf32, #tpu.memory_space<vmem>>) offsets(%dma_start3A_26 : memref<40xi32, #tpu.memory_space<vmem>>) semaphore(%arg17 : memref<!tpu.dma_semaphore, #tpu.memory_space<semaphore_mem>>)
    %mul3A_30 = arith.constant 624 : i32
    %mul3A_31 = arith.muli %arg1, %mul3A_30 : i32
    %mul3A_32 = arith.constant 624 : i32
    %mul3A_33 = arith.muli %arg1, %mul3A_32 : i32
    %dma_wait3A = arith.constant 0 : i32
    %dma_wait3A_34 = tpu.memref_slice %arg14[%mul3A_33, %dma_wait3A] : memref<10000x128xf32, #tpu.memory_space<vmem_shared>> -> memref<624x128xf32, #tpu.memory_space<vmem_shared>>
    %dma_wait3A_35 = arith.constant 0 : i32
    %dma_wait3A_36 = tpu.memref_slice %arg4[%mul3A_31, %dma_wait3A_35] : memref<10000x128xf32, #tpu.memory_space<hbm>> -> memref<624x128xf32, #tpu.memory_space<hbm>>
    tpu.wait_dma2 semaphore(%arg27 : memref<!tpu.dma_semaphore, #tpu.memory_space<semaphore_mem>>) src(%dma_wait3A_36 : memref<624x128xf32, #tpu.memory_space<hbm>>) dst(%dma_wait3A_34 : memref<624x128xf32, #tpu.memory_space<vmem_shared>>)
    %eq3A_37 = arith.constant 15 : i32
    %eq3A_38 = arith.cmpi eq, %arg1, %eq3A_37 : i32
    %convert_element_type3A_39 = arith.extui %eq3A_38 : i1 to i32
    %cond3A_40 = arith.constant 0 : i32
    %cond3A_41 = arith.cmpi ne, %convert_element_type3A_39, %cond3A_40 : i32
    scf.if %cond3A_41 {
      %dma_wait3A_242 = arith.constant 9984 : i32
      %dma_wait3A_243 = arith.constant 0 : i32
      %dma_wait3A_244 = tpu.memref_slice %arg14[%dma_wait3A_242, %dma_wait3A_243] : memref<10000x128xf32, #tpu.memory_space<vmem_shared>> -> memref<16x128xf32, #tpu.memory_space<vmem_shared>>
      %dma_wait3A_245 = arith.constant 9984 : i32
      %dma_wait3A_246 = arith.constant 0 : i32
      %dma_wait3A_247 = tpu.memref_slice %arg4[%dma_wait3A_245, %dma_wait3A_246] : memref<10000x128xf32, #tpu.memory_space<hbm>> -> memref<16x128xf32, #tpu.memory_space<hbm>>
      tpu.wait_dma2 semaphore(%arg27 : memref<!tpu.dma_semaphore, #tpu.memory_space<semaphore_mem>>) src(%dma_wait3A_247 : memref<16x128xf32, #tpu.memory_space<hbm>>) dst(%dma_wait3A_244 : memref<16x128xf32, #tpu.memory_space<vmem_shared>>)
    } else {
    }
    %barrier3A = arith.constant 0 : index
    tpu.barrier barrier_id(%barrier3A)
    %dma_start3A_42 = arith.constant 120 : i32
    %dma_start3A_43 = tpu.memref_slice %arg6[%dma_start3A_42] : memref<10000xi32, #tpu.memory_space<vmem>> -> memref<40xi32, #tpu.memory_space<vmem>>
    %dma_start3A_44 = arith.constant 0 : i32
    %dma_start3A_45 = arith.constant 0 : i32
    %dma_start3A_46 = tpu.memref_slice %arg2[%dma_start3A_44, %dma_start3A_45] : memref<10000x128xf32, #tpu.memory_space<hbm>> -> memref<10000x128xf32, #tpu.memory_space<hbm>>
    tpu.enqueue_indirect_dma source(%dma_start3A_46 : memref<10000x128xf32, #tpu.memory_space<hbm>>) target(%arg11 : memref<40x128xf32, #tpu.memory_space<vmem>>) offsets(%dma_start3A_43 : memref<40xi32, #tpu.memory_space<vmem>>) semaphore(%arg18 : memref<!tpu.dma_semaphore, #tpu.memory_space<semaphore_mem>>)
    %dma_wait3A_47 = arith.constant 0 : i32
    %dma_wait3A_48 = tpu.memref_slice %arg6[%dma_wait3A_47] : memref<10000xi32, #tpu.memory_space<vmem>> -> memref<40xi32, #tpu.memory_space<vmem>>
    %dma_wait3A_49 = arith.constant 0 : i32
    %dma_wait3A_50 = arith.constant 0 : i32
    %dma_wait3A_51 = tpu.memref_slice %arg2[%dma_wait3A_49, %dma_wait3A_50] : memref<10000x128xf32, #tpu.memory_space<hbm>> -> memref<10000x128xf32, #tpu.memory_space<hbm>>
    tpu.wait_indirect_dma semaphore(%arg15 : memref<!tpu.dma_semaphore, #tpu.memory_space<semaphore_mem>>) src(%dma_wait3A_51 : memref<10000x128xf32, #tpu.memory_space<hbm>>) dst(%arg8 : memref<40x128xf32, #tpu.memory_space<vmem>>)
    %dma_start3A_52 = arith.constant 0 : i32
    %dma_start3A_53 = tpu.memref_slice %arg7[%dma_start3A_52] : memref<10000xi32, #tpu.memory_space<vmem>> -> memref<40xi32, #tpu.memory_space<vmem>>
    %dma_start3A_54 = arith.constant 0 : i32
    %dma_start3A_55 = arith.constant 0 : i32
    %dma_start3A_56 = tpu.memref_slice %arg14[%dma_start3A_54, %dma_start3A_55] : memref<10000x128xf32, #tpu.memory_space<vmem_shared>> -> memref<10000x128xf32, #tpu.memory_space<vmem_shared>>
    tpu.enqueue_indirect_dma source(%arg8 : memref<40x128xf32, #tpu.memory_space<vmem>>) target(%dma_start3A_56 : memref<10000x128xf32, #tpu.memory_space<vmem_shared>>) offsets(%dma_start3A_53 : memref<40xi32, #tpu.memory_space<vmem>>) semaphore(%arg21 : memref<!tpu.dma_semaphore, #tpu.memory_space<semaphore_mem>>) {add = true}
    %dma_start3A_57 = arith.constant 160 : i32
    %dma_start3A_58 = tpu.memref_slice %arg6[%dma_start3A_57] : memref<10000xi32, #tpu.memory_space<vmem>> -> memref<40xi32, #tpu.memory_space<vmem>>
    %dma_start3A_59 = arith.constant 0 : i32
    %dma_start3A_60 = arith.constant 0 : i32
    %dma_start3A_61 = tpu.memref_slice %arg2[%dma_start3A_59, %dma_start3A_60] : memref<10000x128xf32, #tpu.memory_space<hbm>> -> memref<10000x128xf32, #tpu.memory_space<hbm>>
    tpu.enqueue_indirect_dma source(%dma_start3A_61 : memref<10000x128xf32, #tpu.memory_space<hbm>>) target(%arg12 : memref<40x128xf32, #tpu.memory_space<vmem>>) offsets(%dma_start3A_58 : memref<40xi32, #tpu.memory_space<vmem>>) semaphore(%arg19 : memref<!tpu.dma_semaphore, #tpu.memory_space<semaphore_mem>>)
    %dma_wait3A_62 = arith.constant 40 : i32
    %dma_wait3A_63 = tpu.memref_slice %arg6[%dma_wait3A_62] : memref<10000xi32, #tpu.memory_space<vmem>> -> memref<40xi32, #tpu.memory_space<vmem>>
    %dma_wait3A_64 = arith.constant 0 : i32
    %dma_wait3A_65 = arith.constant 0 : i32
    %dma_wait3A_66 = tpu.memref_slice %arg2[%dma_wait3A_64, %dma_wait3A_65] : memref<10000x128xf32, #tpu.memory_space<hbm>> -> memref<10000x128xf32, #tpu.memory_space<hbm>>
    tpu.wait_indirect_dma semaphore(%arg16 : memref<!tpu.dma_semaphore, #tpu.memory_space<semaphore_mem>>) src(%dma_wait3A_66 : memref<10000x128xf32, #tpu.memory_space<hbm>>) dst(%arg9 : memref<40x128xf32, #tpu.memory_space<vmem>>)
    %dma_start3A_67 = arith.constant 40 : i32
    %dma_start3A_68 = tpu.memref_slice %arg7[%dma_start3A_67] : memref<10000xi32, #tpu.memory_space<vmem>> -> memref<40xi32, #tpu.memory_space<vmem>>
    %dma_start3A_69 = arith.constant 0 : i32
    %dma_start3A_70 = arith.constant 0 : i32
    %dma_start3A_71 = tpu.memref_slice %arg14[%dma_start3A_69, %dma_start3A_70] : memref<10000x128xf32, #tpu.memory_space<vmem_shared>> -> memref<10000x128xf32, #tpu.memory_space<vmem_shared>>
    tpu.enqueue_indirect_dma source(%arg9 : memref<40x128xf32, #tpu.memory_space<vmem>>) target(%dma_start3A_71 : memref<10000x128xf32, #tpu.memory_space<vmem_shared>>) offsets(%dma_start3A_68 : memref<40xi32, #tpu.memory_space<vmem>>) semaphore(%arg22 : memref<!tpu.dma_semaphore, #tpu.memory_space<semaphore_mem>>) {add = true}
    %dma_start3A_72 = arith.constant 200 : i32
    %dma_start3A_73 = tpu.memref_slice %arg6[%dma_start3A_72] : memref<10000xi32, #tpu.memory_space<vmem>> -> memref<40xi32, #tpu.memory_space<vmem>>
    %dma_start3A_74 = arith.constant 0 : i32
    %dma_start3A_75 = arith.constant 0 : i32
    %dma_start3A_76 = tpu.memref_slice %arg2[%dma_start3A_74, %dma_start3A_75] : memref<10000x128xf32, #tpu.memory_space<hbm>> -> memref<10000x128xf32, #tpu.memory_space<hbm>>
    tpu.enqueue_indirect_dma source(%dma_start3A_76 : memref<10000x128xf32, #tpu.memory_space<hbm>>) target(%arg13 : memref<40x128xf32, #tpu.memory_space<vmem>>) offsets(%dma_start3A_73 : memref<40xi32, #tpu.memory_space<vmem>>) semaphore(%arg20 : memref<!tpu.dma_semaphore, #tpu.memory_space<semaphore_mem>>)
    %dma_wait3A_77 = arith.constant 80 : i32
    %dma_wait3A_78 = tpu.memref_slice %arg6[%dma_wait3A_77] : memref<10000xi32, #tpu.memory_space<vmem>> -> memref<40xi32, #tpu.memory_space<vmem>>
    %dma_wait3A_79 = arith.constant 0 : i32
    %dma_wait3A_80 = arith.constant 0 : i32
    %dma_wait3A_81 = tpu.memref_slice %arg2[%dma_wait3A_79, %dma_wait3A_80] : memref<10000x128xf32, #tpu.memory_space<hbm>> -> memref<10000x128xf32, #tpu.memory_space<hbm>>
    tpu.wait_indirect_dma semaphore(%arg17 : memref<!tpu.dma_semaphore, #tpu.memory_space<semaphore_mem>>) src(%dma_wait3A_81 : memref<10000x128xf32, #tpu.memory_space<hbm>>) dst(%arg10 : memref<40x128xf32, #tpu.memory_space<vmem>>)
    %dma_start3A_82 = arith.constant 80 : i32
    %dma_start3A_83 = tpu.memref_slice %arg7[%dma_start3A_82] : memref<10000xi32, #tpu.memory_space<vmem>> -> memref<40xi32, #tpu.memory_space<vmem>>
    %dma_start3A_84 = arith.constant 0 : i32
    %dma_start3A_85 = arith.constant 0 : i32
    %dma_start3A_86 = tpu.memref_slice %arg14[%dma_start3A_84, %dma_start3A_85] : memref<10000x128xf32, #tpu.memory_space<vmem_shared>> -> memref<10000x128xf32, #tpu.memory_space<vmem_shared>>
    tpu.enqueue_indirect_dma source(%arg10 : memref<40x128xf32, #tpu.memory_space<vmem>>) target(%dma_start3A_86 : memref<10000x128xf32, #tpu.memory_space<vmem_shared>>) offsets(%dma_start3A_83 : memref<40xi32, #tpu.memory_space<vmem>>) semaphore(%arg23 : memref<!tpu.dma_semaphore, #tpu.memory_space<semaphore_mem>>) {add = true}
    %dma_wait3A_87 = arith.constant 120 : i32
    %dma_wait3A_88 = tpu.memref_slice %arg7[%dma_wait3A_87] : memref<10000xi32, #tpu.memory_space<vmem>> -> memref<40xi32, #tpu.memory_space<vmem>>
    %dma_wait3A_89 = arith.constant 0 : i32
    %dma_wait3A_90 = arith.constant 0 : i32
    %dma_wait3A_91 = tpu.memref_slice %arg14[%dma_wait3A_89, %dma_wait3A_90] : memref<10000x128xf32, #tpu.memory_space<vmem_shared>> -> memref<10000x128xf32, #tpu.memory_space<vmem_shared>>
    tpu.wait_indirect_dma semaphore(%arg21 : memref<!tpu.dma_semaphore, #tpu.memory_space<semaphore_mem>>) src(%arg8 : memref<40x128xf32, #tpu.memory_space<vmem>>) dst(%dma_wait3A_91 : memref<10000x128xf32, #tpu.memory_space<vmem_shared>>)
    %dma_start3A_92 = arith.constant 240 : i32
    %dma_start3A_93 = tpu.memref_slice %arg6[%dma_start3A_92] : memref<10000xi32, #tpu.memory_space<vmem>> -> memref<40xi32, #tpu.memory_space<vmem>>
    %dma_start3A_94 = arith.constant 0 : i32
    %dma_start3A_95 = arith.constant 0 : i32
    %dma_start3A_96 = tpu.memref_slice %arg2[%dma_start3A_94, %dma_start3A_95] : memref<10000x128xf32, #tpu.memory_space<hbm>> -> memref<10000x128xf32, #tpu.memory_space<hbm>>
    tpu.enqueue_indirect_dma source(%dma_start3A_96 : memref<10000x128xf32, #tpu.memory_space<hbm>>) target(%arg8 : memref<40x128xf32, #tpu.memory_space<vmem>>) offsets(%dma_start3A_93 : memref<40xi32, #tpu.memory_space<vmem>>) semaphore(%arg15 : memref<!tpu.dma_semaphore, #tpu.memory_space<semaphore_mem>>)
    %dma_wait3A_97 = arith.constant 120 : i32
    %dma_wait3A_98 = tpu.memref_slice %arg6[%dma_wait3A_97] : memref<10000xi32, #tpu.memory_space<vmem>> -> memref<40xi32, #tpu.memory_space<vmem>>
    %dma_wait3A_99 = arith.constant 0 : i32
    %dma_wait3A_100 = arith.constant 0 : i32
    %dma_wait3A_101 = tpu.memref_slice %arg2[%dma_wait3A_99, %dma_wait3A_100] : memref<10000x128xf32, #tpu.memory_space<hbm>> -> memref<10000x128xf32, #tpu.memory_space<hbm>>
    tpu.wait_indirect_dma semaphore(%arg18 : memref<!tpu.dma_semaphore, #tpu.memory_space<semaphore_mem>>) src(%dma_wait3A_101 : memref<10000x128xf32, #tpu.memory_space<hbm>>) dst(%arg11 : memref<40x128xf32, #tpu.memory_space<vmem>>)
    %dma_start3A_102 = arith.constant 120 : i32
    %dma_start3A_103 = tpu.memref_slice %arg7[%dma_start3A_102] : memref<10000xi32, #tpu.memory_space<vmem>> -> memref<40xi32, #tpu.memory_space<vmem>>
    %dma_start3A_104 = arith.constant 0 : i32
    %dma_start3A_105 = arith.constant 0 : i32
    %dma_start3A_106 = tpu.memref_slice %arg14[%dma_start3A_104, %dma_start3A_105] : memref<10000x128xf32, #tpu.memory_space<vmem_shared>> -> memref<10000x128xf32, #tpu.memory_space<vmem_shared>>
    tpu.enqueue_indirect_dma source(%arg11 : memref<40x128xf32, #tpu.memory_space<vmem>>) target(%dma_start3A_106 : memref<10000x128xf32, #tpu.memory_space<vmem_shared>>) offsets(%dma_start3A_103 : memref<40xi32, #tpu.memory_space<vmem>>) semaphore(%arg24 : memref<!tpu.dma_semaphore, #tpu.memory_space<semaphore_mem>>) {add = true}
    %dma_wait3A_107 = arith.constant 160 : i32
    %dma_wait3A_108 = tpu.memref_slice %arg7[%dma_wait3A_107] : memref<10000xi32, #tpu.memory_space<vmem>> -> memref<40xi32, #tpu.memory_space<vmem>>
    %dma_wait3A_109 = arith.constant 0 : i32
    %dma_wait3A_110 = arith.constant 0 : i32
    %dma_wait3A_111 = tpu.memref_slice %arg14[%dma_wait3A_109, %dma_wait3A_110] : memref<10000x128xf32, #tpu.memory_space<vmem_shared>> -> memref<10000x128xf32, #tpu.memory_space<vmem_shared>>
    tpu.wait_indirect_dma semaphore(%arg22 : memref<!tpu.dma_semaphore, #tpu.memory_space<semaphore_mem>>) src(%arg9 : memref<40x128xf32, #tpu.memory_space<vmem>>) dst(%dma_wait3A_111 : memref<10000x128xf32, #tpu.memory_space<vmem_shared>>)
    %dma_start3A_112 = arith.constant 280 : i32
    %dma_start3A_113 = tpu.memref_slice %arg6[%dma_start3A_112] : memref<10000xi32, #tpu.memory_space<vmem>> -> memref<40xi32, #tpu.memory_space<vmem>>
    %dma_start3A_114 = arith.constant 0 : i32
    %dma_start3A_115 = arith.constant 0 : i32
    %dma_start3A_116 = tpu.memref_slice %arg2[%dma_start3A_114, %dma_start3A_115] : memref<10000x128xf32, #tpu.memory_space<hbm>> -> memref<10000x128xf32, #tpu.memory_space<hbm>>
    tpu.enqueue_indirect_dma source(%dma_start3A_116 : memref<10000x128xf32, #tpu.memory_space<hbm>>) target(%arg9 : memref<40x128xf32, #tpu.memory_space<vmem>>) offsets(%dma_start3A_113 : memref<40xi32, #tpu.memory_space<vmem>>) semaphore(%arg16 : memref<!tpu.dma_semaphore, #tpu.memory_space<semaphore_mem>>)
    %dma_wait3A_117 = arith.constant 160 : i32
    %dma_wait3A_118 = tpu.memref_slice %arg6[%dma_wait3A_117] : memref<10000xi32, #tpu.memory_space<vmem>> -> memref<40xi32, #tpu.memory_space<vmem>>
    %dma_wait3A_119 = arith.constant 0 : i32
    %dma_wait3A_120 = arith.constant 0 : i32
    %dma_wait3A_121 = tpu.memref_slice %arg2[%dma_wait3A_119, %dma_wait3A_120] : memref<10000x128xf32, #tpu.memory_space<hbm>> -> memref<10000x128xf32, #tpu.memory_space<hbm>>
    tpu.wait_indirect_dma semaphore(%arg19 : memref<!tpu.dma_semaphore, #tpu.memory_space<semaphore_mem>>) src(%dma_wait3A_121 : memref<10000x128xf32, #tpu.memory_space<hbm>>) dst(%arg12 : memref<40x128xf32, #tpu.memory_space<vmem>>)
    %dma_start3A_122 = arith.constant 160 : i32
    %dma_start3A_123 = tpu.memref_slice %arg7[%dma_start3A_122] : memref<10000xi32, #tpu.memory_space<vmem>> -> memref<40xi32, #tpu.memory_space<vmem>>
    %dma_start3A_124 = arith.constant 0 : i32
    %dma_start3A_125 = arith.constant 0 : i32
    %dma_start3A_126 = tpu.memref_slice %arg14[%dma_start3A_124, %dma_start3A_125] : memref<10000x128xf32, #tpu.memory_space<vmem_shared>> -> memref<10000x128xf32, #tpu.memory_space<vmem_shared>>
    tpu.enqueue_indirect_dma source(%arg12 : memref<40x128xf32, #tpu.memory_space<vmem>>) target(%dma_start3A_126 : memref<10000x128xf32, #tpu.memory_space<vmem_shared>>) offsets(%dma_start3A_123 : memref<40xi32, #tpu.memory_space<vmem>>) semaphore(%arg25 : memref<!tpu.dma_semaphore, #tpu.memory_space<semaphore_mem>>) {add = true}
    %dma_wait3A_127 = arith.constant 200 : i32
    %dma_wait3A_128 = tpu.memref_slice %arg7[%dma_wait3A_127] : memref<10000xi32, #tpu.memory_space<vmem>> -> memref<40xi32, #tpu.memory_space<vmem>>
    %dma_wait3A_129 = arith.constant 0 : i32
    %dma_wait3A_130 = arith.constant 0 : i32
    %dma_wait3A_131 = tpu.memref_slice %arg14[%dma_wait3A_129, %dma_wait3A_130] : memref<10000x128xf32, #tpu.memory_space<vmem_shared>> -> memref<10000x128xf32, #tpu.memory_space<vmem_shared>>
    tpu.wait_indirect_dma semaphore(%arg23 : memref<!tpu.dma_semaphore, #tpu.memory_space<semaphore_mem>>) src(%arg10 : memref<40x128xf32, #tpu.memory_space<vmem>>) dst(%dma_wait3A_131 : memref<10000x128xf32, #tpu.memory_space<vmem_shared>>)
    %dma_start3A_132 = arith.constant 320 : i32
    %dma_start3A_133 = tpu.memref_slice %arg6[%dma_start3A_132] : memref<10000xi32, #tpu.memory_space<vmem>> -> memref<40xi32, #tpu.memory_space<vmem>>
    %dma_start3A_134 = arith.constant 0 : i32
    %dma_start3A_135 = arith.constant 0 : i32
    %dma_start3A_136 = tpu.memref_slice %arg2[%dma_start3A_134, %dma_start3A_135] : memref<10000x128xf32, #tpu.memory_space<hbm>> -> memref<10000x128xf32, #tpu.memory_space<hbm>>
    tpu.enqueue_indirect_dma source(%dma_start3A_136 : memref<10000x128xf32, #tpu.memory_space<hbm>>) target(%arg10 : memref<40x128xf32, #tpu.memory_space<vmem>>) offsets(%dma_start3A_133 : memref<40xi32, #tpu.memory_space<vmem>>) semaphore(%arg17 : memref<!tpu.dma_semaphore, #tpu.memory_space<semaphore_mem>>)
    %dma_wait3A_137 = arith.constant 200 : i32
    %dma_wait3A_138 = tpu.memref_slice %arg6[%dma_wait3A_137] : memref<10000xi32, #tpu.memory_space<vmem>> -> memref<40xi32, #tpu.memory_space<vmem>>
    %dma_wait3A_139 = arith.constant 0 : i32
    %dma_wait3A_140 = arith.constant 0 : i32
    %dma_wait3A_141 = tpu.memref_slice %arg2[%dma_wait3A_139, %dma_wait3A_140] : memref<10000x128xf32, #tpu.memory_space<hbm>> -> memref<10000x128xf32, #tpu.memory_space<hbm>>
    tpu.wait_indirect_dma semaphore(%arg20 : memref<!tpu.dma_semaphore, #tpu.memory_space<semaphore_mem>>) src(%dma_wait3A_141 : memref<10000x128xf32, #tpu.memory_space<hbm>>) dst(%arg13 : memref<40x128xf32, #tpu.memory_space<vmem>>)
    %dma_start3A_142 = arith.constant 200 : i32
    %dma_start3A_143 = tpu.memref_slice %arg7[%dma_start3A_142] : memref<10000xi32, #tpu.memory_space<vmem>> -> memref<40xi32, #tpu.memory_space<vmem>>
    %dma_start3A_144 = arith.constant 0 : i32
    %dma_start3A_145 = arith.constant 0 : i32
    %dma_start3A_146 = tpu.memref_slice %arg14[%dma_start3A_144, %dma_start3A_145] : memref<10000x128xf32, #tpu.memory_space<vmem_shared>> -> memref<10000x128xf32, #tpu.memory_space<vmem_shared>>
    tpu.enqueue_indirect_dma source(%arg13 : memref<40x128xf32, #tpu.memory_space<vmem>>) target(%dma_start3A_146 : memref<10000x128xf32, #tpu.memory_space<vmem_shared>>) offsets(%dma_start3A_143 : memref<40xi32, #tpu.memory_space<vmem>>) semaphore(%arg26 : memref<!tpu.dma_semaphore, #tpu.memory_space<semaphore_mem>>) {add = true}
    %scan3A = arith.constant 0 : i32
    %scan3A_147 = arith.constant 0 : i32
    %scan3A_148 = arith.constant 40 : i32
    %scan3A_149 = arith.addi %scan3A_147, %scan3A_148 : i32
    %scan3A_150 = arith.constant 1 : i32
    scf.for %scan3A_242 = %scan3A_147 to %scan3A_149 step %scan3A_150  : i32 {
      %mul3A_243 = arith.constant 6 : i32
      %mul3A_244 = arith.muli %scan3A_242, %mul3A_243 : i32
      %add3A_245 = arith.constant 6 : i32
      %add3A_246 = arith.addi %add3A_245, %mul3A_244 : i32
      %add3A_247 = arith.constant 0 : i32
      %add3A_248 = arith.addi %add3A_246, %add3A_247 : i32
      %mul3A_249 = arith.constant 40 : i32
      %mul3A_250 = arith.muli %add3A_248, %mul3A_249 : i32
      %dma_wait3A_251 = tpu.memref_slice %arg7[%mul3A_250] : memref<10000xi32, #tpu.memory_space<vmem>> -> memref<40xi32, #tpu.memory_space<vmem>>
      %dma_wait3A_252 = arith.constant 0 : i32
      %dma_wait3A_253 = arith.constant 0 : i32
      %dma_wait3A_254 = tpu.memref_slice %arg14[%dma_wait3A_252, %dma_wait3A_253] : memref<10000x128xf32, #tpu.memory_space<vmem_shared>> -> memref<10000x128xf32, #tpu.memory_space<vmem_shared>>
      tpu.wait_indirect_dma semaphore(%arg24 : memref<!tpu.dma_semaphore, #tpu.memory_space<semaphore_mem>>) src(%arg11 : memref<40x128xf32, #tpu.memory_space<vmem>>) dst(%dma_wait3A_254 : memref<10000x128xf32, #tpu.memory_space<vmem_shared>>)
      %add3A_255 = arith.constant 3 : i32
      %add3A_256 = arith.addi %add3A_248, %add3A_255 : i32
      %mul3A_257 = arith.constant 40 : i32
      %mul3A_258 = arith.muli %add3A_256, %mul3A_257 : i32
      %dma_start3A_259 = tpu.memref_slice %arg6[%mul3A_258] : memref<10000xi32, #tpu.memory_space<vmem>> -> memref<40xi32, #tpu.memory_space<vmem>>
      %dma_start3A_260 = arith.constant 0 : i32
      %dma_start3A_261 = arith.constant 0 : i32
      %dma_start3A_262 = tpu.memref_slice %arg2[%dma_start3A_260, %dma_start3A_261] : memref<10000x128xf32, #tpu.memory_space<hbm>> -> memref<10000x128xf32, #tpu.memory_space<hbm>>
      tpu.enqueue_indirect_dma source(%dma_start3A_262 : memref<10000x128xf32, #tpu.memory_space<hbm>>) target(%arg11 : memref<40x128xf32, #tpu.memory_space<vmem>>) offsets(%dma_start3A_259 : memref<40xi32, #tpu.memory_space<vmem>>) semaphore(%arg18 : memref<!tpu.dma_semaphore, #tpu.memory_space<semaphore_mem>>)
      %mul3A_263 = arith.constant 40 : i32
      %mul3A_264 = arith.muli %add3A_248, %mul3A_263 : i32
      %dma_wait3A_265 = tpu.memref_slice %arg6[%mul3A_264] : memref<10000xi32, #tpu.memory_space<vmem>> -> memref<40xi32, #tpu.memory_space<vmem>>
      %dma_wait3A_266 = arith.constant 0 : i32
      %dma_wait3A_267 = arith.constant 0 : i32
      %dma_wait3A_268 = tpu.memref_slice %arg2[%dma_wait3A_266, %dma_wait3A_267] : memref<10000x128xf32, #tpu.memory_space<hbm>> -> memref<10000x128xf32, #tpu.memory_space<hbm>>
      tpu.wait_indirect_dma semaphore(%arg15 : memref<!tpu.dma_semaphore, #tpu.memory_space<semaphore_mem>>) src(%dma_wait3A_268 : memref<10000x128xf32, #tpu.memory_space<hbm>>) dst(%arg8 : memref<40x128xf32, #tpu.memory_space<vmem>>)
      %mul3A_269 = arith.constant 40 : i32
      %mul3A_270 = arith.muli %add3A_248, %mul3A_269 : i32
      %dma_start3A_271 = tpu.memref_slice %arg7[%mul3A_270] : memref<10000xi32, #tpu.memory_space<vmem>> -> memref<40xi32, #tpu.memory_space<vmem>>
      %dma_start3A_272 = arith.constant 0 : i32
      %dma_start3A_273 = arith.constant 0 : i32
      %dma_start3A_274 = tpu.memref_slice %arg14[%dma_start3A_272, %dma_start3A_273] : memref<10000x128xf32, #tpu.memory_space<vmem_shared>> -> memref<10000x128xf32, #tpu.memory_space<vmem_shared>>
      tpu.enqueue_indirect_dma source(%arg8 : memref<40x128xf32, #tpu.memory_space<vmem>>) target(%dma_start3A_274 : memref<10000x128xf32, #tpu.memory_space<vmem_shared>>) offsets(%dma_start3A_271 : memref<40xi32, #tpu.memory_space<vmem>>) semaphore(%arg21 : memref<!tpu.dma_semaphore, #tpu.memory_space<semaphore_mem>>) {add = true}
      %add3A_275 = arith.constant 1 : i32
      %add3A_276 = arith.addi %add3A_246, %add3A_275 : i32
      %mul3A_277 = arith.constant 40 : i32
      %mul3A_278 = arith.muli %add3A_276, %mul3A_277 : i32
      %dma_wait3A_279 = tpu.memref_slice %arg7[%mul3A_278] : memref<10000xi32, #tpu.memory_space<vmem>> -> memref<40xi32, #tpu.memory_space<vmem>>
      %dma_wait3A_280 = arith.constant 0 : i32
      %dma_wait3A_281 = arith.constant 0 : i32
      %dma_wait3A_282 = tpu.memref_slice %arg14[%dma_wait3A_280, %dma_wait3A_281] : memref<10000x128xf32, #tpu.memory_space<vmem_shared>> -> memref<10000x128xf32, #tpu.memory_space<vmem_shared>>
      tpu.wait_indirect_dma semaphore(%arg25 : memref<!tpu.dma_semaphore, #tpu.memory_space<semaphore_mem>>) src(%arg12 : memref<40x128xf32, #tpu.memory_space<vmem>>) dst(%dma_wait3A_282 : memref<10000x128xf32, #tpu.memory_space<vmem_shared>>)
      %add3A_283 = arith.constant 3 : i32
      %add3A_284 = arith.addi %add3A_276, %add3A_283 : i32
      %mul3A_285 = arith.constant 40 : i32
      %mul3A_286 = arith.muli %add3A_284, %mul3A_285 : i32
      %dma_start3A_287 = tpu.memref_slice %arg6[%mul3A_286] : memref<10000xi32, #tpu.memory_space<vmem>> -> memref<40xi32, #tpu.memory_space<vmem>>
      %dma_start3A_288 = arith.constant 0 : i32
      %dma_start3A_289 = arith.constant 0 : i32
      %dma_start3A_290 = tpu.memref_slice %arg2[%dma_start3A_288, %dma_start3A_289] : memref<10000x128xf32, #tpu.memory_space<hbm>> -> memref<10000x128xf32, #tpu.memory_space<hbm>>
      tpu.enqueue_indirect_dma source(%dma_start3A_290 : memref<10000x128xf32, #tpu.memory_space<hbm>>) target(%arg12 : memref<40x128xf32, #tpu.memory_space<vmem>>) offsets(%dma_start3A_287 : memref<40xi32, #tpu.memory_space<vmem>>) semaphore(%arg19 : memref<!tpu.dma_semaphore, #tpu.memory_space<semaphore_mem>>)
      %mul3A_291 = arith.constant 40 : i32
      %mul3A_292 = arith.muli %add3A_276, %mul3A_291 : i32
      %dma_wait3A_293 = tpu.memref_slice %arg6[%mul3A_292] : memref<10000xi32, #tpu.memory_space<vmem>> -> memref<40xi32, #tpu.memory_space<vmem>>
      %dma_wait3A_294 = arith.constant 0 : i32
      %dma_wait3A_295 = arith.constant 0 : i32
      %dma_wait3A_296 = tpu.memref_slice %arg2[%dma_wait3A_294, %dma_wait3A_295] : memref<10000x128xf32, #tpu.memory_space<hbm>> -> memref<10000x128xf32, #tpu.memory_space<hbm>>
      tpu.wait_indirect_dma semaphore(%arg16 : memref<!tpu.dma_semaphore, #tpu.memory_space<semaphore_mem>>) src(%dma_wait3A_296 : memref<10000x128xf32, #tpu.memory_space<hbm>>) dst(%arg9 : memref<40x128xf32, #tpu.memory_space<vmem>>)
      %mul3A_297 = arith.constant 40 : i32
      %mul3A_298 = arith.muli %add3A_276, %mul3A_297 : i32
      %dma_start3A_299 = tpu.memref_slice %arg7[%mul3A_298] : memref<10000xi32, #tpu.memory_space<vmem>> -> memref<40xi32, #tpu.memory_space<vmem>>
      %dma_start3A_300 = arith.constant 0 : i32
      %dma_start3A_301 = arith.constant 0 : i32
      %dma_start3A_302 = tpu.memref_slice %arg14[%dma_start3A_300, %dma_start3A_301] : memref<10000x128xf32, #tpu.memory_space<vmem_shared>> -> memref<10000x128xf32, #tpu.memory_space<vmem_shared>>
      tpu.enqueue_indirect_dma source(%arg9 : memref<40x128xf32, #tpu.memory_space<vmem>>) target(%dma_start3A_302 : memref<10000x128xf32, #tpu.memory_space<vmem_shared>>) offsets(%dma_start3A_299 : memref<40xi32, #tpu.memory_space<vmem>>) semaphore(%arg22 : memref<!tpu.dma_semaphore, #tpu.memory_space<semaphore_mem>>) {add = true}
      %add3A_303 = arith.constant 2 : i32
      %add3A_304 = arith.addi %add3A_246, %add3A_303 : i32
      %mul3A_305 = arith.constant 40 : i32
      %mul3A_306 = arith.muli %add3A_304, %mul3A_305 : i32
      %dma_wait3A_307 = tpu.memref_slice %arg7[%mul3A_306] : memref<10000xi32, #tpu.memory_space<vmem>> -> memref<40xi32, #tpu.memory_space<vmem>>
      %dma_wait3A_308 = arith.constant 0 : i32
      %dma_wait3A_309 = arith.constant 0 : i32
      %dma_wait3A_310 = tpu.memref_slice %arg14[%dma_wait3A_308, %dma_wait3A_309] : memref<10000x128xf32, #tpu.memory_space<vmem_shared>> -> memref<10000x128xf32, #tpu.memory_space<vmem_shared>>
      tpu.wait_indirect_dma semaphore(%arg26 : memref<!tpu.dma_semaphore, #tpu.memory_space<semaphore_mem>>) src(%arg13 : memref<40x128xf32, #tpu.memory_space<vmem>>) dst(%dma_wait3A_310 : memref<10000x128xf32, #tpu.memory_space<vmem_shared>>)
      %add3A_311 = arith.constant 3 : i32
      %add3A_312 = arith.addi %add3A_304, %add3A_311 : i32
      %mul3A_313 = arith.constant 40 : i32
      %mul3A_314 = arith.muli %add3A_312, %mul3A_313 : i32
      %dma_start3A_315 = tpu.memref_slice %arg6[%mul3A_314] : memref<10000xi32, #tpu.memory_space<vmem>> -> memref<40xi32, #tpu.memory_space<vmem>>
      %dma_start3A_316 = arith.constant 0 : i32
      %dma_start3A_317 = arith.constant 0 : i32
      %dma_start3A_318 = tpu.memref_slice %arg2[%dma_start3A_316, %dma_start3A_317] : memref<10000x128xf32, #tpu.memory_space<hbm>> -> memref<10000x128xf32, #tpu.memory_space<hbm>>
      tpu.enqueue_indirect_dma source(%dma_start3A_318 : memref<10000x128xf32, #tpu.memory_space<hbm>>) target(%arg13 : memref<40x128xf32, #tpu.memory_space<vmem>>) offsets(%dma_start3A_315 : memref<40xi32, #tpu.memory_space<vmem>>) semaphore(%arg20 : memref<!tpu.dma_semaphore, #tpu.memory_space<semaphore_mem>>)
      %mul3A_319 = arith.constant 40 : i32
      %mul3A_320 = arith.muli %add3A_304, %mul3A_319 : i32
      %dma_wait3A_321 = tpu.memref_slice %arg6[%mul3A_320] : memref<10000xi32, #tpu.memory_space<vmem>> -> memref<40xi32, #tpu.memory_space<vmem>>
      %dma_wait3A_322 = arith.constant 0 : i32
      %dma_wait3A_323 = arith.constant 0 : i32
      %dma_wait3A_324 = tpu.memref_slice %arg2[%dma_wait3A_322, %dma_wait3A_323] : memref<10000x128xf32, #tpu.memory_space<hbm>> -> memref<10000x128xf32, #tpu.memory_space<hbm>>
      tpu.wait_indirect_dma semaphore(%arg17 : memref<!tpu.dma_semaphore, #tpu.memory_space<semaphore_mem>>) src(%dma_wait3A_324 : memref<10000x128xf32, #tpu.memory_space<hbm>>) dst(%arg10 : memref<40x128xf32, #tpu.memory_space<vmem>>)
      %mul3A_325 = arith.constant 40 : i32
      %mul3A_326 = arith.muli %add3A_304, %mul3A_325 : i32
      %dma_start3A_327 = tpu.memref_slice %arg7[%mul3A_326] : memref<10000xi32, #tpu.memory_space<vmem>> -> memref<40xi32, #tpu.memory_space<vmem>>
      %dma_start3A_328 = arith.constant 0 : i32
      %dma_start3A_329 = arith.constant 0 : i32
      %dma_start3A_330 = tpu.memref_slice %arg14[%dma_start3A_328, %dma_start3A_329] : memref<10000x128xf32, #tpu.memory_space<vmem_shared>> -> memref<10000x128xf32, #tpu.memory_space<vmem_shared>>
      tpu.enqueue_indirect_dma source(%arg10 : memref<40x128xf32, #tpu.memory_space<vmem>>) target(%dma_start3A_330 : memref<10000x128xf32, #tpu.memory_space<vmem_shared>>) offsets(%dma_start3A_327 : memref<40xi32, #tpu.memory_space<vmem>>) semaphore(%arg23 : memref<!tpu.dma_semaphore, #tpu.memory_space<semaphore_mem>>) {add = true}
      %add3A_331 = arith.constant 3 : i32
      %add3A_332 = arith.addi %add3A_246, %add3A_331 : i32
      %mul3A_333 = arith.constant 40 : i32
      %mul3A_334 = arith.muli %add3A_332, %mul3A_333 : i32
      %dma_wait3A_335 = tpu.memref_slice %arg7[%mul3A_334] : memref<10000xi32, #tpu.memory_space<vmem>> -> memref<40xi32, #tpu.memory_space<vmem>>
      %dma_wait3A_336 = arith.constant 0 : i32
      %dma_wait3A_337 = arith.constant 0 : i32
      %dma_wait3A_338 = tpu.memref_slice %arg14[%dma_wait3A_336, %dma_wait3A_337] : memref<10000x128xf32, #tpu.memory_space<vmem_shared>> -> memref<10000x128xf32, #tpu.memory_space<vmem_shared>>
      tpu.wait_indirect_dma semaphore(%arg21 : memref<!tpu.dma_semaphore, #tpu.memory_space<semaphore_mem>>) src(%arg8 : memref<40x128xf32, #tpu.memory_space<vmem>>) dst(%dma_wait3A_338 : memref<10000x128xf32, #tpu.memory_space<vmem_shared>>)
      %add3A_339 = arith.constant 3 : i32
      %add3A_340 = arith.addi %add3A_332, %add3A_339 : i32
      %mul3A_341 = arith.constant 40 : i32
      %mul3A_342 = arith.muli %add3A_340, %mul3A_341 : i32
      %dma_start3A_343 = tpu.memref_slice %arg6[%mul3A_342] : memref<10000xi32, #tpu.memory_space<vmem>> -> memref<40xi32, #tpu.memory_space<vmem>>
      %dma_start3A_344 = arith.constant 0 : i32
      %dma_start3A_345 = arith.constant 0 : i32
      %dma_start3A_346 = tpu.memref_slice %arg2[%dma_start3A_344, %dma_start3A_345] : memref<10000x128xf32, #tpu.memory_space<hbm>> -> memref<10000x128xf32, #tpu.memory_space<hbm>>
      tpu.enqueue_indirect_dma source(%dma_start3A_346 : memref<10000x128xf32, #tpu.memory_space<hbm>>) target(%arg8 : memref<40x128xf32, #tpu.memory_space<vmem>>) offsets(%dma_start3A_343 : memref<40xi32, #tpu.memory_space<vmem>>) semaphore(%arg15 : memref<!tpu.dma_semaphore, #tpu.memory_space<semaphore_mem>>)
      %mul3A_347 = arith.constant 40 : i32
      %mul3A_348 = arith.muli %add3A_332, %mul3A_347 : i32
      %dma_wait3A_349 = tpu.memref_slice %arg6[%mul3A_348] : memref<10000xi32, #tpu.memory_space<vmem>> -> memref<40xi32, #tpu.memory_space<vmem>>
      %dma_wait3A_350 = arith.constant 0 : i32
      %dma_wait3A_351 = arith.constant 0 : i32
      %dma_wait3A_352 = tpu.memref_slice %arg2[%dma_wait3A_350, %dma_wait3A_351] : memref<10000x128xf32, #tpu.memory_space<hbm>> -> memref<10000x128xf32, #tpu.memory_space<hbm>>
      tpu.wait_indirect_dma semaphore(%arg18 : memref<!tpu.dma_semaphore, #tpu.memory_space<semaphore_mem>>) src(%dma_wait3A_352 : memref<10000x128xf32, #tpu.memory_space<hbm>>) dst(%arg11 : memref<40x128xf32, #tpu.memory_space<vmem>>)
      %mul3A_353 = arith.constant 40 : i32
      %mul3A_354 = arith.muli %add3A_332, %mul3A_353 : i32
      %dma_start3A_355 = tpu.memref_slice %arg7[%mul3A_354] : memref<10000xi32, #tpu.memory_space<vmem>> -> memref<40xi32, #tpu.memory_space<vmem>>
      %dma_start3A_356 = arith.constant 0 : i32
      %dma_start3A_357 = arith.constant 0 : i32
      %dma_start3A_358 = tpu.memref_slice %arg14[%dma_start3A_356, %dma_start3A_357] : memref<10000x128xf32, #tpu.memory_space<vmem_shared>> -> memref<10000x128xf32, #tpu.memory_space<vmem_shared>>
      tpu.enqueue_indirect_dma source(%arg11 : memref<40x128xf32, #tpu.memory_space<vmem>>) target(%dma_start3A_358 : memref<10000x128xf32, #tpu.memory_space<vmem_shared>>) offsets(%dma_start3A_355 : memref<40xi32, #tpu.memory_space<vmem>>) semaphore(%arg24 : memref<!tpu.dma_semaphore, #tpu.memory_space<semaphore_mem>>) {add = true}
      %add3A_359 = arith.constant 4 : i32
      %add3A_360 = arith.addi %add3A_246, %add3A_359 : i32
      %mul3A_361 = arith.constant 40 : i32
      %mul3A_362 = arith.muli %add3A_360, %mul3A_361 : i32
      %dma_wait3A_363 = tpu.memref_slice %arg7[%mul3A_362] : memref<10000xi32, #tpu.memory_space<vmem>> -> memref<40xi32, #tpu.memory_space<vmem>>
      %dma_wait3A_364 = arith.constant 0 : i32
      %dma_wait3A_365 = arith.constant 0 : i32
      %dma_wait3A_366 = tpu.memref_slice %arg14[%dma_wait3A_364, %dma_wait3A_365] : memref<10000x128xf32, #tpu.memory_space<vmem_shared>> -> memref<10000x128xf32, #tpu.memory_space<vmem_shared>>
      tpu.wait_indirect_dma semaphore(%arg22 : memref<!tpu.dma_semaphore, #tpu.memory_space<semaphore_mem>>) src(%arg9 : memref<40x128xf32, #tpu.memory_space<vmem>>) dst(%dma_wait3A_366 : memref<10000x128xf32, #tpu.memory_space<vmem_shared>>)
      %add3A_367 = arith.constant 3 : i32
      %add3A_368 = arith.addi %add3A_360, %add3A_367 : i32
      %mul3A_369 = arith.constant 40 : i32
      %mul3A_370 = arith.muli %add3A_368, %mul3A_369 : i32
      %dma_start3A_371 = tpu.memref_slice %arg6[%mul3A_370] : memref<10000xi32, #tpu.memory_space<vmem>> -> memref<40xi32, #tpu.memory_space<vmem>>
      %dma_start3A_372 = arith.constant 0 : i32
      %dma_start3A_373 = arith.constant 0 : i32
      %dma_start3A_374 = tpu.memref_slice %arg2[%dma_start3A_372, %dma_start3A_373] : memref<10000x128xf32, #tpu.memory_space<hbm>> -> memref<10000x128xf32, #tpu.memory_space<hbm>>
      tpu.enqueue_indirect_dma source(%dma_start3A_374 : memref<10000x128xf32, #tpu.memory_space<hbm>>) target(%arg9 : memref<40x128xf32, #tpu.memory_space<vmem>>) offsets(%dma_start3A_371 : memref<40xi32, #tpu.memory_space<vmem>>) semaphore(%arg16 : memref<!tpu.dma_semaphore, #tpu.memory_space<semaphore_mem>>)
      %mul3A_375 = arith.constant 40 : i32
      %mul3A_376 = arith.muli %add3A_360, %mul3A_375 : i32
      %dma_wait3A_377 = tpu.memref_slice %arg6[%mul3A_376] : memref<10000xi32, #tpu.memory_space<vmem>> -> memref<40xi32, #tpu.memory_space<vmem>>
      %dma_wait3A_378 = arith.constant 0 : i32
      %dma_wait3A_379 = arith.constant 0 : i32
      %dma_wait3A_380 = tpu.memref_slice %arg2[%dma_wait3A_378, %dma_wait3A_379] : memref<10000x128xf32, #tpu.memory_space<hbm>> -> memref<10000x128xf32, #tpu.memory_space<hbm>>
      tpu.wait_indirect_dma semaphore(%arg19 : memref<!tpu.dma_semaphore, #tpu.memory_space<semaphore_mem>>) src(%dma_wait3A_380 : memref<10000x128xf32, #tpu.memory_space<hbm>>) dst(%arg12 : memref<40x128xf32, #tpu.memory_space<vmem>>)
      %mul3A_381 = arith.constant 40 : i32
      %mul3A_382 = arith.muli %add3A_360, %mul3A_381 : i32
      %dma_start3A_383 = tpu.memref_slice %arg7[%mul3A_382] : memref<10000xi32, #tpu.memory_space<vmem>> -> memref<40xi32, #tpu.memory_space<vmem>>
      %dma_start3A_384 = arith.constant 0 : i32
      %dma_start3A_385 = arith.constant 0 : i32
      %dma_start3A_386 = tpu.memref_slice %arg14[%dma_start3A_384, %dma_start3A_385] : memref<10000x128xf32, #tpu.memory_space<vmem_shared>> -> memref<10000x128xf32, #tpu.memory_space<vmem_shared>>
      tpu.enqueue_indirect_dma source(%arg12 : memref<40x128xf32, #tpu.memory_space<vmem>>) target(%dma_start3A_386 : memref<10000x128xf32, #tpu.memory_space<vmem_shared>>) offsets(%dma_start3A_383 : memref<40xi32, #tpu.memory_space<vmem>>) semaphore(%arg25 : memref<!tpu.dma_semaphore, #tpu.memory_space<semaphore_mem>>) {add = true}
      %add3A_387 = arith.constant 5 : i32
      %add3A_388 = arith.addi %add3A_246, %add3A_387 : i32
      %mul3A_389 = arith.constant 40 : i32
      %mul3A_390 = arith.muli %add3A_388, %mul3A_389 : i32
      %dma_wait3A_391 = tpu.memref_slice %arg7[%mul3A_390] : memref<10000xi32, #tpu.memory_space<vmem>> -> memref<40xi32, #tpu.memory_space<vmem>>
      %dma_wait3A_392 = arith.constant 0 : i32
      %dma_wait3A_393 = arith.constant 0 : i32
      %dma_wait3A_394 = tpu.memref_slice %arg14[%dma_wait3A_392, %dma_wait3A_393] : memref<10000x128xf32, #tpu.memory_space<vmem_shared>> -> memref<10000x128xf32, #tpu.memory_space<vmem_shared>>
      tpu.wait_indirect_dma semaphore(%arg23 : memref<!tpu.dma_semaphore, #tpu.memory_space<semaphore_mem>>) src(%arg10 : memref<40x128xf32, #tpu.memory_space<vmem>>) dst(%dma_wait3A_394 : memref<10000x128xf32, #tpu.memory_space<vmem_shared>>)
      %add3A_395 = arith.constant 3 : i32
      %add3A_396 = arith.addi %add3A_388, %add3A_395 : i32
      %mul3A_397 = arith.constant 40 : i32
      %mul3A_398 = arith.muli %add3A_396, %mul3A_397 : i32
      %dma_start3A_399 = tpu.memref_slice %arg6[%mul3A_398] : memref<10000xi32, #tpu.memory_space<vmem>> -> memref<40xi32, #tpu.memory_space<vmem>>
      %dma_start3A_400 = arith.constant 0 : i32
      %dma_start3A_401 = arith.constant 0 : i32
      %dma_start3A_402 = tpu.memref_slice %arg2[%dma_start3A_400, %dma_start3A_401] : memref<10000x128xf32, #tpu.memory_space<hbm>> -> memref<10000x128xf32, #tpu.memory_space<hbm>>
      tpu.enqueue_indirect_dma source(%dma_start3A_402 : memref<10000x128xf32, #tpu.memory_space<hbm>>) target(%arg10 : memref<40x128xf32, #tpu.memory_space<vmem>>) offsets(%dma_start3A_399 : memref<40xi32, #tpu.memory_space<vmem>>) semaphore(%arg17 : memref<!tpu.dma_semaphore, #tpu.memory_space<semaphore_mem>>)
      %mul3A_403 = arith.constant 40 : i32
      %mul3A_404 = arith.muli %add3A_388, %mul3A_403 : i32
      %dma_wait3A_405 = tpu.memref_slice %arg6[%mul3A_404] : memref<10000xi32, #tpu.memory_space<vmem>> -> memref<40xi32, #tpu.memory_space<vmem>>
      %dma_wait3A_406 = arith.constant 0 : i32
      %dma_wait3A_407 = arith.constant 0 : i32
      %dma_wait3A_408 = tpu.memref_slice %arg2[%dma_wait3A_406, %dma_wait3A_407] : memref<10000x128xf32, #tpu.memory_space<hbm>> -> memref<10000x128xf32, #tpu.memory_space<hbm>>
      tpu.wait_indirect_dma semaphore(%arg20 : memref<!tpu.dma_semaphore, #tpu.memory_space<semaphore_mem>>) src(%dma_wait3A_408 : memref<10000x128xf32, #tpu.memory_space<hbm>>) dst(%arg13 : memref<40x128xf32, #tpu.memory_space<vmem>>)
      %mul3A_409 = arith.constant 40 : i32
      %mul3A_410 = arith.muli %add3A_388, %mul3A_409 : i32
      %dma_start3A_411 = tpu.memref_slice %arg7[%mul3A_410] : memref<10000xi32, #tpu.memory_space<vmem>> -> memref<40xi32, #tpu.memory_space<vmem>>
      %dma_start3A_412 = arith.constant 0 : i32
      %dma_start3A_413 = arith.constant 0 : i32
      %dma_start3A_414 = tpu.memref_slice %arg14[%dma_start3A_412, %dma_start3A_413] : memref<10000x128xf32, #tpu.memory_space<vmem_shared>> -> memref<10000x128xf32, #tpu.memory_space<vmem_shared>>
      tpu.enqueue_indirect_dma source(%arg13 : memref<40x128xf32, #tpu.memory_space<vmem>>) target(%dma_start3A_414 : memref<10000x128xf32, #tpu.memory_space<vmem_shared>>) offsets(%dma_start3A_411 : memref<40xi32, #tpu.memory_space<vmem>>) semaphore(%arg26 : memref<!tpu.dma_semaphore, #tpu.memory_space<semaphore_mem>>) {add = true}
    }
    %scan3A_151 = arith.constant 40 : i32
    %dma_wait3A_152 = arith.constant 9840 : i32
    %dma_wait3A_153 = tpu.memref_slice %arg7[%dma_wait3A_152] : memref<10000xi32, #tpu.memory_space<vmem>> -> memref<40xi32, #tpu.memory_space<vmem>>
    %dma_wait3A_154 = arith.constant 0 : i32
    %dma_wait3A_155 = arith.constant 0 : i32
    %dma_wait3A_156 = tpu.memref_slice %arg14[%dma_wait3A_154, %dma_wait3A_155] : memref<10000x128xf32, #tpu.memory_space<vmem_shared>> -> memref<10000x128xf32, #tpu.memory_space<vmem_shared>>
    tpu.wait_indirect_dma semaphore(%arg24 : memref<!tpu.dma_semaphore, #tpu.memory_space<semaphore_mem>>) src(%arg11 : memref<40x128xf32, #tpu.memory_space<vmem>>) dst(%dma_wait3A_156 : memref<10000x128xf32, #tpu.memory_space<vmem_shared>>)
    %dma_start3A_157 = arith.constant 9960 : i32
    %dma_start3A_158 = tpu.memref_slice %arg6[%dma_start3A_157] : memref<10000xi32, #tpu.memory_space<vmem>> -> memref<40xi32, #tpu.memory_space<vmem>>
    %dma_start3A_159 = arith.constant 0 : i32
    %dma_start3A_160 = arith.constant 0 : i32
    %dma_start3A_161 = tpu.memref_slice %arg2[%dma_start3A_159, %dma_start3A_160] : memref<10000x128xf32, #tpu.memory_space<hbm>> -> memref<10000x128xf32, #tpu.memory_space<hbm>>
    tpu.enqueue_indirect_dma source(%dma_start3A_161 : memref<10000x128xf32, #tpu.memory_space<hbm>>) target(%arg11 : memref<40x128xf32, #tpu.memory_space<vmem>>) offsets(%dma_start3A_158 : memref<40xi32, #tpu.memory_space<vmem>>) semaphore(%arg18 : memref<!tpu.dma_semaphore, #tpu.memory_space<semaphore_mem>>)
    %dma_wait3A_162 = arith.constant 9840 : i32
    %dma_wait3A_163 = tpu.memref_slice %arg6[%dma_wait3A_162] : memref<10000xi32, #tpu.memory_space<vmem>> -> memref<40xi32, #tpu.memory_space<vmem>>
    %dma_wait3A_164 = arith.constant 0 : i32
    %dma_wait3A_165 = arith.constant 0 : i32
    %dma_wait3A_166 = tpu.memref_slice %arg2[%dma_wait3A_164, %dma_wait3A_165] : memref<10000x128xf32, #tpu.memory_space<hbm>> -> memref<10000x128xf32, #tpu.memory_space<hbm>>
    tpu.wait_indirect_dma semaphore(%arg15 : memref<!tpu.dma_semaphore, #tpu.memory_space<semaphore_mem>>) src(%dma_wait3A_166 : memref<10000x128xf32, #tpu.memory_space<hbm>>) dst(%arg8 : memref<40x128xf32, #tpu.memory_space<vmem>>)
    %dma_start3A_167 = arith.constant 9840 : i32
    %dma_start3A_168 = tpu.memref_slice %arg7[%dma_start3A_167] : memref<10000xi32, #tpu.memory_space<vmem>> -> memref<40xi32, #tpu.memory_space<vmem>>
    %dma_start3A_169 = arith.constant 0 : i32
    %dma_start3A_170 = arith.constant 0 : i32
    %dma_start3A_171 = tpu.memref_slice %arg14[%dma_start3A_169, %dma_start3A_170] : memref<10000x128xf32, #tpu.memory_space<vmem_shared>> -> memref<10000x128xf32, #tpu.memory_space<vmem_shared>>
    tpu.enqueue_indirect_dma source(%arg8 : memref<40x128xf32, #tpu.memory_space<vmem>>) target(%dma_start3A_171 : memref<10000x128xf32, #tpu.memory_space<vmem_shared>>) offsets(%dma_start3A_168 : memref<40xi32, #tpu.memory_space<vmem>>) semaphore(%arg21 : memref<!tpu.dma_semaphore, #tpu.memory_space<semaphore_mem>>) {add = true}
    %dma_wait3A_172 = arith.constant 9880 : i32
    %dma_wait3A_173 = tpu.memref_slice %arg6[%dma_wait3A_172] : memref<10000xi32, #tpu.memory_space<vmem>> -> memref<40xi32, #tpu.memory_space<vmem>>
    %dma_wait3A_174 = arith.constant 0 : i32
    %dma_wait3A_175 = arith.constant 0 : i32
    %dma_wait3A_176 = tpu.memref_slice %arg2[%dma_wait3A_174, %dma_wait3A_175] : memref<10000x128xf32, #tpu.memory_space<hbm>> -> memref<10000x128xf32, #tpu.memory_space<hbm>>
    tpu.wait_indirect_dma semaphore(%arg16 : memref<!tpu.dma_semaphore, #tpu.memory_space<semaphore_mem>>) src(%dma_wait3A_176 : memref<10000x128xf32, #tpu.memory_space<hbm>>) dst(%arg9 : memref<40x128xf32, #tpu.memory_space<vmem>>)
    %dma_start3A_177 = arith.constant 9880 : i32
    %dma_start3A_178 = tpu.memref_slice %arg7[%dma_start3A_177] : memref<10000xi32, #tpu.memory_space<vmem>> -> memref<40xi32, #tpu.memory_space<vmem>>
    %dma_start3A_179 = arith.constant 0 : i32
    %dma_start3A_180 = arith.constant 0 : i32
    %dma_start3A_181 = tpu.memref_slice %arg14[%dma_start3A_179, %dma_start3A_180] : memref<10000x128xf32, #tpu.memory_space<vmem_shared>> -> memref<10000x128xf32, #tpu.memory_space<vmem_shared>>
    tpu.enqueue_indirect_dma source(%arg9 : memref<40x128xf32, #tpu.memory_space<vmem>>) target(%dma_start3A_181 : memref<10000x128xf32, #tpu.memory_space<vmem_shared>>) offsets(%dma_start3A_178 : memref<40xi32, #tpu.memory_space<vmem>>) semaphore(%arg22 : memref<!tpu.dma_semaphore, #tpu.memory_space<semaphore_mem>>) {add = true}
    %dma_wait3A_182 = arith.constant 9920 : i32
    %dma_wait3A_183 = tpu.memref_slice %arg6[%dma_wait3A_182] : memref<10000xi32, #tpu.memory_space<vmem>> -> memref<40xi32, #tpu.memory_space<vmem>>
    %dma_wait3A_184 = arith.constant 0 : i32
    %dma_wait3A_185 = arith.constant 0 : i32
    %dma_wait3A_186 = tpu.memref_slice %arg2[%dma_wait3A_184, %dma_wait3A_185] : memref<10000x128xf32, #tpu.memory_space<hbm>> -> memref<10000x128xf32, #tpu.memory_space<hbm>>
    tpu.wait_indirect_dma semaphore(%arg17 : memref<!tpu.dma_semaphore, #tpu.memory_space<semaphore_mem>>) src(%dma_wait3A_186 : memref<10000x128xf32, #tpu.memory_space<hbm>>) dst(%arg10 : memref<40x128xf32, #tpu.memory_space<vmem>>)
    %dma_start3A_187 = arith.constant 9920 : i32
    %dma_start3A_188 = tpu.memref_slice %arg7[%dma_start3A_187] : memref<10000xi32, #tpu.memory_space<vmem>> -> memref<40xi32, #tpu.memory_space<vmem>>
    %dma_start3A_189 = arith.constant 0 : i32
    %dma_start3A_190 = arith.constant 0 : i32
    %dma_start3A_191 = tpu.memref_slice %arg14[%dma_start3A_189, %dma_start3A_190] : memref<10000x128xf32, #tpu.memory_space<vmem_shared>> -> memref<10000x128xf32, #tpu.memory_space<vmem_shared>>
    tpu.enqueue_indirect_dma source(%arg10 : memref<40x128xf32, #tpu.memory_space<vmem>>) target(%dma_start3A_191 : memref<10000x128xf32, #tpu.memory_space<vmem_shared>>) offsets(%dma_start3A_188 : memref<40xi32, #tpu.memory_space<vmem>>) semaphore(%arg23 : memref<!tpu.dma_semaphore, #tpu.memory_space<semaphore_mem>>) {add = true}
    %dma_wait3A_192 = arith.constant 9960 : i32
    %dma_wait3A_193 = tpu.memref_slice %arg6[%dma_wait3A_192] : memref<10000xi32, #tpu.memory_space<vmem>> -> memref<40xi32, #tpu.memory_space<vmem>>
    %dma_wait3A_194 = arith.constant 0 : i32
    %dma_wait3A_195 = arith.constant 0 : i32
    %dma_wait3A_196 = tpu.memref_slice %arg2[%dma_wait3A_194, %dma_wait3A_195] : memref<10000x128xf32, #tpu.memory_space<hbm>> -> memref<10000x128xf32, #tpu.memory_space<hbm>>
    tpu.wait_indirect_dma semaphore(%arg18 : memref<!tpu.dma_semaphore, #tpu.memory_space<semaphore_mem>>) src(%dma_wait3A_196 : memref<10000x128xf32, #tpu.memory_space<hbm>>) dst(%arg11 : memref<40x128xf32, #tpu.memory_space<vmem>>)
    %dma_start3A_197 = arith.constant 9960 : i32
    %dma_start3A_198 = tpu.memref_slice %arg7[%dma_start3A_197] : memref<10000xi32, #tpu.memory_space<vmem>> -> memref<40xi32, #tpu.memory_space<vmem>>
    %dma_start3A_199 = arith.constant 0 : i32
    %dma_start3A_200 = arith.constant 0 : i32
    %dma_start3A_201 = tpu.memref_slice %arg14[%dma_start3A_199, %dma_start3A_200] : memref<10000x128xf32, #tpu.memory_space<vmem_shared>> -> memref<10000x128xf32, #tpu.memory_space<vmem_shared>>
    tpu.enqueue_indirect_dma source(%arg11 : memref<40x128xf32, #tpu.memory_space<vmem>>) target(%dma_start3A_201 : memref<10000x128xf32, #tpu.memory_space<vmem_shared>>) offsets(%dma_start3A_198 : memref<40xi32, #tpu.memory_space<vmem>>) semaphore(%arg24 : memref<!tpu.dma_semaphore, #tpu.memory_space<semaphore_mem>>) {add = true}
    %dma_wait3A_202 = arith.constant 9760 : i32
    %dma_wait3A_203 = tpu.memref_slice %arg7[%dma_wait3A_202] : memref<10000xi32, #tpu.memory_space<vmem>> -> memref<40xi32, #tpu.memory_space<vmem>>
    %dma_wait3A_204 = arith.constant 0 : i32
    %dma_wait3A_205 = arith.constant 0 : i32
    %dma_wait3A_206 = tpu.memref_slice %arg14[%dma_wait3A_204, %dma_wait3A_205] : memref<10000x128xf32, #tpu.memory_space<vmem_shared>> -> memref<10000x128xf32, #tpu.memory_space<vmem_shared>>
    tpu.wait_indirect_dma semaphore(%arg25 : memref<!tpu.dma_semaphore, #tpu.memory_space<semaphore_mem>>) src(%arg12 : memref<40x128xf32, #tpu.memory_space<vmem>>) dst(%dma_wait3A_206 : memref<10000x128xf32, #tpu.memory_space<vmem_shared>>)
    %dma_wait3A_207 = arith.constant 9800 : i32
    %dma_wait3A_208 = tpu.memref_slice %arg7[%dma_wait3A_207] : memref<10000xi32, #tpu.memory_space<vmem>> -> memref<40xi32, #tpu.memory_space<vmem>>
    %dma_wait3A_209 = arith.constant 0 : i32
    %dma_wait3A_210 = arith.constant 0 : i32
    %dma_wait3A_211 = tpu.memref_slice %arg14[%dma_wait3A_209, %dma_wait3A_210] : memref<10000x128xf32, #tpu.memory_space<vmem_shared>> -> memref<10000x128xf32, #tpu.memory_space<vmem_shared>>
    tpu.wait_indirect_dma semaphore(%arg26 : memref<!tpu.dma_semaphore, #tpu.memory_space<semaphore_mem>>) src(%arg13 : memref<40x128xf32, #tpu.memory_space<vmem>>) dst(%dma_wait3A_211 : memref<10000x128xf32, #tpu.memory_space<vmem_shared>>)
    %dma_wait3A_212 = arith.constant 9840 : i32
    %dma_wait3A_213 = tpu.memref_slice %arg7[%dma_wait3A_212] : memref<10000xi32, #tpu.memory_space<vmem>> -> memref<40xi32, #tpu.memory_space<vmem>>
    %dma_wait3A_214 = arith.constant 0 : i32
    %dma_wait3A_215 = arith.constant 0 : i32
    %dma_wait3A_216 = tpu.memref_slice %arg14[%dma_wait3A_214, %dma_wait3A_215] : memref<10000x128xf32, #tpu.memory_space<vmem_shared>> -> memref<10000x128xf32, #tpu.memory_space<vmem_shared>>
    tpu.wait_indirect_dma semaphore(%arg21 : memref<!tpu.dma_semaphore, #tpu.memory_space<semaphore_mem>>) src(%arg8 : memref<40x128xf32, #tpu.memory_space<vmem>>) dst(%dma_wait3A_216 : memref<10000x128xf32, #tpu.memory_space<vmem_shared>>)
    %dma_wait3A_217 = arith.constant 9880 : i32
    %dma_wait3A_218 = tpu.memref_slice %arg7[%dma_wait3A_217] : memref<10000xi32, #tpu.memory_space<vmem>> -> memref<40xi32, #tpu.memory_space<vmem>>
    %dma_wait3A_219 = arith.constant 0 : i32
    %dma_wait3A_220 = arith.constant 0 : i32
    %dma_wait3A_221 = tpu.memref_slice %arg14[%dma_wait3A_219, %dma_wait3A_220] : memref<10000x128xf32, #tpu.memory_space<vmem_shared>> -> memref<10000x128xf32, #tpu.memory_space<vmem_shared>>
    tpu.wait_indirect_dma semaphore(%arg22 : memref<!tpu.dma_semaphore, #tpu.memory_space<semaphore_mem>>) src(%arg9 : memref<40x128xf32, #tpu.memory_space<vmem>>) dst(%dma_wait3A_221 : memref<10000x128xf32, #tpu.memory_space<vmem_shared>>)
    %dma_wait3A_222 = arith.constant 9920 : i32
    %dma_wait3A_223 = tpu.memref_slice %arg7[%dma_wait3A_222] : memref<10000xi32, #tpu.memory_space<vmem>> -> memref<40xi32, #tpu.memory_space<vmem>>
    %dma_wait3A_224 = arith.constant 0 : i32
    %dma_wait3A_225 = arith.constant 0 : i32
    %dma_wait3A_226 = tpu.memref_slice %arg14[%dma_wait3A_224, %dma_wait3A_225] : memref<10000x128xf32, #tpu.memory_space<vmem_shared>> -> memref<10000x128xf32, #tpu.memory_space<vmem_shared>>
    tpu.wait_indirect_dma semaphore(%arg23 : memref<!tpu.dma_semaphore, #tpu.memory_space<semaphore_mem>>) src(%arg10 : memref<40x128xf32, #tpu.memory_space<vmem>>) dst(%dma_wait3A_226 : memref<10000x128xf32, #tpu.memory_space<vmem_shared>>)
    %dma_wait3A_227 = arith.constant 9960 : i32
    %dma_wait3A_228 = tpu.memref_slice %arg7[%dma_wait3A_227] : memref<10000xi32, #tpu.memory_space<vmem>> -> memref<40xi32, #tpu.memory_space<vmem>>
    %dma_wait3A_229 = arith.constant 0 : i32
    %dma_wait3A_230 = arith.constant 0 : i32
    %dma_wait3A_231 = tpu.memref_slice %arg14[%dma_wait3A_229, %dma_wait3A_230] : memref<10000x128xf32, #tpu.memory_space<vmem_shared>> -> memref<10000x128xf32, #tpu.memory_space<vmem_shared>>
    tpu.wait_indirect_dma semaphore(%arg24 : memref<!tpu.dma_semaphore, #tpu.memory_space<semaphore_mem>>) src(%arg11 : memref<40x128xf32, #tpu.memory_space<vmem>>) dst(%dma_wait3A_231 : memref<10000x128xf32, #tpu.memory_space<vmem_shared>>)
    %barrier3A_232 = arith.constant 0 : index
    tpu.barrier barrier_id(%barrier3A_232)
    %mul3A_233 = arith.constant 624 : i32
    %mul3A_234 = arith.muli %arg1, %mul3A_233 : i32
    %mul3A_235 = arith.constant 624 : i32
    %mul3A_236 = arith.muli %arg1, %mul3A_235 : i32
    "tpu.region"() ({
      %run_scoped3A_242 = tpu.sem_alloc : memref<!tpu.dma_semaphore, #tpu.memory_space<semaphore_mem>>
      %dma_start3A_243 = arith.constant 0 : i32
      %dma_start3A_244 = tpu.memref_slice %arg5[%arg0, %mul3A_236, %dma_start3A_243] : memref<2x10000x128xf32, #tpu.memory_space<hbm>> -> memref<1x624x128xf32, #tpu.memory_space<hbm>>
      %dma_start3A_245 = tpu.memref_squeeze %dma_start3A_244 : memref<1x624x128xf32, #tpu.memory_space<hbm>> -> memref<624x128xf32, #tpu.memory_space<hbm>>
      %dma_start3A_246 = arith.constant 0 : i32
      %dma_start3A_247 = tpu.memref_slice %arg14[%mul3A_234, %dma_start3A_246] : memref<10000x128xf32, #tpu.memory_space<vmem_shared>> -> memref<624x128xf32, #tpu.memory_space<vmem_shared>>
      tpu.enqueue_dma source(%dma_start3A_247 : memref<624x128xf32, #tpu.memory_space<vmem_shared>>) target(%dma_start3A_245 : memref<624x128xf32, #tpu.memory_space<hbm>>) target_semaphore(%run_scoped3A_242 : memref<!tpu.dma_semaphore, #tpu.memory_space<semaphore_mem>>)
      %dma_wait3A_248 = arith.constant 0 : i32
      %dma_wait3A_249 = tpu.memref_slice %arg5[%arg0, %mul3A_236, %dma_wait3A_248] : memref<2x10000x128xf32, #tpu.memory_space<hbm>> -> memref<1x624x128xf32, #tpu.memory_space<hbm>>
      %dma_wait3A_250 = tpu.memref_squeeze %dma_wait3A_249 : memref<1x624x128xf32, #tpu.memory_space<hbm>> -> memref<624x128xf32, #tpu.memory_space<hbm>>
      %dma_wait3A_251 = arith.constant 0 : i32
      %dma_wait3A_252 = tpu.memref_slice %arg14[%mul3A_234, %dma_wait3A_251] : memref<10000x128xf32, #tpu.memory_space<vmem_shared>> -> memref<624x128xf32, #tpu.memory_space<vmem_shared>>
      tpu.wait_dma2 semaphore(%run_scoped3A_242 : memref<!tpu.dma_semaphore, #tpu.memory_space<semaphore_mem>>) src(%dma_wait3A_252 : memref<624x128xf32, #tpu.memory_space<vmem_shared>>) dst(%dma_wait3A_250 : memref<624x128xf32, #tpu.memory_space<hbm>>)
      tpu.yield
    }) : () -> ()
    %eq3A_237 = arith.constant 15 : i32
    %eq3A_238 = arith.cmpi eq, %arg1, %eq3A_237 : i32
    %convert_element_type3A_239 = arith.extui %eq3A_238 : i1 to i32
    %cond3A_240 = arith.constant 0 : i32
    %cond3A_241 = arith.cmpi ne, %convert_element_type3A_239, %cond3A_240 : i32
    scf.if %cond3A_241 {
      "tpu.region"() ({
        %run_scoped3A_242 = tpu.sem_alloc : memref<!tpu.dma_semaphore, #tpu.memory_space<semaphore_mem>>
        %dma_start3A_243 = arith.constant 9984 : i32
        %dma_start3A_244 = arith.constant 0 : i32
        %dma_start3A_245 = tpu.memref_slice %arg5[%arg0, %dma_start3A_243, %dma_start3A_244] : memref<2x10000x128xf32, #tpu.memory_space<hbm>> -> memref<1x16x128xf32, #tpu.memory_space<hbm>>
        %dma_start3A_246 = tpu.memref_squeeze %dma_start3A_245 : memref<1x16x128xf32, #tpu.memory_space<hbm>> -> memref<16x128xf32, #tpu.memory_space<hbm>>
        %dma_start3A_247 = arith.constant 9984 : i32
        %dma_start3A_248 = arith.constant 0 : i32
        %dma_start3A_249 = tpu.memref_slice %arg14[%dma_start3A_247, %dma_start3A_248] : memref<10000x128xf32, #tpu.memory_space<vmem_shared>> -> memref<16x128xf32, #tpu.memory_space<vmem_shared>>
        tpu.enqueue_dma source(%dma_start3A_249 : memref<16x128xf32, #tpu.memory_space<vmem_shared>>) target(%dma_start3A_246 : memref<16x128xf32, #tpu.memory_space<hbm>>) target_semaphore(%run_scoped3A_242 : memref<!tpu.dma_semaphore, #tpu.memory_space<semaphore_mem>>)
        %dma_wait3A_250 = arith.constant 9984 : i32
        %dma_wait3A_251 = arith.constant 0 : i32
        %dma_wait3A_252 = tpu.memref_slice %arg5[%arg0, %dma_wait3A_250, %dma_wait3A_251] : memref<2x10000x128xf32, #tpu.memory_space<hbm>> -> memref<1x16x128xf32, #tpu.memory_space<hbm>>
        %dma_wait3A_253 = tpu.memref_squeeze %dma_wait3A_252 : memref<1x16x128xf32, #tpu.memory_space<hbm>> -> memref<16x128xf32, #tpu.memory_space<hbm>>
        %dma_wait3A_254 = arith.constant 9984 : i32
        %dma_wait3A_255 = arith.constant 0 : i32
        %dma_wait3A_256 = tpu.memref_slice %arg14[%dma_wait3A_254, %dma_wait3A_255] : memref<10000x128xf32, #tpu.memory_space<vmem_shared>> -> memref<16x128xf32, #tpu.memory_space<vmem_shared>>
        tpu.wait_dma2 semaphore(%run_scoped3A_242 : memref<!tpu.dma_semaphore, #tpu.memory_space<semaphore_mem>>) src(%dma_wait3A_256 : memref<16x128xf32, #tpu.memory_space<vmem_shared>>) dst(%dma_wait3A_253 : memref<16x128xf32, #tpu.memory_space<hbm>>)
        tpu.yield
      }) : () -> ()
    } else {
    }
    return
  }
}

module attributes {stable_mosaic.version = 14 : i64} {
  func.func @_k0_body(%arg0: i32, %arg1: memref<2000x128xf32, #tpu.memory_space<vmem>>, %arg2: memref<2x2000x16xf32, #tpu.memory_space<vmem>>, %arg3: memref<2000x128xf32, #tpu.memory_space<vmem>>, %arg4: memref<2000x16xf32, #tpu.memory_space<vmem>>) attributes {dimension_semantics = [#tpu.dimension_semantics<arbitrary>], iteration_bounds = array<i64: 5>, scalar_prefetch = 0 : i64, scratch_operands = 0 : i64, tpu.core_type = #tpu.core_type<tc>, window_params = [{transform_indices = @transform_0, window_bounds = array<i64: 2000, 128>}, {transform_indices = @transform_1, window_bounds = array<i64: 2, 2000, 16>}, {transform_indices = @transform_2, window_bounds = array<i64: 2000, 128>}, {transform_indices = @transform_3, window_bounds = array<i64: 2000, 16>}]} {
    %get3A = arith.constant 0 : index
    %get3A_0 = arith.constant 0 : index
    %get3A_1 = arith.constant 0 : index
    %get3A_2 = vector.load %arg2[%get3A, %get3A_0, %get3A_1] : memref<2x2000x16xf32, #tpu.memory_space<vmem>>, vector<1x2000x1xf32>
    %get3A_3 = vector.shape_cast %get3A_2 : vector<1x2000x1xf32> to vector<2000x1xf32>
    %add3A = arith.constant 1.000000e+00 : f32
    %add3A_4 = vector.broadcast %add3A : f32 to vector<2000x1xf32>
    %add3A_5 = arith.addf %add3A_4, %get3A_3 : vector<2000x1xf32>
    %get3A_6 = arith.constant 1 : index
    %get3A_7 = arith.constant 0 : index
    %get3A_8 = arith.constant 0 : index
    %get3A_9 = vector.load %arg2[%get3A_6, %get3A_7, %get3A_8] : memref<2x2000x16xf32, #tpu.memory_space<vmem>>, vector<1x2000x1xf32>
    %get3A_10 = vector.shape_cast %get3A_9 : vector<1x2000x1xf32> to vector<2000x1xf32>
    %add3A_11 = arith.addf %add3A_5, %get3A_10 : vector<2000x1xf32>
    %rsqrt3A = math.rsqrt %add3A_11 : vector<2000x1xf32>
    %get3A_12 = arith.constant 0 : index
    %get3A_13 = arith.constant 0 : index
    %get3A_14 = vector.load %arg1[%get3A_12, %get3A_13] : memref<2000x128xf32, #tpu.memory_space<vmem>>, vector<2000x128xf32>
    %mul3A = vector.broadcast %rsqrt3A : vector<2000x1xf32> to vector<2000x128xf32>
    %mul3A_15 = arith.mulf %get3A_14, %mul3A : vector<2000x128xf32>
    %swap3A = arith.constant 0 : index
    %swap3A_16 = arith.constant 0 : index
    %swap3A_17 = vector.load %arg3[%swap3A, %swap3A_16] : memref<2000x128xf32, #tpu.memory_space<vmem>>, vector<2000x128xf32>
    tpu.vector_store %arg3[%swap3A, %swap3A_16], %mul3A_15 {strides = array<i32>} : memref<2000x128xf32, #tpu.memory_space<vmem>>, vector<2000x128xf32>,
    %broadcast_in_dim3A = vector.shape_cast %rsqrt3A : vector<2000x1xf32> to vector<2000x1xf32>
    %broadcast_in_dim3A_18 = vector.broadcast %broadcast_in_dim3A : vector<2000x1xf32> to vector<2000x16xf32>
    %swap3A_19 = arith.constant 0 : index
    %swap3A_20 = arith.constant 0 : index
    %swap3A_21 = vector.load %arg4[%swap3A_19, %swap3A_20] : memref<2000x16xf32, #tpu.memory_space<vmem>>, vector<2000x16xf32>
    tpu.vector_store %arg4[%swap3A_19, %swap3A_20], %broadcast_in_dim3A_18 {strides = array<i32>} : memref<2000x16xf32, #tpu.memory_space<vmem>>, vector<2000x16xf32>,
    return
  }
  func.func @transform_0(%arg0: i32) -> (i32, i32) {
    %c0_i32 = arith.constant 0 : i32
    %c0_i32_0 = arith.constant 0 : i32
    return %arg0, %c0_i32 : i32, i32
  }
  func.func @transform_1(%arg0: i32) -> (i32, i32, i32) {
    %c0_i32 = arith.constant 0 : i32
    %c0_i32_0 = arith.constant 0 : i32
    %c0_i32_1 = arith.constant 0 : i32
    return %c0_i32, %arg0, %c0_i32_0 : i32, i32, i32
  }
  func.func @transform_2(%arg0: i32) -> (i32, i32) {
    %c0_i32 = arith.constant 0 : i32
    %c0_i32_0 = arith.constant 0 : i32
    return %arg0, %c0_i32 : i32, i32
  }
  func.func @transform_3(%arg0: i32) -> (i32, i32) {
    %c0_i32 = arith.constant 0 : i32
    %c0_i32_0 = arith.constant 0 : i32
    return %arg0, %c0_i32 : i32, i32
  }
}

module attributes {stable_mosaic.version = 14 : i64} {
  func.func @_k1_body(%arg0: i32, %arg1: memref<2x2000x128xf32, #tpu.memory_space<vmem>>, %arg2: memref<2000x128xf32, #tpu.memory_space<vmem>>, %arg3: memref<2000x16xf32, #tpu.memory_space<vmem>>, %arg4: memref<128x128xf32, #tpu.memory_space<vmem>>, %arg5: memref<1x128xf32, #tpu.memory_space<vmem>>, %arg6: memref<2000x128xf32, #tpu.memory_space<vmem>>) attributes {dimension_semantics = [#tpu.dimension_semantics<arbitrary>], iteration_bounds = array<i64: 5>, scalar_prefetch = 0 : i64, scratch_operands = 0 : i64, tpu.core_type = #tpu.core_type<tc>, window_params = [{transform_indices = @transform_0, window_bounds = array<i64: 2, 2000, 128>}, {transform_indices = @transform_1, window_bounds = array<i64: 2000, 128>}, {transform_indices = @transform_2, window_bounds = array<i64: 2000, 16>}, {pipeline_mode = #tpu.pipeline_mode<synchronous>, transform_indices = @transform_3, window_bounds = array<i64: 128, 128>}, {pipeline_mode = #tpu.pipeline_mode<synchronous>, transform_indices = @transform_4, window_bounds = array<i64: 1, 128>}, {transform_indices = @transform_5, window_bounds = array<i64: 2000, 128>}]} {
    %get3A = arith.constant 0 : index
    %get3A_0 = arith.constant 0 : index
    %get3A_1 = vector.load %arg3[%get3A, %get3A_0] : memref<2000x16xf32, #tpu.memory_space<vmem>>, vector<2000x1xf32>
    %get3A_2 = arith.constant 0 : index
    %get3A_3 = arith.constant 0 : index
    %get3A_4 = arith.constant 0 : index
    %get3A_5 = vector.load %arg1[%get3A_2, %get3A_3, %get3A_4] : memref<2x2000x128xf32, #tpu.memory_space<vmem>>, vector<1x2000x128xf32>
    %get3A_6 = vector.shape_cast %get3A_5 : vector<1x2000x128xf32> to vector<2000x128xf32>
    %get3A_7 = arith.constant 1 : index
    %get3A_8 = arith.constant 0 : index
    %get3A_9 = arith.constant 0 : index
    %get3A_10 = vector.load %arg1[%get3A_7, %get3A_8, %get3A_9] : memref<2x2000x128xf32, #tpu.memory_space<vmem>>, vector<1x2000x128xf32>
    %get3A_11 = vector.shape_cast %get3A_10 : vector<1x2000x128xf32> to vector<2000x128xf32>
    %add3A = arith.addf %get3A_6, %get3A_11 : vector<2000x128xf32>
    %get3A_12 = arith.constant 0 : index
    %get3A_13 = arith.constant 0 : index
    %get3A_14 = vector.load %arg2[%get3A_12, %get3A_13] : memref<2000x128xf32, #tpu.memory_space<vmem>>, vector<2000x128xf32>
    %add3A_15 = arith.addf %add3A, %get3A_14 : vector<2000x128xf32>
    %mul3A = vector.broadcast %get3A_1 : vector<2000x1xf32> to vector<2000x128xf32>
    %mul3A_16 = arith.mulf %mul3A, %add3A_15 : vector<2000x128xf32>
    %get3A_17 = arith.constant 0 : index
    %get3A_18 = arith.constant 0 : index
    %get3A_19 = vector.load %arg4[%get3A_17, %get3A_18] : memref<128x128xf32, #tpu.memory_space<vmem>>, vector<128x128xf32>
    %dot_general3A = arith.constant dense<0.000000e+00> : vector<2000x128xf32>
    %dot_general3A_20 = tpu.matmul %mul3A_16, %get3A_19, %dot_general3A {dimension_numbers = #tpu.dot_dimension_numbers<[1], [0], [0], [1], [0, 0, 1, 1], [], []>, transpose_lhs_hint = false} : vector<2000x128xf32>, vector<128x128xf32>, vector<2000x128xf32> -> vector<2000x128xf32>
    %get3A_21 = arith.constant 0 : index
    %get3A_22 = arith.constant 0 : index
    %get3A_23 = vector.load %arg5[%get3A_21, %get3A_22] : memref<1x128xf32, #tpu.memory_space<vmem>>, vector<1x128xf32>
    %add3A_24 = vector.broadcast %get3A_23 : vector<1x128xf32> to vector<2000x128xf32>
    %add3A_25 = arith.addf %dot_general3A_20, %add3A_24 : vector<2000x128xf32>
    %max3A = arith.constant 0.000000e+00 : f32
    %max3A_26 = vector.broadcast %max3A : f32 to vector<2000x128xf32>
    %max3A_27 = arith.maximumf %add3A_25, %max3A_26 : vector<2000x128xf32>
    %mul3A_28 = vector.broadcast %get3A_1 : vector<2000x1xf32> to vector<2000x128xf32>
    %mul3A_29 = arith.mulf %mul3A_28, %max3A_27 : vector<2000x128xf32>
    %swap3A = arith.constant 0 : index
    %swap3A_30 = arith.constant 0 : index
    %swap3A_31 = vector.load %arg6[%swap3A, %swap3A_30] : memref<2000x128xf32, #tpu.memory_space<vmem>>, vector<2000x128xf32>
    tpu.vector_store %arg6[%swap3A, %swap3A_30], %mul3A_29 {strides = array<i32>} : memref<2000x128xf32, #tpu.memory_space<vmem>>, vector<2000x128xf32>,
    return
  }
  func.func @transform_0(%arg0: i32) -> (i32, i32, i32) {
    %c0_i32 = arith.constant 0 : i32
    %c0_i32_0 = arith.constant 0 : i32
    %c0_i32_1 = arith.constant 0 : i32
    return %c0_i32, %arg0, %c0_i32_0 : i32, i32, i32
  }
  func.func @transform_1(%arg0: i32) -> (i32, i32) {
    %c0_i32 = arith.constant 0 : i32
    %c0_i32_0 = arith.constant 0 : i32
    return %arg0, %c0_i32 : i32, i32
  }
  func.func @transform_2(%arg0: i32) -> (i32, i32) {
    %c0_i32 = arith.constant 0 : i32
    %c0_i32_0 = arith.constant 0 : i32
    return %arg0, %c0_i32 : i32, i32
  }
  func.func @transform_3(%arg0: i32) -> (i32, i32) {
    %c0_i32 = arith.constant 0 : i32
    %c0_i32_0 = arith.constant 0 : i32
    %c0_i32_1 = arith.constant 0 : i32
    return %c0_i32, %c0_i32_0 : i32, i32
  }
  func.func @transform_4(%arg0: i32) -> (i32, i32) {
    %c0_i32 = arith.constant 0 : i32
    %c0_i32_0 = arith.constant 0 : i32
    %c0_i32_1 = arith.constant 0 : i32
    return %c0_i32, %c0_i32_0 : i32, i32
  }
  func.func @transform_5(%arg0: i32) -> (i32, i32) {
    %c0_i32 = arith.constant 0 : i32
    %c0_i32_0 = arith.constant 0 : i32
    return %arg0, %c0_i32 : i32, i32
  }
}

module attributes {stable_mosaic.version = 14 : i64} {
  func.func @_k2_body(%arg0: i32, %arg1: memref<2x2000x128xf32, #tpu.memory_space<vmem>>, %arg2: memref<2000x128xf32, #tpu.memory_space<vmem>>, %arg3: memref<2000x16xf32, #tpu.memory_space<vmem>>, %arg4: memref<128x256xf32, #tpu.memory_space<vmem>>, %arg5: memref<1x256xf32, #tpu.memory_space<vmem>>, %arg6: memref<256x16xf32, #tpu.memory_space<vmem>>, %arg7: memref<2000x16xf32, #tpu.memory_space<vmem>>) attributes {dimension_semantics = [#tpu.dimension_semantics<arbitrary>], iteration_bounds = array<i64: 5>, scalar_prefetch = 0 : i64, scratch_operands = 0 : i64, tpu.core_type = #tpu.core_type<tc>, window_params = [{transform_indices = @transform_0, window_bounds = array<i64: 2, 2000, 128>}, {transform_indices = @transform_1, window_bounds = array<i64: 2000, 128>}, {transform_indices = @transform_2, window_bounds = array<i64: 2000, 16>}, {pipeline_mode = #tpu.pipeline_mode<synchronous>, transform_indices = @transform_3, window_bounds = array<i64: 128, 256>}, {pipeline_mode = #tpu.pipeline_mode<synchronous>, transform_indices = @transform_4, window_bounds = array<i64: 1, 256>}, {pipeline_mode = #tpu.pipeline_mode<synchronous>, transform_indices = @transform_5, window_bounds = array<i64: 256, 16>}, {transform_indices = @transform_6, window_bounds = array<i64: 2000, 16>}]} {
    %get3A = arith.constant 0 : index
    %get3A_0 = arith.constant 0 : index
    %get3A_1 = vector.load %arg3[%get3A, %get3A_0] : memref<2000x16xf32, #tpu.memory_space<vmem>>, vector<2000x1xf32>
    %get3A_2 = arith.constant 0 : index
    %get3A_3 = arith.constant 0 : index
    %get3A_4 = arith.constant 0 : index
    %get3A_5 = vector.load %arg1[%get3A_2, %get3A_3, %get3A_4] : memref<2x2000x128xf32, #tpu.memory_space<vmem>>, vector<1x2000x128xf32>
    %get3A_6 = vector.shape_cast %get3A_5 : vector<1x2000x128xf32> to vector<2000x128xf32>
    %get3A_7 = arith.constant 1 : index
    %get3A_8 = arith.constant 0 : index
    %get3A_9 = arith.constant 0 : index
    %get3A_10 = vector.load %arg1[%get3A_7, %get3A_8, %get3A_9] : memref<2x2000x128xf32, #tpu.memory_space<vmem>>, vector<1x2000x128xf32>
    %get3A_11 = vector.shape_cast %get3A_10 : vector<1x2000x128xf32> to vector<2000x128xf32>
    %add3A = arith.addf %get3A_6, %get3A_11 : vector<2000x128xf32>
    %get3A_12 = arith.constant 0 : index
    %get3A_13 = arith.constant 0 : index
    %get3A_14 = vector.load %arg2[%get3A_12, %get3A_13] : memref<2000x128xf32, #tpu.memory_space<vmem>>, vector<2000x128xf32>
    %add3A_15 = arith.addf %add3A, %get3A_14 : vector<2000x128xf32>
    %mul3A = vector.broadcast %get3A_1 : vector<2000x1xf32> to vector<2000x128xf32>
    %mul3A_16 = arith.mulf %mul3A, %add3A_15 : vector<2000x128xf32>
    %get3A_17 = arith.constant 0 : index
    %get3A_18 = arith.constant 0 : index
    %get3A_19 = vector.load %arg4[%get3A_17, %get3A_18] : memref<128x256xf32, #tpu.memory_space<vmem>>, vector<128x256xf32>
    %dot_general3A = arith.constant dense<0.000000e+00> : vector<2000x256xf32>
    %dot_general3A_20 = tpu.matmul %mul3A_16, %get3A_19, %dot_general3A {dimension_numbers = #tpu.dot_dimension_numbers<[1], [0], [0], [1], [0, 0, 1, 1], [], []>, transpose_lhs_hint = false} : vector<2000x128xf32>, vector<128x256xf32>, vector<2000x256xf32> -> vector<2000x256xf32>
    %get3A_21 = arith.constant 0 : index
    %get3A_22 = arith.constant 0 : index
    %get3A_23 = vector.load %arg5[%get3A_21, %get3A_22] : memref<1x256xf32, #tpu.memory_space<vmem>>, vector<1x256xf32>
    %add3A_24 = vector.broadcast %get3A_23 : vector<1x256xf32> to vector<2000x256xf32>
    %add3A_25 = arith.addf %dot_general3A_20, %add3A_24 : vector<2000x256xf32>
    %max3A = arith.constant 0.000000e+00 : f32
    %max3A_26 = vector.broadcast %max3A : f32 to vector<2000x256xf32>
    %max3A_27 = arith.maximumf %add3A_25, %max3A_26 : vector<2000x256xf32>
    %get3A_28 = arith.constant 0 : index
    %get3A_29 = arith.constant 0 : index
    %get3A_30 = vector.load %arg6[%get3A_28, %get3A_29] : memref<256x16xf32, #tpu.memory_space<vmem>>, vector<256x16xf32>
    %dot_general3A_31 = arith.constant dense<0.000000e+00> : vector<2000x16xf32>
    %dot_general3A_32 = tpu.matmul %max3A_27, %get3A_30, %dot_general3A_31 {dimension_numbers = #tpu.dot_dimension_numbers<[1], [0], [0], [1], [0, 0, 1, 1], [], []>, transpose_lhs_hint = false} : vector<2000x256xf32>, vector<256x16xf32>, vector<2000x16xf32> -> vector<2000x16xf32>
    %mul3A_33 = vector.broadcast %get3A_1 : vector<2000x1xf32> to vector<2000x16xf32>
    %mul3A_34 = arith.mulf %mul3A_33, %dot_general3A_32 : vector<2000x16xf32>
    %swap3A = arith.constant 0 : index
    %swap3A_35 = arith.constant 0 : index
    %swap3A_36 = vector.load %arg7[%swap3A, %swap3A_35] : memref<2000x16xf32, #tpu.memory_space<vmem>>, vector<2000x16xf32>
    tpu.vector_store %arg7[%swap3A, %swap3A_35], %mul3A_34 {strides = array<i32>} : memref<2000x16xf32, #tpu.memory_space<vmem>>, vector<2000x16xf32>,
    return
  }
  func.func @transform_0(%arg0: i32) -> (i32, i32, i32) {
    %c0_i32 = arith.constant 0 : i32
    %c0_i32_0 = arith.constant 0 : i32
    %c0_i32_1 = arith.constant 0 : i32
    return %c0_i32, %arg0, %c0_i32_0 : i32, i32, i32
  }
  func.func @transform_1(%arg0: i32) -> (i32, i32) {
    %c0_i32 = arith.constant 0 : i32
    %c0_i32_0 = arith.constant 0 : i32
    return %arg0, %c0_i32 : i32, i32
  }
  func.func @transform_2(%arg0: i32) -> (i32, i32) {
    %c0_i32 = arith.constant 0 : i32
    %c0_i32_0 = arith.constant 0 : i32
    return %arg0, %c0_i32 : i32, i32
  }
  func.func @transform_3(%arg0: i32) -> (i32, i32) {
    %c0_i32 = arith.constant 0 : i32
    %c0_i32_0 = arith.constant 0 : i32
    %c0_i32_1 = arith.constant 0 : i32
    return %c0_i32, %c0_i32_0 : i32, i32
  }
  func.func @transform_4(%arg0: i32) -> (i32, i32) {
    %c0_i32 = arith.constant 0 : i32
    %c0_i32_0 = arith.constant 0 : i32
    %c0_i32_1 = arith.constant 0 : i32
    return %c0_i32, %c0_i32_0 : i32, i32
  }
  func.func @transform_5(%arg0: i32) -> (i32, i32) {
    %c0_i32 = arith.constant 0 : i32
    %c0_i32_0 = arith.constant 0 : i32
    %c0_i32_1 = arith.constant 0 : i32
    return %c0_i32, %c0_i32_0 : i32, i32
  }
  func.func @transform_6(%arg0: i32) -> (i32, i32) {
    %c0_i32 = arith.constant 0 : i32
    %c0_i32_0 = arith.constant 0 : i32
    return %arg0, %c0_i32 : i32, i32
  }
}

module attributes {stable_mosaic.version = 14 : i64} {
  func.func @_k3_body(%arg0: i32, %arg1: memref<2x5000x16xf32, #tpu.memory_space<vmem>>, %arg2: memref<5000x16xf32, #tpu.memory_space<vmem>>, %arg3: memref<5000x16xf32, #tpu.memory_space<vmem>>, %arg4: memref<1x16xf32, #tpu.memory_space<vmem>>, %arg5: memref<5000x2xf32, #tpu.memory_space<vmem>>) attributes {dimension_semantics = [#tpu.dimension_semantics<arbitrary>], iteration_bounds = array<i64: 2>, scalar_prefetch = 0 : i64, scratch_operands = 0 : i64, tpu.core_type = #tpu.core_type<tc>, window_params = [{transform_indices = @transform_0, window_bounds = array<i64: 2, 5000, 16>}, {transform_indices = @transform_1, window_bounds = array<i64: 5000, 16>}, {transform_indices = @transform_2, window_bounds = array<i64: 5000, 16>}, {pipeline_mode = #tpu.pipeline_mode<synchronous>, transform_indices = @transform_3, window_bounds = array<i64: 1, 16>}, {transform_indices = @transform_4, window_bounds = array<i64: 5000, 2>}]} {
    %get3A = arith.constant 0 : index
    %get3A_0 = arith.constant 0 : index
    %get3A_1 = vector.load %arg3[%get3A, %get3A_0] : memref<5000x16xf32, #tpu.memory_space<vmem>>, vector<5000x1xf32>
    %get3A_2 = arith.constant 0 : index
    %get3A_3 = arith.constant 0 : index
    %get3A_4 = arith.constant 0 : index
    %get3A_5 = vector.load %arg1[%get3A_2, %get3A_3, %get3A_4] : memref<2x5000x16xf32, #tpu.memory_space<vmem>>, vector<1x5000x16xf32>
    %get3A_6 = vector.shape_cast %get3A_5 : vector<1x5000x16xf32> to vector<5000x16xf32>
    %get3A_7 = arith.constant 1 : index
    %get3A_8 = arith.constant 0 : index
    %get3A_9 = arith.constant 0 : index
    %get3A_10 = vector.load %arg1[%get3A_7, %get3A_8, %get3A_9] : memref<2x5000x16xf32, #tpu.memory_space<vmem>>, vector<1x5000x16xf32>
    %get3A_11 = vector.shape_cast %get3A_10 : vector<1x5000x16xf32> to vector<5000x16xf32>
    %add3A = arith.addf %get3A_6, %get3A_11 : vector<5000x16xf32>
    %get3A_12 = arith.constant 0 : index
    %get3A_13 = arith.constant 0 : index
    %get3A_14 = vector.load %arg2[%get3A_12, %get3A_13] : memref<5000x16xf32, #tpu.memory_space<vmem>>, vector<5000x16xf32>
    %add3A_15 = arith.addf %add3A, %get3A_14 : vector<5000x16xf32>
    %mul3A = vector.broadcast %get3A_1 : vector<5000x1xf32> to vector<5000x16xf32>
    %mul3A_16 = arith.mulf %mul3A, %add3A_15 : vector<5000x16xf32>
    %get3A_17 = arith.constant 0 : index
    %get3A_18 = arith.constant 0 : index
    %get3A_19 = vector.load %arg4[%get3A_17, %get3A_18] : memref<1x16xf32, #tpu.memory_space<vmem>>, vector<1x16xf32>
    %add3A_20 = vector.broadcast %get3A_19 : vector<1x16xf32> to vector<5000x16xf32>
    %add3A_21 = arith.addf %mul3A_16, %add3A_20 : vector<5000x16xf32>
    %iota3A = tpu.iota {dimensions = array<i32: 1>} : vector<5000x16xi32>
    %lt3A = arith.constant 2 : i32
    %lt3A_22 = vector.broadcast %lt3A : i32 to vector<5000x16xi32>
    %lt3A_23 = arith.cmpi slt, %iota3A, %lt3A_22 : vector<5000x16xi32>
    %jit3A = arith.constant 0xFF800000 : f32
    %broadcast_in_dim3A = vector.broadcast %jit3A : f32 to vector<5000x16xf32>
    %select_n3A = arith.select %lt3A_23, %add3A_21, %broadcast_in_dim3A : vector<5000x16xi1>, vector<5000x16xf32>
    %reduce_max3A = arith.constant dense<0xFF800000> : vector<5000xf32>
    %reduce_max3A_24 = vector.multi_reduction <maximumf>, %select_n3A, %reduce_max3A [1] : vector<5000x16xf32> to vector<5000xf32>
    %broadcast_in_dim3A_25 = vector.shape_cast %reduce_max3A_24 : vector<5000xf32> to vector<5000x1xf32>
    %sub3A = vector.broadcast %broadcast_in_dim3A_25 : vector<5000x1xf32> to vector<5000x16xf32>
    %sub3A_26 = arith.subf %add3A_21, %sub3A : vector<5000x16xf32>
    %exp3A = math.exp %sub3A_26 : vector<5000x16xf32>
    %jit3A_27 = arith.constant 0.000000e+00 : f32
    %broadcast_in_dim3A_28 = vector.broadcast %jit3A_27 : f32 to vector<5000x16xf32>
    %select_n3A_29 = arith.select %lt3A_23, %exp3A, %broadcast_in_dim3A_28 : vector<5000x16xi1>, vector<5000x16xf32>
    %reduce_sum3A = arith.constant dense<0.000000e+00> : vector<5000xf32>
    %reduce_sum3A_30 = vector.multi_reduction <add>, %select_n3A_29, %reduce_sum3A [1] : vector<5000x16xf32> to vector<5000xf32>
    %broadcast_in_dim3A_31 = vector.shape_cast %reduce_sum3A_30 : vector<5000xf32> to vector<5000x1xf32>
    %log3A = math.log %broadcast_in_dim3A_31 : vector<5000x1xf32>
    %add3A_32 = arith.addf %broadcast_in_dim3A_25, %log3A : vector<5000x1xf32>
    %sub3A_33 = vector.broadcast %add3A_32 : vector<5000x1xf32> to vector<5000x16xf32>
    %sub3A_34 = arith.subf %add3A_21, %sub3A_33 : vector<5000x16xf32>
    %slice3A = vector.extract_strided_slice %sub3A_34 {offsets = [0, 0], sizes = [5000, 2], strides = [1, 1]} : vector<5000x16xf32> to vector<5000x2xf32>
    %swap3A = arith.constant 0 : index
    %swap3A_35 = arith.constant 0 : index
    %swap3A_36 = vector.load %arg5[%swap3A, %swap3A_35] : memref<5000x2xf32, #tpu.memory_space<vmem>>, vector<5000x2xf32>
    tpu.vector_store %arg5[%swap3A, %swap3A_35], %slice3A {strides = array<i32>} : memref<5000x2xf32, #tpu.memory_space<vmem>>, vector<5000x2xf32>,
    return
  }
  func.func @transform_0(%arg0: i32) -> (i32, i32, i32) {
    %c0_i32 = arith.constant 0 : i32
    %c0_i32_0 = arith.constant 0 : i32
    %c0_i32_1 = arith.constant 0 : i32
    return %c0_i32, %arg0, %c0_i32_0 : i32, i32, i32
  }
  func.func @transform_1(%arg0: i32) -> (i32, i32) {
    %c0_i32 = arith.constant 0 : i32
    %c0_i32_0 = arith.constant 0 : i32
    return %arg0, %c0_i32 : i32, i32
  }
  func.func @transform_2(%arg0: i32) -> (i32, i32) {
    %c0_i32 = arith.constant 0 : i32
    %c0_i32_0 = arith.constant 0 : i32
    return %arg0, %c0_i32 : i32, i32
  }
  func.func @transform_3(%arg0: i32) -> (i32, i32) {
    %c0_i32 = arith.constant 0 : i32
    %c0_i32_0 = arith.constant 0 : i32
    %c0_i32_1 = arith.constant 0 : i32
    return %c0_i32, %c0_i32_0 : i32, i32
  }
  func.func @transform_4(%arg0: i32) -> (i32, i32) {
    %c0_i32 = arith.constant 0 : i32
    %c0_i32_0 = arith.constant 0 : i32
    return %arg0, %c0_i32 : i32, i32
  }
}

</mosaic_0001>

<sc_bundles>
// kernel: kernel.10.cloned.1.call-start
scs
__scs_entry_jumppad:
0x0: {  	(pc) =	sbr.rel $0x88, $3  }
0x1: {  	(tag) =	ssettag $0x0;
	lr =	simm.s32 $0x1  }
0x2: {  	[smem:$0x3F99] =	sst lr;
	_ =	strace $0xD0000000  }
0x3: {  	_ = 	snop  }
0x4: {  	_ = 	snop  }
0x5: {  	_ = 	snop  }
0x6: {  	_ = 	snop  }
0x7: {  	_ = 	snop  }
__scs_overlays_trampoline_lowered:
0x8: {  	[smem:$0x3FA8] =	sst s0  }
0x9: {  	[smem:$0x3FA9] =	sst s1  }
0xa: {  	[smem:$0x3FAA] =	sst s2  }
0xb: {  	[smem:$0x3FAB] =	sst s3  }
0xc: {  	[smem:$0x3FAC] =	sst s4  }
0xd: {  	[smem:$0x3FAD] =	sst s5  }
0xe: {  	[smem:$0x3FAE] =	sst s6  }
0xf: {  	[smem:$0x3FAF] =	sst s7  }
0x10: {  	[smem:$0x3FB0] =	sst s8  }
0x11: {  	[smem:$0x3FB1] =	sst s9;
	s0 =	simm.s32 @!p0 $0x0  }
0x12: {  	s1 =	sld [smem:$0x3F97];
	s0 =	simm.s32 @p0 $0x1  }
0x13: {  	[smem:$0x3FB2] =	sst s0;
	s0 =	simm.s32 @!p1 $0x0  }
0x14: {  	s2 =	sld [smem:$0x3F96];
	s0 =	simm.s32 @p1 $0x1  }
0x15: {  	[smem:$0x3FB3] =	sst s0;
	s0 =	simm.s32 @!p2 $0x0  }
0x16: {  	s3 =	sld [smem:$0x3FDB];
	s0 =	simm.s32 @p2 $0x1  }
0x17: {  	s4 =	simm.s32 $0x1BF5;
	[smem:$0x3FB5] =	sst s0  }
0x18: {  	s0 =	sld [smem:$0x3F98];
	_ =	swait.ge [sflag:s4], $0x0  }
0x19: {  	s7 =	sld [smem:$0x3F99]  }
0x1a: {  	s8 =	sadd.s32 $0xFFFFE003, lr  }
0x1b: {  	s9 =	sadd.s32 $0xFFFFFEF7, lr;
	s5 =	simm.s32 $0xFFFFFFFF;
	p2 =	slt.u32 s8, $0xFFFFF086  }
0x1c: {  	p1 =	slt.u32 s9, $0xF7A;
	s5 =	simm.s32 @!p2 $0x0  }
0x1d: {  	s5 =	simm.s32 @p1 $0x1;
	p0 =	seq.s32 s7, s2  }
0x1e: {  	s7 =	smul.u32 @!p0 $0xF7A, s2;
	p2 =	seq.s32 @!p0 s5, $0x0  }
0x1f: {  	s9 =	smul.u32 $0xF7A, s1;
	s8 =	simm.s32 @!p0 $0x1BF5;
	p2 =	por !p2, p0  }
0x20: {  	[sflag:s8] =	ssyncset.s32 @!p0 $0xFFFFF086;
	s6 =	sadd.s32 @!p0 s3, s7;
	s7 =	simm.s32 @!p0 $0x108  }
0x21: {  	s3 =	sadd.s32 s3, s9;
	s6 =	sadd.s32 @!p0 $0x88, s6;
	s7 =	simm.s32 @p2 $0x1082  }
0x22: {  	[simem:s7], [sflag:s8] =	dma.local @!p0 [hbm:s6], $0xF7A  }
0x23: {  	s9 =	sor.u32 $0xD0000000, s2;
	s6 =	simm.s32 $0x108;
	_ =	swait.ge @!p0 [sflag:s8], $0x0  }
0x24: {  	s3 =	sadd.s32 $0x88, s3;
	s6 =	simm.s32 @!p1 $0x1082;
	[sflag:s4] =	ssyncset.s32 $0xFFFFF086  }
0x25: {  	[simem:s6], [sflag:s4] =	dma.local [hbm:s3], $0xF7A  }
0x26: {  	[smem:$0x3F99] =	sst s1;
	(tag) =	ssettag s2;
	_ =	strace s9  }
0x27: {  	s1 =	sld [smem:$0x3FA9]  }
0x28: {  	s2 =	sld [smem:$0x3FAA]  }
0x29: {  	s4 =	sld [smem:$0x3FAC]  }
0x2a: {  	p0 =	seq.s32 s5, $0x0;
	s5 =	sld [smem:$0x3FAD]  }
0x2b: {  	s6 =	sld [smem:$0x3FAE]  }
0x2c: {  	s7 =	sld [smem:$0x3FAF]  }
0x2d: {  	s3 =	simm.s32 $0x108;
	s8 =	sld [smem:$0x3FB0]  }
0x2e: {  	s3 =	simm.s32 @!p0 $0x1082;
	s9 =	sld [smem:$0x3FB1]  }
0x2f: {  	lr =	sadd.s32 s0, s3;
	s0 =	sld [smem:$0x3FA8]  }
0x30: {  	s3 =	sld [smem:$0x3FAB]  }
0x31: {  	[smem:$0x3FB4] =	sst s10  }
0x32: {  	s10 =	sld [smem:$0x3FB2];
	_ =	sdelay $0x3  }
0x33: {  	p0 =	seq.s32 s10, $0x1;
	s10 =	sld [smem:$0x3FB4];
	_ =	sdelay $0x3  }
0x34: {  	[smem:$0x3FB4] =	sst s10  }
0x35: {  	s10 =	sld [smem:$0x3FB3];
	_ =	sdelay $0x3  }
0x36: {  	p1 =	seq.s32 s10, $0x1;
	s10 =	sld [smem:$0x3FB4];
	_ =	sdelay $0x3  }
0x37: {  	[smem:$0x3FB4] =	sst s10  }
0x38: {  	s10 =	sld [smem:$0x3FB5]  }
0x39: {  	_ = 	snop;
	(pc) =	sbr.ind lr, $3  }
0x3a: {  	_ = 	snop  }
0x3b: {  	_ = 	snop  }
0x3c: {  	p2 =	seq.s32 s10, $0x1;
	s10 =	sld [smem:$0x3FB4]  }
0x3d: {  	_ =	shalt  }
0x3e: {  	_ =	shalt  }
0x3f: {  	_ =	shalt  }
0x40: {  	_ =	shalt  }
0x41: {  	_ =	shalt  }
0x42: {  	_ =	shalt  }
0x43: {  	_ =	shalt  }
0x44: {  	_ =	shalt  }
0x45: {  	_ =	shalt  }
0x46: {  	_ =	shalt  }
0x47: {  	_ =	shalt  }
0x48: {  	_ =	shalt  }
0x49: {  	_ =	shalt  }
0x4a: {  	_ =	shalt  }
0x4b: {  	_ =	shalt  }
0x4c: {  	_ =	shalt  }
0x4d: {  	_ =	shalt  }
0x4e: {  	_ =	shalt  }
0x4f: {  	_ =	shalt  }
0x50: {  	_ =	shalt  }
0x51: {  	_ =	shalt  }
0x52: {  	_ =	shalt  }
0x53: {  	_ =	shalt  }
0x54: {  	_ =	shalt  }
0x55: {  	_ =	shalt  }
0x56: {  	_ =	shalt  }
0x57: {  	_ =	shalt  }
0x58: {  	_ =	shalt  }
0x59: {  	_ =	shalt  }
0x5a: {  	_ =	shalt  }
0x5b: {  	_ =	shalt  }
0x5c: {  	_ =	shalt  }
0x5d: {  	_ =	shalt  }
0x5e: {  	_ =	shalt  }
0x5f: {  	_ =	shalt  }
0x60: {  	_ =	shalt  }
0x61: {  	_ =	shalt  }
0x62: {  	_ =	shalt  }
0x63: {  	_ =	shalt  }
0x64: {  	_ =	shalt  }
0x65: {  	_ =	shalt  }
0x66: {  	_ =	shalt  }
0x67: {  	_ =	shalt  }
0x68: {  	_ =	shalt  }
0x69: {  	_ =	shalt  }
0x6a: {  	_ =	shalt  }
0x6b: {  	_ =	shalt  }
0x6c: {  	_ =	shalt  }
0x6d: {  	_ =	shalt  }
0x6e: {  	_ =	shalt  }
0x6f: {  	_ =	shalt  }
0x70: {  	_ =	shalt  }
0x71: {  	_ =	shalt  }
0x72: {  	_ =	shalt  }
0x73: {  	_ =	shalt  }
0x74: {  	_ =	shalt  }
0x75: {  	_ =	shalt  }
0x76: {  	_ =	shalt  }
0x77: {  	_ =	shalt  }
0x78: {  	_ =	shalt  }
0x79: {  	_ =	shalt  }
0x7a: {  	_ =	shalt  }
0x7b: {  	_ =	shalt  }
0x7c: {  	_ =	shalt  }
0x7d: {  	_ =	shalt  }
0x7e: {  	_ =	shalt  }
0x7f: {  	_ =	shalt  }
0x80: {  	_ =	shalt  }
0x81: {  	_ =	shalt  }
0x82: {  	_ =	shalt  }
0x83: {  	_ =	shalt  }
0x84: {  	_ =	shalt  }
0x85: {  	_ =	shalt  }
0x86: {  	_ =	shalt  }
0x87: {  	_ =	shalt  }
.Lfunc_end0:
.L_simem_size_0:
called_computation_lowered:
.L_overlay_start_0:
0x88: {  	s2 =	sld [smem:$0x3FD9]  }
0x89: {  	s3 =	sld [smem:$0x3FFE];
	_ =	sdelay $0x1  }
0x8a: {  	s1 =	srdreg.scid  }
0x8b: {  	s0 =	sand.u32 $0x1, s1  }
0x8c: {  	s17 =	sshll.u32 s0, $0xA;
	s2 =	sadd.s32 s3, s2  }
0x8d: {  	s2 =	sadd.s32 s2, s17  }
0x8e: {  	[smem:$0x3FC0] =	sst s2  }
0x8f: {  	_ = 	snop  }
0x90: {  	s2 =	sld [smem:$0x3FD0];
	(tm) =	ssettm $0x1  }
0x91: {  	s18 =	sld [smem:$0x3FFB];
	_ =	sdelay $0x3  }
0x92: {  	_ =	strace s18  }
0x93: {  	s3 =	sld [smem:$0x3FFC];
	_ =	sdelay $0x3  }
0x94: {  	_ =	strace s3  }
0x95: {  	s3 =	sld [smem:$0x3FFD];
	_ =	sdelay $0x3  }
0x96: {  	_ =	strace s3  }
0x97: {  	_ =	strace $0x8FFFFFFF  }
0x98: {  	s19 =	sld [smem:$0x3FDB];
	_ =	sdelay $0x1  }
0x99: {  	s4 =	simm.s32 $_scs_section_size  }
0x9a: {  	s5 =	simm.s32 $_size__tile_overlayer_lowered;
	s6 =	simm.s32 $_tile_overlayer_lowered  }
0x9b: {  	s22 =	simm.s32 $0x1BFF;
	s21 =	sshll.u32 s6, $0x1;
	s3 =	sadd.s32 s4, s19  }
0x9c: {  	s7 =	simm.s32 $0x0;
	s20 =	sshll.u32 s5, $0x1;
	s5 =	sadd.s32 s21, s3  }
0x9d: {  	[timem:s7], [sflag:s22] =	dma.local [hbm:s5], s20  }
0x9e: {  	_ =	swait.ge [sflag:s22], s20  }
0x9f: {  	s4 =	ssub.s32 $0x0, s20;
	[sflag:s22] =	ssyncset.done $0x0  }
0xa0: {  	[sflag:s22] =	ssyncadd.s32 s4;
	_ =	sdelay $0x1  }
0xa1: {  	s23 =	simm.s32 $0x1B8B  }
0xa2: {  	_ =	swait.ge [sflag:s23], $0x1  }
0xa3: {  	[sflag:s23] =	ssyncset.done $0x0  }
0xa4: {  	s25 =	simm.s32 $0x1B8E;
	s24 =	sld [smem:$0x3FFE];
	[sflag:s23] =	ssyncadd.s32 $0xFFFFFFFF  }
0xa5: {  	s26 =	simm.s32 $execute0_lowered;
	[smem:$0x3FD2] =	sst s25  }
0xa6: {  	s5 =	sshll.u32 s26, $0x1;
	_ =	strace $0x80000046;
	[dreg:$0x1] =	wrdreg $0xFFFFFFFF  }
0xa7: {  	s28 =	simm.s32 $_size_execute0_lowered;
	s3 =	sadd.s32 s3, s5;
	[dreg:$0x0] =	wrdreg $0x0  }
0xa8: {  	s5 =	sshll.u32 s28, $0x1;
	[dreg:$0x2] =	wrdreg s3  }
0xa9: {  	[dreg:$0x3] =	wrdreg s5  }
0xaa: {  	[dreg:$0x4] =	wrdreg $0xC0  }
0xab: {  	_ =	task [dreg:s7], $0x5FFFF  }
0xac: {  	[dreg:$0x1] =	wrdreg $0xFFFFFFFF  }
0xad: {  	[dreg:$0x0] =	wrdreg $0x60  }
0xae: {  	[dreg:$0x2] =	wrdreg s24  }
0xaf: {  	[dreg:$0x3] =	wrdreg s2  }
0xb0: {  	[dreg:$0x4] =	wrdreg $0x65900  }
0xb1: {  	[dreg:$0x5] =	wrdreg $0x9  }
0xb2: {  	_ =	task.clear_ibuf [dreg:s7], $0x6FFFF;
	_ =	strace $0x90000046  }
0xb3: {  	s29 =	simm.s32 $0x9;
	_ =	strace $0x80000048  }
0xb4: {  	_ =	swait.ge [sflag:s29], $0x1  }
0xb5: {  	[sflag:s29] =	ssyncadd.s32 $0xFFFFFFFF  }
0xb6: {  	_ =	strace $0x90000048  }
0xb7: {  	_ =	sfence  }
0xb8: {  	s30 =	sld [smem:$0x0];
	_ =	sdelay $0x2  }
0xb9: {  	s31 =	sshll.u32 s1, $0xD;
	s1 =	sshrl.u32 s1, $0x2  }
0xba: {  	s3 =	sand.u32 $0x4000, s31;
	s1 =	sadd.s32 s1, s30  }
0xbb: {  	s0 =	sor.u32 s3, s0;
	s1 =	sshll.u32 s1, $0x11  }
0xbc: {  	s0 =	sor.u32 s1, s0  }
0xbd: {  	s0 =	sadd.s32 $0x8F2B, s0  }
0xbe: {  	[sflag:s0] =	ssyncadd.remote.s32 $0x1  }
0xbf: {  	_ =	sfence.sel $0xFFFF  }
0xc0: {  	[dreg:$0x0] =	wrdreg $0xFFFFFFFF;
	(pc) =	sbr.abs _section_cstart, $3  }
0xc1: {  	[dreg:$0x1] =	wrdreg $0xFFFFFFFF  }
0xc2: {  	_ =	task.clear_ibuf [dreg:s7], $0x2FFFF;
	_ =	strace $0x9FFFFFFF  }
0xc3: {  	(tm) =	ssettm $0x7FFFFFFF  }
tec
execute0_lowered:
.L_overlay_start_1:
0x0: {  	(tag) =	ssettag $0x1  }
0x1: {  	s26 =	rddreg [dreg:$0x0]  }
0x2: {  	s0 =	rddreg [dreg:$0x1]  }
0x3: {  	s2 =	rddreg [dreg:$0x2];
	s1 =	srdreg.scid;
	s3 =	simm.s32 $0x0  }
0x4: {  	s10 =	simm.s32 $0x5;
	[dreg:$0x4] =	wrdreg s0;
	s0 =	stileid.u32  }
0x5: {  	s28 =	sand.u32 $0x1, s1;
	[smem:$0x7FF] =	sst s3;
	s4 =	sshll.u32 s0, $0x1  }
0x6: {  	s9 =	sadd.s32 $0x27000, s2;
	s29 =	smul.u32 $0x2700, s0;
	s4 =	sor.u32 s28, s4  }
0x7: {  	_ =	strace $0x80000047;
	s30 =	sshll.u32 s0, $0x6;
	s6 =	smul.u32 $0x2710, s4  }
0x8: {  	p0 =	sne.s32 s0, $0xF;
	s5 =	sshrl.u32 s29, $0x3;
	s8 =	sadd.s32 s29, s2  }
0x9: {  	s25 =	sadd.s32 s5, s26;
	s5 =	sor.u32 $0x1C04, s30;
	s6 =	sshrl.u32 s6, $0x3  }
0xa: {  	s8 =	sshrl.u32 s8, $0x3;
	s4 =	sadd.s32 $0x16800, s25;
	s7 =	sadd.s32 s26, s6  }
0xb: {  	[spmem:s8], [sflag:s5] =	dma.local [hbm:s4], $0x4E0  }
0xc: {  	s9 =	sshrl.u32 @!p0 s9, $0x3;
	s6 =	sadd.s32 $0x1B600, s26;
	s7 =	sadd.s32 $0xCA40, s7  }
0xd: {  	[spmem:s9], [sflag:s5] =	dma.local @!p0 [hbm:s6], $0x20  }
0xe: {  	[tilespmem:s3], [sflag:$0x5] =	stream.linear.gather [hbm4b:s7+s3], $0x2710, $0x38;
	[tilespmem:$0x8CA0] =	vst v63  }
0xf: {  	_ =	swait.ge [sflag:s10], $0x2710  }
0x10: {  	[sflag:s10] =	ssyncset.done $0x0  }
0x11: {  	s11 =	simm.s32 $0x2710;
	s12 =	rddreg [dreg:$0x4];
	[sflag:s10] =	ssyncadd.s32 $0xFFFFD8F0  }
0x12: {  	[tilespmem:s11], [sflag:$0x5] =	stream.linear.gather [hbm4b:s12+s3], $0x3E80, $0x38;
	[tilespmem:$0x8CA0] =	vst v63  }
0x13: {  	_ =	swait.ge [sflag:s10], $0x3E80  }
0x14: {  	[sflag:s10] =	ssyncset.done $0x0  }
0x15: {  	s12 =	simm.s32 $0x4;
	[sflag:s10] =	ssyncadd.s32 $0xFFFFC180  }
0x16: {  	_ =	swait.ge [sflag:s12], $0x4E0  }
0x17: {  	[sflag:s12] =	ssyncset.done $0x0  }
0x18: {  	s13 =	simm.s32 @!p0 $0x4;
	[sflag:s12] =	ssyncadd.s32 $0xFFFFFB20  }
0x19: {  	_ =	swait.ge @!p0 [sflag:s13], $0x20  }
0x1a: {  	[sflag:s13] =	ssyncset.done @!p0 $0x0  }
0x1b: {  	[sflag:s13] =	ssyncadd.s32 @!p0 $0xFFFFFFE0  }
0x1c: {  	s14 =	simm.s32 $0x3E8;
	[bflag:$0x0] =	sbarrier.arrive $0xFFFF  }
0x1d: {  	[spmem:s2] =	stream.indirect.scatter.add.f32 [tilespmem:s11], [sflag:$0x1], $0x10, s3, s14, $0xb8;
	[tilespmem:$0x8CA0] =	vst v63  }
0x1e: {  	_ = 	snop  }
0x1f: {  	[spmem:s2] =	stream.indirect.scatter.add.f32 [tilespmem:s11], [sflag:$0x2], $0x10, s14, s14, $0xb8;
	[tilespmem:$0x8CA0] =	vst v63  }
0x20: {  	s15 =	simm.s32 $0x7D0;
	s16 =	simm.s32 $0x1  }
0x21: {  	[spmem:s2] =	stream.indirect.scatter.add.f32 [tilespmem:s11], [sflag:$0x3], $0x10, s15, s14, $0xb8;
	[tilespmem:$0x8CA0] =	vst v63  }
0x22: {  	_ =	swait.ge [sflag:s16], $0x3E80  }
0x23: {  	[sflag:s16] =	ssyncset.done $0x0  }
0x24: {  	s17 =	simm.s32 $0xBB8;
	s18 =	simm.s32 $0x2;
	[sflag:s16] =	ssyncadd.s32 $0xFFFFC180  }
0x25: {  	[spmem:s2] =	stream.indirect.scatter.add.f32 [tilespmem:s11], [sflag:$0x1], $0x10, s17, s14, $0xb8;
	[tilespmem:$0x8CA0] =	vst v63  }
0x26: {  	_ =	swait.ge [sflag:s18], $0x3E80  }
0x27: {  	[sflag:s18] =	ssyncset.done $0x0  }
0x28: {  	s19 =	simm.s32 $0xFA0;
	s20 =	simm.s32 $0x3;
	[sflag:s18] =	ssyncadd.s32 $0xFFFFC180  }
0x29: {  	[spmem:s2] =	stream.indirect.scatter.add.f32 [tilespmem:s11], [sflag:$0x2], $0x10, s19, s14, $0xb8;
	[tilespmem:$0x8CA0] =	vst v63  }
0x2a: {  	_ =	swait.ge [sflag:s20], $0x3E80  }
0x2b: {  	[sflag:s20] =	ssyncset.done $0x0  }
0x2c: {  	s21 =	simm.s32 $0x1388;
	[sflag:s20] =	ssyncadd.s32 $0xFFFFC180  }
0x2d: {  	[spmem:s2] =	stream.indirect.scatter.add.f32 [tilespmem:s11], [sflag:$0x3], $0x10, s21, s14, $0xb8;
	[tilespmem:$0x8CA0] =	vst v63  }
0x2e: {  	_ =	swait.ge [sflag:s16], $0x3E80  }
0x2f: {  	[sflag:s16] =	ssyncset.done $0x0  }
0x30: {  	s22 =	simm.s32 $0x1770;
	[sflag:s16] =	ssyncadd.s32 $0xFFFFC180  }
0x31: {  	[spmem:s2] =	stream.indirect.scatter.add.f32 [tilespmem:s11], [sflag:$0x1], $0x10, s22, s14, $0xb8;
	[tilespmem:$0x8CA0] =	vst v63  }
0x32: {  	_ =	swait.ge [sflag:s18], $0x3E80  }
0x33: {  	[sflag:s18] =	ssyncset.done $0x0  }
0x34: {  	s23 =	simm.s32 $0x1B58;
	[sflag:s18] =	ssyncadd.s32 $0xFFFFC180  }
0x35: {  	[spmem:s2] =	stream.indirect.scatter.add.f32 [tilespmem:s11], [sflag:$0x2], $0x10, s23, s14, $0xb8;
	[tilespmem:$0x8CA0] =	vst v63  }
0x36: {  	_ =	swait.ge [sflag:s20], $0x3E80  }
0x37: {  	[sflag:s20] =	ssyncset.done $0x0  }
0x38: {  	s24 =	simm.s32 $0x1F40;
	[sflag:s20] =	ssyncadd.s32 $0xFFFFC180  }
0x39: {  	[spmem:s2] =	stream.indirect.scatter.add.f32 [tilespmem:s11], [sflag:$0x3], $0x10, s24, s14, $0xb8;
	[tilespmem:$0x8CA0] =	vst v63  }
0x3a: {  	_ =	swait.ge [sflag:s16], $0x3E80  }
0x3b: {  	[sflag:s16] =	ssyncset.done $0x0  }
0x3c: {  	s25 =	simm.s32 $0x2328;
	[sflag:s16] =	ssyncadd.s32 $0xFFFFC180  }
0x3d: {  	[spmem:s2] =	stream.indirect.scatter.add.f32 [tilespmem:s11], [sflag:$0x1], $0x10, s25, s14, $0xb8;
	[tilespmem:$0x8CA0] =	vst v63  }
0x3e: {  	_ =	swait.ge [sflag:s18], $0x3E80  }
0x3f: {  	s31 =	smul.u32 $0x27100, s28;
	[sflag:s18] =	ssyncset.done $0x0  }
0x40: {  	[sflag:s18] =	ssyncadd.s32 $0xFFFFC180  }
0x41: {  	s1 =	sadd.s32 $0x1B800, s26;
	s26 =	sadd.s32 s29, s31;
	_ =	swait.ge [sflag:s20], $0x3E80  }
0x42: {  	s29 =	ssub.s32 $0x2, s28;
	s28 =	sor.u32 $0x1C05, s30;
	[sflag:s20] =	ssyncset.done $0x0  }
0x43: {  	s30 =	sshrl.u32 s31, $0x3;
	s26 =	sshrl.u32 s26, $0x3;
	[sflag:s20] =	ssyncadd.s32 $0xFFFFC180  }
0x44: {  	s31 =	sshrl.u32 s29, $0x1;
	s26 =	sadd.s32 s1, s26;
	_ =	swait.ge [sflag:s16], $0x3E80  }
0x45: {  	s31 =	ssub.s32 s29, s31;
	s1 =	sadd.s32 s1, s30;
	[sflag:s16] =	ssyncset.done $0x0  }
0x46: {  	s29 =	sadd.s32 $0x4E00, s1;
	s1 =	smax.u32 s31, $0x1;
	[sflag:s16] =	ssyncadd.s32 $0xFFFFC180  }
0x47: {  	s31 =	sadd.s32 $0xFFFFFFFF, s1;
	[bflag:$0x0] =	sbarrier.arrive $0xFFFF  }
0x48: {  	[hbm:s26], [sflag:s28] =	dma.local [spmem:s8], $0x4E0  }
0x49: {  	p1 =	sne.s32 s31, $0x0;
	_ =	swait.ge [sflag:s10], $0x4E0  }
.Ltmp0:
0x4a: {  	[sflag:s10] =	ssyncset.done $0x0;
	(pc) =	sbr.rel @!p1 .LBB2_2-.Ltmp0, $4  }
0x4b: {  	s30 =	simm.s32 @!p0 $0x5;
	[sflag:s10] =	ssyncadd.s32 $0xFFFFFB20  }
0x4c: {  	[hbm:s29], [sflag:s28] =	dma.local @!p0 [spmem:s9], $0x20  }
0x4d: {  	_ =	swait.ge @!p0 [sflag:s30], $0x20  }
0x4e: {  	[sflag:s30] =	ssyncset.done @!p0 $0x0  }
.LBB2_1:
0x4f: {  	[sflag:s30] =	ssyncadd.s32 @!p0 $0xFFFFFFE0  }
0x50: {  	[spmem:s8], [sflag:s5] =	dma.local [hbm:s4], $0x4E0  }
0x51: {  	[spmem:s9], [sflag:s5] =	dma.local @!p0 [hbm:s6], $0x20  }
0x52: {  	[tilespmem:s3], [sflag:$0x5] =	stream.linear.gather [hbm4b:s7+s3], $0x2710, $0x38;
	[tilespmem:$0x8CA0] =	vst v63  }
0x53: {  	_ =	swait.ge [sflag:s10], $0x2710  }
0x54: {  	[sflag:s10] =	ssyncset.done $0x0  }
0x55: {  	s1 =	rddreg [dreg:$0x4];
	[sflag:s10] =	ssyncadd.s32 $0xFFFFD8F0  }
0x56: {  	[tilespmem:s11], [sflag:$0x5] =	stream.linear.gather [hbm4b:s1+s3], $0x3E80, $0x38;
	[tilespmem:$0x8CA0] =	vst v63  }
0x57: {  	_ =	swait.ge [sflag:s10], $0x3E80  }
0x58: {  	[sflag:s10] =	ssyncset.done $0x0  }
0x59: {  	[sflag:s10] =	ssyncadd.s32 $0xFFFFC180  }
0x5a: {  	_ =	swait.ge [sflag:s12], $0x4E0  }
0x5b: {  	[sflag:s12] =	ssyncset.done $0x0  }
0x5c: {  	[sflag:s12] =	ssyncadd.s32 $0xFFFFFB20  }
0x5d: {  	_ =	swait.ge @!p0 [sflag:s13], $0x20  }
0x5e: {  	[sflag:s13] =	ssyncset.done @!p0 $0x0  }
0x5f: {  	[sflag:s13] =	ssyncadd.s32 @!p0 $0xFFFFFFE0  }
0x60: {  	[bflag:$0x0] =	sbarrier.arrive $0xFFFF  }
0x61: {  	[spmem:s2] =	stream.indirect.scatter.add.f32 [tilespmem:s11], [sflag:$0x1], $0x10, s3, s14, $0xb8;
	[tilespmem:$0x8CA0] =	vst v63  }
0x62: {  	_ = 	snop  }
0x63: {  	[spmem:s2] =	stream.indirect.scatter.add.f32 [tilespmem:s11], [sflag:$0x2], $0x10, s14, s14, $0xb8;
	[tilespmem:$0x8CA0] =	vst v63  }
0x64: {  	_ = 	snop  }
0x65: {  	[spmem:s2] =	stream.indirect.scatter.add.f32 [tilespmem:s11], [sflag:$0x3], $0x10, s15, s14, $0xb8;
	[tilespmem:$0x8CA0] =	vst v63  }
0x66: {  	_ =	swait.ge [sflag:s16], $0x3E80  }
0x67: {  	[sflag:s16] =	ssyncset.done $0x0  }
0x68: {  	[sflag:s16] =	ssyncadd.s32 $0xFFFFC180  }
0x69: {  	[spmem:s2] =	stream.indirect.scatter.add.f32 [tilespmem:s11], [sflag:$0x1], $0x10, s17, s14, $0xb8;
	[tilespmem:$0x8CA0] =	vst v63  }
0x6a: {  	_ =	swait.ge [sflag:s18], $0x3E80  }
0x6b: {  	[sflag:s18] =	ssyncset.done $0x0  }
0x6c: {  	[sflag:s18] =	ssyncadd.s32 $0xFFFFC180  }
0x6d: {  	[spmem:s2] =	stream.indirect.scatter.add.f32 [tilespmem:s11], [sflag:$0x2], $0x10, s19, s14, $0xb8;
	[tilespmem:$0x8CA0] =	vst v63  }
0x6e: {  	_ =	swait.ge [sflag:s20], $0x3E80  }
0x6f: {  	[sflag:s20] =	ssyncset.done $0x0  }
0x70: {  	[sflag:s20] =	ssyncadd.s32 $0xFFFFC180  }
0x71: {  	[spmem:s2] =	stream.indirect.scatter.add.f32 [tilespmem:s11], [sflag:$0x3], $0x10, s21, s14, $0xb8;
	[tilespmem:$0x8CA0] =	vst v63  }
0x72: {  	_ =	swait.ge [sflag:s16], $0x3E80  }
0x73: {  	[sflag:s16] =	ssyncset.done $0x0  }
0x74: {  	[sflag:s16] =	ssyncadd.s32 $0xFFFFC180  }
0x75: {  	[spmem:s2] =	stream.indirect.scatter.add.f32 [tilespmem:s11], [sflag:$0x1], $0x10, s22, s14, $0xb8;
	[tilespmem:$0x8CA0] =	vst v63  }
0x76: {  	_ =	swait.ge [sflag:s18], $0x3E80  }
0x77: {  	[sflag:s18] =	ssyncset.done $0x0  }
0x78: {  	[sflag:s18] =	ssyncadd.s32 $0xFFFFC180  }
0x79: {  	[spmem:s2] =	stream.indirect.scatter.add.f32 [tilespmem:s11], [sflag:$0x2], $0x10, s23, s14, $0xb8;
	[tilespmem:$0x8CA0] =	vst v63  }
0x7a: {  	_ =	swait.ge [sflag:s20], $0x3E80  }
0x7b: {  	[sflag:s20] =	ssyncset.done $0x0  }
0x7c: {  	[sflag:s20] =	ssyncadd.s32 $0xFFFFC180  }
0x7d: {  	[spmem:s2] =	stream.indirect.scatter.add.f32 [tilespmem:s11], [sflag:$0x3], $0x10, s24, s14, $0xb8;
	[tilespmem:$0x8CA0] =	vst v63  }
0x7e: {  	_ =	swait.ge [sflag:s16], $0x3E80  }
0x7f: {  	[sflag:s16] =	ssyncset.done $0x0  }
0x80: {  	[sflag:s16] =	ssyncadd.s32 $0xFFFFC180  }
0x81: {  	[spmem:s2] =	stream.indirect.scatter.add.f32 [tilespmem:s11], [sflag:$0x1], $0x10, s25, s14, $0xb8;
	[tilespmem:$0x8CA0] =	vst v63  }
0x82: {  	_ =	swait.ge [sflag:s18], $0x3E80  }
0x83: {  	[sflag:s18] =	ssyncset.done $0x0  }
0x84: {  	[sflag:s18] =	ssyncadd.s32 $0xFFFFC180  }
0x85: {  	_ =	swait.ge [sflag:s20], $0x3E80  }
0x86: {  	[sflag:s20] =	ssyncset.done $0x0  }
0x87: {  	[sflag:s20] =	ssyncadd.s32 $0xFFFFC180  }
0x88: {  	_ =	swait.ge [sflag:s16], $0x3E80  }
0x89: {  	[sflag:s16] =	ssyncset.done $0x0  }
0x8a: {  	[sflag:s16] =	ssyncadd.s32 $0xFFFFC180  }
0x8b: {  	s31 =	sadd.s32 $0xFFFFFFFF, s31;
	[bflag:$0x0] =	sbarrier.arrive $0xFFFF  }
0x8c: {  	[hbm:s26], [sflag:s28] =	dma.local [spmem:s8], $0x4E0  }
0x8d: {  	p1 =	sne.s32 s31, $0x0;
	_ =	swait.ge [sflag:s10], $0x4E0  }
.Ltmp1:
0x8e: {  	[sflag:s10] =	ssyncset.done $0x0;
	(pc) =	sbr.rel @p1 .LBB2_1-.Ltmp1, $4  }
0x8f: {  	[sflag:s10] =	ssyncadd.s32 $0xFFFFFB20  }
0x90: {  	[hbm:s29], [sflag:s28] =	dma.local @!p0 [spmem:s9], $0x20  }
0x91: {  	_ =	swait.ge @!p0 [sflag:s30], $0x20  }
0x92: {  	[sflag:s30] =	ssyncset.done @!p0 $0x0  }
.LBB2_2:
0x93: {  	[sflag:s30] =	ssyncadd.s32 @!p0 $0xFFFFFFE0  }
0x94: {  	_ =	sfence.sel $0x180000  }
0x95: {  	[bflag:$0x0] =	sbarrier.arrive $0xFFFF  }
0x96: {  	_ =	strace $0x90000047  }
0x97: {  	[bflag:$0x2] =	sbarrier.arrive $0xFFFF  }
0x98: {  	p0 =	sne.s32 s0, $0x0;
	s0 =	rddreg [dreg:$0x3]  }
0x99: {  	s0 =	sadd.s32 @!p0 $0x100000, s0  }
0x9a: {  	[sflag:s0] =	ssyncadd.tile.s32 @!p0 $0x1;
	_ =	shalt  }
.Lfunc_end2:
_tile_overlayer_lowered:
.L_overlay_start_2:
0x9b: {  	(tag) =	ssettag $0x2  }
0x9c: {  	s0 =	rddreg [dreg:$0x0];
	s2 =	stileid.u32  }
0x9d: {  	s1 =	rddreg [dreg:$0x1];
	p0 =	sne.s32 s2, $0x0  }
0x9e: {  	s3 =	rddreg [dreg:$0x2];
	[bflag:$0x3] =	sbarrier.arrive $0xFFFF;
	s2 =	simm.s32 @!p0 $0x1C05  }
0x9f: {  	[timem:s3], [sflag:s2] =	dma.local @!p0 [hbm:s0], s1  }
0xa0: {  	s0 =	simm.s32 @!p0 $0x5  }
0xa1: {  	_ =	swait.ge @!p0 [sflag:s0], s1  }
0xa2: {  	s1 =	ssub.s32 @!p0 $0x0, s1;
	[sflag:s0] =	ssyncset.done @!p0 $0x0  }
0xa3: {  	[sflag:s0] =	ssyncadd.s32 @!p0 s1  }
0xa4: {  	[bflag:$0x3] =	sbarrier.arrive $0xFFFF  }
0xa5: {  	_ =	shalt  }

// kernel: kernel.13.cloned.1.call-start
scs
__scs_entry_jumppad:
0x0: {  	(pc) =	sbr.rel $0x88, $3  }
0x1: {  	(tag) =	ssettag $0x0;
	lr =	simm.s32 $0x1  }
0x2: {  	[smem:$0x3F99] =	sst lr;
	_ =	strace $0xD0000000  }
0x3: {  	_ = 	snop  }
0x4: {  	_ = 	snop  }
0x5: {  	_ = 	snop  }
0x6: {  	_ = 	snop  }
0x7: {  	_ = 	snop  }
__scs_overlays_trampoline_lowered:
0x8: {  	[smem:$0x3FA8] =	sst s0  }
0x9: {  	[smem:$0x3FA9] =	sst s1  }
0xa: {  	[smem:$0x3FAA] =	sst s2  }
0xb: {  	[smem:$0x3FAB] =	sst s3  }
0xc: {  	[smem:$0x3FAC] =	sst s4  }
0xd: {  	[smem:$0x3FAD] =	sst s5  }
0xe: {  	[smem:$0x3FAE] =	sst s6  }
0xf: {  	[smem:$0x3FAF] =	sst s7  }
0x10: {  	[smem:$0x3FB0] =	sst s8  }
0x11: {  	[smem:$0x3FB1] =	sst s9;
	s0 =	simm.s32 @!p0 $0x0  }
0x12: {  	s1 =	sld [smem:$0x3F97];
	s0 =	simm.s32 @p0 $0x1  }
0x13: {  	[smem:$0x3FB2] =	sst s0;
	s0 =	simm.s32 @!p1 $0x0  }
0x14: {  	s2 =	sld [smem:$0x3F96];
	s0 =	simm.s32 @p1 $0x1  }
0x15: {  	[smem:$0x3FB3] =	sst s0;
	s0 =	simm.s32 @!p2 $0x0  }
0x16: {  	s3 =	sld [smem:$0x3FDB];
	s0 =	simm.s32 @p2 $0x1  }
0x17: {  	s4 =	simm.s32 $0x1BF5;
	[smem:$0x3FB5] =	sst s0  }
0x18: {  	s0 =	sld [smem:$0x3F98];
	_ =	swait.ge [sflag:s4], $0x0  }
0x19: {  	s7 =	sld [smem:$0x3F99]  }
0x1a: {  	s8 =	sadd.s32 $0xFFFFE003, lr  }
0x1b: {  	s9 =	sadd.s32 $0xFFFFFEF7, lr;
	s5 =	simm.s32 $0xFFFFFFFF;
	p2 =	slt.u32 s8, $0xFFFFF086  }
0x1c: {  	p1 =	slt.u32 s9, $0xF7A;
	s5 =	simm.s32 @!p2 $0x0  }
0x1d: {  	s5 =	simm.s32 @p1 $0x1;
	p0 =	seq.s32 s7, s2  }
0x1e: {  	s7 =	smul.u32 @!p0 $0xF7A, s2;
	p2 =	seq.s32 @!p0 s5, $0x0  }
0x1f: {  	s9 =	smul.u32 $0xF7A, s1;
	s8 =	simm.s32 @!p0 $0x1BF5;
	p2 =	por !p2, p0  }
0x20: {  	[sflag:s8] =	ssyncset.s32 @!p0 $0xFFFFF086;
	s6 =	sadd.s32 @!p0 s3, s7;
	s7 =	simm.s32 @!p0 $0x108  }
0x21: {  	s3 =	sadd.s32 s3, s9;
	s6 =	sadd.s32 @!p0 $0x88, s6;
	s7 =	simm.s32 @p2 $0x1082  }
0x22: {  	[simem:s7], [sflag:s8] =	dma.local @!p0 [hbm:s6], $0xF7A  }
0x23: {  	s9 =	sor.u32 $0xD0000000, s2;
	s6 =	simm.s32 $0x108;
	_ =	swait.ge @!p0 [sflag:s8], $0x0  }
0x24: {  	s3 =	sadd.s32 $0x88, s3;
	s6 =	simm.s32 @!p1 $0x1082;
	[sflag:s4] =	ssyncset.s32 $0xFFFFF086  }
0x25: {  	[simem:s6], [sflag:s4] =	dma.local [hbm:s3], $0xF7A  }
0x26: {  	[smem:$0x3F99] =	sst s1;
	(tag) =	ssettag s2;
	_ =	strace s9  }
0x27: {  	s1 =	sld [smem:$0x3FA9]  }
0x28: {  	s2 =	sld [smem:$0x3FAA]  }
0x29: {  	s4 =	sld [smem:$0x3FAC]  }
0x2a: {  	p0 =	seq.s32 s5, $0x0;
	s5 =	sld [smem:$0x3FAD]  }
0x2b: {  	s6 =	sld [smem:$0x3FAE]  }
0x2c: {  	s7 =	sld [smem:$0x3FAF]  }
0x2d: {  	s3 =	simm.s32 $0x108;
	s8 =	sld [smem:$0x3FB0]  }
0x2e: {  	s3 =	simm.s32 @!p0 $0x1082;
	s9 =	sld [smem:$0x3FB1]  }
0x2f: {  	lr =	sadd.s32 s0, s3;
	s0 =	sld [smem:$0x3FA8]  }
0x30: {  	s3 =	sld [smem:$0x3FAB]  }
0x31: {  	[smem:$0x3FB4] =	sst s10  }
0x32: {  	s10 =	sld [smem:$0x3FB2];
	_ =	sdelay $0x3  }
0x33: {  	p0 =	seq.s32 s10, $0x1;
	s10 =	sld [smem:$0x3FB4];
	_ =	sdelay $0x3  }
0x34: {  	[smem:$0x3FB4] =	sst s10  }
0x35: {  	s10 =	sld [smem:$0x3FB3];
	_ =	sdelay $0x3  }
0x36: {  	p1 =	seq.s32 s10, $0x1;
	s10 =	sld [smem:$0x3FB4];
	_ =	sdelay $0x3  }
0x37: {  	[smem:$0x3FB4] =	sst s10  }
0x38: {  	s10 =	sld [smem:$0x3FB5]  }
0x39: {  	_ = 	snop;
	(pc) =	sbr.ind lr, $3  }
0x3a: {  	_ = 	snop  }
0x3b: {  	_ = 	snop  }
0x3c: {  	p2 =	seq.s32 s10, $0x1;
	s10 =	sld [smem:$0x3FB4]  }
0x3d: {  	_ =	shalt  }
0x3e: {  	_ =	shalt  }
0x3f: {  	_ =	shalt  }
0x40: {  	_ =	shalt  }
0x41: {  	_ =	shalt  }
0x42: {  	_ =	shalt  }
0x43: {  	_ =	shalt  }
0x44: {  	_ =	shalt  }
0x45: {  	_ =	shalt  }
0x46: {  	_ =	shalt  }
0x47: {  	_ =	shalt  }
0x48: {  	_ =	shalt  }
0x49: {  	_ =	shalt  }
0x4a: {  	_ =	shalt  }
0x4b: {  	_ =	shalt  }
0x4c: {  	_ =	shalt  }
0x4d: {  	_ =	shalt  }
0x4e: {  	_ =	shalt  }
0x4f: {  	_ =	shalt  }
0x50: {  	_ =	shalt  }
0x51: {  	_ =	shalt  }
0x52: {  	_ =	shalt  }
0x53: {  	_ =	shalt  }
0x54: {  	_ =	shalt  }
0x55: {  	_ =	shalt  }
0x56: {  	_ =	shalt  }
0x57: {  	_ =	shalt  }
0x58: {  	_ =	shalt  }
0x59: {  	_ =	shalt  }
0x5a: {  	_ =	shalt  }
0x5b: {  	_ =	shalt  }
0x5c: {  	_ =	shalt  }
0x5d: {  	_ =	shalt  }
0x5e: {  	_ =	shalt  }
0x5f: {  	_ =	shalt  }
0x60: {  	_ =	shalt  }
0x61: {  	_ =	shalt  }
0x62: {  	_ =	shalt  }
0x63: {  	_ =	shalt  }
0x64: {  	_ =	shalt  }
0x65: {  	_ =	shalt  }
0x66: {  	_ =	shalt  }
0x67: {  	_ =	shalt  }
0x68: {  	_ =	shalt  }
0x69: {  	_ =	shalt  }
0x6a: {  	_ =	shalt  }
0x6b: {  	_ =	shalt  }
0x6c: {  	_ =	shalt  }
0x6d: {  	_ =	shalt  }
0x6e: {  	_ =	shalt  }
0x6f: {  	_ =	shalt  }
0x70: {  	_ =	shalt  }
0x71: {  	_ =	shalt  }
0x72: {  	_ =	shalt  }
0x73: {  	_ =	shalt  }
0x74: {  	_ =	shalt  }
0x75: {  	_ =	shalt  }
0x76: {  	_ =	shalt  }
0x77: {  	_ =	shalt  }
0x78: {  	_ =	shalt  }
0x79: {  	_ =	shalt  }
0x7a: {  	_ =	shalt  }
0x7b: {  	_ =	shalt  }
0x7c: {  	_ =	shalt  }
0x7d: {  	_ =	shalt  }
0x7e: {  	_ =	shalt  }
0x7f: {  	_ =	shalt  }
0x80: {  	_ =	shalt  }
0x81: {  	_ =	shalt  }
0x82: {  	_ =	shalt  }
0x83: {  	_ =	shalt  }
0x84: {  	_ =	shalt  }
0x85: {  	_ =	shalt  }
0x86: {  	_ =	shalt  }
0x87: {  	_ =	shalt  }
.Lfunc_end0:
.L_simem_size_0:
called_computation.1_lowered:
.L_overlay_start_0:
0x88: {  	s2 =	sld [smem:$0x3FD9]  }
0x89: {  	s3 =	sld [smem:$0x3FFE];
	_ =	sdelay $0x1  }
0x8a: {  	s1 =	srdreg.scid  }
0x8b: {  	s0 =	sand.u32 $0x1, s1  }
0x8c: {  	s16 =	sshll.u32 s0, $0xA;
	s2 =	sadd.s32 s3, s2  }
0x8d: {  	s2 =	sadd.s32 s2, s16  }
0x8e: {  	[smem:$0x3FC0] =	sst s2  }
0x8f: {  	_ = 	snop  }
0x90: {  	(tm) =	ssettm $0x1  }
0x91: {  	s17 =	sld [smem:$0x3FFB];
	_ =	sdelay $0x3  }
0x92: {  	_ =	strace s17  }
0x93: {  	s2 =	sld [smem:$0x3FFC];
	_ =	sdelay $0x3  }
0x94: {  	_ =	strace s2  }
0x95: {  	s2 =	sld [smem:$0x3FFD];
	_ =	sdelay $0x3  }
0x96: {  	_ =	strace s2  }
0x97: {  	_ =	strace $0x8FFFFFFF  }
0x98: {  	s18 =	sld [smem:$0x3FDB];
	_ =	sdelay $0x1  }
0x99: {  	s19 =	simm.s32 $_scs_section_size  }
0x9a: {  	s4 =	simm.s32 $_size__tile_overlayer_lowered;
	s5 =	simm.s32 $_tile_overlayer_lowered  }
0x9b: {  	s22 =	simm.s32 $0x1BFF;
	s21 =	sshll.u32 s5, $0x1;
	s2 =	sadd.s32 s19, s18  }
0x9c: {  	s6 =	simm.s32 $0x0;
	s20 =	sshll.u32 s4, $0x1;
	s4 =	sadd.s32 s21, s2  }
0x9d: {  	[timem:s6], [sflag:s22] =	dma.local [hbm:s4], s20  }
0x9e: {  	_ =	swait.ge [sflag:s22], s20  }
0x9f: {  	s3 =	ssub.s32 $0x0, s20;
	[sflag:s22] =	ssyncset.done $0x0  }
0xa0: {  	[sflag:s22] =	ssyncadd.s32 s3;
	_ =	sdelay $0x1  }
0xa1: {  	s23 =	simm.s32 $0x1B8B  }
0xa2: {  	_ =	swait.ge [sflag:s23], $0x1  }
0xa3: {  	[sflag:s23] =	ssyncset.done $0x0  }
0xa4: {  	s25 =	simm.s32 $0x1B8E;
	s24 =	sld [smem:$0x3FFE];
	[sflag:s23] =	ssyncadd.s32 $0xFFFFFFFF  }
0xa5: {  	s26 =	simm.s32 $execute0_lowered;
	[smem:$0x3FD2] =	sst s25  }
0xa6: {  	s4 =	sshll.u32 s26, $0x1;
	_ =	strace $0x80000049;
	[dreg:$0x1] =	wrdreg $0xFFFFFFFF  }
0xa7: {  	s28 =	simm.s32 $_size_execute0_lowered;
	s2 =	sadd.s32 s2, s4;
	[dreg:$0x0] =	wrdreg $0x0  }
0xa8: {  	s4 =	sshll.u32 s28, $0x1;
	[dreg:$0x2] =	wrdreg s2  }
0xa9: {  	[dreg:$0x3] =	wrdreg s4  }
0xaa: {  	[dreg:$0x4] =	wrdreg $0xC0  }
0xab: {  	_ =	task [dreg:s6], $0x5FFFF  }
0xac: {  	[dreg:$0x1] =	wrdreg $0xFFFFFFFF  }
0xad: {  	[dreg:$0x0] =	wrdreg $0x60  }
0xae: {  	[dreg:$0x2] =	wrdreg s24  }
0xaf: {  	[dreg:$0x3] =	wrdreg $0xC6200  }
0xb0: {  	[dreg:$0x4] =	wrdreg $0x9  }
0xb1: {  	_ =	task.clear_ibuf [dreg:s6], $0x5FFFF;
	_ =	strace $0x90000049  }
0xb2: {  	s29 =	simm.s32 $0x9;
	_ =	strace $0x8000004B  }
0xb3: {  	_ =	swait.ge [sflag:s29], $0x1  }
0xb4: {  	[sflag:s29] =	ssyncadd.s32 $0xFFFFFFFF  }
0xb5: {  	_ =	strace $0x9000004B  }
0xb6: {  	_ =	sfence  }
0xb7: {  	s30 =	sld [smem:$0x0];
	_ =	sdelay $0x2  }
0xb8: {  	s31 =	sshll.u32 s1, $0xD;
	s1 =	sshrl.u32 s1, $0x2  }
0xb9: {  	s3 =	sand.u32 $0x4000, s31;
	s1 =	sadd.s32 s1, s30  }
0xba: {  	s0 =	sor.u32 s3, s0;
	s1 =	sshll.u32 s1, $0x11  }
0xbb: {  	s0 =	sor.u32 s1, s0  }
0xbc: {  	s0 =	sadd.s32 $0x8F2B, s0  }
0xbd: {  	[sflag:s0] =	ssyncadd.remote.s32 $0x1  }
0xbe: {  	_ =	sfence.sel $0xFFFF  }
0xbf: {  	[dreg:$0x0] =	wrdreg $0xFFFFFFFF;
	(pc) =	sbr.abs _section_cstart, $3  }
0xc0: {  	[dreg:$0x1] =	wrdreg $0xFFFFFFFF  }
0xc1: {  	_ =	task.clear_ibuf [dreg:s6], $0x2FFFF;
	_ =	strace $0x9FFFFFFF  }
0xc2: {  	(tm) =	ssettm $0x7FFFFFFF  }
0xc3: {  	_ =	shalt  }
tec
execute0_lowered:
.L_overlay_start_1:
0x0: {  	(tag) =	ssettag $0x1  }
0x1: {  	s0 =	srdreg.scid;
	s1 =	rddreg [dreg:$0x0]  }
0x2: {  	s12 =	stileid.u32;
	s2 =	rddreg [dreg:$0x1]  }
0x3: {  	s16 =	simm.s32 $0xE;
	s18 =	simm.s32 $0x28;
	s19 =	simm.s32 $0x4E20  }
0x4: {  	s20 =	simm.s32 $0x6220;
	s22 =	simm.s32 $0x7620;
	s29 =	simm.s32 $0x9E20  }
0x5: {  	s30 =	simm.s32 $0x2;
	s21 =	simm.s32 $0x3;
	s28 =	simm.s32 $0x7  }
0x6: {  	s31 =	simm.s32 $0x8;
	s0 =	sand.u32 $0x1, s0;
	s3 =	sshll.u32 s12, $0x1  }
0x7: {  	s6 =	smul.u32 $0x13800, s12;
	s9 =	sadd.s32 $0x69C00, s1;
	s11 =	sshll.u32 s12, $0x6  }
0x8: {  	s4 =	sor.u32 s0, s3;
	s8 =	ssub.s32 $0x2, s0;
	s0 =	smul.u32 $0x138800, s0  }
0x9: {  	p0 =	sne.s32 s12, $0xF;
	s3 =	simm.s32 $0x0;
	s5 =	smul.u32 $0x2710, s4  }
0xa: {  	[smem:$0x7FF] =	sst s3;
	s4 =	sadd.s32 $0x1B800, s1;
	s7 =	sshrl.u32 s6, $0x3  }
0xb: {  	s10 =	sshrl.u32 s8, $0x1;
	s23 =	sadd.s32 s6, s2;
	_ =	strace $0x8000004A  }
0xc: {  	s7 =	sadd.s32 s7, s1;
	s8 =	ssub.s32 s8, s10;
	[dreg:$0x3] =	wrdreg s11  }
0xd: {  	s24 =	sadd.s32 s6, s0;
	s0 =	sshrl.u32 s0, $0x3;
	s14 =	sshrl.u32 s23, $0x3  }
0xe: {  	s23 =	simm.s32 $0xD;
	s6 =	simm.s32 $0x9;
	s10 =	simm.s32 $0xB  }
0xf: {  	s5 =	sshrl.u32 s5, $0x3;
	s7 =	sadd.s32 $0x42A00, s7;
	s0 =	sadd.s32 s9, s0  }
0x10: {  	s26 =	smax.u32 s8, $0x1;
	s8 =	simm.s32 $0x6;
	s5 =	sadd.s32 s5, s1  }
0x11: {  	[dreg:$0x4] =	wrdreg s7;
	s7 =	sor.u32 $0x1C0D, s11;
	s11 =	sadd.s32 $0x138000, s2  }
0x12: {  	s1 =	sadd.s32 $0x69A00, s1;
	s0 =	sadd.s32 $0x27000, s0;
	[dreg:$0xa] =	wrdreg s26  }
0x13: {  	s26 =	simm.s32 $0x1;
	[dreg:$0x5] =	wrdreg s1;
	s25 =	sadd.s32 $0x2E00, s5  }
0x14: {  	s1 =	sshrl.u32 s24, $0x3;
	s5 =	sadd.s32 $0xCA40, s5;
	[dreg:$0x9] =	wrdreg s0  }
0x15: {  	s15 =	sshrl.u32 @!p0 s11, $0x3;
	s0 =	simm.s32 $0xB220;
	[dreg:$0x6] =	wrdreg s25  }
0x16: {  	s24 =	simm.s32 $0x5;
	s11 =	simm.s32 $0x0;
	[dreg:$0x7] =	wrdreg s5  }
0x17: {  	s1 =	sadd.s32 s9, s1;
	s25 =	simm.s32 $0x8A20;
	s9 =	simm.s32 $0xA  }
0x18: {  	s5 =	simm.s32 $0xC;
	[dreg:$0x8] =	wrdreg s1;
	s1 =	simm.s32 $0x4  }
.LBB2_1:
0x19: {  	s12 =	rddreg [dreg:$0x4]  }
0x1a: {  	[spmem:s14], [sflag:s7] =	dma.local [hbm:s12], $0x2700  }
0x1b: {  	s12 =	rddreg [dreg:$0x5]  }
0x1c: {  	[spmem:s15], [sflag:s7] =	dma.local @!p0 [hbm:s12], $0x100  }
0x1d: {  	s12 =	rddreg [dreg:$0x6]  }
0x1e: {  	[tilespmem:s3], [sflag:$0xE] =	stream.linear.gather [hbm4b:s12+s3], $0x2710, $0x38;
	[tilespmem:$0x1FEA0] =	vst v63  }
0x1f: {  	_ =	swait.ge [sflag:s16], $0x2710  }
0x20: {  	[sflag:s16] =	ssyncset.done $0x0  }
0x21: {  	s13 =	simm.s32 $0x2710;
	s17 =	rddreg [dreg:$0x7];
	[sflag:s16] =	ssyncadd.s32 $0xFFFFD8F0  }
0x22: {  	[tilespmem:s13], [sflag:$0xE] =	stream.linear.gather [hbm4b:s17+s3], $0x2710, $0x38;
	[tilespmem:$0x1FEA0] =	vst v63  }
0x23: {  	_ =	swait.ge [sflag:s16], $0x2710  }
0x24: {  	[sflag:s16] =	ssyncset.done $0x0  }
0x25: {  	[sflag:s16] =	ssyncadd.s32 $0xFFFFD8F0  }
0x26: {  	[tilespmem:s19], [sflag:$0x1] =	stream.indirect.gather [hbm4b:s4+s18], $0x80, s3, s18, $0xb8;
	[tilespmem:$0x1FEA0] =	vst v63  }
0x27: {  	_ = 	snop  }
0x28: {  	[tilespmem:s20], [sflag:$0x2] =	stream.indirect.gather [hbm4b:s4+s18], $0x80, s18, s18, $0xb8;
	[tilespmem:$0x1FEA0] =	vst v63  }
0x29: {  	s17 =	simm.s32 $0x50  }
0x2a: {  	[tilespmem:s22], [sflag:$0x3] =	stream.indirect.gather [hbm4b:s4+s18], $0x80, s17, s18, $0xb8;
	[tilespmem:$0x1FEA0] =	vst v63  }
0x2b: {  	_ =	swait.ge [sflag:s23], $0x2700  }
0x2c: {  	[sflag:s23] =	ssyncset.done $0x0  }
0x2d: {  	s12 =	simm.s32 @!p0 $0xD;
	[sflag:s23] =	ssyncadd.s32 $0xFFFFD900  }
0x2e: {  	_ =	swait.ge @!p0 [sflag:s12], $0x100  }
0x2f: {  	[sflag:s12] =	ssyncset.done @!p0 $0x0  }
0x30: {  	[sflag:s12] =	ssyncadd.s32 @!p0 $0xFFFFFF00  }
0x31: {  	s17 =	simm.s32 $0x78;
	[bflag:$0x0] =	sbarrier.arrive $0xFFFF  }
0x32: {  	[tilespmem:s25], [sflag:$0x4] =	stream.indirect.gather [hbm4b:s4+s18], $0x80, s17, s18, $0xb8;
	[tilespmem:$0x1FEA0] =	vst v63  }
0x33: {  	_ =	swait.ge [sflag:s26], $0x1400  }
0x34: {  	[sflag:s26] =	ssyncset.done $0x0  }
0x35: {  	[sflag:s26] =	ssyncadd.s32 $0xFFFFEC00  }
0x36: {  	[spmem:s2] =	stream.indirect.scatter.add.f32 [tilespmem:s19], [sflag:$0x7], $0x80, s13, s18, $0xb8;
	[tilespmem:$0x1FEA0] =	vst v63  }
0x37: {  	s17 =	simm.s32 $0xA0  }
0x38: {  	[tilespmem:s29], [sflag:$0x5] =	stream.indirect.gather [hbm4b:s4+s18], $0x80, s17, s18, $0xb8;
	[tilespmem:$0x1FEA0] =	vst v63  }
0x39: {  	_ =	swait.ge [sflag:s30], $0x1400  }
0x3a: {  	[sflag:s30] =	ssyncset.done $0x0  }
0x3b: {  	s13 =	simm.s32 $0x2738;
	[sflag:s30] =	ssyncadd.s32 $0xFFFFEC00  }
0x3c: {  	[spmem:s2] =	stream.indirect.scatter.add.f32 [tilespmem:s20], [sflag:$0x8], $0x80, s13, s18, $0xb8;
	[tilespmem:$0x1FEA0] =	vst v63  }
0x3d: {  	s17 =	simm.s32 $0xC8  }
0x3e: {  	[tilespmem:s0], [sflag:$0x6] =	stream.indirect.gather [hbm4b:s4+s18], $0x80, s17, s18, $0xb8;
	[tilespmem:$0x1FEA0] =	vst v63  }
0x3f: {  	_ =	swait.ge [sflag:s21], $0x1400  }
0x40: {  	[sflag:s21] =	ssyncset.done $0x0  }
0x41: {  	s13 =	simm.s32 $0x2760;
	[sflag:s21] =	ssyncadd.s32 $0xFFFFEC00  }
0x42: {  	[spmem:s2] =	stream.indirect.scatter.add.f32 [tilespmem:s22], [sflag:$0x9], $0x80, s13, s18, $0xb8;
	[tilespmem:$0x1FEA0] =	vst v63  }
0x43: {  	_ =	swait.ge [sflag:s28], $0x1400  }
0x44: {  	[sflag:s28] =	ssyncset.done $0x0  }
0x45: {  	s17 =	simm.s32 $0xF0;
	[sflag:s28] =	ssyncadd.s32 $0xFFFFEC00  }
0x46: {  	[tilespmem:s19], [sflag:$0x1] =	stream.indirect.gather [hbm4b:s4+s18], $0x80, s17, s18, $0xb8;
	[tilespmem:$0x1FEA0] =	vst v63  }
0x47: {  	_ =	swait.ge [sflag:s1], $0x1400  }
0x48: {  	[sflag:s1] =	ssyncset.done $0x0  }
0x49: {  	s13 =	simm.s32 $0x2788;
	[sflag:s1] =	ssyncadd.s32 $0xFFFFEC00  }
0x4a: {  	[spmem:s2] =	stream.indirect.scatter.add.f32 [tilespmem:s25], [sflag:$0xA], $0x80, s13, s18, $0xb8;
	[tilespmem:$0x1FEA0] =	vst v63  }
0x4b: {  	_ =	swait.ge [sflag:s31], $0x1400  }
0x4c: {  	[sflag:s31] =	ssyncset.done $0x0  }
0x4d: {  	s17 =	simm.s32 $0x118;
	[sflag:s31] =	ssyncadd.s32 $0xFFFFEC00  }
0x4e: {  	[tilespmem:s20], [sflag:$0x2] =	stream.indirect.gather [hbm4b:s4+s18], $0x80, s17, s18, $0xb8;
	[tilespmem:$0x1FEA0] =	vst v63  }
0x4f: {  	_ =	swait.ge [sflag:s24], $0x1400  }
0x50: {  	[sflag:s24] =	ssyncset.done $0x0  }
0x51: {  	s13 =	simm.s32 $0x27B0;
	[sflag:s24] =	ssyncadd.s32 $0xFFFFEC00  }
0x52: {  	[spmem:s2] =	stream.indirect.scatter.add.f32 [tilespmem:s29], [sflag:$0xB], $0x80, s13, s18, $0xb8;
	[tilespmem:$0x1FEA0] =	vst v63  }
0x53: {  	_ =	swait.ge [sflag:s6], $0x1400  }
0x54: {  	[sflag:s6] =	ssyncset.done $0x0  }
0x55: {  	s17 =	simm.s32 $0x140;
	[sflag:s6] =	ssyncadd.s32 $0xFFFFEC00  }
0x56: {  	[tilespmem:s22], [sflag:$0x3] =	stream.indirect.gather [hbm4b:s4+s18], $0x80, s17, s18, $0xb8;
	[tilespmem:$0x1FEA0] =	vst v63  }
0x57: {  	_ =	swait.ge [sflag:s8], $0x1400  }
0x58: {  	[sflag:s8] =	ssyncset.done $0x0  }
0x59: {  	s13 =	simm.s32 $0x27D8;
	[sflag:s8] =	ssyncadd.s32 $0xFFFFEC00  }
0x5a: {  	[spmem:s2] =	stream.indirect.scatter.add.f32 [tilespmem:s0], [sflag:$0xC], $0x80, s13, s18, $0xb8;
	[tilespmem:$0x1FEA0] =	vst v63  }
0x5b: {  	_ =	swait.ge [sflag:s9], $0x1400  }
0x5c: {  	[sflag:s9] =	ssyncset.done $0x0  }
0x5d: {  	s17 =	simm.s32 $0x168;
	[sflag:s9] =	ssyncadd.s32 $0xFFFFEC00  }
0x5e: {  	[tilespmem:s25], [sflag:$0x4] =	stream.indirect.gather [hbm4b:s4+s18], $0x80, s17, s18, $0xb8;
	[tilespmem:$0x1FEA0] =	vst v63  }
0x5f: {  	_ =	swait.ge [sflag:s26], $0x1400  }
0x60: {  	[sflag:s26] =	ssyncset.done $0x0  }
0x61: {  	s13 =	simm.s32 $0x2800;
	[sflag:s26] =	ssyncadd.s32 $0xFFFFEC00  }
0x62: {  	[spmem:s2] =	stream.indirect.scatter.add.f32 [tilespmem:s19], [sflag:$0x7], $0x80, s13, s18, $0xb8;
	[tilespmem:$0x1FEA0] =	vst v63  }
0x63: {  	_ =	swait.ge [sflag:s10], $0x1400  }
0x64: {  	[sflag:s10] =	ssyncset.done $0x0  }
0x65: {  	s17 =	simm.s32 $0x190;
	[sflag:s10] =	ssyncadd.s32 $0xFFFFEC00  }
0x66: {  	[tilespmem:s29], [sflag:$0x5] =	stream.indirect.gather [hbm4b:s4+s18], $0x80, s17, s18, $0xb8;
	[tilespmem:$0x1FEA0] =	vst v63  }
0x67: {  	_ =	swait.ge [sflag:s30], $0x1400  }
0x68: {  	[sflag:s30] =	ssyncset.done $0x0  }
0x69: {  	s13 =	simm.s32 $0x2828;
	[sflag:s30] =	ssyncadd.s32 $0xFFFFEC00  }
0x6a: {  	[spmem:s2] =	stream.indirect.scatter.add.f32 [tilespmem:s20], [sflag:$0x8], $0x80, s13, s18, $0xb8;
	[tilespmem:$0x1FEA0] =	vst v63  }
0x6b: {  	_ =	swait.ge [sflag:s5], $0x1400  }
0x6c: {  	[sflag:s5] =	ssyncset.done $0x0  }
0x6d: {  	s17 =	simm.s32 $0x1B8;
	[sflag:s5] =	ssyncadd.s32 $0xFFFFEC00  }
0x6e: {  	[tilespmem:s0], [sflag:$0x6] =	stream.indirect.gather [hbm4b:s4+s18], $0x80, s17, s18, $0xb8;
	[tilespmem:$0x1FEA0] =	vst v63  }
0x6f: {  	_ =	swait.ge [sflag:s21], $0x1400  }
0x70: {  	[sflag:s21] =	ssyncset.done $0x0  }
0x71: {  	s13 =	simm.s32 $0x2850;
	[sflag:s21] =	ssyncadd.s32 $0xFFFFEC00  }
0x72: {  	[spmem:s2] =	stream.indirect.scatter.add.f32 [tilespmem:s22], [sflag:$0x9], $0x80, s13, s18, $0xb8;
	[tilespmem:$0x1FEA0] =	vst v63  }
0x73: {  	_ =	swait.ge [sflag:s28], $0x1400  }
0x74: {  	[sflag:s28] =	ssyncset.done $0x0  }
0x75: {  	s17 =	simm.s32 $0x1E0;
	[sflag:s28] =	ssyncadd.s32 $0xFFFFEC00  }
0x76: {  	[tilespmem:s19], [sflag:$0x1] =	stream.indirect.gather [hbm4b:s4+s18], $0x80, s17, s18, $0xb8;
	[tilespmem:$0x1FEA0] =	vst v63  }
0x77: {  	_ =	swait.ge [sflag:s1], $0x1400  }
0x78: {  	[sflag:s1] =	ssyncset.done $0x0  }
0x79: {  	s13 =	simm.s32 $0x2878;
	[sflag:s1] =	ssyncadd.s32 $0xFFFFEC00  }
0x7a: {  	[spmem:s2] =	stream.indirect.scatter.add.f32 [tilespmem:s25], [sflag:$0xA], $0x80, s13, s18, $0xb8;
	[tilespmem:$0x1FEA0] =	vst v63  }
0x7b: {  	_ =	swait.ge [sflag:s31], $0x1400  }
0x7c: {  	[sflag:s31] =	ssyncset.done $0x0  }
0x7d: {  	s17 =	simm.s32 $0x208;
	[sflag:s31] =	ssyncadd.s32 $0xFFFFEC00  }
0x7e: {  	[tilespmem:s20], [sflag:$0x2] =	stream.indirect.gather [hbm4b:s4+s18], $0x80, s17, s18, $0xb8;
	[tilespmem:$0x1FEA0] =	vst v63  }
0x7f: {  	_ =	swait.ge [sflag:s24], $0x1400  }
0x80: {  	[sflag:s24] =	ssyncset.done $0x0  }
0x81: {  	s13 =	simm.s32 $0x28A0;
	[sflag:s24] =	ssyncadd.s32 $0xFFFFEC00  }
0x82: {  	[spmem:s2] =	stream.indirect.scatter.add.f32 [tilespmem:s29], [sflag:$0xB], $0x80, s13, s18, $0xb8;
	[tilespmem:$0x1FEA0] =	vst v63  }
0x83: {  	_ =	swait.ge [sflag:s6], $0x1400  }
0x84: {  	[sflag:s6] =	ssyncset.done $0x0  }
0x85: {  	s17 =	simm.s32 $0x230;
	[sflag:s6] =	ssyncadd.s32 $0xFFFFEC00  }
0x86: {  	[tilespmem:s22], [sflag:$0x3] =	stream.indirect.gather [hbm4b:s4+s18], $0x80, s17, s18, $0xb8;
	[tilespmem:$0x1FEA0] =	vst v63  }
0x87: {  	_ =	swait.ge [sflag:s8], $0x1400  }
0x88: {  	[sflag:s8] =	ssyncset.done $0x0  }
0x89: {  	s12 =	simm.s32 $0x3C0;
	s17 =	simm.s32 $0x28C8;
	[sflag:s8] =	ssyncadd.s32 $0xFFFFEC00  }
.LBB2_2:
0x8a: {  	[spmem:s2] =	stream.indirect.scatter.add.f32 [tilespmem:s0], [sflag:$0xC], $0x80, s17, s18, $0xb8;
	[tilespmem:$0x1FEA0] =	vst v63  }
0x8b: {  	s17 =	smov.u32 s12  }
0x8c: {  	p1 =	sne.s32 s12, $0x9240;
	s12 =	sadd.s32 $0x3C0, s12;
	_ =	swait.ge [sflag:s9], $0x1400  }
0x8d: {  	s17 =	sshra.s32 s17, $0x2;
	[sflag:s9] =	ssyncset.done $0x0  }
0x8e: {  	s13 =	sadd.s32 $0x168, s17;
	[sflag:s9] =	ssyncadd.s32 $0xFFFFEC00  }
0x8f: {  	[tilespmem:s25], [sflag:$0x4] =	stream.indirect.gather [hbm4b:s4+s18], $0x80, s13, s18, $0xb8;
	[tilespmem:$0x1FEA0] =	vst v63  }
0x90: {  	_ =	swait.ge [sflag:s26], $0x1400  }
0x91: {  	[sflag:s26] =	ssyncset.done $0x0  }
0x92: {  	s13 =	sadd.s32 $0x2800, s17;
	[sflag:s26] =	ssyncadd.s32 $0xFFFFEC00  }
0x93: {  	[spmem:s2] =	stream.indirect.scatter.add.f32 [tilespmem:s19], [sflag:$0x7], $0x80, s13, s18, $0xb8;
	[tilespmem:$0x1FEA0] =	vst v63  }
0x94: {  	_ =	swait.ge [sflag:s10], $0x1400  }
0x95: {  	[sflag:s10] =	ssyncset.done $0x0  }
0x96: {  	s13 =	sadd.s32 $0x190, s17;
	[sflag:s10] =	ssyncadd.s32 $0xFFFFEC00  }
0x97: {  	[tilespmem:s29], [sflag:$0x5] =	stream.indirect.gather [hbm4b:s4+s18], $0x80, s13, s18, $0xb8;
	[tilespmem:$0x1FEA0] =	vst v63  }
0x98: {  	_ =	swait.ge [sflag:s30], $0x1400  }
0x99: {  	[sflag:s30] =	ssyncset.done $0x0  }
0x9a: {  	s13 =	sadd.s32 $0x2828, s17;
	[sflag:s30] =	ssyncadd.s32 $0xFFFFEC00  }
0x9b: {  	[spmem:s2] =	stream.indirect.scatter.add.f32 [tilespmem:s20], [sflag:$0x8], $0x80, s13, s18, $0xb8;
	[tilespmem:$0x1FEA0] =	vst v63  }
0x9c: {  	_ =	swait.ge [sflag:s5], $0x1400  }
0x9d: {  	[sflag:s5] =	ssyncset.done $0x0  }
0x9e: {  	s13 =	sadd.s32 $0x1B8, s17;
	[sflag:s5] =	ssyncadd.s32 $0xFFFFEC00  }
0x9f: {  	[tilespmem:s0], [sflag:$0x6] =	stream.indirect.gather [hbm4b:s4+s18], $0x80, s13, s18, $0xb8;
	[tilespmem:$0x1FEA0] =	vst v63  }
0xa0: {  	_ =	swait.ge [sflag:s21], $0x1400  }
0xa1: {  	[sflag:s21] =	ssyncset.done $0x0  }
0xa2: {  	s13 =	sadd.s32 $0x2850, s17;
	[sflag:s21] =	ssyncadd.s32 $0xFFFFEC00  }
0xa3: {  	[spmem:s2] =	stream.indirect.scatter.add.f32 [tilespmem:s22], [sflag:$0x9], $0x80, s13, s18, $0xb8;
	[tilespmem:$0x1FEA0] =	vst v63  }
0xa4: {  	_ =	swait.ge [sflag:s28], $0x1400  }
0xa5: {  	[sflag:s28] =	ssyncset.done $0x0  }
0xa6: {  	s13 =	sadd.s32 $0x1E0, s17;
	[sflag:s28] =	ssyncadd.s32 $0xFFFFEC00  }
0xa7: {  	[tilespmem:s19], [sflag:$0x1] =	stream.indirect.gather [hbm4b:s4+s18], $0x80, s13, s18, $0xb8;
	[tilespmem:$0x1FEA0] =	vst v63  }
0xa8: {  	_ =	swait.ge [sflag:s1], $0x1400  }
0xa9: {  	[sflag:s1] =	ssyncset.done $0x0  }
0xaa: {  	s13 =	sadd.s32 $0x2878, s17;
	[sflag:s1] =	ssyncadd.s32 $0xFFFFEC00  }
0xab: {  	[spmem:s2] =	stream.indirect.scatter.add.f32 [tilespmem:s25], [sflag:$0xA], $0x80, s13, s18, $0xb8;
	[tilespmem:$0x1FEA0] =	vst v63  }
0xac: {  	_ =	swait.ge [sflag:s31], $0x1400  }
0xad: {  	[sflag:s31] =	ssyncset.done $0x0  }
0xae: {  	s13 =	sadd.s32 $0x208, s17;
	[sflag:s31] =	ssyncadd.s32 $0xFFFFEC00  }
0xaf: {  	[tilespmem:s20], [sflag:$0x2] =	stream.indirect.gather [hbm4b:s4+s18], $0x80, s13, s18, $0xb8;
	[tilespmem:$0x1FEA0] =	vst v63  }
0xb0: {  	_ =	swait.ge [sflag:s24], $0x1400  }
0xb1: {  	[sflag:s24] =	ssyncset.done $0x0  }
0xb2: {  	s13 =	sadd.s32 $0x28A0, s17;
	[sflag:s24] =	ssyncadd.s32 $0xFFFFEC00  }
0xb3: {  	[spmem:s2] =	stream.indirect.scatter.add.f32 [tilespmem:s29], [sflag:$0xB], $0x80, s13, s18, $0xb8;
	[tilespmem:$0x1FEA0] =	vst v63  }
0xb4: {  	_ =	swait.ge [sflag:s6], $0x1400  }
0xb5: {  	[sflag:s6] =	ssyncset.done $0x0  }
.Ltmp0:
0xb6: {  	s13 =	sadd.s32 $0x230, s17;
	[sflag:s6] =	ssyncadd.s32 $0xFFFFEC00;
	(pc) =	sbr.rel @p1 .LBB2_2-.Ltmp0, $4  }
0xb7: {  	[tilespmem:s22], [sflag:$0x3] =	stream.indirect.gather [hbm4b:s4+s18], $0x80, s13, s18, $0xb8;
	[tilespmem:$0x1FEA0] =	vst v63  }
0xb8: {  	_ =	swait.ge [sflag:s8], $0x1400  }
0xb9: {  	[sflag:s8] =	ssyncset.done $0x0  }
0xba: {  	s17 =	sadd.s32 $0x28C8, s17;
	[sflag:s8] =	ssyncadd.s32 $0xFFFFEC00  }
0xbb: {  	[spmem:s2] =	stream.indirect.scatter.add.f32 [tilespmem:s0], [sflag:$0xC], $0x80, s17, s18, $0xb8;
	[tilespmem:$0x1FEA0] =	vst v63  }
0xbc: {  	_ =	swait.ge [sflag:s9], $0x1400  }
0xbd: {  	[sflag:s9] =	ssyncset.done $0x0  }
0xbe: {  	s12 =	simm.s32 $0x26E8;
	[sflag:s9] =	ssyncadd.s32 $0xFFFFEC00  }
0xbf: {  	[tilespmem:s25], [sflag:$0x4] =	stream.indirect.gather [hbm4b:s4+s18], $0x80, s12, s18, $0xb8;
	[tilespmem:$0x1FEA0] =	vst v63  }
0xc0: {  	_ =	swait.ge [sflag:s26], $0x1400  }
0xc1: {  	[sflag:s26] =	ssyncset.done $0x0  }
0xc2: {  	s13 =	simm.s32 $0x4D80;
	[sflag:s26] =	ssyncadd.s32 $0xFFFFEC00  }
0xc3: {  	[spmem:s2] =	stream.indirect.scatter.add.f32 [tilespmem:s19], [sflag:$0x7], $0x80, s13, s18, $0xb8;
	[tilespmem:$0x1FEA0] =	vst v63  }
0xc4: {  	_ =	swait.ge [sflag:s30], $0x1400  }
0xc5: {  	[sflag:s30] =	ssyncset.done $0x0  }
0xc6: {  	s17 =	simm.s32 $0x4DA8;
	[sflag:s30] =	ssyncadd.s32 $0xFFFFEC00  }
0xc7: {  	[spmem:s2] =	stream.indirect.scatter.add.f32 [tilespmem:s20], [sflag:$0x8], $0x80, s17, s18, $0xb8;
	[tilespmem:$0x1FEA0] =	vst v63  }
0xc8: {  	_ =	swait.ge [sflag:s21], $0x1400  }
0xc9: {  	[sflag:s21] =	ssyncset.done $0x0  }
0xca: {  	s13 =	simm.s32 $0x4DD0;
	[sflag:s21] =	ssyncadd.s32 $0xFFFFEC00  }
0xcb: {  	[spmem:s2] =	stream.indirect.scatter.add.f32 [tilespmem:s22], [sflag:$0x9], $0x80, s13, s18, $0xb8;
	[tilespmem:$0x1FEA0] =	vst v63  }
0xcc: {  	_ =	swait.ge [sflag:s1], $0x1400  }
0xcd: {  	[sflag:s1] =	ssyncset.done $0x0  }
0xce: {  	s17 =	simm.s32 $0x4DF8;
	[sflag:s1] =	ssyncadd.s32 $0xFFFFEC00  }
0xcf: {  	[spmem:s2] =	stream.indirect.scatter.add.f32 [tilespmem:s25], [sflag:$0xA], $0x80, s17, s18, $0xb8;
	[tilespmem:$0x1FEA0] =	vst v63  }
0xd0: {  	_ =	swait.ge [sflag:s10], $0x1400  }
0xd1: {  	[sflag:s10] =	ssyncset.done $0x0  }
0xd2: {  	[sflag:s10] =	ssyncadd.s32 $0xFFFFEC00  }
0xd3: {  	_ =	swait.ge [sflag:s5], $0x1400  }
0xd4: {  	[sflag:s5] =	ssyncset.done $0x0  }
0xd5: {  	[sflag:s5] =	ssyncadd.s32 $0xFFFFEC00  }
0xd6: {  	_ =	swait.ge [sflag:s28], $0x1400  }
0xd7: {  	[sflag:s28] =	ssyncset.done $0x0  }
0xd8: {  	[sflag:s28] =	ssyncadd.s32 $0xFFFFEC00  }
0xd9: {  	_ =	swait.ge [sflag:s31], $0x1400  }
0xda: {  	[sflag:s31] =	ssyncset.done $0x0  }
0xdb: {  	[sflag:s31] =	ssyncadd.s32 $0xFFFFEC00  }
0xdc: {  	_ =	swait.ge [sflag:s6], $0x1400  }
0xdd: {  	[sflag:s6] =	ssyncset.done $0x0  }
0xde: {  	[sflag:s6] =	ssyncadd.s32 $0xFFFFEC00  }
0xdf: {  	_ =	swait.ge [sflag:s9], $0x1400  }
0xe0: {  	[sflag:s9] =	ssyncset.done $0x0  }
0xe1: {  	[sflag:s9] =	ssyncadd.s32 $0xFFFFEC00  }
0xe2: {  	[bflag:$0x0] =	sbarrier.arrive $0xFFFF  }
0xe3: {  	s13 =	rddreg [dreg:$0x3]  }
0xe4: {  	s12 =	sor.u32 $0x1C0E, s13;
	s13 =	rddreg [dreg:$0x8]  }
0xe5: {  	[hbm:s13], [sflag:s12] =	dma.local [spmem:s14], $0x2700  }
0xe6: {  	_ =	swait.ge [sflag:s16], $0x2700  }
0xe7: {  	[sflag:s16] =	ssyncset.done $0x0  }
0xe8: {  	s13 =	rddreg [dreg:$0x9];
	[sflag:s16] =	ssyncadd.s32 $0xFFFFD900  }
0xe9: {  	[hbm:s13], [sflag:s12] =	dma.local @!p0 [spmem:s15], $0x100  }
0xea: {  	s12 =	simm.s32 @!p0 $0xE  }
0xeb: {  	_ =	swait.ge @!p0 [sflag:s12], $0x100  }
0xec: {  	s11 =	sadd.s32 $0x1, s11;
	s17 =	rddreg [dreg:$0xa]  }
0xed: {  	p1 =	sne.s32 s11, s17  }
.Ltmp1:
0xee: {  	_ = 	snop;
	(pc) =	sbr.rel @p1 .LBB2_1-.Ltmp1, $3  }
0xef: {  	_ =	sdelay $0x1  }
0xf0: {  	[sflag:s12] =	ssyncset.done @!p0 $0x0  }
0xf1: {  	[sflag:s12] =	ssyncadd.s32 @!p0 $0xFFFFFF00  }
0xf2: {  	_ =	sfence.sel $0x180000  }
0xf3: {  	[bflag:$0x0] =	sbarrier.arrive $0xFFFF  }
0xf4: {  	_ =	strace $0x9000004A  }
0xf5: {  	s0 =	stileid.u32;
	[bflag:$0x2] =	sbarrier.arrive $0xFFFF  }
0xf6: {  	p0 =	sne.s32 s0, $0x0;
	s0 =	rddreg [dreg:$0x2]  }
0xf7: {  	s0 =	sadd.s32 @!p0 $0x100000, s0  }
0xf8: {  	[sflag:s0] =	ssyncadd.tile.s32 @!p0 $0x1;
	_ =	shalt  }
.Lfunc_end2:
_tile_overlayer_lowered:
.L_overlay_start_2:
0xf9: {  	(tag) =	ssettag $0x2  }
0xfa: {  	s0 =	rddreg [dreg:$0x0];
	s2 =	stileid.u32  }
0xfb: {  	s1 =	rddreg [dreg:$0x1];
	p0 =	sne.s32 s2, $0x0  }
0xfc: {  	s3 =	rddreg [dreg:$0x2];
	[bflag:$0x3] =	sbarrier.arrive $0xFFFF;
	s2 =	simm.s32 @!p0 $0x1C0E  }
0xfd: {  	[timem:s3], [sflag:s2] =	dma.local @!p0 [hbm:s0], s1  }
0xfe: {  	s0 =	simm.s32 @!p0 $0xE  }
0xff: {  	_ =	swait.ge @!p0 [sflag:s0], s1  }
0x100: {  	s1 =	ssub.s32 @!p0 $0x0, s1;
	[sflag:s0] =	ssyncset.done @!p0 $0x0  }
0x101: {  	[sflag:s0] =	ssyncadd.s32 @!p0 s1  }
0x102: {  	[bflag:$0x3] =	sbarrier.arrive $0xFFFF  }
0x103: {  	_ =	shalt  }

// kernel: kernel.16.cloned.1.call-start
scs
__scs_entry_jumppad:
0x0: {  	(pc) =	sbr.rel $0x88, $3  }
0x1: {  	(tag) =	ssettag $0x0;
	lr =	simm.s32 $0x1  }
0x2: {  	[smem:$0x3F99] =	sst lr;
	_ =	strace $0xD0000000  }
0x3: {  	_ = 	snop  }
0x4: {  	_ = 	snop  }
0x5: {  	_ = 	snop  }
0x6: {  	_ = 	snop  }
0x7: {  	_ = 	snop  }
__scs_overlays_trampoline_lowered:
0x8: {  	[smem:$0x3FA8] =	sst s0  }
0x9: {  	[smem:$0x3FA9] =	sst s1  }
0xa: {  	[smem:$0x3FAA] =	sst s2  }
0xb: {  	[smem:$0x3FAB] =	sst s3  }
0xc: {  	[smem:$0x3FAC] =	sst s4  }
0xd: {  	[smem:$0x3FAD] =	sst s5  }
0xe: {  	[smem:$0x3FAE] =	sst s6  }
0xf: {  	[smem:$0x3FAF] =	sst s7  }
0x10: {  	[smem:$0x3FB0] =	sst s8  }
0x11: {  	[smem:$0x3FB1] =	sst s9;
	s0 =	simm.s32 @!p0 $0x0  }
0x12: {  	s1 =	sld [smem:$0x3F97];
	s0 =	simm.s32 @p0 $0x1  }
0x13: {  	[smem:$0x3FB2] =	sst s0;
	s0 =	simm.s32 @!p1 $0x0  }
0x14: {  	s2 =	sld [smem:$0x3F96];
	s0 =	simm.s32 @p1 $0x1  }
0x15: {  	[smem:$0x3FB3] =	sst s0;
	s0 =	simm.s32 @!p2 $0x0  }
0x16: {  	s3 =	sld [smem:$0x3FDB];
	s0 =	simm.s32 @p2 $0x1  }
0x17: {  	s4 =	simm.s32 $0x1BF5;
	[smem:$0x3FB5] =	sst s0  }
0x18: {  	s0 =	sld [smem:$0x3F98];
	_ =	swait.ge [sflag:s4], $0x0  }
0x19: {  	s7 =	sld [smem:$0x3F99]  }
0x1a: {  	s8 =	sadd.s32 $0xFFFFE003, lr  }
0x1b: {  	s9 =	sadd.s32 $0xFFFFFEF7, lr;
	s5 =	simm.s32 $0xFFFFFFFF;
	p2 =	slt.u32 s8, $0xFFFFF086  }
0x1c: {  	p1 =	slt.u32 s9, $0xF7A;
	s5 =	simm.s32 @!p2 $0x0  }
0x1d: {  	s5 =	simm.s32 @p1 $0x1;
	p0 =	seq.s32 s7, s2  }
0x1e: {  	s7 =	smul.u32 @!p0 $0xF7A, s2;
	p2 =	seq.s32 @!p0 s5, $0x0  }
0x1f: {  	s9 =	smul.u32 $0xF7A, s1;
	s8 =	simm.s32 @!p0 $0x1BF5;
	p2 =	por !p2, p0  }
0x20: {  	[sflag:s8] =	ssyncset.s32 @!p0 $0xFFFFF086;
	s6 =	sadd.s32 @!p0 s3, s7;
	s7 =	simm.s32 @!p0 $0x108  }
0x21: {  	s3 =	sadd.s32 s3, s9;
	s6 =	sadd.s32 @!p0 $0x88, s6;
	s7 =	simm.s32 @p2 $0x1082  }
0x22: {  	[simem:s7], [sflag:s8] =	dma.local @!p0 [hbm:s6], $0xF7A  }
0x23: {  	s9 =	sor.u32 $0xD0000000, s2;
	s6 =	simm.s32 $0x108;
	_ =	swait.ge @!p0 [sflag:s8], $0x0  }
0x24: {  	s3 =	sadd.s32 $0x88, s3;
	s6 =	simm.s32 @!p1 $0x1082;
	[sflag:s4] =	ssyncset.s32 $0xFFFFF086  }
0x25: {  	[simem:s6], [sflag:s4] =	dma.local [hbm:s3], $0xF7A  }
0x26: {  	[smem:$0x3F99] =	sst s1;
	(tag) =	ssettag s2;
	_ =	strace s9  }
0x27: {  	s1 =	sld [smem:$0x3FA9]  }
0x28: {  	s2 =	sld [smem:$0x3FAA]  }
0x29: {  	s4 =	sld [smem:$0x3FAC]  }
0x2a: {  	p0 =	seq.s32 s5, $0x0;
	s5 =	sld [smem:$0x3FAD]  }
0x2b: {  	s6 =	sld [smem:$0x3FAE]  }
0x2c: {  	s7 =	sld [smem:$0x3FAF]  }
0x2d: {  	s3 =	simm.s32 $0x108;
	s8 =	sld [smem:$0x3FB0]  }
0x2e: {  	s3 =	simm.s32 @!p0 $0x1082;
	s9 =	sld [smem:$0x3FB1]  }
0x2f: {  	lr =	sadd.s32 s0, s3;
	s0 =	sld [smem:$0x3FA8]  }
0x30: {  	s3 =	sld [smem:$0x3FAB]  }
0x31: {  	[smem:$0x3FB4] =	sst s10  }
0x32: {  	s10 =	sld [smem:$0x3FB2];
	_ =	sdelay $0x3  }
0x33: {  	p0 =	seq.s32 s10, $0x1;
	s10 =	sld [smem:$0x3FB4];
	_ =	sdelay $0x3  }
0x34: {  	[smem:$0x3FB4] =	sst s10  }
0x35: {  	s10 =	sld [smem:$0x3FB3];
	_ =	sdelay $0x3  }
0x36: {  	p1 =	seq.s32 s10, $0x1;
	s10 =	sld [smem:$0x3FB4];
	_ =	sdelay $0x3  }
0x37: {  	[smem:$0x3FB4] =	sst s10  }
0x38: {  	s10 =	sld [smem:$0x3FB5]  }
0x39: {  	_ = 	snop;
	(pc) =	sbr.ind lr, $3  }
0x3a: {  	_ = 	snop  }
0x3b: {  	_ = 	snop  }
0x3c: {  	p2 =	seq.s32 s10, $0x1;
	s10 =	sld [smem:$0x3FB4]  }
0x3d: {  	_ =	shalt  }
0x3e: {  	_ =	shalt  }
0x3f: {  	_ =	shalt  }
0x40: {  	_ =	shalt  }
0x41: {  	_ =	shalt  }
0x42: {  	_ =	shalt  }
0x43: {  	_ =	shalt  }
0x44: {  	_ =	shalt  }
0x45: {  	_ =	shalt  }
0x46: {  	_ =	shalt  }
0x47: {  	_ =	shalt  }
0x48: {  	_ =	shalt  }
0x49: {  	_ =	shalt  }
0x4a: {  	_ =	shalt  }
0x4b: {  	_ =	shalt  }
0x4c: {  	_ =	shalt  }
0x4d: {  	_ =	shalt  }
0x4e: {  	_ =	shalt  }
0x4f: {  	_ =	shalt  }
0x50: {  	_ =	shalt  }
0x51: {  	_ =	shalt  }
0x52: {  	_ =	shalt  }
0x53: {  	_ =	shalt  }
0x54: {  	_ =	shalt  }
0x55: {  	_ =	shalt  }
0x56: {  	_ =	shalt  }
0x57: {  	_ =	shalt  }
0x58: {  	_ =	shalt  }
0x59: {  	_ =	shalt  }
0x5a: {  	_ =	shalt  }
0x5b: {  	_ =	shalt  }
0x5c: {  	_ =	shalt  }
0x5d: {  	_ =	shalt  }
0x5e: {  	_ =	shalt  }
0x5f: {  	_ =	shalt  }
0x60: {  	_ =	shalt  }
0x61: {  	_ =	shalt  }
0x62: {  	_ =	shalt  }
0x63: {  	_ =	shalt  }
0x64: {  	_ =	shalt  }
0x65: {  	_ =	shalt  }
0x66: {  	_ =	shalt  }
0x67: {  	_ =	shalt  }
0x68: {  	_ =	shalt  }
0x69: {  	_ =	shalt  }
0x6a: {  	_ =	shalt  }
0x6b: {  	_ =	shalt  }
0x6c: {  	_ =	shalt  }
0x6d: {  	_ =	shalt  }
0x6e: {  	_ =	shalt  }
0x6f: {  	_ =	shalt  }
0x70: {  	_ =	shalt  }
0x71: {  	_ =	shalt  }
0x72: {  	_ =	shalt  }
0x73: {  	_ =	shalt  }
0x74: {  	_ =	shalt  }
0x75: {  	_ =	shalt  }
0x76: {  	_ =	shalt  }
0x77: {  	_ =	shalt  }
0x78: {  	_ =	shalt  }
0x79: {  	_ =	shalt  }
0x7a: {  	_ =	shalt  }
0x7b: {  	_ =	shalt  }
0x7c: {  	_ =	shalt  }
0x7d: {  	_ =	shalt  }
0x7e: {  	_ =	shalt  }
0x7f: {  	_ =	shalt  }
0x80: {  	_ =	shalt  }
0x81: {  	_ =	shalt  }
0x82: {  	_ =	shalt  }
0x83: {  	_ =	shalt  }
0x84: {  	_ =	shalt  }
0x85: {  	_ =	shalt  }
0x86: {  	_ =	shalt  }
0x87: {  	_ =	shalt  }
.Lfunc_end0:
.L_simem_size_0:
called_computation.2_lowered:
.L_overlay_start_0:
0x88: {  	s2 =	sld [smem:$0x3FD9]  }
0x89: {  	s3 =	sld [smem:$0x3FFE];
	_ =	sdelay $0x1  }
0x8a: {  	s1 =	srdreg.scid  }
0x8b: {  	s0 =	sand.u32 $0x1, s1  }
0x8c: {  	s16 =	sshll.u32 s0, $0xA;
	s2 =	sadd.s32 s3, s2  }
0x8d: {  	s2 =	sadd.s32 s2, s16  }
0x8e: {  	[smem:$0x3FC0] =	sst s2  }
0x8f: {  	_ = 	snop  }
0x90: {  	(tm) =	ssettm $0x1  }
0x91: {  	s17 =	sld [smem:$0x3FFB];
	_ =	sdelay $0x3  }
0x92: {  	_ =	strace s17  }
0x93: {  	s2 =	sld [smem:$0x3FFC];
	_ =	sdelay $0x3  }
0x94: {  	_ =	strace s2  }
0x95: {  	s2 =	sld [smem:$0x3FFD];
	_ =	sdelay $0x3  }
0x96: {  	_ =	strace s2  }
0x97: {  	_ =	strace $0x8FFFFFFF  }
0x98: {  	s18 =	sld [smem:$0x3FDB];
	_ =	sdelay $0x1  }
0x99: {  	s19 =	simm.s32 $_scs_section_size  }
0x9a: {  	s4 =	simm.s32 $_size__tile_overlayer_lowered;
	s5 =	simm.s32 $_tile_overlayer_lowered  }
0x9b: {  	s22 =	simm.s32 $0x1BFF;
	s21 =	sshll.u32 s5, $0x1;
	s2 =	sadd.s32 s19, s18  }
0x9c: {  	s6 =	simm.s32 $0x0;
	s20 =	sshll.u32 s4, $0x1;
	s4 =	sadd.s32 s21, s2  }
0x9d: {  	[timem:s6], [sflag:s22] =	dma.local [hbm:s4], s20  }
0x9e: {  	_ =	swait.ge [sflag:s22], s20  }
0x9f: {  	s3 =	ssub.s32 $0x0, s20;
	[sflag:s22] =	ssyncset.done $0x0  }
0xa0: {  	[sflag:s22] =	ssyncadd.s32 s3;
	_ =	sdelay $0x1  }
0xa1: {  	s23 =	simm.s32 $0x1B8B  }
0xa2: {  	_ =	swait.ge [sflag:s23], $0x1  }
0xa3: {  	[sflag:s23] =	ssyncset.done $0x0  }
0xa4: {  	s25 =	simm.s32 $0x1B8E;
	s24 =	sld [smem:$0x3FFE];
	[sflag:s23] =	ssyncadd.s32 $0xFFFFFFFF  }
0xa5: {  	s26 =	simm.s32 $execute0_lowered;
	[smem:$0x3FD2] =	sst s25  }
0xa6: {  	s4 =	sshll.u32 s26, $0x1;
	_ =	strace $0x8000004C;
	[dreg:$0x1] =	wrdreg $0xFFFFFFFF  }
0xa7: {  	s28 =	simm.s32 $_size_execute0_lowered;
	s2 =	sadd.s32 s2, s4;
	[dreg:$0x0] =	wrdreg $0x0  }
0xa8: {  	s4 =	sshll.u32 s28, $0x1;
	[dreg:$0x2] =	wrdreg s2  }
0xa9: {  	[dreg:$0x3] =	wrdreg s4  }
0xaa: {  	[dreg:$0x4] =	wrdreg $0xC0  }
0xab: {  	_ =	task [dreg:s6], $0x5FFFF  }
0xac: {  	[dreg:$0x1] =	wrdreg $0xFFFFFFFF  }
0xad: {  	[dreg:$0x0] =	wrdreg $0x60  }
0xae: {  	[dreg:$0x2] =	wrdreg s24  }
0xaf: {  	[dreg:$0x3] =	wrdreg $0xC6200  }
0xb0: {  	[dreg:$0x4] =	wrdreg $0x9  }
0xb1: {  	_ =	task.clear_ibuf [dreg:s6], $0x5FFFF;
	_ =	strace $0x9000004C  }
0xb2: {  	s29 =	simm.s32 $0x9;
	_ =	strace $0x8000004E  }
0xb3: {  	_ =	swait.ge [sflag:s29], $0x1  }
0xb4: {  	[sflag:s29] =	ssyncadd.s32 $0xFFFFFFFF  }
0xb5: {  	_ =	strace $0x9000004E  }
0xb6: {  	_ =	sfence  }
0xb7: {  	s30 =	sld [smem:$0x0];
	_ =	sdelay $0x2  }
0xb8: {  	s31 =	sshll.u32 s1, $0xD;
	s1 =	sshrl.u32 s1, $0x2  }
0xb9: {  	s3 =	sand.u32 $0x4000, s31;
	s1 =	sadd.s32 s1, s30  }
0xba: {  	s0 =	sor.u32 s3, s0;
	s1 =	sshll.u32 s1, $0x11  }
0xbb: {  	s0 =	sor.u32 s1, s0  }
0xbc: {  	s0 =	sadd.s32 $0x8F2B, s0  }
0xbd: {  	[sflag:s0] =	ssyncadd.remote.s32 $0x1  }
0xbe: {  	_ =	sfence.sel $0xFFFF  }
0xbf: {  	[dreg:$0x0] =	wrdreg $0xFFFFFFFF;
	(pc) =	sbr.abs _section_cstart, $3  }
0xc0: {  	[dreg:$0x1] =	wrdreg $0xFFFFFFFF  }
0xc1: {  	_ =	task.clear_ibuf [dreg:s6], $0x2FFFF;
	_ =	strace $0x9FFFFFFF  }
0xc2: {  	(tm) =	ssettm $0x7FFFFFFF  }
0xc3: {  	_ =	shalt  }
tec
execute0_lowered:
.L_overlay_start_1:
0x0: {  	(tag) =	ssettag $0x1  }
0x1: {  	s0 =	srdreg.scid;
	s1 =	rddreg [dreg:$0x0]  }
0x2: {  	s12 =	stileid.u32;
	s2 =	rddreg [dreg:$0x1]  }
0x3: {  	s16 =	simm.s32 $0xE;
	s18 =	simm.s32 $0x28;
	s19 =	simm.s32 $0x4E20  }
0x4: {  	s20 =	simm.s32 $0x6220;
	s22 =	simm.s32 $0x7620;
	s29 =	simm.s32 $0x9E20  }
0x5: {  	s30 =	simm.s32 $0x2;
	s21 =	simm.s32 $0x3;
	s28 =	simm.s32 $0x7  }
0x6: {  	s31 =	simm.s32 $0x8;
	s0 =	sand.u32 $0x1, s0;
	s3 =	sshll.u32 s12, $0x1  }
0x7: {  	s6 =	smul.u32 $0x13800, s12;
	s9 =	sadd.s32 $0x69C00, s1;
	s11 =	sshll.u32 s12, $0x6  }
0x8: {  	s4 =	sor.u32 s0, s3;
	s8 =	ssub.s32 $0x2, s0;
	s0 =	smul.u32 $0x138800, s0  }
0x9: {  	p0 =	sne.s32 s12, $0xF;
	s3 =	simm.s32 $0x0;
	s5 =	smul.u32 $0x2710, s4  }
0xa: {  	[smem:$0x7FF] =	sst s3;
	s4 =	sadd.s32 $0x1B800, s1;
	s7 =	sshrl.u32 s6, $0x3  }
0xb: {  	s10 =	sshrl.u32 s8, $0x1;
	s23 =	sadd.s32 s6, s2;
	_ =	strace $0x8000004D  }
0xc: {  	s7 =	sadd.s32 s7, s1;
	s8 =	ssub.s32 s8, s10;
	[dreg:$0x3] =	wrdreg s11  }
0xd: {  	s24 =	sadd.s32 s6, s0;
	s0 =	sshrl.u32 s0, $0x3;
	s14 =	sshrl.u32 s23, $0x3  }
0xe: {  	s23 =	simm.s32 $0xD;
	s6 =	simm.s32 $0x9;
	s10 =	simm.s32 $0xB  }
0xf: {  	s5 =	sshrl.u32 s5, $0x3;
	s7 =	sadd.s32 $0x42A00, s7;
	s0 =	sadd.s32 s9, s0  }
0x10: {  	s26 =	smax.u32 s8, $0x1;
	s8 =	simm.s32 $0x6;
	s5 =	sadd.s32 s5, s1  }
0x11: {  	[dreg:$0x4] =	wrdreg s7;
	s7 =	sor.u32 $0x1C0D, s11;
	s11 =	sadd.s32 $0x138000, s2  }
0x12: {  	s1 =	sadd.s32 $0x69A00, s1;
	s0 =	sadd.s32 $0x27000, s0;
	[dreg:$0xa] =	wrdreg s26  }
0x13: {  	s26 =	simm.s32 $0x1;
	[dreg:$0x5] =	wrdreg s1;
	s25 =	sadd.s32 $0x2E00, s5  }
0x14: {  	s1 =	sshrl.u32 s24, $0x3;
	s5 =	sadd.s32 $0xCA40, s5;
	[dreg:$0x9] =	wrdreg s0  }
0x15: {  	s15 =	sshrl.u32 @!p0 s11, $0x3;
	s0 =	simm.s32 $0xB220;
	[dreg:$0x6] =	wrdreg s25  }
0x16: {  	s24 =	simm.s32 $0x5;
	s11 =	simm.s32 $0x0;
	[dreg:$0x7] =	wrdreg s5  }
0x17: {  	s1 =	sadd.s32 s9, s1;
	s25 =	simm.s32 $0x8A20;
	s9 =	simm.s32 $0xA  }
0x18: {  	s5 =	simm.s32 $0xC;
	[dreg:$0x8] =	wrdreg s1;
	s1 =	simm.s32 $0x4  }
.LBB2_1:
0x19: {  	s12 =	rddreg [dreg:$0x4]  }
0x1a: {  	[spmem:s14], [sflag:s7] =	dma.local [hbm:s12], $0x2700  }
0x1b: {  	s12 =	rddreg [dreg:$0x5]  }
0x1c: {  	[spmem:s15], [sflag:s7] =	dma.local @!p0 [hbm:s12], $0x100  }
0x1d: {  	s12 =	rddreg [dreg:$0x6]  }
0x1e: {  	[tilespmem:s3], [sflag:$0xE] =	stream.linear.gather [hbm4b:s12+s3], $0x2710, $0x38;
	[tilespmem:$0x1FEA0] =	vst v63  }
0x1f: {  	_ =	swait.ge [sflag:s16], $0x2710  }
0x20: {  	[sflag:s16] =	ssyncset.done $0x0  }
0x21: {  	s13 =	simm.s32 $0x2710;
	s17 =	rddreg [dreg:$0x7];
	[sflag:s16] =	ssyncadd.s32 $0xFFFFD8F0  }
0x22: {  	[tilespmem:s13], [sflag:$0xE] =	stream.linear.gather [hbm4b:s17+s3], $0x2710, $0x38;
	[tilespmem:$0x1FEA0] =	vst v63  }
0x23: {  	_ =	swait.ge [sflag:s16], $0x2710  }
0x24: {  	[sflag:s16] =	ssyncset.done $0x0  }
0x25: {  	[sflag:s16] =	ssyncadd.s32 $0xFFFFD8F0  }
0x26: {  	[tilespmem:s19], [sflag:$0x1] =	stream.indirect.gather [hbm4b:s4+s18], $0x80, s3, s18, $0xb8;
	[tilespmem:$0x1FEA0] =	vst v63  }
0x27: {  	_ = 	snop  }
0x28: {  	[tilespmem:s20], [sflag:$0x2] =	stream.indirect.gather [hbm4b:s4+s18], $0x80, s18, s18, $0xb8;
	[tilespmem:$0x1FEA0] =	vst v63  }
0x29: {  	s17 =	simm.s32 $0x50  }
0x2a: {  	[tilespmem:s22], [sflag:$0x3] =	stream.indirect.gather [hbm4b:s4+s18], $0x80, s17, s18, $0xb8;
	[tilespmem:$0x1FEA0] =	vst v63  }
0x2b: {  	_ =	swait.ge [sflag:s23], $0x2700  }
0x2c: {  	[sflag:s23] =	ssyncset.done $0x0  }
0x2d: {  	s12 =	simm.s32 @!p0 $0xD;
	[sflag:s23] =	ssyncadd.s32 $0xFFFFD900  }
0x2e: {  	_ =	swait.ge @!p0 [sflag:s12], $0x100  }
0x2f: {  	[sflag:s12] =	ssyncset.done @!p0 $0x0  }
0x30: {  	[sflag:s12] =	ssyncadd.s32 @!p0 $0xFFFFFF00  }
0x31: {  	s17 =	simm.s32 $0x78;
	[bflag:$0x0] =	sbarrier.arrive $0xFFFF  }
0x32: {  	[tilespmem:s25], [sflag:$0x4] =	stream.indirect.gather [hbm4b:s4+s18], $0x80, s17, s18, $0xb8;
	[tilespmem:$0x1FEA0] =	vst v63  }
0x33: {  	_ =	swait.ge [sflag:s26], $0x1400  }
0x34: {  	[sflag:s26] =	ssyncset.done $0x0  }
0x35: {  	[sflag:s26] =	ssyncadd.s32 $0xFFFFEC00  }
0x36: {  	[spmem:s2] =	stream.indirect.scatter.add.f32 [tilespmem:s19], [sflag:$0x7], $0x80, s13, s18, $0xb8;
	[tilespmem:$0x1FEA0] =	vst v63  }
0x37: {  	s17 =	simm.s32 $0xA0  }
0x38: {  	[tilespmem:s29], [sflag:$0x5] =	stream.indirect.gather [hbm4b:s4+s18], $0x80, s17, s18, $0xb8;
	[tilespmem:$0x1FEA0] =	vst v63  }
0x39: {  	_ =	swait.ge [sflag:s30], $0x1400  }
0x3a: {  	[sflag:s30] =	ssyncset.done $0x0  }
0x3b: {  	s13 =	simm.s32 $0x2738;
	[sflag:s30] =	ssyncadd.s32 $0xFFFFEC00  }
0x3c: {  	[spmem:s2] =	stream.indirect.scatter.add.f32 [tilespmem:s20], [sflag:$0x8], $0x80, s13, s18, $0xb8;
	[tilespmem:$0x1FEA0] =	vst v63  }
0x3d: {  	s17 =	simm.s32 $0xC8  }
0x3e: {  	[tilespmem:s0], [sflag:$0x6] =	stream.indirect.gather [hbm4b:s4+s18], $0x80, s17, s18, $0xb8;
	[tilespmem:$0x1FEA0] =	vst v63  }
0x3f: {  	_ =	swait.ge [sflag:s21], $0x1400  }
0x40: {  	[sflag:s21] =	ssyncset.done $0x0  }
0x41: {  	s13 =	simm.s32 $0x2760;
	[sflag:s21] =	ssyncadd.s32 $0xFFFFEC00  }
0x42: {  	[spmem:s2] =	stream.indirect.scatter.add.f32 [tilespmem:s22], [sflag:$0x9], $0x80, s13, s18, $0xb8;
	[tilespmem:$0x1FEA0] =	vst v63  }
0x43: {  	_ =	swait.ge [sflag:s28], $0x1400  }
0x44: {  	[sflag:s28] =	ssyncset.done $0x0  }
0x45: {  	s17 =	simm.s32 $0xF0;
	[sflag:s28] =	ssyncadd.s32 $0xFFFFEC00  }
0x46: {  	[tilespmem:s19], [sflag:$0x1] =	stream.indirect.gather [hbm4b:s4+s18], $0x80, s17, s18, $0xb8;
	[tilespmem:$0x1FEA0] =	vst v63  }
0x47: {  	_ =	swait.ge [sflag:s1], $0x1400  }
0x48: {  	[sflag:s1] =	ssyncset.done $0x0  }
0x49: {  	s13 =	simm.s32 $0x2788;
	[sflag:s1] =	ssyncadd.s32 $0xFFFFEC00  }
0x4a: {  	[spmem:s2] =	stream.indirect.scatter.add.f32 [tilespmem:s25], [sflag:$0xA], $0x80, s13, s18, $0xb8;
	[tilespmem:$0x1FEA0] =	vst v63  }
0x4b: {  	_ =	swait.ge [sflag:s31], $0x1400  }
0x4c: {  	[sflag:s31] =	ssyncset.done $0x0  }
0x4d: {  	s17 =	simm.s32 $0x118;
	[sflag:s31] =	ssyncadd.s32 $0xFFFFEC00  }
0x4e: {  	[tilespmem:s20], [sflag:$0x2] =	stream.indirect.gather [hbm4b:s4+s18], $0x80, s17, s18, $0xb8;
	[tilespmem:$0x1FEA0] =	vst v63  }
0x4f: {  	_ =	swait.ge [sflag:s24], $0x1400  }
0x50: {  	[sflag:s24] =	ssyncset.done $0x0  }
0x51: {  	s13 =	simm.s32 $0x27B0;
	[sflag:s24] =	ssyncadd.s32 $0xFFFFEC00  }
0x52: {  	[spmem:s2] =	stream.indirect.scatter.add.f32 [tilespmem:s29], [sflag:$0xB], $0x80, s13, s18, $0xb8;
	[tilespmem:$0x1FEA0] =	vst v63  }
0x53: {  	_ =	swait.ge [sflag:s6], $0x1400  }
0x54: {  	[sflag:s6] =	ssyncset.done $0x0  }
0x55: {  	s17 =	simm.s32 $0x140;
	[sflag:s6] =	ssyncadd.s32 $0xFFFFEC00  }
0x56: {  	[tilespmem:s22], [sflag:$0x3] =	stream.indirect.gather [hbm4b:s4+s18], $0x80, s17, s18, $0xb8;
	[tilespmem:$0x1FEA0] =	vst v63  }
0x57: {  	_ =	swait.ge [sflag:s8], $0x1400  }
0x58: {  	[sflag:s8] =	ssyncset.done $0x0  }
0x59: {  	s13 =	simm.s32 $0x27D8;
	[sflag:s8] =	ssyncadd.s32 $0xFFFFEC00  }
0x5a: {  	[spmem:s2] =	stream.indirect.scatter.add.f32 [tilespmem:s0], [sflag:$0xC], $0x80, s13, s18, $0xb8;
	[tilespmem:$0x1FEA0] =	vst v63  }
0x5b: {  	_ =	swait.ge [sflag:s9], $0x1400  }
0x5c: {  	[sflag:s9] =	ssyncset.done $0x0  }
0x5d: {  	s17 =	simm.s32 $0x168;
	[sflag:s9] =	ssyncadd.s32 $0xFFFFEC00  }
0x5e: {  	[tilespmem:s25], [sflag:$0x4] =	stream.indirect.gather [hbm4b:s4+s18], $0x80, s17, s18, $0xb8;
	[tilespmem:$0x1FEA0] =	vst v63  }
0x5f: {  	_ =	swait.ge [sflag:s26], $0x1400  }
0x60: {  	[sflag:s26] =	ssyncset.done $0x0  }
0x61: {  	s13 =	simm.s32 $0x2800;
	[sflag:s26] =	ssyncadd.s32 $0xFFFFEC00  }
0x62: {  	[spmem:s2] =	stream.indirect.scatter.add.f32 [tilespmem:s19], [sflag:$0x7], $0x80, s13, s18, $0xb8;
	[tilespmem:$0x1FEA0] =	vst v63  }
0x63: {  	_ =	swait.ge [sflag:s10], $0x1400  }
0x64: {  	[sflag:s10] =	ssyncset.done $0x0  }
0x65: {  	s17 =	simm.s32 $0x190;
	[sflag:s10] =	ssyncadd.s32 $0xFFFFEC00  }
0x66: {  	[tilespmem:s29], [sflag:$0x5] =	stream.indirect.gather [hbm4b:s4+s18], $0x80, s17, s18, $0xb8;
	[tilespmem:$0x1FEA0] =	vst v63  }
0x67: {  	_ =	swait.ge [sflag:s30], $0x1400  }
0x68: {  	[sflag:s30] =	ssyncset.done $0x0  }
0x69: {  	s13 =	simm.s32 $0x2828;
	[sflag:s30] =	ssyncadd.s32 $0xFFFFEC00  }
0x6a: {  	[spmem:s2] =	stream.indirect.scatter.add.f32 [tilespmem:s20], [sflag:$0x8], $0x80, s13, s18, $0xb8;
	[tilespmem:$0x1FEA0] =	vst v63  }
0x6b: {  	_ =	swait.ge [sflag:s5], $0x1400  }
0x6c: {  	[sflag:s5] =	ssyncset.done $0x0  }
0x6d: {  	s17 =	simm.s32 $0x1B8;
	[sflag:s5] =	ssyncadd.s32 $0xFFFFEC00  }
0x6e: {  	[tilespmem:s0], [sflag:$0x6] =	stream.indirect.gather [hbm4b:s4+s18], $0x80, s17, s18, $0xb8;
	[tilespmem:$0x1FEA0] =	vst v63  }
0x6f: {  	_ =	swait.ge [sflag:s21], $0x1400  }
0x70: {  	[sflag:s21] =	ssyncset.done $0x0  }
0x71: {  	s13 =	simm.s32 $0x2850;
	[sflag:s21] =	ssyncadd.s32 $0xFFFFEC00  }
0x72: {  	[spmem:s2] =	stream.indirect.scatter.add.f32 [tilespmem:s22], [sflag:$0x9], $0x80, s13, s18, $0xb8;
	[tilespmem:$0x1FEA0] =	vst v63  }
0x73: {  	_ =	swait.ge [sflag:s28], $0x1400  }
0x74: {  	[sflag:s28] =	ssyncset.done $0x0  }
0x75: {  	s17 =	simm.s32 $0x1E0;
	[sflag:s28] =	ssyncadd.s32 $0xFFFFEC00  }
0x76: {  	[tilespmem:s19], [sflag:$0x1] =	stream.indirect.gather [hbm4b:s4+s18], $0x80, s17, s18, $0xb8;
	[tilespmem:$0x1FEA0] =	vst v63  }
0x77: {  	_ =	swait.ge [sflag:s1], $0x1400  }
0x78: {  	[sflag:s1] =	ssyncset.done $0x0  }
0x79: {  	s13 =	simm.s32 $0x2878;
	[sflag:s1] =	ssyncadd.s32 $0xFFFFEC00  }
0x7a: {  	[spmem:s2] =	stream.indirect.scatter.add.f32 [tilespmem:s25], [sflag:$0xA], $0x80, s13, s18, $0xb8;
	[tilespmem:$0x1FEA0] =	vst v63  }
0x7b: {  	_ =	swait.ge [sflag:s31], $0x1400  }
0x7c: {  	[sflag:s31] =	ssyncset.done $0x0  }
0x7d: {  	s17 =	simm.s32 $0x208;
	[sflag:s31] =	ssyncadd.s32 $0xFFFFEC00  }
0x7e: {  	[tilespmem:s20], [sflag:$0x2] =	stream.indirect.gather [hbm4b:s4+s18], $0x80, s17, s18, $0xb8;
	[tilespmem:$0x1FEA0] =	vst v63  }
0x7f: {  	_ =	swait.ge [sflag:s24], $0x1400  }
0x80: {  	[sflag:s24] =	ssyncset.done $0x0  }
0x81: {  	s13 =	simm.s32 $0x28A0;
	[sflag:s24] =	ssyncadd.s32 $0xFFFFEC00  }
0x82: {  	[spmem:s2] =	stream.indirect.scatter.add.f32 [tilespmem:s29], [sflag:$0xB], $0x80, s13, s18, $0xb8;
	[tilespmem:$0x1FEA0] =	vst v63  }
0x83: {  	_ =	swait.ge [sflag:s6], $0x1400  }
0x84: {  	[sflag:s6] =	ssyncset.done $0x0  }
0x85: {  	s17 =	simm.s32 $0x230;
	[sflag:s6] =	ssyncadd.s32 $0xFFFFEC00  }
0x86: {  	[tilespmem:s22], [sflag:$0x3] =	stream.indirect.gather [hbm4b:s4+s18], $0x80, s17, s18, $0xb8;
	[tilespmem:$0x1FEA0] =	vst v63  }
0x87: {  	_ =	swait.ge [sflag:s8], $0x1400  }
0x88: {  	[sflag:s8] =	ssyncset.done $0x0  }
0x89: {  	s12 =	simm.s32 $0x3C0;
	s17 =	simm.s32 $0x28C8;
	[sflag:s8] =	ssyncadd.s32 $0xFFFFEC00  }
.LBB2_2:
0x8a: {  	[spmem:s2] =	stream.indirect.scatter.add.f32 [tilespmem:s0], [sflag:$0xC], $0x80, s17, s18, $0xb8;
	[tilespmem:$0x1FEA0] =	vst v63  }
0x8b: {  	s17 =	smov.u32 s12  }
0x8c: {  	p1 =	sne.s32 s12, $0x9240;
	s12 =	sadd.s32 $0x3C0, s12;
	_ =	swait.ge [sflag:s9], $0x1400  }
0x8d: {  	s17 =	sshra.s32 s17, $0x2;
	[sflag:s9] =	ssyncset.done $0x0  }
0x8e: {  	s13 =	sadd.s32 $0x168, s17;
	[sflag:s9] =	ssyncadd.s32 $0xFFFFEC00  }
0x8f: {  	[tilespmem:s25], [sflag:$0x4] =	stream.indirect.gather [hbm4b:s4+s18], $0x80, s13, s18, $0xb8;
	[tilespmem:$0x1FEA0] =	vst v63  }
0x90: {  	_ =	swait.ge [sflag:s26], $0x1400  }
0x91: {  	[sflag:s26] =	ssyncset.done $0x0  }
0x92: {  	s13 =	sadd.s32 $0x2800, s17;
	[sflag:s26] =	ssyncadd.s32 $0xFFFFEC00  }
0x93: {  	[spmem:s2] =	stream.indirect.scatter.add.f32 [tilespmem:s19], [sflag:$0x7], $0x80, s13, s18, $0xb8;
	[tilespmem:$0x1FEA0] =	vst v63  }
0x94: {  	_ =	swait.ge [sflag:s10], $0x1400  }
0x95: {  	[sflag:s10] =	ssyncset.done $0x0  }
0x96: {  	s13 =	sadd.s32 $0x190, s17;
	[sflag:s10] =	ssyncadd.s32 $0xFFFFEC00  }
0x97: {  	[tilespmem:s29], [sflag:$0x5] =	stream.indirect.gather [hbm4b:s4+s18], $0x80, s13, s18, $0xb8;
	[tilespmem:$0x1FEA0] =	vst v63  }
0x98: {  	_ =	swait.ge [sflag:s30], $0x1400  }
0x99: {  	[sflag:s30] =	ssyncset.done $0x0  }
0x9a: {  	s13 =	sadd.s32 $0x2828, s17;
	[sflag:s30] =	ssyncadd.s32 $0xFFFFEC00  }
0x9b: {  	[spmem:s2] =	stream.indirect.scatter.add.f32 [tilespmem:s20], [sflag:$0x8], $0x80, s13, s18, $0xb8;
	[tilespmem:$0x1FEA0] =	vst v63  }
0x9c: {  	_ =	swait.ge [sflag:s5], $0x1400  }
0x9d: {  	[sflag:s5] =	ssyncset.done $0x0  }
0x9e: {  	s13 =	sadd.s32 $0x1B8, s17;
	[sflag:s5] =	ssyncadd.s32 $0xFFFFEC00  }
0x9f: {  	[tilespmem:s0], [sflag:$0x6] =	stream.indirect.gather [hbm4b:s4+s18], $0x80, s13, s18, $0xb8;
	[tilespmem:$0x1FEA0] =	vst v63  }
0xa0: {  	_ =	swait.ge [sflag:s21], $0x1400  }
0xa1: {  	[sflag:s21] =	ssyncset.done $0x0  }
0xa2: {  	s13 =	sadd.s32 $0x2850, s17;
	[sflag:s21] =	ssyncadd.s32 $0xFFFFEC00  }
0xa3: {  	[spmem:s2] =	stream.indirect.scatter.add.f32 [tilespmem:s22], [sflag:$0x9], $0x80, s13, s18, $0xb8;
	[tilespmem:$0x1FEA0] =	vst v63  }
0xa4: {  	_ =	swait.ge [sflag:s28], $0x1400  }
0xa5: {  	[sflag:s28] =	ssyncset.done $0x0  }
0xa6: {  	s13 =	sadd.s32 $0x1E0, s17;
	[sflag:s28] =	ssyncadd.s32 $0xFFFFEC00  }
0xa7: {  	[tilespmem:s19], [sflag:$0x1] =	stream.indirect.gather [hbm4b:s4+s18], $0x80, s13, s18, $0xb8;
	[tilespmem:$0x1FEA0] =	vst v63  }
0xa8: {  	_ =	swait.ge [sflag:s1], $0x1400  }
0xa9: {  	[sflag:s1] =	ssyncset.done $0x0  }
0xaa: {  	s13 =	sadd.s32 $0x2878, s17;
	[sflag:s1] =	ssyncadd.s32 $0xFFFFEC00  }
0xab: {  	[spmem:s2] =	stream.indirect.scatter.add.f32 [tilespmem:s25], [sflag:$0xA], $0x80, s13, s18, $0xb8;
	[tilespmem:$0x1FEA0] =	vst v63  }
0xac: {  	_ =	swait.ge [sflag:s31], $0x1400  }
0xad: {  	[sflag:s31] =	ssyncset.done $0x0  }
0xae: {  	s13 =	sadd.s32 $0x208, s17;
	[sflag:s31] =	ssyncadd.s32 $0xFFFFEC00  }
0xaf: {  	[tilespmem:s20], [sflag:$0x2] =	stream.indirect.gather [hbm4b:s4+s18], $0x80, s13, s18, $0xb8;
	[tilespmem:$0x1FEA0] =	vst v63  }
0xb0: {  	_ =	swait.ge [sflag:s24], $0x1400  }
0xb1: {  	[sflag:s24] =	ssyncset.done $0x0  }
0xb2: {  	s13 =	sadd.s32 $0x28A0, s17;
	[sflag:s24] =	ssyncadd.s32 $0xFFFFEC00  }
0xb3: {  	[spmem:s2] =	stream.indirect.scatter.add.f32 [tilespmem:s29], [sflag:$0xB], $0x80, s13, s18, $0xb8;
	[tilespmem:$0x1FEA0] =	vst v63  }
0xb4: {  	_ =	swait.ge [sflag:s6], $0x1400  }
0xb5: {  	[sflag:s6] =	ssyncset.done $0x0  }
.Ltmp0:
0xb6: {  	s13 =	sadd.s32 $0x230, s17;
	[sflag:s6] =	ssyncadd.s32 $0xFFFFEC00;
	(pc) =	sbr.rel @p1 .LBB2_2-.Ltmp0, $4  }
0xb7: {  	[tilespmem:s22], [sflag:$0x3] =	stream.indirect.gather [hbm4b:s4+s18], $0x80, s13, s18, $0xb8;
	[tilespmem:$0x1FEA0] =	vst v63  }
0xb8: {  	_ =	swait.ge [sflag:s8], $0x1400  }
0xb9: {  	[sflag:s8] =	ssyncset.done $0x0  }
0xba: {  	s17 =	sadd.s32 $0x28C8, s17;
	[sflag:s8] =	ssyncadd.s32 $0xFFFFEC00  }
0xbb: {  	[spmem:s2] =	stream.indirect.scatter.add.f32 [tilespmem:s0], [sflag:$0xC], $0x80, s17, s18, $0xb8;
	[tilespmem:$0x1FEA0] =	vst v63  }
0xbc: {  	_ =	swait.ge [sflag:s9], $0x1400  }
0xbd: {  	[sflag:s9] =	ssyncset.done $0x0  }
0xbe: {  	s12 =	simm.s32 $0x26E8;
	[sflag:s9] =	ssyncadd.s32 $0xFFFFEC00  }
0xbf: {  	[tilespmem:s25], [sflag:$0x4] =	stream.indirect.gather [hbm4b:s4+s18], $0x80, s12, s18, $0xb8;
	[tilespmem:$0x1FEA0] =	vst v63  }
0xc0: {  	_ =	swait.ge [sflag:s26], $0x1400  }
0xc1: {  	[sflag:s26] =	ssyncset.done $0x0  }
0xc2: {  	s13 =	simm.s32 $0x4D80;
	[sflag:s26] =	ssyncadd.s32 $0xFFFFEC00  }
0xc3: {  	[spmem:s2] =	stream.indirect.scatter.add.f32 [tilespmem:s19], [sflag:$0x7], $0x80, s13, s18, $0xb8;
	[tilespmem:$0x1FEA0] =	vst v63  }
0xc4: {  	_ =	swait.ge [sflag:s30], $0x1400  }
0xc5: {  	[sflag:s30] =	ssyncset.done $0x0  }
0xc6: {  	s17 =	simm.s32 $0x4DA8;
	[sflag:s30] =	ssyncadd.s32 $0xFFFFEC00  }
0xc7: {  	[spmem:s2] =	stream.indirect.scatter.add.f32 [tilespmem:s20], [sflag:$0x8], $0x80, s17, s18, $0xb8;
	[tilespmem:$0x1FEA0] =	vst v63  }
0xc8: {  	_ =	swait.ge [sflag:s21], $0x1400  }
0xc9: {  	[sflag:s21] =	ssyncset.done $0x0  }
0xca: {  	s13 =	simm.s32 $0x4DD0;
	[sflag:s21] =	ssyncadd.s32 $0xFFFFEC00  }
0xcb: {  	[spmem:s2] =	stream.indirect.scatter.add.f32 [tilespmem:s22], [sflag:$0x9], $0x80, s13, s18, $0xb8;
	[tilespmem:$0x1FEA0] =	vst v63  }
0xcc: {  	_ =	swait.ge [sflag:s1], $0x1400  }
0xcd: {  	[sflag:s1] =	ssyncset.done $0x0  }
0xce: {  	s17 =	simm.s32 $0x4DF8;
	[sflag:s1] =	ssyncadd.s32 $0xFFFFEC00  }
0xcf: {  	[spmem:s2] =	stream.indirect.scatter.add.f32 [tilespmem:s25], [sflag:$0xA], $0x80, s17, s18, $0xb8;
	[tilespmem:$0x1FEA0] =	vst v63  }
0xd0: {  	_ =	swait.ge [sflag:s10], $0x1400  }
0xd1: {  	[sflag:s10] =	ssyncset.done $0x0  }
0xd2: {  	[sflag:s10] =	ssyncadd.s32 $0xFFFFEC00  }
0xd3: {  	_ =	swait.ge [sflag:s5], $0x1400  }
0xd4: {  	[sflag:s5] =	ssyncset.done $0x0  }
0xd5: {  	[sflag:s5] =	ssyncadd.s32 $0xFFFFEC00  }
0xd6: {  	_ =	swait.ge [sflag:s28], $0x1400  }
0xd7: {  	[sflag:s28] =	ssyncset.done $0x0  }
0xd8: {  	[sflag:s28] =	ssyncadd.s32 $0xFFFFEC00  }
0xd9: {  	_ =	swait.ge [sflag:s31], $0x1400  }
0xda: {  	[sflag:s31] =	ssyncset.done $0x0  }
0xdb: {  	[sflag:s31] =	ssyncadd.s32 $0xFFFFEC00  }
0xdc: {  	_ =	swait.ge [sflag:s6], $0x1400  }
0xdd: {  	[sflag:s6] =	ssyncset.done $0x0  }
0xde: {  	[sflag:s6] =	ssyncadd.s32 $0xFFFFEC00  }
0xdf: {  	_ =	swait.ge [sflag:s9], $0x1400  }
0xe0: {  	[sflag:s9] =	ssyncset.done $0x0  }
0xe1: {  	[sflag:s9] =	ssyncadd.s32 $0xFFFFEC00  }
0xe2: {  	[bflag:$0x0] =	sbarrier.arrive $0xFFFF  }
0xe3: {  	s13 =	rddreg [dreg:$0x3]  }
0xe4: {  	s12 =	sor.u32 $0x1C0E, s13;
	s13 =	rddreg [dreg:$0x8]  }
0xe5: {  	[hbm:s13], [sflag:s12] =	dma.local [spmem:s14], $0x2700  }
0xe6: {  	_ =	swait.ge [sflag:s16], $0x2700  }
0xe7: {  	[sflag:s16] =	ssyncset.done $0x0  }
0xe8: {  	s13 =	rddreg [dreg:$0x9];
	[sflag:s16] =	ssyncadd.s32 $0xFFFFD900  }
0xe9: {  	[hbm:s13], [sflag:s12] =	dma.local @!p0 [spmem:s15], $0x100  }
0xea: {  	s12 =	simm.s32 @!p0 $0xE  }
0xeb: {  	_ =	swait.ge @!p0 [sflag:s12], $0x100  }
0xec: {  	s11 =	sadd.s32 $0x1, s11;
	s17 =	rddreg [dreg:$0xa]  }
0xed: {  	p1 =	sne.s32 s11, s17  }
.Ltmp1:
0xee: {  	_ = 	snop;
	(pc) =	sbr.rel @p1 .LBB2_1-.Ltmp1, $3  }
0xef: {  	_ =	sdelay $0x1  }
0xf0: {  	[sflag:s12] =	ssyncset.done @!p0 $0x0  }
0xf1: {  	[sflag:s12] =	ssyncadd.s32 @!p0 $0xFFFFFF00  }
0xf2: {  	_ =	sfence.sel $0x180000  }
0xf3: {  	[bflag:$0x0] =	sbarrier.arrive $0xFFFF  }
0xf4: {  	_ =	strace $0x9000004D  }
0xf5: {  	s0 =	stileid.u32;
	[bflag:$0x2] =	sbarrier.arrive $0xFFFF  }
0xf6: {  	p0 =	sne.s32 s0, $0x0;
	s0 =	rddreg [dreg:$0x2]  }
0xf7: {  	s0 =	sadd.s32 @!p0 $0x100000, s0  }
0xf8: {  	[sflag:s0] =	ssyncadd.tile.s32 @!p0 $0x1;
	_ =	shalt  }
.Lfunc_end2:
_tile_overlayer_lowered:
.L_overlay_start_2:
0xf9: {  	(tag) =	ssettag $0x2  }
0xfa: {  	s0 =	rddreg [dreg:$0x0];
	s2 =	stileid.u32  }
0xfb: {  	s1 =	rddreg [dreg:$0x1];
	p0 =	sne.s32 s2, $0x0  }
0xfc: {  	s3 =	rddreg [dreg:$0x2];
	[bflag:$0x3] =	sbarrier.arrive $0xFFFF;
	s2 =	simm.s32 @!p0 $0x1C0E  }
0xfd: {  	[timem:s3], [sflag:s2] =	dma.local @!p0 [hbm:s0], s1  }
0xfe: {  	s0 =	simm.s32 @!p0 $0xE  }
0xff: {  	_ =	swait.ge @!p0 [sflag:s0], s1  }
0x100: {  	s1 =	ssub.s32 @!p0 $0x0, s1;
	[sflag:s0] =	ssyncset.done @!p0 $0x0  }
0x101: {  	[sflag:s0] =	ssyncadd.s32 @!p0 s1  }
0x102: {  	[bflag:$0x3] =	sbarrier.arrive $0xFFFF  }
0x103: {  	_ =	shalt  }

// kernel: kernel.19.cloned.1.call-start
scs
__scs_entry_jumppad:
0x0: {  	(pc) =	sbr.rel $0x88, $3  }
0x1: {  	(tag) =	ssettag $0x0;
	lr =	simm.s32 $0x1  }
0x2: {  	[smem:$0x3F99] =	sst lr;
	_ =	strace $0xD0000000  }
0x3: {  	_ = 	snop  }
0x4: {  	_ = 	snop  }
0x5: {  	_ = 	snop  }
0x6: {  	_ = 	snop  }
0x7: {  	_ = 	snop  }
__scs_overlays_trampoline_lowered:
0x8: {  	[smem:$0x3FA8] =	sst s0  }
0x9: {  	[smem:$0x3FA9] =	sst s1  }
0xa: {  	[smem:$0x3FAA] =	sst s2  }
0xb: {  	[smem:$0x3FAB] =	sst s3  }
0xc: {  	[smem:$0x3FAC] =	sst s4  }
0xd: {  	[smem:$0x3FAD] =	sst s5  }
0xe: {  	[smem:$0x3FAE] =	sst s6  }
0xf: {  	[smem:$0x3FAF] =	sst s7  }
0x10: {  	[smem:$0x3FB0] =	sst s8  }
0x11: {  	[smem:$0x3FB1] =	sst s9;
	s0 =	simm.s32 @!p0 $0x0  }
0x12: {  	s1 =	sld [smem:$0x3F97];
	s0 =	simm.s32 @p0 $0x1  }
0x13: {  	[smem:$0x3FB2] =	sst s0;
	s0 =	simm.s32 @!p1 $0x0  }
0x14: {  	s2 =	sld [smem:$0x3F96];
	s0 =	simm.s32 @p1 $0x1  }
0x15: {  	[smem:$0x3FB3] =	sst s0;
	s0 =	simm.s32 @!p2 $0x0  }
0x16: {  	s3 =	sld [smem:$0x3FDB];
	s0 =	simm.s32 @p2 $0x1  }
0x17: {  	s4 =	simm.s32 $0x1BF5;
	[smem:$0x3FB5] =	sst s0  }
0x18: {  	s0 =	sld [smem:$0x3F98];
	_ =	swait.ge [sflag:s4], $0x0  }
0x19: {  	s7 =	sld [smem:$0x3F99]  }
0x1a: {  	s8 =	sadd.s32 $0xFFFFE003, lr  }
0x1b: {  	s9 =	sadd.s32 $0xFFFFFEF7, lr;
	s5 =	simm.s32 $0xFFFFFFFF;
	p2 =	slt.u32 s8, $0xFFFFF086  }
0x1c: {  	p1 =	slt.u32 s9, $0xF7A;
	s5 =	simm.s32 @!p2 $0x0  }
0x1d: {  	s5 =	simm.s32 @p1 $0x1;
	p0 =	seq.s32 s7, s2  }
0x1e: {  	s7 =	smul.u32 @!p0 $0xF7A, s2;
	p2 =	seq.s32 @!p0 s5, $0x0  }
0x1f: {  	s9 =	smul.u32 $0xF7A, s1;
	s8 =	simm.s32 @!p0 $0x1BF5;
	p2 =	por !p2, p0  }
0x20: {  	[sflag:s8] =	ssyncset.s32 @!p0 $0xFFFFF086;
	s6 =	sadd.s32 @!p0 s3, s7;
	s7 =	simm.s32 @!p0 $0x108  }
0x21: {  	s3 =	sadd.s32 s3, s9;
	s6 =	sadd.s32 @!p0 $0x88, s6;
	s7 =	simm.s32 @p2 $0x1082  }
0x22: {  	[simem:s7], [sflag:s8] =	dma.local @!p0 [hbm:s6], $0xF7A  }
0x23: {  	s9 =	sor.u32 $0xD0000000, s2;
	s6 =	simm.s32 $0x108;
	_ =	swait.ge @!p0 [sflag:s8], $0x0  }
0x24: {  	s3 =	sadd.s32 $0x88, s3;
	s6 =	simm.s32 @!p1 $0x1082;
	[sflag:s4] =	ssyncset.s32 $0xFFFFF086  }
0x25: {  	[simem:s6], [sflag:s4] =	dma.local [hbm:s3], $0xF7A  }
0x26: {  	[smem:$0x3F99] =	sst s1;
	(tag) =	ssettag s2;
	_ =	strace s9  }
0x27: {  	s1 =	sld [smem:$0x3FA9]  }
0x28: {  	s2 =	sld [smem:$0x3FAA]  }
0x29: {  	s4 =	sld [smem:$0x3FAC]  }
0x2a: {  	p0 =	seq.s32 s5, $0x0;
	s5 =	sld [smem:$0x3FAD]  }
0x2b: {  	s6 =	sld [smem:$0x3FAE]  }
0x2c: {  	s7 =	sld [smem:$0x3FAF]  }
0x2d: {  	s3 =	simm.s32 $0x108;
	s8 =	sld [smem:$0x3FB0]  }
0x2e: {  	s3 =	simm.s32 @!p0 $0x1082;
	s9 =	sld [smem:$0x3FB1]  }
0x2f: {  	lr =	sadd.s32 s0, s3;
	s0 =	sld [smem:$0x3FA8]  }
0x30: {  	s3 =	sld [smem:$0x3FAB]  }
0x31: {  	[smem:$0x3FB4] =	sst s10  }
0x32: {  	s10 =	sld [smem:$0x3FB2];
	_ =	sdelay $0x3  }
0x33: {  	p0 =	seq.s32 s10, $0x1;
	s10 =	sld [smem:$0x3FB4];
	_ =	sdelay $0x3  }
0x34: {  	[smem:$0x3FB4] =	sst s10  }
0x35: {  	s10 =	sld [smem:$0x3FB3];
	_ =	sdelay $0x3  }
0x36: {  	p1 =	seq.s32 s10, $0x1;
	s10 =	sld [smem:$0x3FB4];
	_ =	sdelay $0x3  }
0x37: {  	[smem:$0x3FB4] =	sst s10  }
0x38: {  	s10 =	sld [smem:$0x3FB5]  }
0x39: {  	_ = 	snop;
	(pc) =	sbr.ind lr, $3  }
0x3a: {  	_ = 	snop  }
0x3b: {  	_ = 	snop  }
0x3c: {  	p2 =	seq.s32 s10, $0x1;
	s10 =	sld [smem:$0x3FB4]  }
0x3d: {  	_ =	shalt  }
0x3e: {  	_ =	shalt  }
0x3f: {  	_ =	shalt  }
0x40: {  	_ =	shalt  }
0x41: {  	_ =	shalt  }
0x42: {  	_ =	shalt  }
0x43: {  	_ =	shalt  }
0x44: {  	_ =	shalt  }
0x45: {  	_ =	shalt  }
0x46: {  	_ =	shalt  }
0x47: {  	_ =	shalt  }
0x48: {  	_ =	shalt  }
0x49: {  	_ =	shalt  }
0x4a: {  	_ =	shalt  }
0x4b: {  	_ =	shalt  }
0x4c: {  	_ =	shalt  }
0x4d: {  	_ =	shalt  }
0x4e: {  	_ =	shalt  }
0x4f: {  	_ =	shalt  }
0x50: {  	_ =	shalt  }
0x51: {  	_ =	shalt  }
0x52: {  	_ =	shalt  }
0x53: {  	_ =	shalt  }
0x54: {  	_ =	shalt  }
0x55: {  	_ =	shalt  }
0x56: {  	_ =	shalt  }
0x57: {  	_ =	shalt  }
0x58: {  	_ =	shalt  }
0x59: {  	_ =	shalt  }
0x5a: {  	_ =	shalt  }
0x5b: {  	_ =	shalt  }
0x5c: {  	_ =	shalt  }
0x5d: {  	_ =	shalt  }
0x5e: {  	_ =	shalt  }
0x5f: {  	_ =	shalt  }
0x60: {  	_ =	shalt  }
0x61: {  	_ =	shalt  }
0x62: {  	_ =	shalt  }
0x63: {  	_ =	shalt  }
0x64: {  	_ =	shalt  }
0x65: {  	_ =	shalt  }
0x66: {  	_ =	shalt  }
0x67: {  	_ =	shalt  }
0x68: {  	_ =	shalt  }
0x69: {  	_ =	shalt  }
0x6a: {  	_ =	shalt  }
0x6b: {  	_ =	shalt  }
0x6c: {  	_ =	shalt  }
0x6d: {  	_ =	shalt  }
0x6e: {  	_ =	shalt  }
0x6f: {  	_ =	shalt  }
0x70: {  	_ =	shalt  }
0x71: {  	_ =	shalt  }
0x72: {  	_ =	shalt  }
0x73: {  	_ =	shalt  }
0x74: {  	_ =	shalt  }
0x75: {  	_ =	shalt  }
0x76: {  	_ =	shalt  }
0x77: {  	_ =	shalt  }
0x78: {  	_ =	shalt  }
0x79: {  	_ =	shalt  }
0x7a: {  	_ =	shalt  }
0x7b: {  	_ =	shalt  }
0x7c: {  	_ =	shalt  }
0x7d: {  	_ =	shalt  }
0x7e: {  	_ =	shalt  }
0x7f: {  	_ =	shalt  }
0x80: {  	_ =	shalt  }
0x81: {  	_ =	shalt  }
0x82: {  	_ =	shalt  }
0x83: {  	_ =	shalt  }
0x84: {  	_ =	shalt  }
0x85: {  	_ =	shalt  }
0x86: {  	_ =	shalt  }
0x87: {  	_ =	shalt  }
.Lfunc_end0:
.L_simem_size_0:
called_computation.3_lowered:
.L_overlay_start_0:
0x88: {  	s2 =	sld [smem:$0x3FD9]  }
0x89: {  	s3 =	sld [smem:$0x3FFE];
	_ =	sdelay $0x1  }
0x8a: {  	s1 =	srdreg.scid  }
0x8b: {  	s0 =	sand.u32 $0x1, s1  }
0x8c: {  	s16 =	sshll.u32 s0, $0xA;
	s2 =	sadd.s32 s3, s2  }
0x8d: {  	s2 =	sadd.s32 s2, s16  }
0x8e: {  	[smem:$0x3FC0] =	sst s2  }
0x8f: {  	_ = 	snop  }
0x90: {  	(tm) =	ssettm $0x1  }
0x91: {  	s17 =	sld [smem:$0x3FFB];
	_ =	sdelay $0x3  }
0x92: {  	_ =	strace s17  }
0x93: {  	s2 =	sld [smem:$0x3FFC];
	_ =	sdelay $0x3  }
0x94: {  	_ =	strace s2  }
0x95: {  	s2 =	sld [smem:$0x3FFD];
	_ =	sdelay $0x3  }
0x96: {  	_ =	strace s2  }
0x97: {  	_ =	strace $0x8FFFFFFF  }
0x98: {  	s18 =	sld [smem:$0x3FDB];
	_ =	sdelay $0x1  }
0x99: {  	s19 =	simm.s32 $_scs_section_size  }
0x9a: {  	s4 =	simm.s32 $_size__tile_overlayer_lowered;
	s5 =	simm.s32 $_tile_overlayer_lowered  }
0x9b: {  	s22 =	simm.s32 $0x1BFF;
	s21 =	sshll.u32 s5, $0x1;
	s2 =	sadd.s32 s19, s18  }
0x9c: {  	s6 =	simm.s32 $0x0;
	s20 =	sshll.u32 s4, $0x1;
	s4 =	sadd.s32 s21, s2  }
0x9d: {  	[timem:s6], [sflag:s22] =	dma.local [hbm:s4], s20  }
0x9e: {  	_ =	swait.ge [sflag:s22], s20  }
0x9f: {  	s3 =	ssub.s32 $0x0, s20;
	[sflag:s22] =	ssyncset.done $0x0  }
0xa0: {  	[sflag:s22] =	ssyncadd.s32 s3;
	_ =	sdelay $0x1  }
0xa1: {  	s23 =	simm.s32 $0x1B8B  }
0xa2: {  	_ =	swait.ge [sflag:s23], $0x1  }
0xa3: {  	[sflag:s23] =	ssyncset.done $0x0  }
0xa4: {  	s25 =	simm.s32 $0x1B8E;
	s24 =	sld [smem:$0x3FFE];
	[sflag:s23] =	ssyncadd.s32 $0xFFFFFFFF  }
0xa5: {  	s26 =	simm.s32 $execute0_lowered;
	[smem:$0x3FD2] =	sst s25  }
0xa6: {  	s4 =	sshll.u32 s26, $0x1;
	_ =	strace $0x8000004F;
	[dreg:$0x1] =	wrdreg $0xFFFFFFFF  }
0xa7: {  	s28 =	simm.s32 $_size_execute0_lowered;
	s2 =	sadd.s32 s2, s4;
	[dreg:$0x0] =	wrdreg $0x0  }
0xa8: {  	s4 =	sshll.u32 s28, $0x1;
	[dreg:$0x2] =	wrdreg s2  }
0xa9: {  	[dreg:$0x3] =	wrdreg s4  }
0xaa: {  	[dreg:$0x4] =	wrdreg $0xC0  }
0xab: {  	_ =	task [dreg:s6], $0x5FFFF  }
0xac: {  	[dreg:$0x1] =	wrdreg $0xFFFFFFFF  }
0xad: {  	[dreg:$0x0] =	wrdreg $0x60  }
0xae: {  	[dreg:$0x2] =	wrdreg s24  }
0xaf: {  	[dreg:$0x3] =	wrdreg $0x1C5200  }
0xb0: {  	[dreg:$0x4] =	wrdreg $0x9  }
0xb1: {  	_ =	task.clear_ibuf [dreg:s6], $0x5FFFF;
	_ =	strace $0x9000004F  }
0xb2: {  	s29 =	simm.s32 $0x9;
	_ =	strace $0x80000051  }
0xb3: {  	_ =	swait.ge [sflag:s29], $0x1  }
0xb4: {  	[sflag:s29] =	ssyncadd.s32 $0xFFFFFFFF  }
0xb5: {  	_ =	strace $0x90000051  }
0xb6: {  	_ =	sfence  }
0xb7: {  	s30 =	sld [smem:$0x0];
	_ =	sdelay $0x2  }
0xb8: {  	s31 =	sshll.u32 s1, $0xD;
	s1 =	sshrl.u32 s1, $0x2  }
0xb9: {  	s3 =	sand.u32 $0x4000, s31;
	s1 =	sadd.s32 s1, s30  }
0xba: {  	s0 =	sor.u32 s3, s0;
	s1 =	sshll.u32 s1, $0x11  }
0xbb: {  	s0 =	sor.u32 s1, s0  }
0xbc: {  	s0 =	sadd.s32 $0x8F2B, s0  }
0xbd: {  	[sflag:s0] =	ssyncadd.remote.s32 $0x1  }
0xbe: {  	_ =	sfence.sel $0xFFFF  }
0xbf: {  	[dreg:$0x0] =	wrdreg $0xFFFFFFFF;
	(pc) =	sbr.abs _section_cstart, $3  }
0xc0: {  	[dreg:$0x1] =	wrdreg $0xFFFFFFFF  }
0xc1: {  	_ =	task.clear_ibuf [dreg:s6], $0x2FFFF;
	_ =	strace $0x9FFFFFFF  }
0xc2: {  	(tm) =	ssettm $0x7FFFFFFF  }
0xc3: {  	_ =	shalt  }
tec
execute0_lowered:
.L_overlay_start_1:
0x0: {  	(tag) =	ssettag $0x1  }
0x1: {  	s0 =	srdreg.scid  }
0x2: {  	s24 =	stileid.u32;
	s1 =	rddreg [dreg:$0x0]  }
0x3: {  	s2 =	rddreg [dreg:$0x1];
	s21 =	simm.s32 $0x0;
	s18 =	simm.s32 $0x7D0  }
0x4: {  	s19 =	simm.s32 $0xBB8;
	s20 =	simm.s32 $0xFA0;
	s22 =	simm.s32 $0x2AF8  }
0x5: {  	s23 =	simm.s32 $0x1388;
	s12 =	simm.s32 $0x4E20;
	s25 =	simm.s32 $0x2EE0  }
0x6: {  	s11 =	simm.s32 $0x8CA0;
	s10 =	simm.s32 $0x32C8;
	s31 =	simm.s32 $0xD  }
0x7: {  	s13 =	simm.s32 $0x1B58;
	s14 =	simm.s32 $0x36B0;
	[smem:$0x7FF] =	sst s21  }
0x8: {  	p1 =	por $0x0, $0x0;
	_ =	strace $0x80000050;
	[dreg:$0x9] =	wrdreg s18  }
0x9: {  	s30 =	simm.s32 $0x5;
	s28 =	simm.s32 $0x6;
	[dreg:$0xa] =	wrdreg s19  }
0xa: {  	s0 =	sand.u32 $0x1, s0;
	s3 =	sshll.u32 s24, $0x1;
	[dreg:$0xb] =	wrdreg s20  }
0xb: {  	s4 =	smul.u32 $0x2700, s24;
	s7 =	sadd.s32 $0x1B800, s1;
	[dreg:$0xc] =	wrdreg s22  }
0xc: {  	s9 =	sadd.s32 $0x20800, s1;
	s26 =	sshll.u32 s24, $0x6;
	[dreg:$0xd] =	wrdreg s23  }
0xd: {  	p0 =	sne.s32 s24, $0xF;
	s3 =	sor.u32 s0, s3;
	[dreg:$0xe] =	wrdreg s25  }
0xe: {  	s6 =	ssub.s32 $0x2, s0;
	s0 =	smul.u32 $0x27100, s0;
	[dreg:$0x10] =	wrdreg s10  }
0xf: {  	s29 =	sor.u32 $0x1C0D, s26;
	s10 =	simm.s32 $0x109A0;
	[dreg:$0x11] =	wrdreg s13  }
0x10: {  	[dreg:$0x12] =	wrdreg s14;
	s18 =	simm.s32 $0x2;
	s19 =	simm.s32 $0x2328  }
0x11: {  	s20 =	simm.s32 $0x3E80;
	s22 =	simm.s32 $0x4268;
	[dreg:$0x1a] =	wrdreg s26  }
0x12: {  	s13 =	simm.s32 $0x7;
	s23 =	simm.s32 $0x4650;
	[dreg:$0x15] =	wrdreg s19  }
0x13: {  	s25 =	simm.s32 $0x4A38;
	s14 =	simm.s32 $0x8;
	[dreg:$0x16] =	wrdreg s20  }
0x14: {  	s3 =	smul.u32 $0x2710, s3;
	s5 =	sshrl.u32 s4, $0x3;
	[dreg:$0x17] =	wrdreg s22  }
0x15: {  	s8 =	sshrl.u32 s6, $0x1;
	s15 =	sadd.s32 s4, s2;
	[dreg:$0x18] =	wrdreg s23  }
0x16: {  	s19 =	simm.s32 $0x3;
	s20 =	simm.s32 $0x4;
	[dreg:$0x19] =	wrdreg s25  }
0x17: {  	s23 =	simm.s32 $0xB;
	s22 =	simm.s32 $0xC;
	s5 =	sadd.s32 s5, s1  }
0x18: {  	s6 =	ssub.s32 s6, s8;
	s17 =	sadd.s32 s4, s0;
	s0 =	sshrl.u32 s0, $0x3  }
0x19: {  	s8 =	simm.s32 $0x3E8;
	s3 =	sshrl.u32 s3, $0x3;
	s5 =	sadd.s32 $0x16800, s5  }
0x1a: {  	s0 =	sadd.s32 s9, s0;
	s3 =	sadd.s32 s3, s1;
	[dreg:$0x3] =	wrdreg s5  }
0x1b: {  	s1 =	sadd.s32 $0x1B600, s1;
	s0 =	sadd.s32 $0x4E00, s0;
	s5 =	sshrl.u32 s15, $0x3  }
0x1c: {  	s16 =	sadd.s32 $0x2E00, s3;
	s3 =	sadd.s32 $0xCA40, s3;
	[dreg:$0x8] =	wrdreg s0  }
0x1d: {  	s0 =	smax.u32 s6, $0x1;
	[dreg:$0x6] =	wrdreg s3;
	s3 =	simm.s32 $0x1770  }
0x1e: {  	s15 =	simm.s32 $0x1F40;
	[dreg:$0xf] =	wrdreg s3;
	s3 =	sadd.s32 $0xFFFFFFFF, s0  }
0x1f: {  	[dreg:$0x4] =	wrdreg s1;
	s1 =	sshrl.u32 s17, $0x3;
	p2 =	sne.s32 s3, $0x0  }
.Ltmp0:
0x20: {  	s6 =	simm.s32 $0xE;
	[dreg:$0x13] =	wrdreg s15;
	(pc) =	sbr.rel @!p2 .LBB2_1-.Ltmp0, $4  }
0x21: {  	s17 =	simm.s32 $0x1;
	s15 =	simm.s32 $0xA;
	s25 =	rddreg [dreg:$0x3]  }
0x22: {  	[dreg:$0x5] =	wrdreg s16;
	s1 =	sadd.s32 s9, s1;
	s9 =	simm.s32 $0xCB20  }
0x23: {  	s16 =	simm.s32 $0x3A98;
	[dreg:$0x7] =	wrdreg s1;
	s1 =	sadd.s32 $0x27000, s2  }
0x24: {  	[dreg:$0x14] =	wrdreg s16;
	s16 =	simm.s32 $0x9;
	s4 =	sshrl.u32 @!p0 s1, $0x3  }
0x25: {  	[spmem:s5], [sflag:s29] =	dma.local [hbm:s25], $0x4E0  }
0x26: {  	s0 =	rddreg [dreg:$0x4]  }
0x27: {  	[spmem:s4], [sflag:s29] =	dma.local @!p0 [hbm:s0], $0x20  }
0x28: {  	s0 =	rddreg [dreg:$0x5]  }
0x29: {  	[tilespmem:s21], [sflag:$0xE] =	stream.linear.gather [hbm4b:s0+s21], $0x2710, $0x38;
	[tilespmem:$0x1EC30] =	vst v63  }
0x2a: {  	_ =	swait.ge [sflag:s6], $0x2710  }
0x2b: {  	[sflag:s6] =	ssyncset.done $0x0  }
0x2c: {  	s24 =	simm.s32 $0x2710;
	s1 =	rddreg [dreg:$0x6];
	[sflag:s6] =	ssyncadd.s32 $0xFFFFD8F0  }
0x2d: {  	[tilespmem:s24], [sflag:$0xE] =	stream.linear.gather [hbm4b:s1+s21], $0x2710, $0x38;
	[tilespmem:$0x1EC30] =	vst v63  }
0x2e: {  	_ =	swait.ge [sflag:s6], $0x2710  }
0x2f: {  	[sflag:s6] =	ssyncset.done $0x0  }
0x30: {  	[sflag:s6] =	ssyncadd.s32 $0xFFFFD8F0  }
0x31: {  	[tilespmem:s12], [sflag:$0x1] =	stream.indirect.gather [hbm4b:s7+s8], $0x10, s21, s8, $0xb8;
	[tilespmem:$0x1EC30] =	vst v63  }
0x32: {  	_ = 	snop  }
0x33: {  	[tilespmem:s11], [sflag:$0x2] =	stream.indirect.gather [hbm4b:s7+s8], $0x10, s8, s8, $0xb8;
	[tilespmem:$0x1EC30] =	vst v63  }
0x34: {  	s23 =	rddreg [dreg:$0x9]  }
0x35: {  	[tilespmem:s9], [sflag:$0x3] =	stream.indirect.gather [hbm4b:s7+s8], $0x10, s23, s8, $0xb8;
	[tilespmem:$0x1EC30] =	vst v63  }
0x36: {  	_ =	swait.ge [sflag:s31], $0x4E0  }
0x37: {  	[sflag:s31] =	ssyncset.done $0x0  }
0x38: {  	s1 =	simm.s32 @!p0 $0xD;
	[sflag:s31] =	ssyncadd.s32 $0xFFFFFB20  }
0x39: {  	_ =	swait.ge @!p0 [sflag:s1], $0x20  }
0x3a: {  	[sflag:s1] =	ssyncset.done @!p0 $0x0  }
0x3b: {  	[sflag:s1] =	ssyncadd.s32 @!p0 $0xFFFFFFE0  }
0x3c: {  	[bflag:$0x0] =	sbarrier.arrive $0xFFFF  }
0x3d: {  	s25 =	rddreg [dreg:$0xa]  }
0x3e: {  	[tilespmem:s10], [sflag:$0x4] =	stream.indirect.gather [hbm4b:s7+s8], $0x10, s25, s8, $0xb8;
	[tilespmem:$0x1EC30] =	vst v63  }
0x3f: {  	_ =	swait.ge [sflag:s17], $0x3E80  }
0x40: {  	[sflag:s17] =	ssyncset.done $0x0  }
0x41: {  	[sflag:s17] =	ssyncadd.s32 $0xFFFFC180  }
0x42: {  	[spmem:s2] =	stream.indirect.scatter.add.f32 [tilespmem:s12], [sflag:$0x7], $0x10, s24, s8, $0xb8;
	[tilespmem:$0x1EC30] =	vst v63  }
0x43: {  	s25 =	simm.s32 $0x14820;
	s23 =	rddreg [dreg:$0xb]  }
0x44: {  	[tilespmem:s25], [sflag:$0x5] =	stream.indirect.gather [hbm4b:s7+s8], $0x10, s23, s8, $0xb8;
	[tilespmem:$0x1EC30] =	vst v63  }
0x45: {  	_ =	swait.ge [sflag:s18], $0x3E80  }
0x46: {  	[sflag:s18] =	ssyncset.done $0x0  }
0x47: {  	s23 =	rddreg [dreg:$0xc];
	[sflag:s18] =	ssyncadd.s32 $0xFFFFC180  }
0x48: {  	[spmem:s2] =	stream.indirect.scatter.add.f32 [tilespmem:s11], [sflag:$0x8], $0x10, s23, s8, $0xb8;
	[tilespmem:$0x1EC30] =	vst v63  }
0x49: {  	s24 =	rddreg [dreg:$0xd];
	s23 =	simm.s32 $0x186A0  }
0x4a: {  	[tilespmem:s23], [sflag:$0x6] =	stream.indirect.gather [hbm4b:s7+s8], $0x10, s24, s8, $0xb8;
	[tilespmem:$0x1EC30] =	vst v63  }
0x4b: {  	_ =	swait.ge [sflag:s19], $0x3E80  }
0x4c: {  	[sflag:s19] =	ssyncset.done $0x0  }
0x4d: {  	s24 =	rddreg [dreg:$0xe];
	[sflag:s19] =	ssyncadd.s32 $0xFFFFC180  }
0x4e: {  	[spmem:s2] =	stream.indirect.scatter.add.f32 [tilespmem:s9], [sflag:$0x9], $0x10, s24, s8, $0xb8;
	[tilespmem:$0x1EC30] =	vst v63  }
0x4f: {  	_ =	swait.ge [sflag:s13], $0x3E80  }
0x50: {  	[sflag:s13] =	ssyncset.done $0x0  }
0x51: {  	s24 =	rddreg [dreg:$0xf];
	[sflag:s13] =	ssyncadd.s32 $0xFFFFC180  }
0x52: {  	[tilespmem:s12], [sflag:$0x1] =	stream.indirect.gather [hbm4b:s7+s8], $0x10, s24, s8, $0xb8;
	[tilespmem:$0x1EC30] =	vst v63  }
0x53: {  	_ =	swait.ge [sflag:s20], $0x3E80  }
0x54: {  	[sflag:s20] =	ssyncset.done $0x0  }
0x55: {  	s24 =	rddreg [dreg:$0x10];
	[sflag:s20] =	ssyncadd.s32 $0xFFFFC180  }
0x56: {  	[spmem:s2] =	stream.indirect.scatter.add.f32 [tilespmem:s10], [sflag:$0xA], $0x10, s24, s8, $0xb8;
	[tilespmem:$0x1EC30] =	vst v63  }
0x57: {  	_ =	swait.ge [sflag:s14], $0x3E80  }
0x58: {  	[sflag:s14] =	ssyncset.done $0x0  }
0x59: {  	s24 =	rddreg [dreg:$0x11];
	[sflag:s14] =	ssyncadd.s32 $0xFFFFC180  }
0x5a: {  	[tilespmem:s11], [sflag:$0x2] =	stream.indirect.gather [hbm4b:s7+s8], $0x10, s24, s8, $0xb8;
	[tilespmem:$0x1EC30] =	vst v63  }
0x5b: {  	_ =	swait.ge [sflag:s30], $0x3E80  }
0x5c: {  	[sflag:s30] =	ssyncset.done $0x0  }
0x5d: {  	s24 =	rddreg [dreg:$0x12];
	[sflag:s30] =	ssyncadd.s32 $0xFFFFC180  }
0x5e: {  	[spmem:s2] =	stream.indirect.scatter.add.f32 [tilespmem:s25], [sflag:$0xB], $0x10, s24, s8, $0xb8;
	[tilespmem:$0x1EC30] =	vst v63  }
0x5f: {  	_ =	swait.ge [sflag:s16], $0x3E80  }
0x60: {  	[sflag:s16] =	ssyncset.done $0x0  }
0x61: {  	s24 =	rddreg [dreg:$0x13];
	[sflag:s16] =	ssyncadd.s32 $0xFFFFC180  }
0x62: {  	[tilespmem:s9], [sflag:$0x3] =	stream.indirect.gather [hbm4b:s7+s8], $0x10, s24, s8, $0xb8;
	[tilespmem:$0x1EC30] =	vst v63  }
0x63: {  	_ =	swait.ge [sflag:s28], $0x3E80  }
0x64: {  	[sflag:s28] =	ssyncset.done $0x0  }
0x65: {  	s25 =	rddreg [dreg:$0x14];
	[sflag:s28] =	ssyncadd.s32 $0xFFFFC180  }
0x66: {  	[spmem:s2] =	stream.indirect.scatter.add.f32 [tilespmem:s23], [sflag:$0xC], $0x10, s25, s8, $0xb8;
	[tilespmem:$0x1EC30] =	vst v63  }
0x67: {  	_ =	swait.ge [sflag:s15], $0x3E80  }
0x68: {  	[sflag:s15] =	ssyncset.done $0x0  }
0x69: {  	s24 =	rddreg [dreg:$0x15];
	[sflag:s15] =	ssyncadd.s32 $0xFFFFC180  }
0x6a: {  	[tilespmem:s10], [sflag:$0x4] =	stream.indirect.gather [hbm4b:s7+s8], $0x10, s24, s8, $0xb8;
	[tilespmem:$0x1EC30] =	vst v63  }
0x6b: {  	_ =	swait.ge [sflag:s17], $0x3E80  }
0x6c: {  	[sflag:s17] =	ssyncset.done $0x0  }
0x6d: {  	s25 =	rddreg [dreg:$0x16];
	[sflag:s17] =	ssyncadd.s32 $0xFFFFC180  }
0x6e: {  	[spmem:s2] =	stream.indirect.scatter.add.f32 [tilespmem:s12], [sflag:$0x7], $0x10, s25, s8, $0xb8;
	[tilespmem:$0x1EC30] =	vst v63  }
0x6f: {  	_ =	swait.ge [sflag:s18], $0x3E80  }
0x70: {  	[sflag:s18] =	ssyncset.done $0x0  }
0x71: {  	s24 =	rddreg [dreg:$0x17];
	[sflag:s18] =	ssyncadd.s32 $0xFFFFC180  }
0x72: {  	[spmem:s2] =	stream.indirect.scatter.add.f32 [tilespmem:s11], [sflag:$0x8], $0x10, s24, s8, $0xb8;
	[tilespmem:$0x1EC30] =	vst v63  }
0x73: {  	_ =	swait.ge [sflag:s19], $0x3E80  }
0x74: {  	[sflag:s19] =	ssyncset.done $0x0  }
0x75: {  	s25 =	rddreg [dreg:$0x18];
	[sflag:s19] =	ssyncadd.s32 $0xFFFFC180  }
0x76: {  	[spmem:s2] =	stream.indirect.scatter.add.f32 [tilespmem:s9], [sflag:$0x9], $0x10, s25, s8, $0xb8;
	[tilespmem:$0x1EC30] =	vst v63  }
0x77: {  	_ =	swait.ge [sflag:s20], $0x3E80  }
0x78: {  	[sflag:s20] =	ssyncset.done $0x0  }
0x79: {  	s23 =	simm.s32 $0xB;
	s24 =	rddreg [dreg:$0x19];
	[sflag:s20] =	ssyncadd.s32 $0xFFFFC180  }
0x7a: {  	[spmem:s2] =	stream.indirect.scatter.add.f32 [tilespmem:s10], [sflag:$0xA], $0x10, s24, s8, $0xb8;
	[tilespmem:$0x1EC30] =	vst v63  }
0x7b: {  	_ =	swait.ge [sflag:s23], $0x3E80  }
0x7c: {  	[sflag:s23] =	ssyncset.done $0x0  }
0x7d: {  	[sflag:s23] =	ssyncadd.s32 $0xFFFFC180  }
0x7e: {  	_ =	swait.ge [sflag:s22], $0x3E80  }
0x7f: {  	[sflag:s22] =	ssyncset.done $0x0  }
0x80: {  	[sflag:s22] =	ssyncadd.s32 $0xFFFFC180  }
0x81: {  	_ =	swait.ge [sflag:s13], $0x3E80  }
0x82: {  	[sflag:s13] =	ssyncset.done $0x0  }
0x83: {  	[sflag:s13] =	ssyncadd.s32 $0xFFFFC180  }
0x84: {  	_ =	swait.ge [sflag:s14], $0x3E80  }
0x85: {  	[sflag:s14] =	ssyncset.done $0x0  }
0x86: {  	[sflag:s14] =	ssyncadd.s32 $0xFFFFC180  }
0x87: {  	_ =	swait.ge [sflag:s16], $0x3E80  }
0x88: {  	[sflag:s16] =	ssyncset.done $0x0  }
0x89: {  	[sflag:s16] =	ssyncadd.s32 $0xFFFFC180  }
0x8a: {  	_ =	swait.ge [sflag:s15], $0x3E80  }
0x8b: {  	[sflag:s15] =	ssyncset.done $0x0  }
0x8c: {  	[sflag:s15] =	ssyncadd.s32 $0xFFFFC180  }
0x8d: {  	[bflag:$0x0] =	sbarrier.arrive $0xFFFF  }
0x8e: {  	s0 =	sor.u32 $0x1C0E, s26;
	s24 =	sadd.s32 $0xFFFFFFFF, s3;
	s25 =	rddreg [dreg:$0x7]  }
0x8f: {  	[hbm:s25], [sflag:s0] =	dma.local [spmem:s5], $0x4E0  }
0x90: {  	p2 =	sne.s32 s24, $0x0;
	_ =	swait.ge [sflag:s6], $0x4E0  }
.Ltmp1:
0x91: {  	[sflag:s6] =	ssyncset.done $0x0;
	(pc) =	sbr.rel @!p2 .LBB2_3-.Ltmp1, $4  }
0x92: {  	s3 =	simm.s32 @!p0 $0xE;
	s25 =	rddreg [dreg:$0x8];
	[sflag:s6] =	ssyncadd.s32 $0xFFFFFB20  }
0x93: {  	[hbm:s25], [sflag:s0] =	dma.local @!p0 [spmem:s4], $0x20  }
0x94: {  	p1 =	por $0x1, $0x1;
	_ =	swait.ge @!p0 [sflag:s3], $0x20  }
0x95: {  	s26 =	simm.s32 $0x14820;
	s25 =	rddreg [dreg:$0x3];
	[sflag:s3] =	ssyncset.done @!p0 $0x0  }
.LBB2_4:
0x96: {  	[sflag:s3] =	ssyncadd.s32 @!p0 $0xFFFFFFE0  }
0x97: {  	[spmem:s5], [sflag:s29] =	dma.local [hbm:s25], $0x4E0  }
0x98: {  	s25 =	rddreg [dreg:$0x4]  }
0x99: {  	[spmem:s4], [sflag:s29] =	dma.local @!p0 [hbm:s25], $0x20  }
0x9a: {  	s25 =	rddreg [dreg:$0x5]  }
0x9b: {  	[tilespmem:s21], [sflag:$0xE] =	stream.linear.gather [hbm4b:s25+s21], $0x2710, $0x38;
	[tilespmem:$0x1EC30] =	vst v63  }
0x9c: {  	_ =	swait.ge [sflag:s6], $0x2710  }
0x9d: {  	s22 =	simm.s32 $0x0;
	[sflag:s6] =	ssyncset.done $0x0  }
0x9e: {  	s21 =	simm.s32 $0x2710;
	s23 =	rddreg [dreg:$0x6];
	[sflag:s6] =	ssyncadd.s32 $0xFFFFD8F0  }
0x9f: {  	[tilespmem:s21], [sflag:$0xE] =	stream.linear.gather [hbm4b:s23+s22], $0x2710, $0x38;
	[tilespmem:$0x1EC30] =	vst v63  }
0xa0: {  	_ =	swait.ge [sflag:s6], $0x2710  }
0xa1: {  	[sflag:s6] =	ssyncset.done $0x0  }
0xa2: {  	[sflag:s6] =	ssyncadd.s32 $0xFFFFD8F0  }
0xa3: {  	[tilespmem:s12], [sflag:$0x1] =	stream.indirect.gather [hbm4b:s7+s8], $0x10, s22, s8, $0xb8;
	[tilespmem:$0x1EC30] =	vst v63  }
0xa4: {  	_ = 	snop  }
0xa5: {  	[tilespmem:s11], [sflag:$0x2] =	stream.indirect.gather [hbm4b:s7+s8], $0x10, s8, s8, $0xb8;
	[tilespmem:$0x1EC30] =	vst v63  }
0xa6: {  	s23 =	rddreg [dreg:$0x9]  }
0xa7: {  	[tilespmem:s9], [sflag:$0x3] =	stream.indirect.gather [hbm4b:s7+s8], $0x10, s23, s8, $0xb8;
	[tilespmem:$0x1EC30] =	vst v63  }
0xa8: {  	_ =	swait.ge [sflag:s31], $0x4E0  }
0xa9: {  	[sflag:s31] =	ssyncset.done $0x0  }
0xaa: {  	[sflag:s31] =	ssyncadd.s32 $0xFFFFFB20  }
0xab: {  	_ =	swait.ge @!p0 [sflag:s1], $0x20  }
0xac: {  	[sflag:s1] =	ssyncset.done @!p0 $0x0  }
0xad: {  	[sflag:s1] =	ssyncadd.s32 @!p0 $0xFFFFFFE0  }
0xae: {  	[bflag:$0x0] =	sbarrier.arrive $0xFFFF  }
0xaf: {  	s23 =	rddreg [dreg:$0xa]  }
0xb0: {  	[tilespmem:s10], [sflag:$0x4] =	stream.indirect.gather [hbm4b:s7+s8], $0x10, s23, s8, $0xb8;
	[tilespmem:$0x1EC30] =	vst v63  }
0xb1: {  	_ =	swait.ge [sflag:s17], $0x3E80  }
0xb2: {  	[sflag:s17] =	ssyncset.done $0x0  }
0xb3: {  	[sflag:s17] =	ssyncadd.s32 $0xFFFFC180  }
0xb4: {  	[spmem:s2] =	stream.indirect.scatter.add.f32 [tilespmem:s12], [sflag:$0x7], $0x10, s21, s8, $0xb8;
	[tilespmem:$0x1EC30] =	vst v63  }
0xb5: {  	s23 =	rddreg [dreg:$0xb]  }
0xb6: {  	[tilespmem:s26], [sflag:$0x5] =	stream.indirect.gather [hbm4b:s7+s8], $0x10, s23, s8, $0xb8;
	[tilespmem:$0x1EC30] =	vst v63  }
0xb7: {  	_ =	swait.ge [sflag:s18], $0x3E80  }
0xb8: {  	[sflag:s18] =	ssyncset.done $0x0  }
0xb9: {  	s23 =	rddreg [dreg:$0xc];
	[sflag:s18] =	ssyncadd.s32 $0xFFFFC180  }
0xba: {  	[spmem:s2] =	stream.indirect.scatter.add.f32 [tilespmem:s11], [sflag:$0x8], $0x10, s23, s8, $0xb8;
	[tilespmem:$0x1EC30] =	vst v63  }
0xbb: {  	s26 =	rddreg [dreg:$0xd];
	s23 =	simm.s32 $0x186A0  }
0xbc: {  	[tilespmem:s23], [sflag:$0x6] =	stream.indirect.gather [hbm4b:s7+s8], $0x10, s26, s8, $0xb8;
	[tilespmem:$0x1EC30] =	vst v63  }
0xbd: {  	_ =	swait.ge [sflag:s19], $0x3E80  }
0xbe: {  	[sflag:s19] =	ssyncset.done $0x0  }
0xbf: {  	s25 =	rddreg [dreg:$0xe];
	[sflag:s19] =	ssyncadd.s32 $0xFFFFC180  }
0xc0: {  	[spmem:s2] =	stream.indirect.scatter.add.f32 [tilespmem:s9], [sflag:$0x9], $0x10, s25, s8, $0xb8;
	[tilespmem:$0x1EC30] =	vst v63  }
0xc1: {  	_ =	swait.ge [sflag:s13], $0x3E80  }
0xc2: {  	[sflag:s13] =	ssyncset.done $0x0  }
0xc3: {  	s25 =	rddreg [dreg:$0xf];
	[sflag:s13] =	ssyncadd.s32 $0xFFFFC180  }
0xc4: {  	[tilespmem:s12], [sflag:$0x1] =	stream.indirect.gather [hbm4b:s7+s8], $0x10, s25, s8, $0xb8;
	[tilespmem:$0x1EC30] =	vst v63  }
0xc5: {  	_ =	swait.ge [sflag:s20], $0x3E80  }
0xc6: {  	[sflag:s20] =	ssyncset.done $0x0  }
0xc7: {  	s25 =	rddreg [dreg:$0x10];
	[sflag:s20] =	ssyncadd.s32 $0xFFFFC180  }
0xc8: {  	[spmem:s2] =	stream.indirect.scatter.add.f32 [tilespmem:s10], [sflag:$0xA], $0x10, s25, s8, $0xb8;
	[tilespmem:$0x1EC30] =	vst v63  }
0xc9: {  	_ =	swait.ge [sflag:s14], $0x3E80  }
0xca: {  	[sflag:s14] =	ssyncset.done $0x0  }
0xcb: {  	s25 =	rddreg [dreg:$0x11];
	[sflag:s14] =	ssyncadd.s32 $0xFFFFC180  }
0xcc: {  	[tilespmem:s11], [sflag:$0x2] =	stream.indirect.gather [hbm4b:s7+s8], $0x10, s25, s8, $0xb8;
	[tilespmem:$0x1EC30] =	vst v63  }
0xcd: {  	_ =	swait.ge [sflag:s30], $0x3E80  }
0xce: {  	[sflag:s30] =	ssyncset.done $0x0  }
0xcf: {  	s26 =	simm.s32 $0x14820;
	s25 =	rddreg [dreg:$0x12];
	[sflag:s30] =	ssyncadd.s32 $0xFFFFC180  }
0xd0: {  	[spmem:s2] =	stream.indirect.scatter.add.f32 [tilespmem:s26], [sflag:$0xB], $0x10, s25, s8, $0xb8;
	[tilespmem:$0x1EC30] =	vst v63  }
0xd1: {  	_ =	swait.ge [sflag:s16], $0x3E80  }
0xd2: {  	[sflag:s16] =	ssyncset.done $0x0  }
0xd3: {  	s25 =	rddreg [dreg:$0x13];
	[sflag:s16] =	ssyncadd.s32 $0xFFFFC180  }
0xd4: {  	[tilespmem:s9], [sflag:$0x3] =	stream.indirect.gather [hbm4b:s7+s8], $0x10, s25, s8, $0xb8;
	[tilespmem:$0x1EC30] =	vst v63  }
0xd5: {  	_ =	swait.ge [sflag:s28], $0x3E80  }
0xd6: {  	[sflag:s28] =	ssyncset.done $0x0  }
0xd7: {  	s25 =	rddreg [dreg:$0x14];
	[sflag:s28] =	ssyncadd.s32 $0xFFFFC180  }
0xd8: {  	[spmem:s2] =	stream.indirect.scatter.add.f32 [tilespmem:s23], [sflag:$0xC], $0x10, s25, s8, $0xb8;
	[tilespmem:$0x1EC30] =	vst v63  }
0xd9: {  	_ =	swait.ge [sflag:s15], $0x3E80  }
0xda: {  	[sflag:s15] =	ssyncset.done $0x0  }
0xdb: {  	s25 =	rddreg [dreg:$0x15];
	[sflag:s15] =	ssyncadd.s32 $0xFFFFC180  }
0xdc: {  	[tilespmem:s10], [sflag:$0x4] =	stream.indirect.gather [hbm4b:s7+s8], $0x10, s25, s8, $0xb8;
	[tilespmem:$0x1EC30] =	vst v63  }
0xdd: {  	_ =	swait.ge [sflag:s17], $0x3E80  }
0xde: {  	[sflag:s17] =	ssyncset.done $0x0  }
0xdf: {  	s25 =	rddreg [dreg:$0x16];
	[sflag:s17] =	ssyncadd.s32 $0xFFFFC180  }
0xe0: {  	[spmem:s2] =	stream.indirect.scatter.add.f32 [tilespmem:s12], [sflag:$0x7], $0x10, s25, s8, $0xb8;
	[tilespmem:$0x1EC30] =	vst v63  }
0xe1: {  	_ =	swait.ge [sflag:s18], $0x3E80  }
0xe2: {  	[sflag:s18] =	ssyncset.done $0x0  }
0xe3: {  	s25 =	rddreg [dreg:$0x17];
	[sflag:s18] =	ssyncadd.s32 $0xFFFFC180  }
0xe4: {  	[spmem:s2] =	stream.indirect.scatter.add.f32 [tilespmem:s11], [sflag:$0x8], $0x10, s25, s8, $0xb8;
	[tilespmem:$0x1EC30] =	vst v63  }
0xe5: {  	_ =	swait.ge [sflag:s19], $0x3E80  }
0xe6: {  	[sflag:s19] =	ssyncset.done $0x0  }
0xe7: {  	s25 =	rddreg [dreg:$0x18];
	[sflag:s19] =	ssyncadd.s32 $0xFFFFC180  }
0xe8: {  	[spmem:s2] =	stream.indirect.scatter.add.f32 [tilespmem:s9], [sflag:$0x9], $0x10, s25, s8, $0xb8;
	[tilespmem:$0x1EC30] =	vst v63  }
0xe9: {  	_ =	swait.ge [sflag:s20], $0x3E80  }
0xea: {  	[sflag:s20] =	ssyncset.done $0x0  }
0xeb: {  	s23 =	simm.s32 $0xB;
	s25 =	rddreg [dreg:$0x19];
	[sflag:s20] =	ssyncadd.s32 $0xFFFFC180  }
0xec: {  	[spmem:s2] =	stream.indirect.scatter.add.f32 [tilespmem:s10], [sflag:$0xA], $0x10, s25, s8, $0xb8;
	[tilespmem:$0x1EC30] =	vst v63  }
0xed: {  	_ =	swait.ge [sflag:s23], $0x3E80  }
0xee: {  	[sflag:s23] =	ssyncset.done $0x0  }
0xef: {  	s22 =	simm.s32 $0xC;
	[sflag:s23] =	ssyncadd.s32 $0xFFFFC180  }
0xf0: {  	_ =	swait.ge [sflag:s22], $0x3E80  }
0xf1: {  	[sflag:s22] =	ssyncset.done $0x0  }
0xf2: {  	[sflag:s22] =	ssyncadd.s32 $0xFFFFC180  }
0xf3: {  	_ =	swait.ge [sflag:s13], $0x3E80  }
0xf4: {  	[sflag:s13] =	ssyncset.done $0x0  }
0xf5: {  	[sflag:s13] =	ssyncadd.s32 $0xFFFFC180  }
0xf6: {  	_ =	swait.ge [sflag:s14], $0x3E80  }
0xf7: {  	[sflag:s14] =	ssyncset.done $0x0  }
0xf8: {  	[sflag:s14] =	ssyncadd.s32 $0xFFFFC180  }
0xf9: {  	_ =	swait.ge [sflag:s16], $0x3E80  }
0xfa: {  	[sflag:s16] =	ssyncset.done $0x0  }
0xfb: {  	[sflag:s16] =	ssyncadd.s32 $0xFFFFC180  }
0xfc: {  	_ =	swait.ge [sflag:s15], $0x3E80  }
0xfd: {  	[sflag:s15] =	ssyncset.done $0x0  }
0xfe: {  	[sflag:s15] =	ssyncadd.s32 $0xFFFFC180  }
0xff: {  	[bflag:$0x0] =	sbarrier.arrive $0xFFFF  }
0x100: {  	s24 =	sadd.s32 $0xFFFFFFFF, s24;
	s25 =	rddreg [dreg:$0x7]  }
0x101: {  	[hbm:s25], [sflag:s0] =	dma.local [spmem:s5], $0x4E0  }
0x102: {  	p2 =	sne.s32 s24, $0x0;
	_ =	swait.ge [sflag:s6], $0x4E0  }
.Ltmp2:
0x103: {  	[sflag:s6] =	ssyncset.done $0x0;
	(pc) =	sbr.rel @p2 .LBB2_4-.Ltmp2, $4  }
0x104: {  	s25 =	rddreg [dreg:$0x8];
	[sflag:s6] =	ssyncadd.s32 $0xFFFFFB20  }
0x105: {  	[hbm:s25], [sflag:s0] =	dma.local @!p0 [spmem:s4], $0x20  }
0x106: {  	_ =	swait.ge @!p0 [sflag:s3], $0x20  }
0x107: {  	s21 =	simm.s32 $0x0;
	s25 =	rddreg [dreg:$0x3];
	[sflag:s3] =	ssyncset.done @!p0 $0x0  }
0x108: {  	s24 =	stileid.u32;
	s26 =	rddreg [dreg:$0x2]  }
.LBB2_6:
0x109: {  	p1 =	por p0, !p1  }
0x10a: {  	[sflag:s3] =	ssyncadd.s32 @!p1 $0xFFFFFFE0  }
0x10b: {  	[spmem:s5], [sflag:s29] =	dma.local [hbm:s25], $0x4E0  }
0x10c: {  	s0 =	rddreg [dreg:$0x4]  }
0x10d: {  	[spmem:s4], [sflag:s29] =	dma.local @!p0 [hbm:s0], $0x20  }
0x10e: {  	s0 =	rddreg [dreg:$0x5]  }
0x10f: {  	[tilespmem:s21], [sflag:$0xE] =	stream.linear.gather [hbm4b:s0+s21], $0x2710, $0x38;
	[tilespmem:$0x1EC30] =	vst v63  }
0x110: {  	_ =	swait.ge [sflag:s6], $0x2710  }
0x111: {  	[sflag:s6] =	ssyncset.done $0x0  }
0x112: {  	s1 =	simm.s32 $0x2710;
	s3 =	rddreg [dreg:$0x6];
	[sflag:s6] =	ssyncadd.s32 $0xFFFFD8F0  }
0x113: {  	[tilespmem:s1], [sflag:$0xE] =	stream.linear.gather [hbm4b:s3+s21], $0x2710, $0x38;
	[tilespmem:$0x1EC30] =	vst v63  }
0x114: {  	_ =	swait.ge [sflag:s6], $0x2710  }
0x115: {  	[sflag:s6] =	ssyncset.done $0x0  }
0x116: {  	[sflag:s6] =	ssyncadd.s32 $0xFFFFD8F0  }
0x117: {  	[tilespmem:s12], [sflag:$0x1] =	stream.indirect.gather [hbm4b:s7+s8], $0x10, s21, s8, $0xb8;
	[tilespmem:$0x1EC30] =	vst v63  }
0x118: {  	_ = 	snop  }
0x119: {  	[tilespmem:s11], [sflag:$0x2] =	stream.indirect.gather [hbm4b:s7+s8], $0x10, s8, s8, $0xb8;
	[tilespmem:$0x1EC30] =	vst v63  }
0x11a: {  	s25 =	rddreg [dreg:$0x9]  }
0x11b: {  	[tilespmem:s9], [sflag:$0x3] =	stream.indirect.gather [hbm4b:s7+s8], $0x10, s25, s8, $0xb8;
	[tilespmem:$0x1EC30] =	vst v63  }
0x11c: {  	_ =	swait.ge [sflag:s31], $0x4E0  }
0x11d: {  	[sflag:s31] =	ssyncset.done $0x0  }
0x11e: {  	s0 =	simm.s32 @!p0 $0xD;
	[sflag:s31] =	ssyncadd.s32 $0xFFFFFB20  }
0x11f: {  	_ =	swait.ge @!p0 [sflag:s0], $0x20  }
0x120: {  	[sflag:s0] =	ssyncset.done @!p0 $0x0  }
0x121: {  	[sflag:s0] =	ssyncadd.s32 @!p0 $0xFFFFFFE0  }
0x122: {  	[bflag:$0x0] =	sbarrier.arrive $0xFFFF  }
0x123: {  	s29 =	rddreg [dreg:$0xa]  }
0x124: {  	[tilespmem:s10], [sflag:$0x4] =	stream.indirect.gather [hbm4b:s7+s8], $0x10, s29, s8, $0xb8;
	[tilespmem:$0x1EC30] =	vst v63  }
0x125: {  	_ =	swait.ge [sflag:s17], $0x3E80  }
0x126: {  	[sflag:s17] =	ssyncset.done $0x0  }
0x127: {  	[sflag:s17] =	ssyncadd.s32 $0xFFFFC180  }
0x128: {  	[spmem:s2] =	stream.indirect.scatter.add.f32 [tilespmem:s12], [sflag:$0x7], $0x10, s1, s8, $0xb8;
	[tilespmem:$0x1EC30] =	vst v63  }
0x129: {  	s21 =	simm.s32 $0x14820;
	s31 =	rddreg [dreg:$0xb]  }
0x12a: {  	[tilespmem:s21], [sflag:$0x5] =	stream.indirect.gather [hbm4b:s7+s8], $0x10, s31, s8, $0xb8;
	[tilespmem:$0x1EC30] =	vst v63  }
0x12b: {  	_ =	swait.ge [sflag:s18], $0x3E80  }
0x12c: {  	[sflag:s18] =	ssyncset.done $0x0  }
0x12d: {  	s3 =	rddreg [dreg:$0xc];
	[sflag:s18] =	ssyncadd.s32 $0xFFFFC180  }
0x12e: {  	[spmem:s2] =	stream.indirect.scatter.add.f32 [tilespmem:s11], [sflag:$0x8], $0x10, s3, s8, $0xb8;
	[tilespmem:$0x1EC30] =	vst v63  }
0x12f: {  	s25 =	rddreg [dreg:$0xd];
	s3 =	simm.s32 $0x186A0  }
0x130: {  	[tilespmem:s3], [sflag:$0x6] =	stream.indirect.gather [hbm4b:s7+s8], $0x10, s25, s8, $0xb8;
	[tilespmem:$0x1EC30] =	vst v63  }
0x131: {  	_ =	swait.ge [sflag:s19], $0x3E80  }
0x132: {  	[sflag:s19] =	ssyncset.done $0x0  }
0x133: {  	s29 =	rddreg [dreg:$0xe];
	[sflag:s19] =	ssyncadd.s32 $0xFFFFC180  }
0x134: {  	[spmem:s2] =	stream.indirect.scatter.add.f32 [tilespmem:s9], [sflag:$0x9], $0x10, s29, s8, $0xb8;
	[tilespmem:$0x1EC30] =	vst v63  }
0x135: {  	_ =	swait.ge [sflag:s13], $0x3E80  }
0x136: {  	[sflag:s13] =	ssyncset.done $0x0  }
0x137: {  	s31 =	rddreg [dreg:$0xf];
	[sflag:s13] =	ssyncadd.s32 $0xFFFFC180  }
0x138: {  	[tilespmem:s12], [sflag:$0x1] =	stream.indirect.gather [hbm4b:s7+s8], $0x10, s31, s8, $0xb8;
	[tilespmem:$0x1EC30] =	vst v63  }
0x139: {  	_ =	swait.ge [sflag:s20], $0x3E80  }
0x13a: {  	[sflag:s20] =	ssyncset.done $0x0  }
0x13b: {  	s1 =	rddreg [dreg:$0x10];
	[sflag:s20] =	ssyncadd.s32 $0xFFFFC180  }
0x13c: {  	[spmem:s2] =	stream.indirect.scatter.add.f32 [tilespmem:s10], [sflag:$0xA], $0x10, s1, s8, $0xb8;
	[tilespmem:$0x1EC30] =	vst v63  }
0x13d: {  	_ =	swait.ge [sflag:s14], $0x3E80  }
0x13e: {  	[sflag:s14] =	ssyncset.done $0x0  }
0x13f: {  	s25 =	rddreg [dreg:$0x11];
	[sflag:s14] =	ssyncadd.s32 $0xFFFFC180  }
0x140: {  	[tilespmem:s11], [sflag:$0x2] =	stream.indirect.gather [hbm4b:s7+s8], $0x10, s25, s8, $0xb8;
	[tilespmem:$0x1EC30] =	vst v63  }
0x141: {  	_ =	swait.ge [sflag:s30], $0x3E80  }
0x142: {  	[sflag:s30] =	ssyncset.done $0x0  }
0x143: {  	s29 =	rddreg [dreg:$0x12];
	[sflag:s30] =	ssyncadd.s32 $0xFFFFC180  }
0x144: {  	[spmem:s2] =	stream.indirect.scatter.add.f32 [tilespmem:s21], [sflag:$0xB], $0x10, s29, s8, $0xb8;
	[tilespmem:$0x1EC30] =	vst v63  }
0x145: {  	_ =	swait.ge [sflag:s16], $0x3E80  }
0x146: {  	[sflag:s16] =	ssyncset.done $0x0  }
0x147: {  	s31 =	rddreg [dreg:$0x13];
	[sflag:s16] =	ssyncadd.s32 $0xFFFFC180  }
0x148: {  	[tilespmem:s9], [sflag:$0x3] =	stream.indirect.gather [hbm4b:s7+s8], $0x10, s31, s8, $0xb8;
	[tilespmem:$0x1EC30] =	vst v63  }
0x149: {  	_ =	swait.ge [sflag:s28], $0x3E80  }
0x14a: {  	[sflag:s28] =	ssyncset.done $0x0  }
0x14b: {  	s1 =	rddreg [dreg:$0x14];
	[sflag:s28] =	ssyncadd.s32 $0xFFFFC180  }
0x14c: {  	[spmem:s2] =	stream.indirect.scatter.add.f32 [tilespmem:s3], [sflag:$0xC], $0x10, s1, s8, $0xb8;
	[tilespmem:$0x1EC30] =	vst v63  }
0x14d: {  	_ =	swait.ge [sflag:s15], $0x3E80  }
0x14e: {  	[sflag:s15] =	ssyncset.done $0x0  }
0x14f: {  	s3 =	rddreg [dreg:$0x15];
	[sflag:s15] =	ssyncadd.s32 $0xFFFFC180  }
0x150: {  	[tilespmem:s10], [sflag:$0x4] =	stream.indirect.gather [hbm4b:s7+s8], $0x10, s3, s8, $0xb8;
	[tilespmem:$0x1EC30] =	vst v63  }
0x151: {  	_ =	swait.ge [sflag:s17], $0x3E80  }
0x152: {  	[sflag:s17] =	ssyncset.done $0x0  }
0x153: {  	s21 =	rddreg [dreg:$0x16];
	[sflag:s17] =	ssyncadd.s32 $0xFFFFC180  }
0x154: {  	[spmem:s2] =	stream.indirect.scatter.add.f32 [tilespmem:s12], [sflag:$0x7], $0x10, s21, s8, $0xb8;
	[tilespmem:$0x1EC30] =	vst v63  }
0x155: {  	_ =	swait.ge [sflag:s18], $0x3E80  }
0x156: {  	[sflag:s18] =	ssyncset.done $0x0  }
0x157: {  	s25 =	rddreg [dreg:$0x17];
	[sflag:s18] =	ssyncadd.s32 $0xFFFFC180  }
0x158: {  	[spmem:s2] =	stream.indirect.scatter.add.f32 [tilespmem:s11], [sflag:$0x8], $0x10, s25, s8, $0xb8;
	[tilespmem:$0x1EC30] =	vst v63  }
0x159: {  	_ =	swait.ge [sflag:s19], $0x3E80  }
0x15a: {  	[sflag:s19] =	ssyncset.done $0x0  }
0x15b: {  	s28 =	rddreg [dreg:$0x18];
	[sflag:s19] =	ssyncadd.s32 $0xFFFFC180  }
0x15c: {  	[spmem:s2] =	stream.indirect.scatter.add.f32 [tilespmem:s9], [sflag:$0x9], $0x10, s28, s8, $0xb8;
	[tilespmem:$0x1EC30] =	vst v63  }
0x15d: {  	_ =	swait.ge [sflag:s20], $0x3E80  }
0x15e: {  	[sflag:s20] =	ssyncset.done $0x0  }
0x15f: {  	s29 =	rddreg [dreg:$0x19];
	[sflag:s20] =	ssyncadd.s32 $0xFFFFC180  }
0x160: {  	[spmem:s2] =	stream.indirect.scatter.add.f32 [tilespmem:s10], [sflag:$0xA], $0x10, s29, s8, $0xb8;
	[tilespmem:$0x1EC30] =	vst v63  }
0x161: {  	_ =	swait.ge [sflag:s23], $0x3E80  }
0x162: {  	[sflag:s23] =	ssyncset.done $0x0  }
0x163: {  	[sflag:s23] =	ssyncadd.s32 $0xFFFFC180  }
0x164: {  	_ =	swait.ge [sflag:s22], $0x3E80  }
0x165: {  	[sflag:s22] =	ssyncset.done $0x0  }
0x166: {  	[sflag:s22] =	ssyncadd.s32 $0xFFFFC180  }
0x167: {  	_ =	swait.ge [sflag:s13], $0x3E80  }
0x168: {  	[sflag:s13] =	ssyncset.done $0x0  }
0x169: {  	[sflag:s13] =	ssyncadd.s32 $0xFFFFC180  }
0x16a: {  	_ =	swait.ge [sflag:s14], $0x3E80  }
0x16b: {  	[sflag:s14] =	ssyncset.done $0x0  }
0x16c: {  	[sflag:s14] =	ssyncadd.s32 $0xFFFFC180  }
0x16d: {  	_ =	swait.ge [sflag:s16], $0x3E80  }
0x16e: {  	[sflag:s16] =	ssyncset.done $0x0  }
0x16f: {  	[sflag:s16] =	ssyncadd.s32 $0xFFFFC180  }
0x170: {  	_ =	swait.ge [sflag:s15], $0x3E80  }
0x171: {  	[sflag:s15] =	ssyncset.done $0x0  }
0x172: {  	[sflag:s15] =	ssyncadd.s32 $0xFFFFC180  }
0x173: {  	[bflag:$0x0] =	sbarrier.arrive $0xFFFF  }
0x174: {  	s31 =	rddreg [dreg:$0x1a]  }
0x175: {  	s30 =	rddreg [dreg:$0x7];
	s1 =	sor.u32 $0x1C0E, s31  }
0x176: {  	[hbm:s30], [sflag:s1] =	dma.local [spmem:s5], $0x4E0  }
0x177: {  	_ =	swait.ge [sflag:s6], $0x4E0  }
0x178: {  	[sflag:s6] =	ssyncset.done $0x0  }
0x179: {  	s0 =	rddreg [dreg:$0x8];
	[sflag:s6] =	ssyncadd.s32 $0xFFFFFB20  }
0x17a: {  	[hbm:s0], [sflag:s1] =	dma.local @!p0 [spmem:s4], $0x20  }
0x17b: {  	s0 =	simm.s32 @!p0 $0xE  }
0x17c: {  	_ =	swait.ge @!p0 [sflag:s0], $0x20  }
0x17d: {  	[sflag:s0] =	ssyncset.done @!p0 $0x0  }
0x17e: {  	[sflag:s0] =	ssyncadd.s32 @!p0 $0xFFFFFFE0  }
0x17f: {  	_ =	sfence.sel $0x180000  }
0x180: {  	[bflag:$0x0] =	sbarrier.arrive $0xFFFF  }
0x181: {  	p0 =	sne.s32 s24, $0x0;
	_ =	strace $0x90000050  }
0x182: {  	s0 =	sadd.s32 @!p0 $0x100000, s26;
	[bflag:$0x2] =	sbarrier.arrive $0xFFFF  }
0x183: {  	[sflag:s0] =	ssyncadd.tile.s32 @!p0 $0x1;
	_ =	shalt  }
.LBB2_1:
.Ltmp3:
0x184: {  	(pc) =	sbr.rel .LBB2_6-.Ltmp3, $2  }
0x185: {  	_ =	sdelay $0x2  }
0x186: {  	s26 =	rddreg [dreg:$0x2]  }
.LBB2_3:
.Ltmp4:
0x187: {  	(pc) =	sbr.rel .LBB2_6-.Ltmp4, $2  }
0x188: {  	_ =	sdelay $0x2  }
0x189: {  	s24 =	stileid.u32;
	s26 =	rddreg [dreg:$0x2]  }
.Lfunc_end2:
_tile_overlayer_lowered:
.L_overlay_start_2:
0x18a: {  	(tag) =	ssettag $0x2  }
0x18b: {  	s0 =	rddreg [dreg:$0x0];
	s2 =	stileid.u32  }
0x18c: {  	s1 =	rddreg [dreg:$0x1];
	p0 =	sne.s32 s2, $0x0  }
0x18d: {  	s3 =	rddreg [dreg:$0x2];
	[bflag:$0x3] =	sbarrier.arrive $0xFFFF;
	s2 =	simm.s32 @!p0 $0x1C0E  }
0x18e: {  	[timem:s3], [sflag:s2] =	dma.local @!p0 [hbm:s0], s1  }
0x18f: {  	s0 =	simm.s32 @!p0 $0xE  }
0x190: {  	_ =	swait.ge @!p0 [sflag:s0], s1  }
0x191: {  	s1 =	ssub.s32 @!p0 $0x0, s1;
	[sflag:s0] =	ssyncset.done @!p0 $0x0  }
0x192: {  	[sflag:s0] =	ssyncadd.s32 @!p0 s1  }
0x193: {  	[bflag:$0x3] =	sbarrier.arrive $0xFFFF  }
0x194: {  	_ =	shalt  }

</sc_bundles>
